<compile_context>
chip_gen: v7x
topology: tpu7x:2x2x1
jax: 0.10.2.dev20260603
libtpu: 0.0.44.dev20260713+nightly
codegen_flags: <defaults>
</compile_context>

<pallas_src>
import functools

import jax
import jax.numpy as jnp
from jax import lax
from jax.experimental import pallas as pl
from jax.experimental.pallas import tpu as pltpu
from jax.experimental.pallas import tpu_sc as plsc

N = 10000
K = 32
H = 128
HH = H // 2
TCOLS = 128
E = N * K

BN = 200
EB = BN * K
NBLK = N // BN

SPLITS = ((0, 10, 2), (10, 15, 5), (25, 25, 5))

NW = 32
CHUNK = 40


def _dotbf(a, b):
    return jnp.dot(a.astype(jnp.bfloat16), b.astype(jnp.bfloat16),
                   preferred_element_type=jnp.float32)


def _silu(v):
    hv = 0.5 * v
    return hv * jnp.tanh(hv) + hv


def _silu_bf(v):
    hv = jnp.bfloat16(0.5) * v.astype(jnp.bfloat16)
    return hv * jnp.tanh(hv) + hv


def _prep_body(h_ref, x_ref, we1_ref, be1_ref, s_ref, t_ref):
    h = h_ref[0]
    s_ref[0] = (
        jnp.dot(h, we1_ref[:H], preferred_element_type=jnp.float32)
        + be1_ref[...]
    )
    bn = _dotbf(h, we1_ref[H:2 * H])
    bnb = lax.bitcast_convert_type(bn, jnp.int32)
    lo16 = lax.shift_right_logical(bnb[:, :HH] + 0x8000, 16)
    hi16 = (bnb[:, HH:] + 0x8000) & (-65536)
    t_ref[:, :HH] = lax.bitcast_convert_type(hi16 | lo16, jnp.float32)
    t_ref[:, HH:HH + 3] = x_ref[0]
    t_ref[:, HH + 3:] = jnp.zeros((N, TCOLS - HH - 3), jnp.float32)


@functools.cache
def _make_gather(off, rows, depth):
    per_tile = rows // NW
    nchunks = per_tile // CHUNK
    pairs = (nchunks - depth) // (2 * depth)
    assert depth * (2 * pairs + 1) == nchunks

    mesh = plsc.VectorSubcoreMesh(core_axis_name="c", subcore_axis_name="s")
    scratch = [pltpu.VMEM((per_tile,), jnp.int32)]
    scratch += [pltpu.VMEM((CHUNK, TCOLS), jnp.float32)
                for _ in range(2 * depth)]
    scratch += [pltpu.SemaphoreType.DMA for _ in range(4 * depth)]

    @functools.partial(
        pl.kernel,
        mesh=mesh,
        out_type=jax.ShapeDtypeStruct((rows, TCOLS), jnp.float32),
        scratch_types=scratch,
    )
    def gather_k(t_hbm, eidx_hbm, g_hbm, idx_v, *rest):
        bufs = rest[:2 * depth]
        gsems = rest[2 * depth:4 * depth]
        ssems = rest[4 * depth:]
        wid = lax.axis_index("s") * 2 + lax.axis_index("c")
        base = wid * per_tile
        pltpu.sync_copy(eidx_hbm.at[pl.ds(off + base, per_tile)], idx_v)

        def gstart(c, b):
            pltpu.async_copy(
                t_hbm.at[idx_v.at[pl.ds(c * CHUNK, CHUNK)]], bufs[b],
                gsems[b])

        def gwait(c, b):
            pltpu.make_async_copy(
                t_hbm.at[idx_v.at[pl.ds(c * CHUNK, CHUNK)]], bufs[b],
                gsems[b]).wait()

        def sstart(c, b):
            pltpu.async_copy(
                bufs[b], g_hbm.at[pl.ds(base + c * CHUNK, CHUNK)], ssems[b])

        def swait(c, b):
            pltpu.make_async_copy(
                bufs[b], g_hbm.at[pl.ds(base + c * CHUNK, CHUNK)],
                ssems[b]).wait()

        for j in range(depth):
            gstart(j, j)

        def body(t, carry):
            c0 = t * 2 * depth
            for j in range(depth):
                gwait(c0 + j, j)
                sstart(c0 + j, j)

                @pl.when(t > 0)
                def _():
                    swait(c0 - depth + j, depth + j)

                gstart(c0 + depth + j, depth + j)
            for j in range(depth):
                gwait(c0 + depth + j, depth + j)
                sstart(c0 + depth + j, depth + j)
                swait(c0 + j, j)
                gstart(c0 + 2 * depth + j, j)
            return carry

        if pairs > 0:
            lax.fori_loop(0, pairs, body, 0)

        c0 = pairs * 2 * depth
        for j in range(depth):
            gwait(c0 + j, j)
            sstart(c0 + j, j)
            if pairs > 0:
                swait(c0 - depth + j, depth + j)
        for j in range(depth):
            swait(c0 + j, j)

    return gather_k


def _edge_body(g_ref, s_ref, h_ref, x_ref, wd_ref, we2_ref, be2_ref,
               wc1_ref, bc1_ref, wc2_ref, wn1h_ref, wn1m_ref, bn1_ref,
               wn2_ref, bn2_ref, hnew_ref, xnew_ref):
    g = g_ref[...]
    gw = lax.bitcast_convert_type(g[:, :HH], jnp.int32)
    bn_lo = lax.bitcast_convert_type(lax.shift_left(gw, 16), jnp.float32)
    bn_hi = lax.bitcast_convert_type(gw & (-65536), jnp.float32)
    bn = jnp.concatenate([bn_lo, bn_hi], axis=1)
    xj = g[:, HH:HH + 3]
    xi = x_ref[0]
    xib = jnp.broadcast_to(xi[:, None, :], (BN, K, 3)).reshape(EB, 3)
    diff = xib - xj
    sq = jnp.sum(diff * diff, axis=1, keepdims=True)
    sb = jnp.broadcast_to(
        s_ref[0][:, None, :], (BN, K, H)).reshape(EB, H)
    pre = sb + bn + sq * wd_ref[...]
    t1 = _silu_bf(pre)
    m = _silu_bf(_dotbf(t1, we2_ref[...]) + be2_ref[...])
    c1 = _silu_bf(_dotbf(m, wc1_ref[...]) + bc1_ref[...])
    cw = _dotbf(c1, wc2_ref[...])[:, :1]
    m_i = jnp.sum(m.reshape(BN, K, H), axis=1,
                  dtype=jnp.float32)
    xupd = jnp.sum((diff * cw).reshape(BN, K, 3), axis=1) * (1.0 / K)
    xnew_ref[0] = xi + xupd
    h = h_ref[0]
    z = (_dotbf(h, wn1h_ref[...]) + _dotbf(m_i, wn1m_ref[...])
         + bn1_ref[...])
    hnew_ref[0] = _dotbf(_silu(z), wn2_ref[...]) + bn2_ref[...] + h


def _const_spec(shape):
    return pl.BlockSpec(shape, lambda i: tuple(0 for _ in shape))


_prep = pl.pallas_call(
    _prep_body,
    out_shape=(
        jax.ShapeDtypeStruct((1, N, H), jnp.float32),
        jax.ShapeDtypeStruct((N, TCOLS), jnp.float32),
    ),
)


@functools.cache
def _make_edge(off, nblk):
    return pl.pallas_call(
        _edge_body,
        grid=(nblk,),
        in_specs=[
            pl.BlockSpec((EB, TCOLS), lambda i: (i, 0)),
            pl.BlockSpec((1, BN, H), lambda i: (0, i + off, 0)),
            pl.BlockSpec((1, BN, H), lambda i: (0, i + off, 0)),
            pl.BlockSpec((1, BN, 3), lambda i: (0, i + off, 0)),
            _const_spec((1, H)),
            _const_spec((H, H)),
            _const_spec((1, H)),
            _const_spec((H, H)),
            _const_spec((1, H)),
            _const_spec((H, 8)),
            _const_spec((H, H)),
            _const_spec((H, H)),
            _const_spec((1, H)),
            _const_spec((H, H)),
            _const_spec((1, H)),
        ],
        out_specs=(
            pl.BlockSpec((1, BN, H), lambda i: (0, i, 0)),
            pl.BlockSpec((1, BN, 3), lambda i: (0, i, 0)),
        ),
        out_shape=(
            jax.ShapeDtypeStruct((1, nblk * BN, H), jnp.float32),
            jax.ShapeDtypeStruct((1, nblk * BN, 3), jnp.float32),
        ),
    )


def kernel(h, x, edge_idx, W_e1, b_e1, W_e2, b_e2, W_c1, b_c1, W_c2,
           W_n1, b_n1, W_n2, b_n2):
    eidx = edge_idx.reshape(E)
    wd = lax.slice(W_e1, (2 * H, 0), (2 * H + 1, H))
    be1 = b_e1.reshape(1, H)
    be2 = b_e2.reshape(1, H)
    bc1 = b_c1.reshape(1, H)
    bn1 = b_n1.reshape(1, H)
    bn2 = b_n2.reshape(1, H)
    wc2p = jnp.pad(W_c2, ((0, 0), (0, 7)))
    wn1h = lax.slice(W_n1, (0, 0), (H, H))
    wn1m = lax.slice(W_n1, (H, 0), (2 * H, H))

    s_arr, t_arr = _prep(h, x, W_e1, be1)
    weights = (wd, W_e2, be2, W_c1, bc1, wc2p, wn1h, wn1m, bn1, W_n2, bn2)
    h_parts, x_parts = [], []
    for off, nblk, depth in SPLITS:
        rows = nblk * BN * K
        g_c = _make_gather(off * BN * K, rows, depth)(t_arr, eidx)
        hn, xn = _make_edge(off, nblk)(g_c, s_arr, h, x, *weights)
        h_parts.append(hn)
        x_parts.append(xn)
    h_new = jnp.concatenate(h_parts, axis=1)
    x_new = jnp.concatenate(x_parts, axis=1)
    return (h_new, x_new)

# --- scband reference (transcript-rebuilt; emitter-appended) ---
"""Pipeline reference for scband-egnnlayer-39771397161330 (READ-ONLY COPY).

The authoritative reference and input builder live on the scoring server;
editing this copy changes nothing except your own understanding.
"""

import jax, jax.numpy as jnp
import numpy as np

B, N, K, H = 1, 10000, 32, 128

def _lin(k, fin, fout):
    return (jax.random.normal(k, (fin, fout), dtype=jnp.float32) / np.sqrt(fin))

def index_points(points, idx):
    # points: [B, N, C], idx: [B, N, K] -> [B, N, K, C]
    return jax.vmap(lambda p, i: p[i])(points, idx)

def setup_inputs(seed: int = 0) -> dict:
    key = jax.random.key(seed)
    ks = jax.random.split(key, 16)
    h = jax.random.normal(ks[0], (B, N, H), dtype=jnp.float32)
    x = jax.random.normal(ks[1], (B, N, 3), dtype=jnp.float32)
    edge_idx = jax.random.randint(ks[2], (B, N, K), 0, N, dtype=jnp.int32)
    params = {
        'W_e1': _lin(ks[3], 2 * H + 1, H), 'b_e1': jnp.zeros((H,), jnp.float32),
        'W_e2': _lin(ks[4], H, H),         'b_e2': jnp.zeros((H,), jnp.float32),
        'W_c1': _lin(ks[5], H, H),         'b_c1': jnp.zeros((H,), jnp.float32),
        'W_c2': _lin(ks[6], H, 1),
        'W_n1': _lin(ks[7], 2 * H, H),     'b_n1': jnp.zeros((H,), jnp.float32),
        'W_n2': _lin(ks[8], H, H),         'b_n2': jnp.zeros((H,), jnp.float32),
    }
    out = {'h': h, 'x': x, 'edge_idx': edge_idx}
    out.update(params)
    return out

def reference(h, x, edge_idx, W_e1, b_e1, W_e2, b_e2, W_c1, b_c1, W_c2, W_n1, b_n1, W_n2, b_n2):
    k = edge_idx.shape[2]
    h_neigh = index_points(h, edge_idx)              # [B,N,K,H]
    x_neigh = index_points(x, edge_idx)              # [B,N,K,3]
    h_i = jnp.broadcast_to(h[:, :, None, :], (h.shape[0], h.shape[1], k, h.shape[2]))
    x_i = jnp.broadcast_to(x[:, :, None, :], (x.shape[0], x.shape[1], k, 3))
    sq_dist = jnp.sum((x_i - x_neigh) ** 2, axis=-1, keepdims=True)
    edge_feat = jnp.concatenate([h_i, h_neigh, sq_dist], axis=-1)
    m_ij = jax.nn.silu(jax.nn.silu(edge_feat @ W_e1 + b_e1) @ W_e2 + b_e2)
    coord_weights = jax.nn.silu(m_ij @ W_c1 + b_c1) @ W_c2
    x_diff = x_i - x_neigh
    x_update = jnp.mean(x_diff * coord_weights, axis=2)
    x_new = x + x_update
    m_i = jnp.sum(m_ij, axis=2)
    node_in = jnp.concatenate([h, m_i], axis=-1)
    h_new = jax.nn.silu(node_in @ W_n1 + b_n1) @ W_n2 + b_n2 + h
    return (h_new, x_new)

if __name__ == "__main__":
    import jax
    _d = setup_inputs()
    print(jax.jit(kernel)(*tuple(_d.values())))

</pallas_src>

<mosaic_0001>
#map = affine_map<(d0, d1) -> (0, 0)>
#map1 = affine_map<(d0, d1) -> (0)>
module attributes {stable_mosaic.version = 14 : i64} {
  func.func @gather_k(%arg0: i32, %arg1: i32, %arg2: memref<10000x128xf32, #tpu.memory_space<hbm>>, %arg3: memref<320000xi32, #tpu.memory_space<hbm>>, %arg4: memref<64000x128xf32, #tpu.memory_space<hbm>>, %arg5: memref<2000xi32, #tpu.memory_space<vmem>>, %arg6: memref<40x128xf32, #tpu.memory_space<vmem>>, %arg7: memref<40x128xf32, #tpu.memory_space<vmem>>, %arg8: memref<40x128xf32, #tpu.memory_space<vmem>>, %arg9: memref<40x128xf32, #tpu.memory_space<vmem>>, %arg10: memref<!tpu.dma_semaphore, #tpu.memory_space<semaphore_mem>>, %arg11: memref<!tpu.dma_semaphore, #tpu.memory_space<semaphore_mem>>, %arg12: memref<!tpu.dma_semaphore, #tpu.memory_space<semaphore_mem>>, %arg13: memref<!tpu.dma_semaphore, #tpu.memory_space<semaphore_mem>>, %arg14: memref<!tpu.dma_semaphore, #tpu.memory_space<semaphore_mem>>, %arg15: memref<!tpu.dma_semaphore, #tpu.memory_space<semaphore_mem>>, %arg16: memref<!tpu.dma_semaphore, #tpu.memory_space<semaphore_mem>>, %arg17: memref<!tpu.dma_semaphore, #tpu.memory_space<semaphore_mem>>) attributes {dimension_semantics = [#tpu.dimension_semantics<core_parallel>, #tpu.dimension_semantics<subcore_parallel>], iteration_bounds = array<i64: 2, 16>, scalar_prefetch = 0 : i64, scratch_operands = 13 : i64, tpu.core_type = #tpu.core_type<sc_vector_subcore>, window_params = [{transform_indices = #map}, {transform_indices = #map1}, {transform_indices = #map}]} {
    %mul3A = arith.constant 2 : i32
    %mul3A_0 = arith.muli %arg1, %mul3A : i32
    %add3A = arith.addi %mul3A_0, %arg0 : i32
    %mul3A_1 = arith.constant 2000 : i32
    %mul3A_2 = arith.muli %add3A, %mul3A_1 : i32
    %add3A_3 = arith.constant 0 : i32
    %add3A_4 = arith.addi %add3A_3, %mul3A_2 : i32
    "tpu.region"() ({
      %run_scoped3A = tpu.sem_alloc : memref<!tpu.dma_semaphore, #tpu.memory_space<semaphore_mem>>
      %dma_start3A_64 = tpu.memref_slice %arg3[%add3A_4] : memref<320000xi32, #tpu.memory_space<hbm>> -> memref<2000xi32, #tpu.memory_space<hbm>>
      %dma_start3A_65 = tpu.memref_slice %arg3[%add3A_4] : memref<320000xi32, #tpu.memory_space<hbm>> -> memref<2000xi32, #tpu.memory_space<hbm>>
      tpu.enqueue_dma source(%dma_start3A_65 : memref<2000xi32, #tpu.memory_space<hbm>>) target(%arg5 : memref<2000xi32, #tpu.memory_space<vmem>>) target_semaphore(%run_scoped3A : memref<!tpu.dma_semaphore, #tpu.memory_space<semaphore_mem>>)
      %dma_wait3A_66 = tpu.memref_slice %arg3[%add3A_4] : memref<320000xi32, #tpu.memory_space<hbm>> -> memref<2000xi32, #tpu.memory_space<hbm>>
      %dma_wait3A_67 = tpu.memref_slice %arg3[%add3A_4] : memref<320000xi32, #tpu.memory_space<hbm>> -> memref<2000xi32, #tpu.memory_space<hbm>>
      tpu.wait_dma2 semaphore(%run_scoped3A : memref<!tpu.dma_semaphore, #tpu.memory_space<semaphore_mem>>) src(%dma_wait3A_67 : memref<2000xi32, #tpu.memory_space<hbm>>) dst(%arg5 : memref<2000xi32, #tpu.memory_space<vmem>>)
      tpu.yield
    }) : () -> ()
    %dma_start3A = arith.constant 0 : i32
    %dma_start3A_5 = tpu.memref_slice %arg5[%dma_start3A] : memref<2000xi32, #tpu.memory_space<vmem>> -> memref<40xi32, #tpu.memory_space<vmem>>
    %dma_start3A_6 = arith.constant 0 : i32
    %dma_start3A_7 = arith.constant 0 : i32
    %dma_start3A_8 = tpu.memref_slice %arg2[%dma_start3A_6, %dma_start3A_7] : memref<10000x128xf32, #tpu.memory_space<hbm>> -> memref<10000x128xf32, #tpu.memory_space<hbm>>
    tpu.enqueue_indirect_dma source(%dma_start3A_8 : memref<10000x128xf32, #tpu.memory_space<hbm>>) target(%arg6 : memref<40x128xf32, #tpu.memory_space<vmem>>) offsets(%dma_start3A_5 : memref<40xi32, #tpu.memory_space<vmem>>) semaphore(%arg10 : memref<!tpu.dma_semaphore, #tpu.memory_space<semaphore_mem>>)
    %dma_start3A_9 = arith.constant 40 : i32
    %dma_start3A_10 = tpu.memref_slice %arg5[%dma_start3A_9] : memref<2000xi32, #tpu.memory_space<vmem>> -> memref<40xi32, #tpu.memory_space<vmem>>
    %dma_start3A_11 = arith.constant 0 : i32
    %dma_start3A_12 = arith.constant 0 : i32
    %dma_start3A_13 = tpu.memref_slice %arg2[%dma_start3A_11, %dma_start3A_12] : memref<10000x128xf32, #tpu.memory_space<hbm>> -> memref<10000x128xf32, #tpu.memory_space<hbm>>
    tpu.enqueue_indirect_dma source(%dma_start3A_13 : memref<10000x128xf32, #tpu.memory_space<hbm>>) target(%arg7 : memref<40x128xf32, #tpu.memory_space<vmem>>) offsets(%dma_start3A_10 : memref<40xi32, #tpu.memory_space<vmem>>) semaphore(%arg11 : memref<!tpu.dma_semaphore, #tpu.memory_space<semaphore_mem>>)
    %scan3A = arith.constant 0 : i32
    %scan3A_14 = arith.constant 0 : i32
    %scan3A_15 = arith.constant 12 : i32
    %scan3A_16 = arith.addi %scan3A_14, %scan3A_15 : i32
    %scan3A_17 = arith.constant 1 : i32
    scf.for %scan3A_64 = %scan3A_14 to %scan3A_16 step %scan3A_17  : i32 {
      %mul3A_65 = arith.constant 2 : i32
      %mul3A_66 = arith.muli %scan3A_64, %mul3A_65 : i32
      %mul3A_67 = arith.constant 2 : i32
      %mul3A_68 = arith.muli %mul3A_66, %mul3A_67 : i32
      %add3A_69 = arith.constant 0 : i32
      %add3A_70 = arith.addi %mul3A_68, %add3A_69 : i32
      %mul3A_71 = arith.constant 40 : i32
      %mul3A_72 = arith.muli %add3A_70, %mul3A_71 : i32
      %dma_wait3A_73 = tpu.memref_slice %arg5[%mul3A_72] : memref<2000xi32, #tpu.memory_space<vmem>> -> memref<40xi32, #tpu.memory_space<vmem>>
      %dma_wait3A_74 = arith.constant 0 : i32
      %dma_wait3A_75 = arith.constant 0 : i32
      %dma_wait3A_76 = tpu.memref_slice %arg2[%dma_wait3A_74, %dma_wait3A_75] : memref<10000x128xf32, #tpu.memory_space<hbm>> -> memref<10000x128xf32, #tpu.memory_space<hbm>>
      tpu.wait_indirect_dma semaphore(%arg10 : memref<!tpu.dma_semaphore, #tpu.memory_space<semaphore_mem>>) src(%dma_wait3A_76 : memref<10000x128xf32, #tpu.memory_space<hbm>>) dst(%arg6 : memref<40x128xf32, #tpu.memory_space<vmem>>)
      %add3A_77 = arith.constant 0 : i32
      %add3A_78 = arith.addi %mul3A_68, %add3A_77 : i32
      %mul3A_79 = arith.constant 40 : i32
      %mul3A_80 = arith.muli %add3A_78, %mul3A_79 : i32
      %add3A_81 = arith.addi %mul3A_2, %mul3A_80 : i32
      %dma_start3A_82 = arith.constant 0 : i32
      %dma_start3A_83 = tpu.memref_slice %arg4[%add3A_81, %dma_start3A_82] : memref<64000x128xf32, #tpu.memory_space<hbm>> -> memref<40x128xf32, #tpu.memory_space<hbm>>
      %dma_start3A_84 = arith.constant 0 : i32
      %dma_start3A_85 = tpu.memref_slice %arg4[%add3A_81, %dma_start3A_84] : memref<64000x128xf32, #tpu.memory_space<hbm>> -> memref<40x128xf32, #tpu.memory_space<hbm>>
      tpu.enqueue_dma source(%arg6 : memref<40x128xf32, #tpu.memory_space<vmem>>) target(%dma_start3A_85 : memref<40x128xf32, #tpu.memory_space<hbm>>) target_semaphore(%arg14 : memref<!tpu.dma_semaphore, #tpu.memory_space<semaphore_mem>>)
      %gt3A = arith.constant 0 : i32
      %gt3A_86 = arith.cmpi sgt, %scan3A_64, %gt3A : i32
      %convert_element_type3A = arith.extui %gt3A_86 : i1 to i32
      %cond3A = arith.constant 0 : i32
      %cond3A_87 = arith.cmpi ne, %convert_element_type3A, %cond3A : i32
      scf.if %cond3A_87 {
        %sub3A = arith.constant 2 : i32
        %sub3A_210 = arith.subi %mul3A_68, %sub3A : i32
        %add3A_211 = arith.constant 0 : i32
        %add3A_212 = arith.addi %sub3A_210, %add3A_211 : i32
        %mul3A_213 = arith.constant 40 : i32
        %mul3A_214 = arith.muli %add3A_212, %mul3A_213 : i32
        %add3A_215 = arith.addi %mul3A_2, %mul3A_214 : i32
        %dma_wait3A_216 = arith.constant 0 : i32
        %dma_wait3A_217 = tpu.memref_slice %arg4[%add3A_215, %dma_wait3A_216] : memref<64000x128xf32, #tpu.memory_space<hbm>> -> memref<40x128xf32, #tpu.memory_space<hbm>>
        %dma_wait3A_218 = arith.constant 0 : i32
        %dma_wait3A_219 = tpu.memref_slice %arg4[%add3A_215, %dma_wait3A_218] : memref<64000x128xf32, #tpu.memory_space<hbm>> -> memref<40x128xf32, #tpu.memory_space<hbm>>
        tpu.wait_dma2 semaphore(%arg16 : memref<!tpu.dma_semaphore, #tpu.memory_space<semaphore_mem>>) src(%arg8 : memref<40x128xf32, #tpu.memory_space<vmem>>) dst(%dma_wait3A_219 : memref<40x128xf32, #tpu.memory_space<hbm>>)
      } else {
      }
      %add3A_88 = arith.constant 2 : i32
      %add3A_89 = arith.addi %mul3A_68, %add3A_88 : i32
      %add3A_90 = arith.constant 0 : i32
      %add3A_91 = arith.addi %add3A_89, %add3A_90 : i32
      %mul3A_92 = arith.constant 40 : i32
      %mul3A_93 = arith.muli %add3A_91, %mul3A_92 : i32
      %dma_start3A_94 = tpu.memref_slice %arg5[%mul3A_93] : memref<2000xi32, #tpu.memory_space<vmem>> -> memref<40xi32, #tpu.memory_space<vmem>>
      %dma_start3A_95 = arith.constant 0 : i32
      %dma_start3A_96 = arith.constant 0 : i32
      %dma_start3A_97 = tpu.memref_slice %arg2[%dma_start3A_95, %dma_start3A_96] : memref<10000x128xf32, #tpu.memory_space<hbm>> -> memref<10000x128xf32, #tpu.memory_space<hbm>>
      tpu.enqueue_indirect_dma source(%dma_start3A_97 : memref<10000x128xf32, #tpu.memory_space<hbm>>) target(%arg8 : memref<40x128xf32, #tpu.memory_space<vmem>>) offsets(%dma_start3A_94 : memref<40xi32, #tpu.memory_space<vmem>>) semaphore(%arg12 : memref<!tpu.dma_semaphore, #tpu.memory_space<semaphore_mem>>)
      %add3A_98 = arith.constant 1 : i32
      %add3A_99 = arith.addi %mul3A_68, %add3A_98 : i32
      %mul3A_100 = arith.constant 40 : i32
      %mul3A_101 = arith.muli %add3A_99, %mul3A_100 : i32
      %dma_wait3A_102 = tpu.memref_slice %arg5[%mul3A_101] : memref<2000xi32, #tpu.memory_space<vmem>> -> memref<40xi32, #tpu.memory_space<vmem>>
      %dma_wait3A_103 = arith.constant 0 : i32
      %dma_wait3A_104 = arith.constant 0 : i32
      %dma_wait3A_105 = tpu.memref_slice %arg2[%dma_wait3A_103, %dma_wait3A_104] : memref<10000x128xf32, #tpu.memory_space<hbm>> -> memref<10000x128xf32, #tpu.memory_space<hbm>>
      tpu.wait_indirect_dma semaphore(%arg11 : memref<!tpu.dma_semaphore, #tpu.memory_space<semaphore_mem>>) src(%dma_wait3A_105 : memref<10000x128xf32, #tpu.memory_space<hbm>>) dst(%arg7 : memref<40x128xf32, #tpu.memory_space<vmem>>)
      %add3A_106 = arith.constant 1 : i32
      %add3A_107 = arith.addi %mul3A_68, %add3A_106 : i32
      %mul3A_108 = arith.constant 40 : i32
      %mul3A_109 = arith.muli %add3A_107, %mul3A_108 : i32
      %add3A_110 = arith.addi %mul3A_2, %mul3A_109 : i32
      %dma_start3A_111 = arith.constant 0 : i32
      %dma_start3A_112 = tpu.memref_slice %arg4[%add3A_110, %dma_start3A_111] : memref<64000x128xf32, #tpu.memory_space<hbm>> -> memref<40x128xf32, #tpu.memory_space<hbm>>
      %dma_start3A_113 = arith.constant 0 : i32
      %dma_start3A_114 = tpu.memref_slice %arg4[%add3A_110, %dma_start3A_113] : memref<64000x128xf32, #tpu.memory_space<hbm>> -> memref<40x128xf32, #tpu.memory_space<hbm>>
      tpu.enqueue_dma source(%arg7 : memref<40x128xf32, #tpu.memory_space<vmem>>) target(%dma_start3A_114 : memref<40x128xf32, #tpu.memory_space<hbm>>) target_semaphore(%arg15 : memref<!tpu.dma_semaphore, #tpu.memory_space<semaphore_mem>>)
      %gt3A_115 = arith.constant 0 : i32
      %gt3A_116 = arith.cmpi sgt, %scan3A_64, %gt3A_115 : i32
      %convert_element_type3A_117 = arith.extui %gt3A_116 : i1 to i32
      %cond3A_118 = arith.constant 0 : i32
      %cond3A_119 = arith.cmpi ne, %convert_element_type3A_117, %cond3A_118 : i32
      scf.if %cond3A_119 {
        %sub3A = arith.constant 2 : i32
        %sub3A_210 = arith.subi %mul3A_68, %sub3A : i32
        %add3A_211 = arith.constant 1 : i32
        %add3A_212 = arith.addi %sub3A_210, %add3A_211 : i32
        %mul3A_213 = arith.constant 40 : i32
        %mul3A_214 = arith.muli %add3A_212, %mul3A_213 : i32
        %add3A_215 = arith.addi %mul3A_2, %mul3A_214 : i32
        %dma_wait3A_216 = arith.constant 0 : i32
        %dma_wait3A_217 = tpu.memref_slice %arg4[%add3A_215, %dma_wait3A_216] : memref<64000x128xf32, #tpu.memory_space<hbm>> -> memref<40x128xf32, #tpu.memory_space<hbm>>
        %dma_wait3A_218 = arith.constant 0 : i32
        %dma_wait3A_219 = tpu.memref_slice %arg4[%add3A_215, %dma_wait3A_218] : memref<64000x128xf32, #tpu.memory_space<hbm>> -> memref<40x128xf32, #tpu.memory_space<hbm>>
        tpu.wait_dma2 semaphore(%arg17 : memref<!tpu.dma_semaphore, #tpu.memory_space<semaphore_mem>>) src(%arg9 : memref<40x128xf32, #tpu.memory_space<vmem>>) dst(%dma_wait3A_219 : memref<40x128xf32, #tpu.memory_space<hbm>>)
      } else {
      }
      %add3A_120 = arith.constant 2 : i32
      %add3A_121 = arith.addi %mul3A_68, %add3A_120 : i32
      %add3A_122 = arith.constant 1 : i32
      %add3A_123 = arith.addi %add3A_121, %add3A_122 : i32
      %mul3A_124 = arith.constant 40 : i32
      %mul3A_125 = arith.muli %add3A_123, %mul3A_124 : i32
      %dma_start3A_126 = tpu.memref_slice %arg5[%mul3A_125] : memref<2000xi32, #tpu.memory_space<vmem>> -> memref<40xi32, #tpu.memory_space<vmem>>
      %dma_start3A_127 = arith.constant 0 : i32
      %dma_start3A_128 = arith.constant 0 : i32
      %dma_start3A_129 = tpu.memref_slice %arg2[%dma_start3A_127, %dma_start3A_128] : memref<10000x128xf32, #tpu.memory_space<hbm>> -> memref<10000x128xf32, #tpu.memory_space<hbm>>
      tpu.enqueue_indirect_dma source(%dma_start3A_129 : memref<10000x128xf32, #tpu.memory_space<hbm>>) target(%arg9 : memref<40x128xf32, #tpu.memory_space<vmem>>) offsets(%dma_start3A_126 : memref<40xi32, #tpu.memory_space<vmem>>) semaphore(%arg13 : memref<!tpu.dma_semaphore, #tpu.memory_space<semaphore_mem>>)
      %add3A_130 = arith.constant 2 : i32
      %add3A_131 = arith.addi %mul3A_68, %add3A_130 : i32
      %add3A_132 = arith.constant 0 : i32
      %add3A_133 = arith.addi %add3A_131, %add3A_132 : i32
      %mul3A_134 = arith.constant 40 : i32
      %mul3A_135 = arith.muli %add3A_133, %mul3A_134 : i32
      %dma_wait3A_136 = tpu.memref_slice %arg5[%mul3A_135] : memref<2000xi32, #tpu.memory_space<vmem>> -> memref<40xi32, #tpu.memory_space<vmem>>
      %dma_wait3A_137 = arith.constant 0 : i32
      %dma_wait3A_138 = arith.constant 0 : i32
      %dma_wait3A_139 = tpu.memref_slice %arg2[%dma_wait3A_137, %dma_wait3A_138] : memref<10000x128xf32, #tpu.memory_space<hbm>> -> memref<10000x128xf32, #tpu.memory_space<hbm>>
      tpu.wait_indirect_dma semaphore(%arg12 : memref<!tpu.dma_semaphore, #tpu.memory_space<semaphore_mem>>) src(%dma_wait3A_139 : memref<10000x128xf32, #tpu.memory_space<hbm>>) dst(%arg8 : memref<40x128xf32, #tpu.memory_space<vmem>>)
      %add3A_140 = arith.constant 2 : i32
      %add3A_141 = arith.addi %mul3A_68, %add3A_140 : i32
      %add3A_142 = arith.constant 0 : i32
      %add3A_143 = arith.addi %add3A_141, %add3A_142 : i32
      %mul3A_144 = arith.constant 40 : i32
      %mul3A_145 = arith.muli %add3A_143, %mul3A_144 : i32
      %add3A_146 = arith.addi %mul3A_2, %mul3A_145 : i32
      %dma_start3A_147 = arith.constant 0 : i32
      %dma_start3A_148 = tpu.memref_slice %arg4[%add3A_146, %dma_start3A_147] : memref<64000x128xf32, #tpu.memory_space<hbm>> -> memref<40x128xf32, #tpu.memory_space<hbm>>
      %dma_start3A_149 = arith.constant 0 : i32
      %dma_start3A_150 = tpu.memref_slice %arg4[%add3A_146, %dma_start3A_149] : memref<64000x128xf32, #tpu.memory_space<hbm>> -> memref<40x128xf32, #tpu.memory_space<hbm>>
      tpu.enqueue_dma source(%arg8 : memref<40x128xf32, #tpu.memory_space<vmem>>) target(%dma_start3A_150 : memref<40x128xf32, #tpu.memory_space<hbm>>) target_semaphore(%arg16 : memref<!tpu.dma_semaphore, #tpu.memory_space<semaphore_mem>>)
      %add3A_151 = arith.constant 0 : i32
      %add3A_152 = arith.addi %mul3A_68, %add3A_151 : i32
      %mul3A_153 = arith.constant 40 : i32
      %mul3A_154 = arith.muli %add3A_152, %mul3A_153 : i32
      %add3A_155 = arith.addi %mul3A_2, %mul3A_154 : i32
      %dma_wait3A_156 = arith.constant 0 : i32
      %dma_wait3A_157 = tpu.memref_slice %arg4[%add3A_155, %dma_wait3A_156] : memref<64000x128xf32, #tpu.memory_space<hbm>> -> memref<40x128xf32, #tpu.memory_space<hbm>>
      %dma_wait3A_158 = arith.constant 0 : i32
      %dma_wait3A_159 = tpu.memref_slice %arg4[%add3A_155, %dma_wait3A_158] : memref<64000x128xf32, #tpu.memory_space<hbm>> -> memref<40x128xf32, #tpu.memory_space<hbm>>
      tpu.wait_dma2 semaphore(%arg14 : memref<!tpu.dma_semaphore, #tpu.memory_space<semaphore_mem>>) src(%arg6 : memref<40x128xf32, #tpu.memory_space<vmem>>) dst(%dma_wait3A_159 : memref<40x128xf32, #tpu.memory_space<hbm>>)
      %add3A_160 = arith.constant 4 : i32
      %add3A_161 = arith.addi %mul3A_68, %add3A_160 : i32
      %add3A_162 = arith.constant 0 : i32
      %add3A_163 = arith.addi %add3A_161, %add3A_162 : i32
      %mul3A_164 = arith.constant 40 : i32
      %mul3A_165 = arith.muli %add3A_163, %mul3A_164 : i32
      %dma_start3A_166 = tpu.memref_slice %arg5[%mul3A_165] : memref<2000xi32, #tpu.memory_space<vmem>> -> memref<40xi32, #tpu.memory_space<vmem>>
      %dma_start3A_167 = arith.constant 0 : i32
      %dma_start3A_168 = arith.constant 0 : i32
      %dma_start3A_169 = tpu.memref_slice %arg2[%dma_start3A_167, %dma_start3A_168] : memref<10000x128xf32, #tpu.memory_space<hbm>> -> memref<10000x128xf32, #tpu.memory_space<hbm>>
      tpu.enqueue_indirect_dma source(%dma_start3A_169 : memref<10000x128xf32, #tpu.memory_space<hbm>>) target(%arg6 : memref<40x128xf32, #tpu.memory_space<vmem>>) offsets(%dma_start3A_166 : memref<40xi32, #tpu.memory_space<vmem>>) semaphore(%arg10 : memref<!tpu.dma_semaphore, #tpu.memory_space<semaphore_mem>>)
      %add3A_170 = arith.constant 2 : i32
      %add3A_171 = arith.addi %mul3A_68, %add3A_170 : i32
      %add3A_172 = arith.constant 1 : i32
      %add3A_173 = arith.addi %add3A_171, %add3A_172 : i32
      %mul3A_174 = arith.constant 40 : i32
      %mul3A_175 = arith.muli %add3A_173, %mul3A_174 : i32
      %dma_wait3A_176 = tpu.memref_slice %arg5[%mul3A_175] : memref<2000xi32, #tpu.memory_space<vmem>> -> memref<40xi32, #tpu.memory_space<vmem>>
      %dma_wait3A_177 = arith.constant 0 : i32
      %dma_wait3A_178 = arith.constant 0 : i32
      %dma_wait3A_179 = tpu.memref_slice %arg2[%dma_wait3A_177, %dma_wait3A_178] : memref<10000x128xf32, #tpu.memory_space<hbm>> -> memref<10000x128xf32, #tpu.memory_space<hbm>>
      tpu.wait_indirect_dma semaphore(%arg13 : memref<!tpu.dma_semaphore, #tpu.memory_space<semaphore_mem>>) src(%dma_wait3A_179 : memref<10000x128xf32, #tpu.memory_space<hbm>>) dst(%arg9 : memref<40x128xf32, #tpu.memory_space<vmem>>)
      %add3A_180 = arith.constant 2 : i32
      %add3A_181 = arith.addi %mul3A_68, %add3A_180 : i32
      %add3A_182 = arith.constant 1 : i32
      %add3A_183 = arith.addi %add3A_181, %add3A_182 : i32
      %mul3A_184 = arith.constant 40 : i32
      %mul3A_185 = arith.muli %add3A_183, %mul3A_184 : i32
      %add3A_186 = arith.addi %mul3A_2, %mul3A_185 : i32
      %dma_start3A_187 = arith.constant 0 : i32
      %dma_start3A_188 = tpu.memref_slice %arg4[%add3A_186, %dma_start3A_187] : memref<64000x128xf32, #tpu.memory_space<hbm>> -> memref<40x128xf32, #tpu.memory_space<hbm>>
      %dma_start3A_189 = arith.constant 0 : i32
      %dma_start3A_190 = tpu.memref_slice %arg4[%add3A_186, %dma_start3A_189] : memref<64000x128xf32, #tpu.memory_space<hbm>> -> memref<40x128xf32, #tpu.memory_space<hbm>>
      tpu.enqueue_dma source(%arg9 : memref<40x128xf32, #tpu.memory_space<vmem>>) target(%dma_start3A_190 : memref<40x128xf32, #tpu.memory_space<hbm>>) target_semaphore(%arg17 : memref<!tpu.dma_semaphore, #tpu.memory_space<semaphore_mem>>)
      %add3A_191 = arith.constant 1 : i32
      %add3A_192 = arith.addi %mul3A_68, %add3A_191 : i32
      %mul3A_193 = arith.constant 40 : i32
      %mul3A_194 = arith.muli %add3A_192, %mul3A_193 : i32
      %add3A_195 = arith.addi %mul3A_2, %mul3A_194 : i32
      %dma_wait3A_196 = arith.constant 0 : i32
      %dma_wait3A_197 = tpu.memref_slice %arg4[%add3A_195, %dma_wait3A_196] : memref<64000x128xf32, #tpu.memory_space<hbm>> -> memref<40x128xf32, #tpu.memory_space<hbm>>
      %dma_wait3A_198 = arith.constant 0 : i32
      %dma_wait3A_199 = tpu.memref_slice %arg4[%add3A_195, %dma_wait3A_198] : memref<64000x128xf32, #tpu.memory_space<hbm>> -> memref<40x128xf32, #tpu.memory_space<hbm>>
      tpu.wait_dma2 semaphore(%arg15 : memref<!tpu.dma_semaphore, #tpu.memory_space<semaphore_mem>>) src(%arg7 : memref<40x128xf32, #tpu.memory_space<vmem>>) dst(%dma_wait3A_199 : memref<40x128xf32, #tpu.memory_space<hbm>>)
      %add3A_200 = arith.constant 4 : i32
      %add3A_201 = arith.addi %mul3A_68, %add3A_200 : i32
      %add3A_202 = arith.constant 1 : i32
      %add3A_203 = arith.addi %add3A_201, %add3A_202 : i32
      %mul3A_204 = arith.constant 40 : i32
      %mul3A_205 = arith.muli %add3A_203, %mul3A_204 : i32
      %dma_start3A_206 = tpu.memref_slice %arg5[%mul3A_205] : memref<2000xi32, #tpu.memory_space<vmem>> -> memref<40xi32, #tpu.memory_space<vmem>>
      %dma_start3A_207 = arith.constant 0 : i32
      %dma_start3A_208 = arith.constant 0 : i32
      %dma_start3A_209 = tpu.memref_slice %arg2[%dma_start3A_207, %dma_start3A_208] : memref<10000x128xf32, #tpu.memory_space<hbm>> -> memref<10000x128xf32, #tpu.memory_space<hbm>>
      tpu.enqueue_indirect_dma source(%dma_start3A_209 : memref<10000x128xf32, #tpu.memory_space<hbm>>) target(%arg7 : memref<40x128xf32, #tpu.memory_space<vmem>>) offsets(%dma_start3A_206 : memref<40xi32, #tpu.memory_space<vmem>>) semaphore(%arg11 : memref<!tpu.dma_semaphore, #tpu.memory_space<semaphore_mem>>)
    }
    %scan3A_18 = arith.constant 12 : i32
    %dma_wait3A = arith.constant 1920 : i32
    %dma_wait3A_19 = tpu.memref_slice %arg5[%dma_wait3A] : memref<2000xi32, #tpu.memory_space<vmem>> -> memref<40xi32, #tpu.memory_space<vmem>>
    %dma_wait3A_20 = arith.constant 0 : i32
    %dma_wait3A_21 = arith.constant 0 : i32
    %dma_wait3A_22 = tpu.memref_slice %arg2[%dma_wait3A_20, %dma_wait3A_21] : memref<10000x128xf32, #tpu.memory_space<hbm>> -> memref<10000x128xf32, #tpu.memory_space<hbm>>
    tpu.wait_indirect_dma semaphore(%arg10 : memref<!tpu.dma_semaphore, #tpu.memory_space<semaphore_mem>>) src(%dma_wait3A_22 : memref<10000x128xf32, #tpu.memory_space<hbm>>) dst(%arg6 : memref<40x128xf32, #tpu.memory_space<vmem>>)
    %add3A_23 = arith.constant 1920 : i32
    %add3A_24 = arith.addi %mul3A_2, %add3A_23 : i32
    %dma_start3A_25 = arith.constant 0 : i32
    %dma_start3A_26 = tpu.memref_slice %arg4[%add3A_24, %dma_start3A_25] : memref<64000x128xf32, #tpu.memory_space<hbm>> -> memref<40x128xf32, #tpu.memory_space<hbm>>
    %dma_start3A_27 = arith.constant 0 : i32
    %dma_start3A_28 = tpu.memref_slice %arg4[%add3A_24, %dma_start3A_27] : memref<64000x128xf32, #tpu.memory_space<hbm>> -> memref<40x128xf32, #tpu.memory_space<hbm>>
    tpu.enqueue_dma source(%arg6 : memref<40x128xf32, #tpu.memory_space<vmem>>) target(%dma_start3A_28 : memref<40x128xf32, #tpu.memory_space<hbm>>) target_semaphore(%arg14 : memref<!tpu.dma_semaphore, #tpu.memory_space<semaphore_mem>>)
    %add3A_29 = arith.constant 1840 : i32
    %add3A_30 = arith.addi %mul3A_2, %add3A_29 : i32
    %dma_wait3A_31 = arith.constant 0 : i32
    %dma_wait3A_32 = tpu.memref_slice %arg4[%add3A_30, %dma_wait3A_31] : memref<64000x128xf32, #tpu.memory_space<hbm>> -> memref<40x128xf32, #tpu.memory_space<hbm>>
    %dma_wait3A_33 = arith.constant 0 : i32
    %dma_wait3A_34 = tpu.memref_slice %arg4[%add3A_30, %dma_wait3A_33] : memref<64000x128xf32, #tpu.memory_space<hbm>> -> memref<40x128xf32, #tpu.memory_space<hbm>>
    tpu.wait_dma2 semaphore(%arg16 : memref<!tpu.dma_semaphore, #tpu.memory_space<semaphore_mem>>) src(%arg8 : memref<40x128xf32, #tpu.memory_space<vmem>>) dst(%dma_wait3A_34 : memref<40x128xf32, #tpu.memory_space<hbm>>)
    %dma_wait3A_35 = arith.constant 1960 : i32
    %dma_wait3A_36 = tpu.memref_slice %arg5[%dma_wait3A_35] : memref<2000xi32, #tpu.memory_space<vmem>> -> memref<40xi32, #tpu.memory_space<vmem>>
    %dma_wait3A_37 = arith.constant 0 : i32
    %dma_wait3A_38 = arith.constant 0 : i32
    %dma_wait3A_39 = tpu.memref_slice %arg2[%dma_wait3A_37, %dma_wait3A_38] : memref<10000x128xf32, #tpu.memory_space<hbm>> -> memref<10000x128xf32, #tpu.memory_space<hbm>>
    tpu.wait_indirect_dma semaphore(%arg11 : memref<!tpu.dma_semaphore, #tpu.memory_space<semaphore_mem>>) src(%dma_wait3A_39 : memref<10000x128xf32, #tpu.memory_space<hbm>>) dst(%arg7 : memref<40x128xf32, #tpu.memory_space<vmem>>)
    %add3A_40 = arith.constant 1960 : i32
    %add3A_41 = arith.addi %mul3A_2, %add3A_40 : i32
    %dma_start3A_42 = arith.constant 0 : i32
    %dma_start3A_43 = tpu.memref_slice %arg4[%add3A_41, %dma_start3A_42] : memref<64000x128xf32, #tpu.memory_space<hbm>> -> memref<40x128xf32, #tpu.memory_space<hbm>>
    %dma_start3A_44 = arith.constant 0 : i32
    %dma_start3A_45 = tpu.memref_slice %arg4[%add3A_41, %dma_start3A_44] : memref<64000x128xf32, #tpu.memory_space<hbm>> -> memref<40x128xf32, #tpu.memory_space<hbm>>
    tpu.enqueue_dma source(%arg7 : memref<40x128xf32, #tpu.memory_space<vmem>>) target(%dma_start3A_45 : memref<40x128xf32, #tpu.memory_space<hbm>>) target_semaphore(%arg15 : memref<!tpu.dma_semaphore, #tpu.memory_space<semaphore_mem>>)
    %add3A_46 = arith.constant 1880 : i32
    %add3A_47 = arith.addi %mul3A_2, %add3A_46 : i32
    %dma_wait3A_48 = arith.constant 0 : i32
    %dma_wait3A_49 = tpu.memref_slice %arg4[%add3A_47, %dma_wait3A_48] : memref<64000x128xf32, #tpu.memory_space<hbm>> -> memref<40x128xf32, #tpu.memory_space<hbm>>
    %dma_wait3A_50 = arith.constant 0 : i32
    %dma_wait3A_51 = tpu.memref_slice %arg4[%add3A_47, %dma_wait3A_50] : memref<64000x128xf32, #tpu.memory_space<hbm>> -> memref<40x128xf32, #tpu.memory_space<hbm>>
    tpu.wait_dma2 semaphore(%arg17 : memref<!tpu.dma_semaphore, #tpu.memory_space<semaphore_mem>>) src(%arg9 : memref<40x128xf32, #tpu.memory_space<vmem>>) dst(%dma_wait3A_51 : memref<40x128xf32, #tpu.memory_space<hbm>>)
    %add3A_52 = arith.constant 1920 : i32
    %add3A_53 = arith.addi %mul3A_2, %add3A_52 : i32
    %dma_wait3A_54 = arith.constant 0 : i32
    %dma_wait3A_55 = tpu.memref_slice %arg4[%add3A_53, %dma_wait3A_54] : memref<64000x128xf32, #tpu.memory_space<hbm>> -> memref<40x128xf32, #tpu.memory_space<hbm>>
    %dma_wait3A_56 = arith.constant 0 : i32
    %dma_wait3A_57 = tpu.memref_slice %arg4[%add3A_53, %dma_wait3A_56] : memref<64000x128xf32, #tpu.memory_space<hbm>> -> memref<40x128xf32, #tpu.memory_space<hbm>>
    tpu.wait_dma2 semaphore(%arg14 : memref<!tpu.dma_semaphore, #tpu.memory_space<semaphore_mem>>) src(%arg6 : memref<40x128xf32, #tpu.memory_space<vmem>>) dst(%dma_wait3A_57 : memref<40x128xf32, #tpu.memory_space<hbm>>)
    %add3A_58 = arith.constant 1960 : i32
    %add3A_59 = arith.addi %mul3A_2, %add3A_58 : i32
    %dma_wait3A_60 = arith.constant 0 : i32
    %dma_wait3A_61 = tpu.memref_slice %arg4[%add3A_59, %dma_wait3A_60] : memref<64000x128xf32, #tpu.memory_space<hbm>> -> memref<40x128xf32, #tpu.memory_space<hbm>>
    %dma_wait3A_62 = arith.constant 0 : i32
    %dma_wait3A_63 = tpu.memref_slice %arg4[%add3A_59, %dma_wait3A_62] : memref<64000x128xf32, #tpu.memory_space<hbm>> -> memref<40x128xf32, #tpu.memory_space<hbm>>
    tpu.wait_dma2 semaphore(%arg15 : memref<!tpu.dma_semaphore, #tpu.memory_space<semaphore_mem>>) src(%arg7 : memref<40x128xf32, #tpu.memory_space<vmem>>) dst(%dma_wait3A_63 : memref<40x128xf32, #tpu.memory_space<hbm>>)
    return
  }
}

#map = affine_map<(d0, d1) -> (0, 0)>
#map1 = affine_map<(d0, d1) -> (0)>
module attributes {stable_mosaic.version = 14 : i64} {
  func.func @gather_k(%arg0: i32, %arg1: i32, %arg2: memref<10000x128xf32, #tpu.memory_space<hbm>>, %arg3: memref<320000xi32, #tpu.memory_space<hbm>>, %arg4: memref<160000x128xf32, #tpu.memory_space<hbm>>, %arg5: memref<5000xi32, #tpu.memory_space<vmem>>, %arg6: memref<40x128xf32, #tpu.memory_space<vmem>>, %arg7: memref<40x128xf32, #tpu.memory_space<vmem>>, %arg8: memref<40x128xf32, #tpu.memory_space<vmem>>, %arg9: memref<40x128xf32, #tpu.memory_space<vmem>>, %arg10: memref<40x128xf32, #tpu.memory_space<vmem>>, %arg11: memref<40x128xf32, #tpu.memory_space<vmem>>, %arg12: memref<40x128xf32, #tpu.memory_space<vmem>>, %arg13: memref<40x128xf32, #tpu.memory_space<vmem>>, %arg14: memref<40x128xf32, #tpu.memory_space<vmem>>, %arg15: memref<40x128xf32, #tpu.memory_space<vmem>>, %arg16: memref<!tpu.dma_semaphore, #tpu.memory_space<semaphore_mem>>, %arg17: memref<!tpu.dma_semaphore, #tpu.memory_space<semaphore_mem>>, %arg18: memref<!tpu.dma_semaphore, #tpu.memory_space<semaphore_mem>>, %arg19: memref<!tpu.dma_semaphore, #tpu.memory_space<semaphore_mem>>, %arg20: memref<!tpu.dma_semaphore, #tpu.memory_space<semaphore_mem>>, %arg21: memref<!tpu.dma_semaphore, #tpu.memory_space<semaphore_mem>>, %arg22: memref<!tpu.dma_semaphore, #tpu.memory_space<semaphore_mem>>, %arg23: memref<!tpu.dma_semaphore, #tpu.memory_space<semaphore_mem>>, %arg24: memref<!tpu.dma_semaphore, #tpu.memory_space<semaphore_mem>>, %arg25: memref<!tpu.dma_semaphore, #tpu.memory_space<semaphore_mem>>, %arg26: memref<!tpu.dma_semaphore, #tpu.memory_space<semaphore_mem>>, %arg27: memref<!tpu.dma_semaphore, #tpu.memory_space<semaphore_mem>>, %arg28: memref<!tpu.dma_semaphore, #tpu.memory_space<semaphore_mem>>, %arg29: memref<!tpu.dma_semaphore, #tpu.memory_space<semaphore_mem>>, %arg30: memref<!tpu.dma_semaphore, #tpu.memory_space<semaphore_mem>>, %arg31: memref<!tpu.dma_semaphore, #tpu.memory_space<semaphore_mem>>, %arg32: memref<!tpu.dma_semaphore, #tpu.memory_space<semaphore_mem>>, %arg33: memref<!tpu.dma_semaphore, #tpu.memory_space<semaphore_mem>>, %arg34: memref<!tpu.dma_semaphore, #tpu.memory_space<semaphore_mem>>, %arg35: memref<!tpu.dma_semaphore, #tpu.memory_space<semaphore_mem>>) attributes {dimension_semantics = [#tpu.dimension_semantics<core_parallel>, #tpu.dimension_semantics<subcore_parallel>], iteration_bounds = array<i64: 2, 16>, scalar_prefetch = 0 : i64, scratch_operands = 31 : i64, tpu.core_type = #tpu.core_type<sc_vector_subcore>, window_params = [{transform_indices = #map}, {transform_indices = #map1}, {transform_indices = #map}]} {
    %mul3A = arith.constant 2 : i32
    %mul3A_0 = arith.muli %arg1, %mul3A : i32
    %add3A = arith.addi %mul3A_0, %arg0 : i32
    %mul3A_1 = arith.constant 5000 : i32
    %mul3A_2 = arith.muli %add3A, %mul3A_1 : i32
    %add3A_3 = arith.constant 160000 : i32
    %add3A_4 = arith.addi %add3A_3, %mul3A_2 : i32
    "tpu.region"() ({
      %run_scoped3A = tpu.sem_alloc : memref<!tpu.dma_semaphore, #tpu.memory_space<semaphore_mem>>
      %dma_start3A_148 = tpu.memref_slice %arg3[%add3A_4] : memref<320000xi32, #tpu.memory_space<hbm>> -> memref<5000xi32, #tpu.memory_space<hbm>>
      %dma_start3A_149 = tpu.memref_slice %arg3[%add3A_4] : memref<320000xi32, #tpu.memory_space<hbm>> -> memref<5000xi32, #tpu.memory_space<hbm>>
      tpu.enqueue_dma source(%dma_start3A_149 : memref<5000xi32, #tpu.memory_space<hbm>>) target(%arg5 : memref<5000xi32, #tpu.memory_space<vmem>>) target_semaphore(%run_scoped3A : memref<!tpu.dma_semaphore, #tpu.memory_space<semaphore_mem>>)
      %dma_wait3A_150 = tpu.memref_slice %arg3[%add3A_4] : memref<320000xi32, #tpu.memory_space<hbm>> -> memref<5000xi32, #tpu.memory_space<hbm>>
      %dma_wait3A_151 = tpu.memref_slice %arg3[%add3A_4] : memref<320000xi32, #tpu.memory_space<hbm>> -> memref<5000xi32, #tpu.memory_space<hbm>>
      tpu.wait_dma2 semaphore(%run_scoped3A : memref<!tpu.dma_semaphore, #tpu.memory_space<semaphore_mem>>) src(%dma_wait3A_151 : memref<5000xi32, #tpu.memory_space<hbm>>) dst(%arg5 : memref<5000xi32, #tpu.memory_space<vmem>>)
      tpu.yield
    }) : () -> ()
    %dma_start3A = arith.constant 0 : i32
    %dma_start3A_5 = tpu.memref_slice %arg5[%dma_start3A] : memref<5000xi32, #tpu.memory_space<vmem>> -> memref<40xi32, #tpu.memory_space<vmem>>
    %dma_start3A_6 = arith.constant 0 : i32
    %dma_start3A_7 = arith.constant 0 : i32
    %dma_start3A_8 = tpu.memref_slice %arg2[%dma_start3A_6, %dma_start3A_7] : memref<10000x128xf32, #tpu.memory_space<hbm>> -> memref<10000x128xf32, #tpu.memory_space<hbm>>
    tpu.enqueue_indirect_dma source(%dma_start3A_8 : memref<10000x128xf32, #tpu.memory_space<hbm>>) target(%arg6 : memref<40x128xf32, #tpu.memory_space<vmem>>) offsets(%dma_start3A_5 : memref<40xi32, #tpu.memory_space<vmem>>) semaphore(%arg16 : memref<!tpu.dma_semaphore, #tpu.memory_space<semaphore_mem>>)
    %dma_start3A_9 = arith.constant 40 : i32
    %dma_start3A_10 = tpu.memref_slice %arg5[%dma_start3A_9] : memref<5000xi32, #tpu.memory_space<vmem>> -> memref<40xi32, #tpu.memory_space<vmem>>
    %dma_start3A_11 = arith.constant 0 : i32
    %dma_start3A_12 = arith.constant 0 : i32
    %dma_start3A_13 = tpu.memref_slice %arg2[%dma_start3A_11, %dma_start3A_12] : memref<10000x128xf32, #tpu.memory_space<hbm>> -> memref<10000x128xf32, #tpu.memory_space<hbm>>
    tpu.enqueue_indirect_dma source(%dma_start3A_13 : memref<10000x128xf32, #tpu.memory_space<hbm>>) target(%arg7 : memref<40x128xf32, #tpu.memory_space<vmem>>) offsets(%dma_start3A_10 : memref<40xi32, #tpu.memory_space<vmem>>) semaphore(%arg17 : memref<!tpu.dma_semaphore, #tpu.memory_space<semaphore_mem>>)
    %dma_start3A_14 = arith.constant 80 : i32
    %dma_start3A_15 = tpu.memref_slice %arg5[%dma_start3A_14] : memref<5000xi32, #tpu.memory_space<vmem>> -> memref<40xi32, #tpu.memory_space<vmem>>
    %dma_start3A_16 = arith.constant 0 : i32
    %dma_start3A_17 = arith.constant 0 : i32
    %dma_start3A_18 = tpu.memref_slice %arg2[%dma_start3A_16, %dma_start3A_17] : memref<10000x128xf32, #tpu.memory_space<hbm>> -> memref<10000x128xf32, #tpu.memory_space<hbm>>
    tpu.enqueue_indirect_dma source(%dma_start3A_18 : memref<10000x128xf32, #tpu.memory_space<hbm>>) target(%arg8 : memref<40x128xf32, #tpu.memory_space<vmem>>) offsets(%dma_start3A_15 : memref<40xi32, #tpu.memory_space<vmem>>) semaphore(%arg18 : memref<!tpu.dma_semaphore, #tpu.memory_space<semaphore_mem>>)
    %dma_start3A_19 = arith.constant 120 : i32
    %dma_start3A_20 = tpu.memref_slice %arg5[%dma_start3A_19] : memref<5000xi32, #tpu.memory_space<vmem>> -> memref<40xi32, #tpu.memory_space<vmem>>
    %dma_start3A_21 = arith.constant 0 : i32
    %dma_start3A_22 = arith.constant 0 : i32
    %dma_start3A_23 = tpu.memref_slice %arg2[%dma_start3A_21, %dma_start3A_22] : memref<10000x128xf32, #tpu.memory_space<hbm>> -> memref<10000x128xf32, #tpu.memory_space<hbm>>
    tpu.enqueue_indirect_dma source(%dma_start3A_23 : memref<10000x128xf32, #tpu.memory_space<hbm>>) target(%arg9 : memref<40x128xf32, #tpu.memory_space<vmem>>) offsets(%dma_start3A_20 : memref<40xi32, #tpu.memory_space<vmem>>) semaphore(%arg19 : memref<!tpu.dma_semaphore, #tpu.memory_space<semaphore_mem>>)
    %dma_start3A_24 = arith.constant 160 : i32
    %dma_start3A_25 = tpu.memref_slice %arg5[%dma_start3A_24] : memref<5000xi32, #tpu.memory_space<vmem>> -> memref<40xi32, #tpu.memory_space<vmem>>
    %dma_start3A_26 = arith.constant 0 : i32
    %dma_start3A_27 = arith.constant 0 : i32
    %dma_start3A_28 = tpu.memref_slice %arg2[%dma_start3A_26, %dma_start3A_27] : memref<10000x128xf32, #tpu.memory_space<hbm>> -> memref<10000x128xf32, #tpu.memory_space<hbm>>
    tpu.enqueue_indirect_dma source(%dma_start3A_28 : memref<10000x128xf32, #tpu.memory_space<hbm>>) target(%arg10 : memref<40x128xf32, #tpu.memory_space<vmem>>) offsets(%dma_start3A_25 : memref<40xi32, #tpu.memory_space<vmem>>) semaphore(%arg20 : memref<!tpu.dma_semaphore, #tpu.memory_space<semaphore_mem>>)
    %scan3A = arith.constant 0 : i32
    %scan3A_29 = arith.constant 0 : i32
    %scan3A_30 = arith.constant 12 : i32
    %scan3A_31 = arith.addi %scan3A_29, %scan3A_30 : i32
    %scan3A_32 = arith.constant 1 : i32
    scf.for %scan3A_148 = %scan3A_29 to %scan3A_31 step %scan3A_32  : i32 {
      %mul3A_149 = arith.constant 2 : i32
      %mul3A_150 = arith.muli %scan3A_148, %mul3A_149 : i32
      %mul3A_151 = arith.constant 5 : i32
      %mul3A_152 = arith.muli %mul3A_150, %mul3A_151 : i32
      %add3A_153 = arith.constant 0 : i32
      %add3A_154 = arith.addi %mul3A_152, %add3A_153 : i32
      %mul3A_155 = arith.constant 40 : i32
      %mul3A_156 = arith.muli %add3A_154, %mul3A_155 : i32
      %dma_wait3A_157 = tpu.memref_slice %arg5[%mul3A_156] : memref<5000xi32, #tpu.memory_space<vmem>> -> memref<40xi32, #tpu.memory_space<vmem>>
      %dma_wait3A_158 = arith.constant 0 : i32
      %dma_wait3A_159 = arith.constant 0 : i32
      %dma_wait3A_160 = tpu.memref_slice %arg2[%dma_wait3A_158, %dma_wait3A_159] : memref<10000x128xf32, #tpu.memory_space<hbm>> -> memref<10000x128xf32, #tpu.memory_space<hbm>>
      tpu.wait_indirect_dma semaphore(%arg16 : memref<!tpu.dma_semaphore, #tpu.memory_space<semaphore_mem>>) src(%dma_wait3A_160 : memref<10000x128xf32, #tpu.memory_space<hbm>>) dst(%arg6 : memref<40x128xf32, #tpu.memory_space<vmem>>)
      %add3A_161 = arith.constant 0 : i32
      %add3A_162 = arith.addi %mul3A_152, %add3A_161 : i32
      %mul3A_163 = arith.constant 40 : i32
      %mul3A_164 = arith.muli %add3A_162, %mul3A_163 : i32
      %add3A_165 = arith.addi %mul3A_2, %mul3A_164 : i32
      %dma_start3A_166 = arith.constant 0 : i32
      %dma_start3A_167 = tpu.memref_slice %arg4[%add3A_165, %dma_start3A_166] : memref<160000x128xf32, #tpu.memory_space<hbm>> -> memref<40x128xf32, #tpu.memory_space<hbm>>
      %dma_start3A_168 = arith.constant 0 : i32
      %dma_start3A_169 = tpu.memref_slice %arg4[%add3A_165, %dma_start3A_168] : memref<160000x128xf32, #tpu.memory_space<hbm>> -> memref<40x128xf32, #tpu.memory_space<hbm>>
      tpu.enqueue_dma source(%arg6 : memref<40x128xf32, #tpu.memory_space<vmem>>) target(%dma_start3A_169 : memref<40x128xf32, #tpu.memory_space<hbm>>) target_semaphore(%arg26 : memref<!tpu.dma_semaphore, #tpu.memory_space<semaphore_mem>>)
      %gt3A = arith.constant 0 : i32
      %gt3A_170 = arith.cmpi sgt, %scan3A_148, %gt3A : i32
      %convert_element_type3A = arith.extui %gt3A_170 : i1 to i32
      %cond3A = arith.constant 0 : i32
      %cond3A_171 = arith.cmpi ne, %convert_element_type3A, %cond3A : i32
      scf.if %cond3A_171 {
        %sub3A = arith.constant 5 : i32
        %sub3A_510 = arith.subi %mul3A_152, %sub3A : i32
        %add3A_511 = arith.constant 0 : i32
        %add3A_512 = arith.addi %sub3A_510, %add3A_511 : i32
        %mul3A_513 = arith.constant 40 : i32
        %mul3A_514 = arith.muli %add3A_512, %mul3A_513 : i32
        %add3A_515 = arith.addi %mul3A_2, %mul3A_514 : i32
        %dma_wait3A_516 = arith.constant 0 : i32
        %dma_wait3A_517 = tpu.memref_slice %arg4[%add3A_515, %dma_wait3A_516] : memref<160000x128xf32, #tpu.memory_space<hbm>> -> memref<40x128xf32, #tpu.memory_space<hbm>>
        %dma_wait3A_518 = arith.constant 0 : i32
        %dma_wait3A_519 = tpu.memref_slice %arg4[%add3A_515, %dma_wait3A_518] : memref<160000x128xf32, #tpu.memory_space<hbm>> -> memref<40x128xf32, #tpu.memory_space<hbm>>
        tpu.wait_dma2 semaphore(%arg31 : memref<!tpu.dma_semaphore, #tpu.memory_space<semaphore_mem>>) src(%arg11 : memref<40x128xf32, #tpu.memory_space<vmem>>) dst(%dma_wait3A_519 : memref<40x128xf32, #tpu.memory_space<hbm>>)
      } else {
      }
      %add3A_172 = arith.constant 5 : i32
      %add3A_173 = arith.addi %mul3A_152, %add3A_172 : i32
      %add3A_174 = arith.constant 0 : i32
      %add3A_175 = arith.addi %add3A_173, %add3A_174 : i32
      %mul3A_176 = arith.constant 40 : i32
      %mul3A_177 = arith.muli %add3A_175, %mul3A_176 : i32
      %dma_start3A_178 = tpu.memref_slice %arg5[%mul3A_177] : memref<5000xi32, #tpu.memory_space<vmem>> -> memref<40xi32, #tpu.memory_space<vmem>>
      %dma_start3A_179 = arith.constant 0 : i32
      %dma_start3A_180 = arith.constant 0 : i32
      %dma_start3A_181 = tpu.memref_slice %arg2[%dma_start3A_179, %dma_start3A_180] : memref<10000x128xf32, #tpu.memory_space<hbm>> -> memref<10000x128xf32, #tpu.memory_space<hbm>>
      tpu.enqueue_indirect_dma source(%dma_start3A_181 : memref<10000x128xf32, #tpu.memory_space<hbm>>) target(%arg11 : memref<40x128xf32, #tpu.memory_space<vmem>>) offsets(%dma_start3A_178 : memref<40xi32, #tpu.memory_space<vmem>>) semaphore(%arg21 : memref<!tpu.dma_semaphore, #tpu.memory_space<semaphore_mem>>)
      %add3A_182 = arith.constant 1 : i32
      %add3A_183 = arith.addi %mul3A_152, %add3A_182 : i32
      %mul3A_184 = arith.constant 40 : i32
      %mul3A_185 = arith.muli %add3A_183, %mul3A_184 : i32
      %dma_wait3A_186 = tpu.memref_slice %arg5[%mul3A_185] : memref<5000xi32, #tpu.memory_space<vmem>> -> memref<40xi32, #tpu.memory_space<vmem>>
      %dma_wait3A_187 = arith.constant 0 : i32
      %dma_wait3A_188 = arith.constant 0 : i32
      %dma_wait3A_189 = tpu.memref_slice %arg2[%dma_wait3A_187, %dma_wait3A_188] : memref<10000x128xf32, #tpu.memory_space<hbm>> -> memref<10000x128xf32, #tpu.memory_space<hbm>>
      tpu.wait_indirect_dma semaphore(%arg17 : memref<!tpu.dma_semaphore, #tpu.memory_space<semaphore_mem>>) src(%dma_wait3A_189 : memref<10000x128xf32, #tpu.memory_space<hbm>>) dst(%arg7 : memref<40x128xf32, #tpu.memory_space<vmem>>)
      %add3A_190 = arith.constant 1 : i32
      %add3A_191 = arith.addi %mul3A_152, %add3A_190 : i32
      %mul3A_192 = arith.constant 40 : i32
      %mul3A_193 = arith.muli %add3A_191, %mul3A_192 : i32
      %add3A_194 = arith.addi %mul3A_2, %mul3A_193 : i32
      %dma_start3A_195 = arith.constant 0 : i32
      %dma_start3A_196 = tpu.memref_slice %arg4[%add3A_194, %dma_start3A_195] : memref<160000x128xf32, #tpu.memory_space<hbm>> -> memref<40x128xf32, #tpu.memory_space<hbm>>
      %dma_start3A_197 = arith.constant 0 : i32
      %dma_start3A_198 = tpu.memref_slice %arg4[%add3A_194, %dma_start3A_197] : memref<160000x128xf32, #tpu.memory_space<hbm>> -> memref<40x128xf32, #tpu.memory_space<hbm>>
      tpu.enqueue_dma source(%arg7 : memref<40x128xf32, #tpu.memory_space<vmem>>) target(%dma_start3A_198 : memref<40x128xf32, #tpu.memory_space<hbm>>) target_semaphore(%arg27 : memref<!tpu.dma_semaphore, #tpu.memory_space<semaphore_mem>>)
      %gt3A_199 = arith.constant 0 : i32
      %gt3A_200 = arith.cmpi sgt, %scan3A_148, %gt3A_199 : i32
      %convert_element_type3A_201 = arith.extui %gt3A_200 : i1 to i32
      %cond3A_202 = arith.constant 0 : i32
      %cond3A_203 = arith.cmpi ne, %convert_element_type3A_201, %cond3A_202 : i32
      scf.if %cond3A_203 {
        %sub3A = arith.constant 5 : i32
        %sub3A_510 = arith.subi %mul3A_152, %sub3A : i32
        %add3A_511 = arith.constant 1 : i32
        %add3A_512 = arith.addi %sub3A_510, %add3A_511 : i32
        %mul3A_513 = arith.constant 40 : i32
        %mul3A_514 = arith.muli %add3A_512, %mul3A_513 : i32
        %add3A_515 = arith.addi %mul3A_2, %mul3A_514 : i32
        %dma_wait3A_516 = arith.constant 0 : i32
        %dma_wait3A_517 = tpu.memref_slice %arg4[%add3A_515, %dma_wait3A_516] : memref<160000x128xf32, #tpu.memory_space<hbm>> -> memref<40x128xf32, #tpu.memory_space<hbm>>
        %dma_wait3A_518 = arith.constant 0 : i32
        %dma_wait3A_519 = tpu.memref_slice %arg4[%add3A_515, %dma_wait3A_518] : memref<160000x128xf32, #tpu.memory_space<hbm>> -> memref<40x128xf32, #tpu.memory_space<hbm>>
        tpu.wait_dma2 semaphore(%arg32 : memref<!tpu.dma_semaphore, #tpu.memory_space<semaphore_mem>>) src(%arg12 : memref<40x128xf32, #tpu.memory_space<vmem>>) dst(%dma_wait3A_519 : memref<40x128xf32, #tpu.memory_space<hbm>>)
      } else {
      }
      %add3A_204 = arith.constant 5 : i32
      %add3A_205 = arith.addi %mul3A_152, %add3A_204 : i32
      %add3A_206 = arith.constant 1 : i32
      %add3A_207 = arith.addi %add3A_205, %add3A_206 : i32
      %mul3A_208 = arith.constant 40 : i32
      %mul3A_209 = arith.muli %add3A_207, %mul3A_208 : i32
      %dma_start3A_210 = tpu.memref_slice %arg5[%mul3A_209] : memref<5000xi32, #tpu.memory_space<vmem>> -> memref<40xi32, #tpu.memory_space<vmem>>
      %dma_start3A_211 = arith.constant 0 : i32
      %dma_start3A_212 = arith.constant 0 : i32
      %dma_start3A_213 = tpu.memref_slice %arg2[%dma_start3A_211, %dma_start3A_212] : memref<10000x128xf32, #tpu.memory_space<hbm>> -> memref<10000x128xf32, #tpu.memory_space<hbm>>
      tpu.enqueue_indirect_dma source(%dma_start3A_213 : memref<10000x128xf32, #tpu.memory_space<hbm>>) target(%arg12 : memref<40x128xf32, #tpu.memory_space<vmem>>) offsets(%dma_start3A_210 : memref<40xi32, #tpu.memory_space<vmem>>) semaphore(%arg22 : memref<!tpu.dma_semaphore, #tpu.memory_space<semaphore_mem>>)
      %add3A_214 = arith.constant 2 : i32
      %add3A_215 = arith.addi %mul3A_152, %add3A_214 : i32
      %mul3A_216 = arith.constant 40 : i32
      %mul3A_217 = arith.muli %add3A_215, %mul3A_216 : i32
      %dma_wait3A_218 = tpu.memref_slice %arg5[%mul3A_217] : memref<5000xi32, #tpu.memory_space<vmem>> -> memref<40xi32, #tpu.memory_space<vmem>>
      %dma_wait3A_219 = arith.constant 0 : i32
      %dma_wait3A_220 = arith.constant 0 : i32
      %dma_wait3A_221 = tpu.memref_slice %arg2[%dma_wait3A_219, %dma_wait3A_220] : memref<10000x128xf32, #tpu.memory_space<hbm>> -> memref<10000x128xf32, #tpu.memory_space<hbm>>
      tpu.wait_indirect_dma semaphore(%arg18 : memref<!tpu.dma_semaphore, #tpu.memory_space<semaphore_mem>>) src(%dma_wait3A_221 : memref<10000x128xf32, #tpu.memory_space<hbm>>) dst(%arg8 : memref<40x128xf32, #tpu.memory_space<vmem>>)
      %add3A_222 = arith.constant 2 : i32
      %add3A_223 = arith.addi %mul3A_152, %add3A_222 : i32
      %mul3A_224 = arith.constant 40 : i32
      %mul3A_225 = arith.muli %add3A_223, %mul3A_224 : i32
      %add3A_226 = arith.addi %mul3A_2, %mul3A_225 : i32
      %dma_start3A_227 = arith.constant 0 : i32
      %dma_start3A_228 = tpu.memref_slice %arg4[%add3A_226, %dma_start3A_227] : memref<160000x128xf32, #tpu.memory_space<hbm>> -> memref<40x128xf32, #tpu.memory_space<hbm>>
      %dma_start3A_229 = arith.constant 0 : i32
      %dma_start3A_230 = tpu.memref_slice %arg4[%add3A_226, %dma_start3A_229] : memref<160000x128xf32, #tpu.memory_space<hbm>> -> memref<40x128xf32, #tpu.memory_space<hbm>>
      tpu.enqueue_dma source(%arg8 : memref<40x128xf32, #tpu.memory_space<vmem>>) target(%dma_start3A_230 : memref<40x128xf32, #tpu.memory_space<hbm>>) target_semaphore(%arg28 : memref<!tpu.dma_semaphore, #tpu.memory_space<semaphore_mem>>)
      %gt3A_231 = arith.constant 0 : i32
      %gt3A_232 = arith.cmpi sgt, %scan3A_148, %gt3A_231 : i32
      %convert_element_type3A_233 = arith.extui %gt3A_232 : i1 to i32
      %cond3A_234 = arith.constant 0 : i32
      %cond3A_235 = arith.cmpi ne, %convert_element_type3A_233, %cond3A_234 : i32
      scf.if %cond3A_235 {
        %sub3A = arith.constant 5 : i32
        %sub3A_510 = arith.subi %mul3A_152, %sub3A : i32
        %add3A_511 = arith.constant 2 : i32
        %add3A_512 = arith.addi %sub3A_510, %add3A_511 : i32
        %mul3A_513 = arith.constant 40 : i32
        %mul3A_514 = arith.muli %add3A_512, %mul3A_513 : i32
        %add3A_515 = arith.addi %mul3A_2, %mul3A_514 : i32
        %dma_wait3A_516 = arith.constant 0 : i32
        %dma_wait3A_517 = tpu.memref_slice %arg4[%add3A_515, %dma_wait3A_516] : memref<160000x128xf32, #tpu.memory_space<hbm>> -> memref<40x128xf32, #tpu.memory_space<hbm>>
        %dma_wait3A_518 = arith.constant 0 : i32
        %dma_wait3A_519 = tpu.memref_slice %arg4[%add3A_515, %dma_wait3A_518] : memref<160000x128xf32, #tpu.memory_space<hbm>> -> memref<40x128xf32, #tpu.memory_space<hbm>>
        tpu.wait_dma2 semaphore(%arg33 : memref<!tpu.dma_semaphore, #tpu.memory_space<semaphore_mem>>) src(%arg13 : memref<40x128xf32, #tpu.memory_space<vmem>>) dst(%dma_wait3A_519 : memref<40x128xf32, #tpu.memory_space<hbm>>)
      } else {
      }
      %add3A_236 = arith.constant 5 : i32
      %add3A_237 = arith.addi %mul3A_152, %add3A_236 : i32
      %add3A_238 = arith.constant 2 : i32
      %add3A_239 = arith.addi %add3A_237, %add3A_238 : i32
      %mul3A_240 = arith.constant 40 : i32
      %mul3A_241 = arith.muli %add3A_239, %mul3A_240 : i32
      %dma_start3A_242 = tpu.memref_slice %arg5[%mul3A_241] : memref<5000xi32, #tpu.memory_space<vmem>> -> memref<40xi32, #tpu.memory_space<vmem>>
      %dma_start3A_243 = arith.constant 0 : i32
      %dma_start3A_244 = arith.constant 0 : i32
      %dma_start3A_245 = tpu.memref_slice %arg2[%dma_start3A_243, %dma_start3A_244] : memref<10000x128xf32, #tpu.memory_space<hbm>> -> memref<10000x128xf32, #tpu.memory_space<hbm>>
      tpu.enqueue_indirect_dma source(%dma_start3A_245 : memref<10000x128xf32, #tpu.memory_space<hbm>>) target(%arg13 : memref<40x128xf32, #tpu.memory_space<vmem>>) offsets(%dma_start3A_242 : memref<40xi32, #tpu.memory_space<vmem>>) semaphore(%arg23 : memref<!tpu.dma_semaphore, #tpu.memory_space<semaphore_mem>>)
      %add3A_246 = arith.constant 3 : i32
      %add3A_247 = arith.addi %mul3A_152, %add3A_246 : i32
      %mul3A_248 = arith.constant 40 : i32
      %mul3A_249 = arith.muli %add3A_247, %mul3A_248 : i32
      %dma_wait3A_250 = tpu.memref_slice %arg5[%mul3A_249] : memref<5000xi32, #tpu.memory_space<vmem>> -> memref<40xi32, #tpu.memory_space<vmem>>
      %dma_wait3A_251 = arith.constant 0 : i32
      %dma_wait3A_252 = arith.constant 0 : i32
      %dma_wait3A_253 = tpu.memref_slice %arg2[%dma_wait3A_251, %dma_wait3A_252] : memref<10000x128xf32, #tpu.memory_space<hbm>> -> memref<10000x128xf32, #tpu.memory_space<hbm>>
      tpu.wait_indirect_dma semaphore(%arg19 : memref<!tpu.dma_semaphore, #tpu.memory_space<semaphore_mem>>) src(%dma_wait3A_253 : memref<10000x128xf32, #tpu.memory_space<hbm>>) dst(%arg9 : memref<40x128xf32, #tpu.memory_space<vmem>>)
      %add3A_254 = arith.constant 3 : i32
      %add3A_255 = arith.addi %mul3A_152, %add3A_254 : i32
      %mul3A_256 = arith.constant 40 : i32
      %mul3A_257 = arith.muli %add3A_255, %mul3A_256 : i32
      %add3A_258 = arith.addi %mul3A_2, %mul3A_257 : i32
      %dma_start3A_259 = arith.constant 0 : i32
      %dma_start3A_260 = tpu.memref_slice %arg4[%add3A_258, %dma_start3A_259] : memref<160000x128xf32, #tpu.memory_space<hbm>> -> memref<40x128xf32, #tpu.memory_space<hbm>>
      %dma_start3A_261 = arith.constant 0 : i32
      %dma_start3A_262 = tpu.memref_slice %arg4[%add3A_258, %dma_start3A_261] : memref<160000x128xf32, #tpu.memory_space<hbm>> -> memref<40x128xf32, #tpu.memory_space<hbm>>
      tpu.enqueue_dma source(%arg9 : memref<40x128xf32, #tpu.memory_space<vmem>>) target(%dma_start3A_262 : memref<40x128xf32, #tpu.memory_space<hbm>>) target_semaphore(%arg29 : memref<!tpu.dma_semaphore, #tpu.memory_space<semaphore_mem>>)
      %gt3A_263 = arith.constant 0 : i32
      %gt3A_264 = arith.cmpi sgt, %scan3A_148, %gt3A_263 : i32
      %convert_element_type3A_265 = arith.extui %gt3A_264 : i1 to i32
      %cond3A_266 = arith.constant 0 : i32
      %cond3A_267 = arith.cmpi ne, %convert_element_type3A_265, %cond3A_266 : i32
      scf.if %cond3A_267 {
        %sub3A = arith.constant 5 : i32
        %sub3A_510 = arith.subi %mul3A_152, %sub3A : i32
        %add3A_511 = arith.constant 3 : i32
        %add3A_512 = arith.addi %sub3A_510, %add3A_511 : i32
        %mul3A_513 = arith.constant 40 : i32
        %mul3A_514 = arith.muli %add3A_512, %mul3A_513 : i32
        %add3A_515 = arith.addi %mul3A_2, %mul3A_514 : i32
        %dma_wait3A_516 = arith.constant 0 : i32
        %dma_wait3A_517 = tpu.memref_slice %arg4[%add3A_515, %dma_wait3A_516] : memref<160000x128xf32, #tpu.memory_space<hbm>> -> memref<40x128xf32, #tpu.memory_space<hbm>>
        %dma_wait3A_518 = arith.constant 0 : i32
        %dma_wait3A_519 = tpu.memref_slice %arg4[%add3A_515, %dma_wait3A_518] : memref<160000x128xf32, #tpu.memory_space<hbm>> -> memref<40x128xf32, #tpu.memory_space<hbm>>
        tpu.wait_dma2 semaphore(%arg34 : memref<!tpu.dma_semaphore, #tpu.memory_space<semaphore_mem>>) src(%arg14 : memref<40x128xf32, #tpu.memory_space<vmem>>) dst(%dma_wait3A_519 : memref<40x128xf32, #tpu.memory_space<hbm>>)
      } else {
      }
      %add3A_268 = arith.constant 5 : i32
      %add3A_269 = arith.addi %mul3A_152, %add3A_268 : i32
      %add3A_270 = arith.constant 3 : i32
      %add3A_271 = arith.addi %add3A_269, %add3A_270 : i32
      %mul3A_272 = arith.constant 40 : i32
      %mul3A_273 = arith.muli %add3A_271, %mul3A_272 : i32
      %dma_start3A_274 = tpu.memref_slice %arg5[%mul3A_273] : memref<5000xi32, #tpu.memory_space<vmem>> -> memref<40xi32, #tpu.memory_space<vmem>>
      %dma_start3A_275 = arith.constant 0 : i32
      %dma_start3A_276 = arith.constant 0 : i32
      %dma_start3A_277 = tpu.memref_slice %arg2[%dma_start3A_275, %dma_start3A_276] : memref<10000x128xf32, #tpu.memory_space<hbm>> -> memref<10000x128xf32, #tpu.memory_space<hbm>>
      tpu.enqueue_indirect_dma source(%dma_start3A_277 : memref<10000x128xf32, #tpu.memory_space<hbm>>) target(%arg14 : memref<40x128xf32, #tpu.memory_space<vmem>>) offsets(%dma_start3A_274 : memref<40xi32, #tpu.memory_space<vmem>>) semaphore(%arg24 : memref<!tpu.dma_semaphore, #tpu.memory_space<semaphore_mem>>)
      %add3A_278 = arith.constant 4 : i32
      %add3A_279 = arith.addi %mul3A_152, %add3A_278 : i32
      %mul3A_280 = arith.constant 40 : i32
      %mul3A_281 = arith.muli %add3A_279, %mul3A_280 : i32
      %dma_wait3A_282 = tpu.memref_slice %arg5[%mul3A_281] : memref<5000xi32, #tpu.memory_space<vmem>> -> memref<40xi32, #tpu.memory_space<vmem>>
      %dma_wait3A_283 = arith.constant 0 : i32
      %dma_wait3A_284 = arith.constant 0 : i32
      %dma_wait3A_285 = tpu.memref_slice %arg2[%dma_wait3A_283, %dma_wait3A_284] : memref<10000x128xf32, #tpu.memory_space<hbm>> -> memref<10000x128xf32, #tpu.memory_space<hbm>>
      tpu.wait_indirect_dma semaphore(%arg20 : memref<!tpu.dma_semaphore, #tpu.memory_space<semaphore_mem>>) src(%dma_wait3A_285 : memref<10000x128xf32, #tpu.memory_space<hbm>>) dst(%arg10 : memref<40x128xf32, #tpu.memory_space<vmem>>)
      %add3A_286 = arith.constant 4 : i32
      %add3A_287 = arith.addi %mul3A_152, %add3A_286 : i32
      %mul3A_288 = arith.constant 40 : i32
      %mul3A_289 = arith.muli %add3A_287, %mul3A_288 : i32
      %add3A_290 = arith.addi %mul3A_2, %mul3A_289 : i32
      %dma_start3A_291 = arith.constant 0 : i32
      %dma_start3A_292 = tpu.memref_slice %arg4[%add3A_290, %dma_start3A_291] : memref<160000x128xf32, #tpu.memory_space<hbm>> -> memref<40x128xf32, #tpu.memory_space<hbm>>
      %dma_start3A_293 = arith.constant 0 : i32
      %dma_start3A_294 = tpu.memref_slice %arg4[%add3A_290, %dma_start3A_293] : memref<160000x128xf32, #tpu.memory_space<hbm>> -> memref<40x128xf32, #tpu.memory_space<hbm>>
      tpu.enqueue_dma source(%arg10 : memref<40x128xf32, #tpu.memory_space<vmem>>) target(%dma_start3A_294 : memref<40x128xf32, #tpu.memory_space<hbm>>) target_semaphore(%arg30 : memref<!tpu.dma_semaphore, #tpu.memory_space<semaphore_mem>>)
      %gt3A_295 = arith.constant 0 : i32
      %gt3A_296 = arith.cmpi sgt, %scan3A_148, %gt3A_295 : i32
      %convert_element_type3A_297 = arith.extui %gt3A_296 : i1 to i32
      %cond3A_298 = arith.constant 0 : i32
      %cond3A_299 = arith.cmpi ne, %convert_element_type3A_297, %cond3A_298 : i32
      scf.if %cond3A_299 {
        %sub3A = arith.constant 5 : i32
        %sub3A_510 = arith.subi %mul3A_152, %sub3A : i32
        %add3A_511 = arith.constant 4 : i32
        %add3A_512 = arith.addi %sub3A_510, %add3A_511 : i32
        %mul3A_513 = arith.constant 40 : i32
        %mul3A_514 = arith.muli %add3A_512, %mul3A_513 : i32
        %add3A_515 = arith.addi %mul3A_2, %mul3A_514 : i32
        %dma_wait3A_516 = arith.constant 0 : i32
        %dma_wait3A_517 = tpu.memref_slice %arg4[%add3A_515, %dma_wait3A_516] : memref<160000x128xf32, #tpu.memory_space<hbm>> -> memref<40x128xf32, #tpu.memory_space<hbm>>
        %dma_wait3A_518 = arith.constant 0 : i32
        %dma_wait3A_519 = tpu.memref_slice %arg4[%add3A_515, %dma_wait3A_518] : memref<160000x128xf32, #tpu.memory_space<hbm>> -> memref<40x128xf32, #tpu.memory_space<hbm>>
        tpu.wait_dma2 semaphore(%arg35 : memref<!tpu.dma_semaphore, #tpu.memory_space<semaphore_mem>>) src(%arg15 : memref<40x128xf32, #tpu.memory_space<vmem>>) dst(%dma_wait3A_519 : memref<40x128xf32, #tpu.memory_space<hbm>>)
      } else {
      }
      %add3A_300 = arith.constant 5 : i32
      %add3A_301 = arith.addi %mul3A_152, %add3A_300 : i32
      %add3A_302 = arith.constant 4 : i32
      %add3A_303 = arith.addi %add3A_301, %add3A_302 : i32
      %mul3A_304 = arith.constant 40 : i32
      %mul3A_305 = arith.muli %add3A_303, %mul3A_304 : i32
      %dma_start3A_306 = tpu.memref_slice %arg5[%mul3A_305] : memref<5000xi32, #tpu.memory_space<vmem>> -> memref<40xi32, #tpu.memory_space<vmem>>
      %dma_start3A_307 = arith.constant 0 : i32
      %dma_start3A_308 = arith.constant 0 : i32
      %dma_start3A_309 = tpu.memref_slice %arg2[%dma_start3A_307, %dma_start3A_308] : memref<10000x128xf32, #tpu.memory_space<hbm>> -> memref<10000x128xf32, #tpu.memory_space<hbm>>
      tpu.enqueue_indirect_dma source(%dma_start3A_309 : memref<10000x128xf32, #tpu.memory_space<hbm>>) target(%arg15 : memref<40x128xf32, #tpu.memory_space<vmem>>) offsets(%dma_start3A_306 : memref<40xi32, #tpu.memory_space<vmem>>) semaphore(%arg25 : memref<!tpu.dma_semaphore, #tpu.memory_space<semaphore_mem>>)
      %add3A_310 = arith.constant 5 : i32
      %add3A_311 = arith.addi %mul3A_152, %add3A_310 : i32
      %add3A_312 = arith.constant 0 : i32
      %add3A_313 = arith.addi %add3A_311, %add3A_312 : i32
      %mul3A_314 = arith.constant 40 : i32
      %mul3A_315 = arith.muli %add3A_313, %mul3A_314 : i32
      %dma_wait3A_316 = tpu.memref_slice %arg5[%mul3A_315] : memref<5000xi32, #tpu.memory_space<vmem>> -> memref<40xi32, #tpu.memory_space<vmem>>
      %dma_wait3A_317 = arith.constant 0 : i32
      %dma_wait3A_318 = arith.constant 0 : i32
      %dma_wait3A_319 = tpu.memref_slice %arg2[%dma_wait3A_317, %dma_wait3A_318] : memref<10000x128xf32, #tpu.memory_space<hbm>> -> memref<10000x128xf32, #tpu.memory_space<hbm>>
      tpu.wait_indirect_dma semaphore(%arg21 : memref<!tpu.dma_semaphore, #tpu.memory_space<semaphore_mem>>) src(%dma_wait3A_319 : memref<10000x128xf32, #tpu.memory_space<hbm>>) dst(%arg11 : memref<40x128xf32, #tpu.memory_space<vmem>>)
      %add3A_320 = arith.constant 5 : i32
      %add3A_321 = arith.addi %mul3A_152, %add3A_320 : i32
      %add3A_322 = arith.constant 0 : i32
      %add3A_323 = arith.addi %add3A_321, %add3A_322 : i32
      %mul3A_324 = arith.constant 40 : i32
      %mul3A_325 = arith.muli %add3A_323, %mul3A_324 : i32
      %add3A_326 = arith.addi %mul3A_2, %mul3A_325 : i32
      %dma_start3A_327 = arith.constant 0 : i32
      %dma_start3A_328 = tpu.memref_slice %arg4[%add3A_326, %dma_start3A_327] : memref<160000x128xf32, #tpu.memory_space<hbm>> -> memref<40x128xf32, #tpu.memory_space<hbm>>
      %dma_start3A_329 = arith.constant 0 : i32
      %dma_start3A_330 = tpu.memref_slice %arg4[%add3A_326, %dma_start3A_329] : memref<160000x128xf32, #tpu.memory_space<hbm>> -> memref<40x128xf32, #tpu.memory_space<hbm>>
      tpu.enqueue_dma source(%arg11 : memref<40x128xf32, #tpu.memory_space<vmem>>) target(%dma_start3A_330 : memref<40x128xf32, #tpu.memory_space<hbm>>) target_semaphore(%arg31 : memref<!tpu.dma_semaphore, #tpu.memory_space<semaphore_mem>>)
      %add3A_331 = arith.constant 0 : i32
      %add3A_332 = arith.addi %mul3A_152, %add3A_331 : i32
      %mul3A_333 = arith.constant 40 : i32
      %mul3A_334 = arith.muli %add3A_332, %mul3A_333 : i32
      %add3A_335 = arith.addi %mul3A_2, %mul3A_334 : i32
      %dma_wait3A_336 = arith.constant 0 : i32
      %dma_wait3A_337 = tpu.memref_slice %arg4[%add3A_335, %dma_wait3A_336] : memref<160000x128xf32, #tpu.memory_space<hbm>> -> memref<40x128xf32, #tpu.memory_space<hbm>>
      %dma_wait3A_338 = arith.constant 0 : i32
      %dma_wait3A_339 = tpu.memref_slice %arg4[%add3A_335, %dma_wait3A_338] : memref<160000x128xf32, #tpu.memory_space<hbm>> -> memref<40x128xf32, #tpu.memory_space<hbm>>
      tpu.wait_dma2 semaphore(%arg26 : memref<!tpu.dma_semaphore, #tpu.memory_space<semaphore_mem>>) src(%arg6 : memref<40x128xf32, #tpu.memory_space<vmem>>) dst(%dma_wait3A_339 : memref<40x128xf32, #tpu.memory_space<hbm>>)
      %add3A_340 = arith.constant 10 : i32
      %add3A_341 = arith.addi %mul3A_152, %add3A_340 : i32
      %add3A_342 = arith.constant 0 : i32
      %add3A_343 = arith.addi %add3A_341, %add3A_342 : i32
      %mul3A_344 = arith.constant 40 : i32
      %mul3A_345 = arith.muli %add3A_343, %mul3A_344 : i32
      %dma_start3A_346 = tpu.memref_slice %arg5[%mul3A_345] : memref<5000xi32, #tpu.memory_space<vmem>> -> memref<40xi32, #tpu.memory_space<vmem>>
      %dma_start3A_347 = arith.constant 0 : i32
      %dma_start3A_348 = arith.constant 0 : i32
      %dma_start3A_349 = tpu.memref_slice %arg2[%dma_start3A_347, %dma_start3A_348] : memref<10000x128xf32, #tpu.memory_space<hbm>> -> memref<10000x128xf32, #tpu.memory_space<hbm>>
      tpu.enqueue_indirect_dma source(%dma_start3A_349 : memref<10000x128xf32, #tpu.memory_space<hbm>>) target(%arg6 : memref<40x128xf32, #tpu.memory_space<vmem>>) offsets(%dma_start3A_346 : memref<40xi32, #tpu.memory_space<vmem>>) semaphore(%arg16 : memref<!tpu.dma_semaphore, #tpu.memory_space<semaphore_mem>>)
      %add3A_350 = arith.constant 5 : i32
      %add3A_351 = arith.addi %mul3A_152, %add3A_350 : i32
      %add3A_352 = arith.constant 1 : i32
      %add3A_353 = arith.addi %add3A_351, %add3A_352 : i32
      %mul3A_354 = arith.constant 40 : i32
      %mul3A_355 = arith.muli %add3A_353, %mul3A_354 : i32
      %dma_wait3A_356 = tpu.memref_slice %arg5[%mul3A_355] : memref<5000xi32, #tpu.memory_space<vmem>> -> memref<40xi32, #tpu.memory_space<vmem>>
      %dma_wait3A_357 = arith.constant 0 : i32
      %dma_wait3A_358 = arith.constant 0 : i32
      %dma_wait3A_359 = tpu.memref_slice %arg2[%dma_wait3A_357, %dma_wait3A_358] : memref<10000x128xf32, #tpu.memory_space<hbm>> -> memref<10000x128xf32, #tpu.memory_space<hbm>>
      tpu.wait_indirect_dma semaphore(%arg22 : memref<!tpu.dma_semaphore, #tpu.memory_space<semaphore_mem>>) src(%dma_wait3A_359 : memref<10000x128xf32, #tpu.memory_space<hbm>>) dst(%arg12 : memref<40x128xf32, #tpu.memory_space<vmem>>)
      %add3A_360 = arith.constant 5 : i32
      %add3A_361 = arith.addi %mul3A_152, %add3A_360 : i32
      %add3A_362 = arith.constant 1 : i32
      %add3A_363 = arith.addi %add3A_361, %add3A_362 : i32
      %mul3A_364 = arith.constant 40 : i32
      %mul3A_365 = arith.muli %add3A_363, %mul3A_364 : i32
      %add3A_366 = arith.addi %mul3A_2, %mul3A_365 : i32
      %dma_start3A_367 = arith.constant 0 : i32
      %dma_start3A_368 = tpu.memref_slice %arg4[%add3A_366, %dma_start3A_367] : memref<160000x128xf32, #tpu.memory_space<hbm>> -> memref<40x128xf32, #tpu.memory_space<hbm>>
      %dma_start3A_369 = arith.constant 0 : i32
      %dma_start3A_370 = tpu.memref_slice %arg4[%add3A_366, %dma_start3A_369] : memref<160000x128xf32, #tpu.memory_space<hbm>> -> memref<40x128xf32, #tpu.memory_space<hbm>>
      tpu.enqueue_dma source(%arg12 : memref<40x128xf32, #tpu.memory_space<vmem>>) target(%dma_start3A_370 : memref<40x128xf32, #tpu.memory_space<hbm>>) target_semaphore(%arg32 : memref<!tpu.dma_semaphore, #tpu.memory_space<semaphore_mem>>)
      %add3A_371 = arith.constant 1 : i32
      %add3A_372 = arith.addi %mul3A_152, %add3A_371 : i32
      %mul3A_373 = arith.constant 40 : i32
      %mul3A_374 = arith.muli %add3A_372, %mul3A_373 : i32
      %add3A_375 = arith.addi %mul3A_2, %mul3A_374 : i32
      %dma_wait3A_376 = arith.constant 0 : i32
      %dma_wait3A_377 = tpu.memref_slice %arg4[%add3A_375, %dma_wait3A_376] : memref<160000x128xf32, #tpu.memory_space<hbm>> -> memref<40x128xf32, #tpu.memory_space<hbm>>
      %dma_wait3A_378 = arith.constant 0 : i32
      %dma_wait3A_379 = tpu.memref_slice %arg4[%add3A_375, %dma_wait3A_378] : memref<160000x128xf32, #tpu.memory_space<hbm>> -> memref<40x128xf32, #tpu.memory_space<hbm>>
      tpu.wait_dma2 semaphore(%arg27 : memref<!tpu.dma_semaphore, #tpu.memory_space<semaphore_mem>>) src(%arg7 : memref<40x128xf32, #tpu.memory_space<vmem>>) dst(%dma_wait3A_379 : memref<40x128xf32, #tpu.memory_space<hbm>>)
      %add3A_380 = arith.constant 10 : i32
      %add3A_381 = arith.addi %mul3A_152, %add3A_380 : i32
      %add3A_382 = arith.constant 1 : i32
      %add3A_383 = arith.addi %add3A_381, %add3A_382 : i32
      %mul3A_384 = arith.constant 40 : i32
      %mul3A_385 = arith.muli %add3A_383, %mul3A_384 : i32
      %dma_start3A_386 = tpu.memref_slice %arg5[%mul3A_385] : memref<5000xi32, #tpu.memory_space<vmem>> -> memref<40xi32, #tpu.memory_space<vmem>>
      %dma_start3A_387 = arith.constant 0 : i32
      %dma_start3A_388 = arith.constant 0 : i32
      %dma_start3A_389 = tpu.memref_slice %arg2[%dma_start3A_387, %dma_start3A_388] : memref<10000x128xf32, #tpu.memory_space<hbm>> -> memref<10000x128xf32, #tpu.memory_space<hbm>>
      tpu.enqueue_indirect_dma source(%dma_start3A_389 : memref<10000x128xf32, #tpu.memory_space<hbm>>) target(%arg7 : memref<40x128xf32, #tpu.memory_space<vmem>>) offsets(%dma_start3A_386 : memref<40xi32, #tpu.memory_space<vmem>>) semaphore(%arg17 : memref<!tpu.dma_semaphore, #tpu.memory_space<semaphore_mem>>)
      %add3A_390 = arith.constant 5 : i32
      %add3A_391 = arith.addi %mul3A_152, %add3A_390 : i32
      %add3A_392 = arith.constant 2 : i32
      %add3A_393 = arith.addi %add3A_391, %add3A_392 : i32
      %mul3A_394 = arith.constant 40 : i32
      %mul3A_395 = arith.muli %add3A_393, %mul3A_394 : i32
      %dma_wait3A_396 = tpu.memref_slice %arg5[%mul3A_395] : memref<5000xi32, #tpu.memory_space<vmem>> -> memref<40xi32, #tpu.memory_space<vmem>>
      %dma_wait3A_397 = arith.constant 0 : i32
      %dma_wait3A_398 = arith.constant 0 : i32
      %dma_wait3A_399 = tpu.memref_slice %arg2[%dma_wait3A_397, %dma_wait3A_398] : memref<10000x128xf32, #tpu.memory_space<hbm>> -> memref<10000x128xf32, #tpu.memory_space<hbm>>
      tpu.wait_indirect_dma semaphore(%arg23 : memref<!tpu.dma_semaphore, #tpu.memory_space<semaphore_mem>>) src(%dma_wait3A_399 : memref<10000x128xf32, #tpu.memory_space<hbm>>) dst(%arg13 : memref<40x128xf32, #tpu.memory_space<vmem>>)
      %add3A_400 = arith.constant 5 : i32
      %add3A_401 = arith.addi %mul3A_152, %add3A_400 : i32
      %add3A_402 = arith.constant 2 : i32
      %add3A_403 = arith.addi %add3A_401, %add3A_402 : i32
      %mul3A_404 = arith.constant 40 : i32
      %mul3A_405 = arith.muli %add3A_403, %mul3A_404 : i32
      %add3A_406 = arith.addi %mul3A_2, %mul3A_405 : i32
      %dma_start3A_407 = arith.constant 0 : i32
      %dma_start3A_408 = tpu.memref_slice %arg4[%add3A_406, %dma_start3A_407] : memref<160000x128xf32, #tpu.memory_space<hbm>> -> memref<40x128xf32, #tpu.memory_space<hbm>>
      %dma_start3A_409 = arith.constant 0 : i32
      %dma_start3A_410 = tpu.memref_slice %arg4[%add3A_406, %dma_start3A_409] : memref<160000x128xf32, #tpu.memory_space<hbm>> -> memref<40x128xf32, #tpu.memory_space<hbm>>
      tpu.enqueue_dma source(%arg13 : memref<40x128xf32, #tpu.memory_space<vmem>>) target(%dma_start3A_410 : memref<40x128xf32, #tpu.memory_space<hbm>>) target_semaphore(%arg33 : memref<!tpu.dma_semaphore, #tpu.memory_space<semaphore_mem>>)
      %add3A_411 = arith.constant 2 : i32
      %add3A_412 = arith.addi %mul3A_152, %add3A_411 : i32
      %mul3A_413 = arith.constant 40 : i32
      %mul3A_414 = arith.muli %add3A_412, %mul3A_413 : i32
      %add3A_415 = arith.addi %mul3A_2, %mul3A_414 : i32
      %dma_wait3A_416 = arith.constant 0 : i32
      %dma_wait3A_417 = tpu.memref_slice %arg4[%add3A_415, %dma_wait3A_416] : memref<160000x128xf32, #tpu.memory_space<hbm>> -> memref<40x128xf32, #tpu.memory_space<hbm>>
      %dma_wait3A_418 = arith.constant 0 : i32
      %dma_wait3A_419 = tpu.memref_slice %arg4[%add3A_415, %dma_wait3A_418] : memref<160000x128xf32, #tpu.memory_space<hbm>> -> memref<40x128xf32, #tpu.memory_space<hbm>>
      tpu.wait_dma2 semaphore(%arg28 : memref<!tpu.dma_semaphore, #tpu.memory_space<semaphore_mem>>) src(%arg8 : memref<40x128xf32, #tpu.memory_space<vmem>>) dst(%dma_wait3A_419 : memref<40x128xf32, #tpu.memory_space<hbm>>)
      %add3A_420 = arith.constant 10 : i32
      %add3A_421 = arith.addi %mul3A_152, %add3A_420 : i32
      %add3A_422 = arith.constant 2 : i32
      %add3A_423 = arith.addi %add3A_421, %add3A_422 : i32
      %mul3A_424 = arith.constant 40 : i32
      %mul3A_425 = arith.muli %add3A_423, %mul3A_424 : i32
      %dma_start3A_426 = tpu.memref_slice %arg5[%mul3A_425] : memref<5000xi32, #tpu.memory_space<vmem>> -> memref<40xi32, #tpu.memory_space<vmem>>
      %dma_start3A_427 = arith.constant 0 : i32
      %dma_start3A_428 = arith.constant 0 : i32
      %dma_start3A_429 = tpu.memref_slice %arg2[%dma_start3A_427, %dma_start3A_428] : memref<10000x128xf32, #tpu.memory_space<hbm>> -> memref<10000x128xf32, #tpu.memory_space<hbm>>
      tpu.enqueue_indirect_dma source(%dma_start3A_429 : memref<10000x128xf32, #tpu.memory_space<hbm>>) target(%arg8 : memref<40x128xf32, #tpu.memory_space<vmem>>) offsets(%dma_start3A_426 : memref<40xi32, #tpu.memory_space<vmem>>) semaphore(%arg18 : memref<!tpu.dma_semaphore, #tpu.memory_space<semaphore_mem>>)
      %add3A_430 = arith.constant 5 : i32
      %add3A_431 = arith.addi %mul3A_152, %add3A_430 : i32
      %add3A_432 = arith.constant 3 : i32
      %add3A_433 = arith.addi %add3A_431, %add3A_432 : i32
      %mul3A_434 = arith.constant 40 : i32
      %mul3A_435 = arith.muli %add3A_433, %mul3A_434 : i32
      %dma_wait3A_436 = tpu.memref_slice %arg5[%mul3A_435] : memref<5000xi32, #tpu.memory_space<vmem>> -> memref<40xi32, #tpu.memory_space<vmem>>
      %dma_wait3A_437 = arith.constant 0 : i32
      %dma_wait3A_438 = arith.constant 0 : i32
      %dma_wait3A_439 = tpu.memref_slice %arg2[%dma_wait3A_437, %dma_wait3A_438] : memref<10000x128xf32, #tpu.memory_space<hbm>> -> memref<10000x128xf32, #tpu.memory_space<hbm>>
      tpu.wait_indirect_dma semaphore(%arg24 : memref<!tpu.dma_semaphore, #tpu.memory_space<semaphore_mem>>) src(%dma_wait3A_439 : memref<10000x128xf32, #tpu.memory_space<hbm>>) dst(%arg14 : memref<40x128xf32, #tpu.memory_space<vmem>>)
      %add3A_440 = arith.constant 5 : i32
      %add3A_441 = arith.addi %mul3A_152, %add3A_440 : i32
      %add3A_442 = arith.constant 3 : i32
      %add3A_443 = arith.addi %add3A_441, %add3A_442 : i32
      %mul3A_444 = arith.constant 40 : i32
      %mul3A_445 = arith.muli %add3A_443, %mul3A_444 : i32
      %add3A_446 = arith.addi %mul3A_2, %mul3A_445 : i32
      %dma_start3A_447 = arith.constant 0 : i32
      %dma_start3A_448 = tpu.memref_slice %arg4[%add3A_446, %dma_start3A_447] : memref<160000x128xf32, #tpu.memory_space<hbm>> -> memref<40x128xf32, #tpu.memory_space<hbm>>
      %dma_start3A_449 = arith.constant 0 : i32
      %dma_start3A_450 = tpu.memref_slice %arg4[%add3A_446, %dma_start3A_449] : memref<160000x128xf32, #tpu.memory_space<hbm>> -> memref<40x128xf32, #tpu.memory_space<hbm>>
      tpu.enqueue_dma source(%arg14 : memref<40x128xf32, #tpu.memory_space<vmem>>) target(%dma_start3A_450 : memref<40x128xf32, #tpu.memory_space<hbm>>) target_semaphore(%arg34 : memref<!tpu.dma_semaphore, #tpu.memory_space<semaphore_mem>>)
      %add3A_451 = arith.constant 3 : i32
      %add3A_452 = arith.addi %mul3A_152, %add3A_451 : i32
      %mul3A_453 = arith.constant 40 : i32
      %mul3A_454 = arith.muli %add3A_452, %mul3A_453 : i32
      %add3A_455 = arith.addi %mul3A_2, %mul3A_454 : i32
      %dma_wait3A_456 = arith.constant 0 : i32
      %dma_wait3A_457 = tpu.memref_slice %arg4[%add3A_455, %dma_wait3A_456] : memref<160000x128xf32, #tpu.memory_space<hbm>> -> memref<40x128xf32, #tpu.memory_space<hbm>>
      %dma_wait3A_458 = arith.constant 0 : i32
      %dma_wait3A_459 = tpu.memref_slice %arg4[%add3A_455, %dma_wait3A_458] : memref<160000x128xf32, #tpu.memory_space<hbm>> -> memref<40x128xf32, #tpu.memory_space<hbm>>
      tpu.wait_dma2 semaphore(%arg29 : memref<!tpu.dma_semaphore, #tpu.memory_space<semaphore_mem>>) src(%arg9 : memref<40x128xf32, #tpu.memory_space<vmem>>) dst(%dma_wait3A_459 : memref<40x128xf32, #tpu.memory_space<hbm>>)
      %add3A_460 = arith.constant 10 : i32
      %add3A_461 = arith.addi %mul3A_152, %add3A_460 : i32
      %add3A_462 = arith.constant 3 : i32
      %add3A_463 = arith.addi %add3A_461, %add3A_462 : i32
      %mul3A_464 = arith.constant 40 : i32
      %mul3A_465 = arith.muli %add3A_463, %mul3A_464 : i32
      %dma_start3A_466 = tpu.memref_slice %arg5[%mul3A_465] : memref<5000xi32, #tpu.memory_space<vmem>> -> memref<40xi32, #tpu.memory_space<vmem>>
      %dma_start3A_467 = arith.constant 0 : i32
      %dma_start3A_468 = arith.constant 0 : i32
      %dma_start3A_469 = tpu.memref_slice %arg2[%dma_start3A_467, %dma_start3A_468] : memref<10000x128xf32, #tpu.memory_space<hbm>> -> memref<10000x128xf32, #tpu.memory_space<hbm>>
      tpu.enqueue_indirect_dma source(%dma_start3A_469 : memref<10000x128xf32, #tpu.memory_space<hbm>>) target(%arg9 : memref<40x128xf32, #tpu.memory_space<vmem>>) offsets(%dma_start3A_466 : memref<40xi32, #tpu.memory_space<vmem>>) semaphore(%arg19 : memref<!tpu.dma_semaphore, #tpu.memory_space<semaphore_mem>>)
      %add3A_470 = arith.constant 5 : i32
      %add3A_471 = arith.addi %mul3A_152, %add3A_470 : i32
      %add3A_472 = arith.constant 4 : i32
      %add3A_473 = arith.addi %add3A_471, %add3A_472 : i32
      %mul3A_474 = arith.constant 40 : i32
      %mul3A_475 = arith.muli %add3A_473, %mul3A_474 : i32
      %dma_wait3A_476 = tpu.memref_slice %arg5[%mul3A_475] : memref<5000xi32, #tpu.memory_space<vmem>> -> memref<40xi32, #tpu.memory_space<vmem>>
      %dma_wait3A_477 = arith.constant 0 : i32
      %dma_wait3A_478 = arith.constant 0 : i32
      %dma_wait3A_479 = tpu.memref_slice %arg2[%dma_wait3A_477, %dma_wait3A_478] : memref<10000x128xf32, #tpu.memory_space<hbm>> -> memref<10000x128xf32, #tpu.memory_space<hbm>>
      tpu.wait_indirect_dma semaphore(%arg25 : memref<!tpu.dma_semaphore, #tpu.memory_space<semaphore_mem>>) src(%dma_wait3A_479 : memref<10000x128xf32, #tpu.memory_space<hbm>>) dst(%arg15 : memref<40x128xf32, #tpu.memory_space<vmem>>)
      %add3A_480 = arith.constant 5 : i32
      %add3A_481 = arith.addi %mul3A_152, %add3A_480 : i32
      %add3A_482 = arith.constant 4 : i32
      %add3A_483 = arith.addi %add3A_481, %add3A_482 : i32
      %mul3A_484 = arith.constant 40 : i32
      %mul3A_485 = arith.muli %add3A_483, %mul3A_484 : i32
      %add3A_486 = arith.addi %mul3A_2, %mul3A_485 : i32
      %dma_start3A_487 = arith.constant 0 : i32
      %dma_start3A_488 = tpu.memref_slice %arg4[%add3A_486, %dma_start3A_487] : memref<160000x128xf32, #tpu.memory_space<hbm>> -> memref<40x128xf32, #tpu.memory_space<hbm>>
      %dma_start3A_489 = arith.constant 0 : i32
      %dma_start3A_490 = tpu.memref_slice %arg4[%add3A_486, %dma_start3A_489] : memref<160000x128xf32, #tpu.memory_space<hbm>> -> memref<40x128xf32, #tpu.memory_space<hbm>>
      tpu.enqueue_dma source(%arg15 : memref<40x128xf32, #tpu.memory_space<vmem>>) target(%dma_start3A_490 : memref<40x128xf32, #tpu.memory_space<hbm>>) target_semaphore(%arg35 : memref<!tpu.dma_semaphore, #tpu.memory_space<semaphore_mem>>)
      %add3A_491 = arith.constant 4 : i32
      %add3A_492 = arith.addi %mul3A_152, %add3A_491 : i32
      %mul3A_493 = arith.constant 40 : i32
      %mul3A_494 = arith.muli %add3A_492, %mul3A_493 : i32
      %add3A_495 = arith.addi %mul3A_2, %mul3A_494 : i32
      %dma_wait3A_496 = arith.constant 0 : i32
      %dma_wait3A_497 = tpu.memref_slice %arg4[%add3A_495, %dma_wait3A_496] : memref<160000x128xf32, #tpu.memory_space<hbm>> -> memref<40x128xf32, #tpu.memory_space<hbm>>
      %dma_wait3A_498 = arith.constant 0 : i32
      %dma_wait3A_499 = tpu.memref_slice %arg4[%add3A_495, %dma_wait3A_498] : memref<160000x128xf32, #tpu.memory_space<hbm>> -> memref<40x128xf32, #tpu.memory_space<hbm>>
      tpu.wait_dma2 semaphore(%arg30 : memref<!tpu.dma_semaphore, #tpu.memory_space<semaphore_mem>>) src(%arg10 : memref<40x128xf32, #tpu.memory_space<vmem>>) dst(%dma_wait3A_499 : memref<40x128xf32, #tpu.memory_space<hbm>>)
      %add3A_500 = arith.constant 10 : i32
      %add3A_501 = arith.addi %mul3A_152, %add3A_500 : i32
      %add3A_502 = arith.constant 4 : i32
      %add3A_503 = arith.addi %add3A_501, %add3A_502 : i32
      %mul3A_504 = arith.constant 40 : i32
      %mul3A_505 = arith.muli %add3A_503, %mul3A_504 : i32
      %dma_start3A_506 = tpu.memref_slice %arg5[%mul3A_505] : memref<5000xi32, #tpu.memory_space<vmem>> -> memref<40xi32, #tpu.memory_space<vmem>>
      %dma_start3A_507 = arith.constant 0 : i32
      %dma_start3A_508 = arith.constant 0 : i32
      %dma_start3A_509 = tpu.memref_slice %arg2[%dma_start3A_507, %dma_start3A_508] : memref<10000x128xf32, #tpu.memory_space<hbm>> -> memref<10000x128xf32, #tpu.memory_space<hbm>>
      tpu.enqueue_indirect_dma source(%dma_start3A_509 : memref<10000x128xf32, #tpu.memory_space<hbm>>) target(%arg10 : memref<40x128xf32, #tpu.memory_space<vmem>>) offsets(%dma_start3A_506 : memref<40xi32, #tpu.memory_space<vmem>>) semaphore(%arg20 : memref<!tpu.dma_semaphore, #tpu.memory_space<semaphore_mem>>)
    }
    %scan3A_33 = arith.constant 12 : i32
    %dma_wait3A = arith.constant 4800 : i32
    %dma_wait3A_34 = tpu.memref_slice %arg5[%dma_wait3A] : memref<5000xi32, #tpu.memory_space<vmem>> -> memref<40xi32, #tpu.memory_space<vmem>>
    %dma_wait3A_35 = arith.constant 0 : i32
    %dma_wait3A_36 = arith.constant 0 : i32
    %dma_wait3A_37 = tpu.memref_slice %arg2[%dma_wait3A_35, %dma_wait3A_36] : memref<10000x128xf32, #tpu.memory_space<hbm>> -> memref<10000x128xf32, #tpu.memory_space<hbm>>
    tpu.wait_indirect_dma semaphore(%arg16 : memref<!tpu.dma_semaphore, #tpu.memory_space<semaphore_mem>>) src(%dma_wait3A_37 : memref<10000x128xf32, #tpu.memory_space<hbm>>) dst(%arg6 : memref<40x128xf32, #tpu.memory_space<vmem>>)
    %add3A_38 = arith.constant 4800 : i32
    %add3A_39 = arith.addi %mul3A_2, %add3A_38 : i32
    %dma_start3A_40 = arith.constant 0 : i32
    %dma_start3A_41 = tpu.memref_slice %arg4[%add3A_39, %dma_start3A_40] : memref<160000x128xf32, #tpu.memory_space<hbm>> -> memref<40x128xf32, #tpu.memory_space<hbm>>
    %dma_start3A_42 = arith.constant 0 : i32
    %dma_start3A_43 = tpu.memref_slice %arg4[%add3A_39, %dma_start3A_42] : memref<160000x128xf32, #tpu.memory_space<hbm>> -> memref<40x128xf32, #tpu.memory_space<hbm>>
    tpu.enqueue_dma source(%arg6 : memref<40x128xf32, #tpu.memory_space<vmem>>) target(%dma_start3A_43 : memref<40x128xf32, #tpu.memory_space<hbm>>) target_semaphore(%arg26 : memref<!tpu.dma_semaphore, #tpu.memory_space<semaphore_mem>>)
    %add3A_44 = arith.constant 4600 : i32
    %add3A_45 = arith.addi %mul3A_2, %add3A_44 : i32
    %dma_wait3A_46 = arith.constant 0 : i32
    %dma_wait3A_47 = tpu.memref_slice %arg4[%add3A_45, %dma_wait3A_46] : memref<160000x128xf32, #tpu.memory_space<hbm>> -> memref<40x128xf32, #tpu.memory_space<hbm>>
    %dma_wait3A_48 = arith.constant 0 : i32
    %dma_wait3A_49 = tpu.memref_slice %arg4[%add3A_45, %dma_wait3A_48] : memref<160000x128xf32, #tpu.memory_space<hbm>> -> memref<40x128xf32, #tpu.memory_space<hbm>>
    tpu.wait_dma2 semaphore(%arg31 : memref<!tpu.dma_semaphore, #tpu.memory_space<semaphore_mem>>) src(%arg11 : memref<40x128xf32, #tpu.memory_space<vmem>>) dst(%dma_wait3A_49 : memref<40x128xf32, #tpu.memory_space<hbm>>)
    %dma_wait3A_50 = arith.constant 4840 : i32
    %dma_wait3A_51 = tpu.memref_slice %arg5[%dma_wait3A_50] : memref<5000xi32, #tpu.memory_space<vmem>> -> memref<40xi32, #tpu.memory_space<vmem>>
    %dma_wait3A_52 = arith.constant 0 : i32
    %dma_wait3A_53 = arith.constant 0 : i32
    %dma_wait3A_54 = tpu.memref_slice %arg2[%dma_wait3A_52, %dma_wait3A_53] : memref<10000x128xf32, #tpu.memory_space<hbm>> -> memref<10000x128xf32, #tpu.memory_space<hbm>>
    tpu.wait_indirect_dma semaphore(%arg17 : memref<!tpu.dma_semaphore, #tpu.memory_space<semaphore_mem>>) src(%dma_wait3A_54 : memref<10000x128xf32, #tpu.memory_space<hbm>>) dst(%arg7 : memref<40x128xf32, #tpu.memory_space<vmem>>)
    %add3A_55 = arith.constant 4840 : i32
    %add3A_56 = arith.addi %mul3A_2, %add3A_55 : i32
    %dma_start3A_57 = arith.constant 0 : i32
    %dma_start3A_58 = tpu.memref_slice %arg4[%add3A_56, %dma_start3A_57] : memref<160000x128xf32, #tpu.memory_space<hbm>> -> memref<40x128xf32, #tpu.memory_space<hbm>>
    %dma_start3A_59 = arith.constant 0 : i32
    %dma_start3A_60 = tpu.memref_slice %arg4[%add3A_56, %dma_start3A_59] : memref<160000x128xf32, #tpu.memory_space<hbm>> -> memref<40x128xf32, #tpu.memory_space<hbm>>
    tpu.enqueue_dma source(%arg7 : memref<40x128xf32, #tpu.memory_space<vmem>>) target(%dma_start3A_60 : memref<40x128xf32, #tpu.memory_space<hbm>>) target_semaphore(%arg27 : memref<!tpu.dma_semaphore, #tpu.memory_space<semaphore_mem>>)
    %add3A_61 = arith.constant 4640 : i32
    %add3A_62 = arith.addi %mul3A_2, %add3A_61 : i32
    %dma_wait3A_63 = arith.constant 0 : i32
    %dma_wait3A_64 = tpu.memref_slice %arg4[%add3A_62, %dma_wait3A_63] : memref<160000x128xf32, #tpu.memory_space<hbm>> -> memref<40x128xf32, #tpu.memory_space<hbm>>
    %dma_wait3A_65 = arith.constant 0 : i32
    %dma_wait3A_66 = tpu.memref_slice %arg4[%add3A_62, %dma_wait3A_65] : memref<160000x128xf32, #tpu.memory_space<hbm>> -> memref<40x128xf32, #tpu.memory_space<hbm>>
    tpu.wait_dma2 semaphore(%arg32 : memref<!tpu.dma_semaphore, #tpu.memory_space<semaphore_mem>>) src(%arg12 : memref<40x128xf32, #tpu.memory_space<vmem>>) dst(%dma_wait3A_66 : memref<40x128xf32, #tpu.memory_space<hbm>>)
    %dma_wait3A_67 = arith.constant 4880 : i32
    %dma_wait3A_68 = tpu.memref_slice %arg5[%dma_wait3A_67] : memref<5000xi32, #tpu.memory_space<vmem>> -> memref<40xi32, #tpu.memory_space<vmem>>
    %dma_wait3A_69 = arith.constant 0 : i32
    %dma_wait3A_70 = arith.constant 0 : i32
    %dma_wait3A_71 = tpu.memref_slice %arg2[%dma_wait3A_69, %dma_wait3A_70] : memref<10000x128xf32, #tpu.memory_space<hbm>> -> memref<10000x128xf32, #tpu.memory_space<hbm>>
    tpu.wait_indirect_dma semaphore(%arg18 : memref<!tpu.dma_semaphore, #tpu.memory_space<semaphore_mem>>) src(%dma_wait3A_71 : memref<10000x128xf32, #tpu.memory_space<hbm>>) dst(%arg8 : memref<40x128xf32, #tpu.memory_space<vmem>>)
    %add3A_72 = arith.constant 4880 : i32
    %add3A_73 = arith.addi %mul3A_2, %add3A_72 : i32
    %dma_start3A_74 = arith.constant 0 : i32
    %dma_start3A_75 = tpu.memref_slice %arg4[%add3A_73, %dma_start3A_74] : memref<160000x128xf32, #tpu.memory_space<hbm>> -> memref<40x128xf32, #tpu.memory_space<hbm>>
    %dma_start3A_76 = arith.constant 0 : i32
    %dma_start3A_77 = tpu.memref_slice %arg4[%add3A_73, %dma_start3A_76] : memref<160000x128xf32, #tpu.memory_space<hbm>> -> memref<40x128xf32, #tpu.memory_space<hbm>>
    tpu.enqueue_dma source(%arg8 : memref<40x128xf32, #tpu.memory_space<vmem>>) target(%dma_start3A_77 : memref<40x128xf32, #tpu.memory_space<hbm>>) target_semaphore(%arg28 : memref<!tpu.dma_semaphore, #tpu.memory_space<semaphore_mem>>)
    %add3A_78 = arith.constant 4680 : i32
    %add3A_79 = arith.addi %mul3A_2, %add3A_78 : i32
    %dma_wait3A_80 = arith.constant 0 : i32
    %dma_wait3A_81 = tpu.memref_slice %arg4[%add3A_79, %dma_wait3A_80] : memref<160000x128xf32, #tpu.memory_space<hbm>> -> memref<40x128xf32, #tpu.memory_space<hbm>>
    %dma_wait3A_82 = arith.constant 0 : i32
    %dma_wait3A_83 = tpu.memref_slice %arg4[%add3A_79, %dma_wait3A_82] : memref<160000x128xf32, #tpu.memory_space<hbm>> -> memref<40x128xf32, #tpu.memory_space<hbm>>
    tpu.wait_dma2 semaphore(%arg33 : memref<!tpu.dma_semaphore, #tpu.memory_space<semaphore_mem>>) src(%arg13 : memref<40x128xf32, #tpu.memory_space<vmem>>) dst(%dma_wait3A_83 : memref<40x128xf32, #tpu.memory_space<hbm>>)
    %dma_wait3A_84 = arith.constant 4920 : i32
    %dma_wait3A_85 = tpu.memref_slice %arg5[%dma_wait3A_84] : memref<5000xi32, #tpu.memory_space<vmem>> -> memref<40xi32, #tpu.memory_space<vmem>>
    %dma_wait3A_86 = arith.constant 0 : i32
    %dma_wait3A_87 = arith.constant 0 : i32
    %dma_wait3A_88 = tpu.memref_slice %arg2[%dma_wait3A_86, %dma_wait3A_87] : memref<10000x128xf32, #tpu.memory_space<hbm>> -> memref<10000x128xf32, #tpu.memory_space<hbm>>
    tpu.wait_indirect_dma semaphore(%arg19 : memref<!tpu.dma_semaphore, #tpu.memory_space<semaphore_mem>>) src(%dma_wait3A_88 : memref<10000x128xf32, #tpu.memory_space<hbm>>) dst(%arg9 : memref<40x128xf32, #tpu.memory_space<vmem>>)
    %add3A_89 = arith.constant 4920 : i32
    %add3A_90 = arith.addi %mul3A_2, %add3A_89 : i32
    %dma_start3A_91 = arith.constant 0 : i32
    %dma_start3A_92 = tpu.memref_slice %arg4[%add3A_90, %dma_start3A_91] : memref<160000x128xf32, #tpu.memory_space<hbm>> -> memref<40x128xf32, #tpu.memory_space<hbm>>
    %dma_start3A_93 = arith.constant 0 : i32
    %dma_start3A_94 = tpu.memref_slice %arg4[%add3A_90, %dma_start3A_93] : memref<160000x128xf32, #tpu.memory_space<hbm>> -> memref<40x128xf32, #tpu.memory_space<hbm>>
    tpu.enqueue_dma source(%arg9 : memref<40x128xf32, #tpu.memory_space<vmem>>) target(%dma_start3A_94 : memref<40x128xf32, #tpu.memory_space<hbm>>) target_semaphore(%arg29 : memref<!tpu.dma_semaphore, #tpu.memory_space<semaphore_mem>>)
    %add3A_95 = arith.constant 4720 : i32
    %add3A_96 = arith.addi %mul3A_2, %add3A_95 : i32
    %dma_wait3A_97 = arith.constant 0 : i32
    %dma_wait3A_98 = tpu.memref_slice %arg4[%add3A_96, %dma_wait3A_97] : memref<160000x128xf32, #tpu.memory_space<hbm>> -> memref<40x128xf32, #tpu.memory_space<hbm>>
    %dma_wait3A_99 = arith.constant 0 : i32
    %dma_wait3A_100 = tpu.memref_slice %arg4[%add3A_96, %dma_wait3A_99] : memref<160000x128xf32, #tpu.memory_space<hbm>> -> memref<40x128xf32, #tpu.memory_space<hbm>>
    tpu.wait_dma2 semaphore(%arg34 : memref<!tpu.dma_semaphore, #tpu.memory_space<semaphore_mem>>) src(%arg14 : memref<40x128xf32, #tpu.memory_space<vmem>>) dst(%dma_wait3A_100 : memref<40x128xf32, #tpu.memory_space<hbm>>)
    %dma_wait3A_101 = arith.constant 4960 : i32
    %dma_wait3A_102 = tpu.memref_slice %arg5[%dma_wait3A_101] : memref<5000xi32, #tpu.memory_space<vmem>> -> memref<40xi32, #tpu.memory_space<vmem>>
    %dma_wait3A_103 = arith.constant 0 : i32
    %dma_wait3A_104 = arith.constant 0 : i32
    %dma_wait3A_105 = tpu.memref_slice %arg2[%dma_wait3A_103, %dma_wait3A_104] : memref<10000x128xf32, #tpu.memory_space<hbm>> -> memref<10000x128xf32, #tpu.memory_space<hbm>>
    tpu.wait_indirect_dma semaphore(%arg20 : memref<!tpu.dma_semaphore, #tpu.memory_space<semaphore_mem>>) src(%dma_wait3A_105 : memref<10000x128xf32, #tpu.memory_space<hbm>>) dst(%arg10 : memref<40x128xf32, #tpu.memory_space<vmem>>)
    %add3A_106 = arith.constant 4960 : i32
    %add3A_107 = arith.addi %mul3A_2, %add3A_106 : i32
    %dma_start3A_108 = arith.constant 0 : i32
    %dma_start3A_109 = tpu.memref_slice %arg4[%add3A_107, %dma_start3A_108] : memref<160000x128xf32, #tpu.memory_space<hbm>> -> memref<40x128xf32, #tpu.memory_space<hbm>>
    %dma_start3A_110 = arith.constant 0 : i32
    %dma_start3A_111 = tpu.memref_slice %arg4[%add3A_107, %dma_start3A_110] : memref<160000x128xf32, #tpu.memory_space<hbm>> -> memref<40x128xf32, #tpu.memory_space<hbm>>
    tpu.enqueue_dma source(%arg10 : memref<40x128xf32, #tpu.memory_space<vmem>>) target(%dma_start3A_111 : memref<40x128xf32, #tpu.memory_space<hbm>>) target_semaphore(%arg30 : memref<!tpu.dma_semaphore, #tpu.memory_space<semaphore_mem>>)
    %add3A_112 = arith.constant 4760 : i32
    %add3A_113 = arith.addi %mul3A_2, %add3A_112 : i32
    %dma_wait3A_114 = arith.constant 0 : i32
    %dma_wait3A_115 = tpu.memref_slice %arg4[%add3A_113, %dma_wait3A_114] : memref<160000x128xf32, #tpu.memory_space<hbm>> -> memref<40x128xf32, #tpu.memory_space<hbm>>
    %dma_wait3A_116 = arith.constant 0 : i32
    %dma_wait3A_117 = tpu.memref_slice %arg4[%add3A_113, %dma_wait3A_116] : memref<160000x128xf32, #tpu.memory_space<hbm>> -> memref<40x128xf32, #tpu.memory_space<hbm>>
    tpu.wait_dma2 semaphore(%arg35 : memref<!tpu.dma_semaphore, #tpu.memory_space<semaphore_mem>>) src(%arg15 : memref<40x128xf32, #tpu.memory_space<vmem>>) dst(%dma_wait3A_117 : memref<40x128xf32, #tpu.memory_space<hbm>>)
    %add3A_118 = arith.constant 4800 : i32
    %add3A_119 = arith.addi %mul3A_2, %add3A_118 : i32
    %dma_wait3A_120 = arith.constant 0 : i32
    %dma_wait3A_121 = tpu.memref_slice %arg4[%add3A_119, %dma_wait3A_120] : memref<160000x128xf32, #tpu.memory_space<hbm>> -> memref<40x128xf32, #tpu.memory_space<hbm>>
    %dma_wait3A_122 = arith.constant 0 : i32
    %dma_wait3A_123 = tpu.memref_slice %arg4[%add3A_119, %dma_wait3A_122] : memref<160000x128xf32, #tpu.memory_space<hbm>> -> memref<40x128xf32, #tpu.memory_space<hbm>>
    tpu.wait_dma2 semaphore(%arg26 : memref<!tpu.dma_semaphore, #tpu.memory_space<semaphore_mem>>) src(%arg6 : memref<40x128xf32, #tpu.memory_space<vmem>>) dst(%dma_wait3A_123 : memref<40x128xf32, #tpu.memory_space<hbm>>)
    %add3A_124 = arith.constant 4840 : i32
    %add3A_125 = arith.addi %mul3A_2, %add3A_124 : i32
    %dma_wait3A_126 = arith.constant 0 : i32
    %dma_wait3A_127 = tpu.memref_slice %arg4[%add3A_125, %dma_wait3A_126] : memref<160000x128xf32, #tpu.memory_space<hbm>> -> memref<40x128xf32, #tpu.memory_space<hbm>>
    %dma_wait3A_128 = arith.constant 0 : i32
    %dma_wait3A_129 = tpu.memref_slice %arg4[%add3A_125, %dma_wait3A_128] : memref<160000x128xf32, #tpu.memory_space<hbm>> -> memref<40x128xf32, #tpu.memory_space<hbm>>
    tpu.wait_dma2 semaphore(%arg27 : memref<!tpu.dma_semaphore, #tpu.memory_space<semaphore_mem>>) src(%arg7 : memref<40x128xf32, #tpu.memory_space<vmem>>) dst(%dma_wait3A_129 : memref<40x128xf32, #tpu.memory_space<hbm>>)
    %add3A_130 = arith.constant 4880 : i32
    %add3A_131 = arith.addi %mul3A_2, %add3A_130 : i32
    %dma_wait3A_132 = arith.constant 0 : i32
    %dma_wait3A_133 = tpu.memref_slice %arg4[%add3A_131, %dma_wait3A_132] : memref<160000x128xf32, #tpu.memory_space<hbm>> -> memref<40x128xf32, #tpu.memory_space<hbm>>
    %dma_wait3A_134 = arith.constant 0 : i32
    %dma_wait3A_135 = tpu.memref_slice %arg4[%add3A_131, %dma_wait3A_134] : memref<160000x128xf32, #tpu.memory_space<hbm>> -> memref<40x128xf32, #tpu.memory_space<hbm>>
    tpu.wait_dma2 semaphore(%arg28 : memref<!tpu.dma_semaphore, #tpu.memory_space<semaphore_mem>>) src(%arg8 : memref<40x128xf32, #tpu.memory_space<vmem>>) dst(%dma_wait3A_135 : memref<40x128xf32, #tpu.memory_space<hbm>>)
    %add3A_136 = arith.constant 4920 : i32
    %add3A_137 = arith.addi %mul3A_2, %add3A_136 : i32
    %dma_wait3A_138 = arith.constant 0 : i32
    %dma_wait3A_139 = tpu.memref_slice %arg4[%add3A_137, %dma_wait3A_138] : memref<160000x128xf32, #tpu.memory_space<hbm>> -> memref<40x128xf32, #tpu.memory_space<hbm>>
    %dma_wait3A_140 = arith.constant 0 : i32
    %dma_wait3A_141 = tpu.memref_slice %arg4[%add3A_137, %dma_wait3A_140] : memref<160000x128xf32, #tpu.memory_space<hbm>> -> memref<40x128xf32, #tpu.memory_space<hbm>>
    tpu.wait_dma2 semaphore(%arg29 : memref<!tpu.dma_semaphore, #tpu.memory_space<semaphore_mem>>) src(%arg9 : memref<40x128xf32, #tpu.memory_space<vmem>>) dst(%dma_wait3A_141 : memref<40x128xf32, #tpu.memory_space<hbm>>)
    %add3A_142 = arith.constant 4960 : i32
    %add3A_143 = arith.addi %mul3A_2, %add3A_142 : i32
    %dma_wait3A_144 = arith.constant 0 : i32
    %dma_wait3A_145 = tpu.memref_slice %arg4[%add3A_143, %dma_wait3A_144] : memref<160000x128xf32, #tpu.memory_space<hbm>> -> memref<40x128xf32, #tpu.memory_space<hbm>>
    %dma_wait3A_146 = arith.constant 0 : i32
    %dma_wait3A_147 = tpu.memref_slice %arg4[%add3A_143, %dma_wait3A_146] : memref<160000x128xf32, #tpu.memory_space<hbm>> -> memref<40x128xf32, #tpu.memory_space<hbm>>
    tpu.wait_dma2 semaphore(%arg30 : memref<!tpu.dma_semaphore, #tpu.memory_space<semaphore_mem>>) src(%arg10 : memref<40x128xf32, #tpu.memory_space<vmem>>) dst(%dma_wait3A_147 : memref<40x128xf32, #tpu.memory_space<hbm>>)
    return
  }
}

#map = affine_map<(d0, d1) -> (0, 0)>
#map1 = affine_map<(d0, d1) -> (0)>
module attributes {stable_mosaic.version = 14 : i64} {
  func.func @gather_k(%arg0: i32, %arg1: i32, %arg2: memref<10000x128xf32, #tpu.memory_space<hbm>>, %arg3: memref<320000xi32, #tpu.memory_space<hbm>>, %arg4: memref<96000x128xf32, #tpu.memory_space<hbm>>, %arg5: memref<3000xi32, #tpu.memory_space<vmem>>, %arg6: memref<40x128xf32, #tpu.memory_space<vmem>>, %arg7: memref<40x128xf32, #tpu.memory_space<vmem>>, %arg8: memref<40x128xf32, #tpu.memory_space<vmem>>, %arg9: memref<40x128xf32, #tpu.memory_space<vmem>>, %arg10: memref<40x128xf32, #tpu.memory_space<vmem>>, %arg11: memref<40x128xf32, #tpu.memory_space<vmem>>, %arg12: memref<40x128xf32, #tpu.memory_space<vmem>>, %arg13: memref<40x128xf32, #tpu.memory_space<vmem>>, %arg14: memref<40x128xf32, #tpu.memory_space<vmem>>, %arg15: memref<40x128xf32, #tpu.memory_space<vmem>>, %arg16: memref<!tpu.dma_semaphore, #tpu.memory_space<semaphore_mem>>, %arg17: memref<!tpu.dma_semaphore, #tpu.memory_space<semaphore_mem>>, %arg18: memref<!tpu.dma_semaphore, #tpu.memory_space<semaphore_mem>>, %arg19: memref<!tpu.dma_semaphore, #tpu.memory_space<semaphore_mem>>, %arg20: memref<!tpu.dma_semaphore, #tpu.memory_space<semaphore_mem>>, %arg21: memref<!tpu.dma_semaphore, #tpu.memory_space<semaphore_mem>>, %arg22: memref<!tpu.dma_semaphore, #tpu.memory_space<semaphore_mem>>, %arg23: memref<!tpu.dma_semaphore, #tpu.memory_space<semaphore_mem>>, %arg24: memref<!tpu.dma_semaphore, #tpu.memory_space<semaphore_mem>>, %arg25: memref<!tpu.dma_semaphore, #tpu.memory_space<semaphore_mem>>, %arg26: memref<!tpu.dma_semaphore, #tpu.memory_space<semaphore_mem>>, %arg27: memref<!tpu.dma_semaphore, #tpu.memory_space<semaphore_mem>>, %arg28: memref<!tpu.dma_semaphore, #tpu.memory_space<semaphore_mem>>, %arg29: memref<!tpu.dma_semaphore, #tpu.memory_space<semaphore_mem>>, %arg30: memref<!tpu.dma_semaphore, #tpu.memory_space<semaphore_mem>>, %arg31: memref<!tpu.dma_semaphore, #tpu.memory_space<semaphore_mem>>, %arg32: memref<!tpu.dma_semaphore, #tpu.memory_space<semaphore_mem>>, %arg33: memref<!tpu.dma_semaphore, #tpu.memory_space<semaphore_mem>>, %arg34: memref<!tpu.dma_semaphore, #tpu.memory_space<semaphore_mem>>, %arg35: memref<!tpu.dma_semaphore, #tpu.memory_space<semaphore_mem>>) attributes {dimension_semantics = [#tpu.dimension_semantics<core_parallel>, #tpu.dimension_semantics<subcore_parallel>], iteration_bounds = array<i64: 2, 16>, scalar_prefetch = 0 : i64, scratch_operands = 31 : i64, tpu.core_type = #tpu.core_type<sc_vector_subcore>, window_params = [{transform_indices = #map}, {transform_indices = #map1}, {transform_indices = #map}]} {
    %mul3A = arith.constant 2 : i32
    %mul3A_0 = arith.muli %arg1, %mul3A : i32
    %add3A = arith.addi %mul3A_0, %arg0 : i32
    %mul3A_1 = arith.constant 3000 : i32
    %mul3A_2 = arith.muli %add3A, %mul3A_1 : i32
    %add3A_3 = arith.constant 64000 : i32
    %add3A_4 = arith.addi %add3A_3, %mul3A_2 : i32
    "tpu.region"() ({
      %run_scoped3A = tpu.sem_alloc : memref<!tpu.dma_semaphore, #tpu.memory_space<semaphore_mem>>
      %dma_start3A_148 = tpu.memref_slice %arg3[%add3A_4] : memref<320000xi32, #tpu.memory_space<hbm>> -> memref<3000xi32, #tpu.memory_space<hbm>>
      %dma_start3A_149 = tpu.memref_slice %arg3[%add3A_4] : memref<320000xi32, #tpu.memory_space<hbm>> -> memref<3000xi32, #tpu.memory_space<hbm>>
      tpu.enqueue_dma source(%dma_start3A_149 : memref<3000xi32, #tpu.memory_space<hbm>>) target(%arg5 : memref<3000xi32, #tpu.memory_space<vmem>>) target_semaphore(%run_scoped3A : memref<!tpu.dma_semaphore, #tpu.memory_space<semaphore_mem>>)
      %dma_wait3A_150 = tpu.memref_slice %arg3[%add3A_4] : memref<320000xi32, #tpu.memory_space<hbm>> -> memref<3000xi32, #tpu.memory_space<hbm>>
      %dma_wait3A_151 = tpu.memref_slice %arg3[%add3A_4] : memref<320000xi32, #tpu.memory_space<hbm>> -> memref<3000xi32, #tpu.memory_space<hbm>>
      tpu.wait_dma2 semaphore(%run_scoped3A : memref<!tpu.dma_semaphore, #tpu.memory_space<semaphore_mem>>) src(%dma_wait3A_151 : memref<3000xi32, #tpu.memory_space<hbm>>) dst(%arg5 : memref<3000xi32, #tpu.memory_space<vmem>>)
      tpu.yield
    }) : () -> ()
    %dma_start3A = arith.constant 0 : i32
    %dma_start3A_5 = tpu.memref_slice %arg5[%dma_start3A] : memref<3000xi32, #tpu.memory_space<vmem>> -> memref<40xi32, #tpu.memory_space<vmem>>
    %dma_start3A_6 = arith.constant 0 : i32
    %dma_start3A_7 = arith.constant 0 : i32
    %dma_start3A_8 = tpu.memref_slice %arg2[%dma_start3A_6, %dma_start3A_7] : memref<10000x128xf32, #tpu.memory_space<hbm>> -> memref<10000x128xf32, #tpu.memory_space<hbm>>
    tpu.enqueue_indirect_dma source(%dma_start3A_8 : memref<10000x128xf32, #tpu.memory_space<hbm>>) target(%arg6 : memref<40x128xf32, #tpu.memory_space<vmem>>) offsets(%dma_start3A_5 : memref<40xi32, #tpu.memory_space<vmem>>) semaphore(%arg16 : memref<!tpu.dma_semaphore, #tpu.memory_space<semaphore_mem>>)
    %dma_start3A_9 = arith.constant 40 : i32
    %dma_start3A_10 = tpu.memref_slice %arg5[%dma_start3A_9] : memref<3000xi32, #tpu.memory_space<vmem>> -> memref<40xi32, #tpu.memory_space<vmem>>
    %dma_start3A_11 = arith.constant 0 : i32
    %dma_start3A_12 = arith.constant 0 : i32
    %dma_start3A_13 = tpu.memref_slice %arg2[%dma_start3A_11, %dma_start3A_12] : memref<10000x128xf32, #tpu.memory_space<hbm>> -> memref<10000x128xf32, #tpu.memory_space<hbm>>
    tpu.enqueue_indirect_dma source(%dma_start3A_13 : memref<10000x128xf32, #tpu.memory_space<hbm>>) target(%arg7 : memref<40x128xf32, #tpu.memory_space<vmem>>) offsets(%dma_start3A_10 : memref<40xi32, #tpu.memory_space<vmem>>) semaphore(%arg17 : memref<!tpu.dma_semaphore, #tpu.memory_space<semaphore_mem>>)
    %dma_start3A_14 = arith.constant 80 : i32
    %dma_start3A_15 = tpu.memref_slice %arg5[%dma_start3A_14] : memref<3000xi32, #tpu.memory_space<vmem>> -> memref<40xi32, #tpu.memory_space<vmem>>
    %dma_start3A_16 = arith.constant 0 : i32
    %dma_start3A_17 = arith.constant 0 : i32
    %dma_start3A_18 = tpu.memref_slice %arg2[%dma_start3A_16, %dma_start3A_17] : memref<10000x128xf32, #tpu.memory_space<hbm>> -> memref<10000x128xf32, #tpu.memory_space<hbm>>
    tpu.enqueue_indirect_dma source(%dma_start3A_18 : memref<10000x128xf32, #tpu.memory_space<hbm>>) target(%arg8 : memref<40x128xf32, #tpu.memory_space<vmem>>) offsets(%dma_start3A_15 : memref<40xi32, #tpu.memory_space<vmem>>) semaphore(%arg18 : memref<!tpu.dma_semaphore, #tpu.memory_space<semaphore_mem>>)
    %dma_start3A_19 = arith.constant 120 : i32
    %dma_start3A_20 = tpu.memref_slice %arg5[%dma_start3A_19] : memref<3000xi32, #tpu.memory_space<vmem>> -> memref<40xi32, #tpu.memory_space<vmem>>
    %dma_start3A_21 = arith.constant 0 : i32
    %dma_start3A_22 = arith.constant 0 : i32
    %dma_start3A_23 = tpu.memref_slice %arg2[%dma_start3A_21, %dma_start3A_22] : memref<10000x128xf32, #tpu.memory_space<hbm>> -> memref<10000x128xf32, #tpu.memory_space<hbm>>
    tpu.enqueue_indirect_dma source(%dma_start3A_23 : memref<10000x128xf32, #tpu.memory_space<hbm>>) target(%arg9 : memref<40x128xf32, #tpu.memory_space<vmem>>) offsets(%dma_start3A_20 : memref<40xi32, #tpu.memory_space<vmem>>) semaphore(%arg19 : memref<!tpu.dma_semaphore, #tpu.memory_space<semaphore_mem>>)
    %dma_start3A_24 = arith.constant 160 : i32
    %dma_start3A_25 = tpu.memref_slice %arg5[%dma_start3A_24] : memref<3000xi32, #tpu.memory_space<vmem>> -> memref<40xi32, #tpu.memory_space<vmem>>
    %dma_start3A_26 = arith.constant 0 : i32
    %dma_start3A_27 = arith.constant 0 : i32
    %dma_start3A_28 = tpu.memref_slice %arg2[%dma_start3A_26, %dma_start3A_27] : memref<10000x128xf32, #tpu.memory_space<hbm>> -> memref<10000x128xf32, #tpu.memory_space<hbm>>
    tpu.enqueue_indirect_dma source(%dma_start3A_28 : memref<10000x128xf32, #tpu.memory_space<hbm>>) target(%arg10 : memref<40x128xf32, #tpu.memory_space<vmem>>) offsets(%dma_start3A_25 : memref<40xi32, #tpu.memory_space<vmem>>) semaphore(%arg20 : memref<!tpu.dma_semaphore, #tpu.memory_space<semaphore_mem>>)
    %scan3A = arith.constant 0 : i32
    %scan3A_29 = arith.constant 0 : i32
    %scan3A_30 = arith.constant 7 : i32
    %scan3A_31 = arith.addi %scan3A_29, %scan3A_30 : i32
    %scan3A_32 = arith.constant 1 : i32
    scf.for %scan3A_148 = %scan3A_29 to %scan3A_31 step %scan3A_32  : i32 {
      %mul3A_149 = arith.constant 2 : i32
      %mul3A_150 = arith.muli %scan3A_148, %mul3A_149 : i32
      %mul3A_151 = arith.constant 5 : i32
      %mul3A_152 = arith.muli %mul3A_150, %mul3A_151 : i32
      %add3A_153 = arith.constant 0 : i32
      %add3A_154 = arith.addi %mul3A_152, %add3A_153 : i32
      %mul3A_155 = arith.constant 40 : i32
      %mul3A_156 = arith.muli %add3A_154, %mul3A_155 : i32
      %dma_wait3A_157 = tpu.memref_slice %arg5[%mul3A_156] : memref<3000xi32, #tpu.memory_space<vmem>> -> memref<40xi32, #tpu.memory_space<vmem>>
      %dma_wait3A_158 = arith.constant 0 : i32
      %dma_wait3A_159 = arith.constant 0 : i32
      %dma_wait3A_160 = tpu.memref_slice %arg2[%dma_wait3A_158, %dma_wait3A_159] : memref<10000x128xf32, #tpu.memory_space<hbm>> -> memref<10000x128xf32, #tpu.memory_space<hbm>>
      tpu.wait_indirect_dma semaphore(%arg16 : memref<!tpu.dma_semaphore, #tpu.memory_space<semaphore_mem>>) src(%dma_wait3A_160 : memref<10000x128xf32, #tpu.memory_space<hbm>>) dst(%arg6 : memref<40x128xf32, #tpu.memory_space<vmem>>)
      %add3A_161 = arith.constant 0 : i32
      %add3A_162 = arith.addi %mul3A_152, %add3A_161 : i32
      %mul3A_163 = arith.constant 40 : i32
      %mul3A_164 = arith.muli %add3A_162, %mul3A_163 : i32
      %add3A_165 = arith.addi %mul3A_2, %mul3A_164 : i32
      %dma_start3A_166 = arith.constant 0 : i32
      %dma_start3A_167 = tpu.memref_slice %arg4[%add3A_165, %dma_start3A_166] : memref<96000x128xf32, #tpu.memory_space<hbm>> -> memref<40x128xf32, #tpu.memory_space<hbm>>
      %dma_start3A_168 = arith.constant 0 : i32
      %dma_start3A_169 = tpu.memref_slice %arg4[%add3A_165, %dma_start3A_168] : memref<96000x128xf32, #tpu.memory_space<hbm>> -> memref<40x128xf32, #tpu.memory_space<hbm>>
      tpu.enqueue_dma source(%arg6 : memref<40x128xf32, #tpu.memory_space<vmem>>) target(%dma_start3A_169 : memref<40x128xf32, #tpu.memory_space<hbm>>) target_semaphore(%arg26 : memref<!tpu.dma_semaphore, #tpu.memory_space<semaphore_mem>>)
      %gt3A = arith.constant 0 : i32
      %gt3A_170 = arith.cmpi sgt, %scan3A_148, %gt3A : i32
      %convert_element_type3A = arith.extui %gt3A_170 : i1 to i32
      %cond3A = arith.constant 0 : i32
      %cond3A_171 = arith.cmpi ne, %convert_element_type3A, %cond3A : i32
      scf.if %cond3A_171 {
        %sub3A = arith.constant 5 : i32
        %sub3A_510 = arith.subi %mul3A_152, %sub3A : i32
        %add3A_511 = arith.constant 0 : i32
        %add3A_512 = arith.addi %sub3A_510, %add3A_511 : i32
        %mul3A_513 = arith.constant 40 : i32
        %mul3A_514 = arith.muli %add3A_512, %mul3A_513 : i32
        %add3A_515 = arith.addi %mul3A_2, %mul3A_514 : i32
        %dma_wait3A_516 = arith.constant 0 : i32
        %dma_wait3A_517 = tpu.memref_slice %arg4[%add3A_515, %dma_wait3A_516] : memref<96000x128xf32, #tpu.memory_space<hbm>> -> memref<40x128xf32, #tpu.memory_space<hbm>>
        %dma_wait3A_518 = arith.constant 0 : i32
        %dma_wait3A_519 = tpu.memref_slice %arg4[%add3A_515, %dma_wait3A_518] : memref<96000x128xf32, #tpu.memory_space<hbm>> -> memref<40x128xf32, #tpu.memory_space<hbm>>
        tpu.wait_dma2 semaphore(%arg31 : memref<!tpu.dma_semaphore, #tpu.memory_space<semaphore_mem>>) src(%arg11 : memref<40x128xf32, #tpu.memory_space<vmem>>) dst(%dma_wait3A_519 : memref<40x128xf32, #tpu.memory_space<hbm>>)
      } else {
      }
      %add3A_172 = arith.constant 5 : i32
      %add3A_173 = arith.addi %mul3A_152, %add3A_172 : i32
      %add3A_174 = arith.constant 0 : i32
      %add3A_175 = arith.addi %add3A_173, %add3A_174 : i32
      %mul3A_176 = arith.constant 40 : i32
      %mul3A_177 = arith.muli %add3A_175, %mul3A_176 : i32
      %dma_start3A_178 = tpu.memref_slice %arg5[%mul3A_177] : memref<3000xi32, #tpu.memory_space<vmem>> -> memref<40xi32, #tpu.memory_space<vmem>>
      %dma_start3A_179 = arith.constant 0 : i32
      %dma_start3A_180 = arith.constant 0 : i32
      %dma_start3A_181 = tpu.memref_slice %arg2[%dma_start3A_179, %dma_start3A_180] : memref<10000x128xf32, #tpu.memory_space<hbm>> -> memref<10000x128xf32, #tpu.memory_space<hbm>>
      tpu.enqueue_indirect_dma source(%dma_start3A_181 : memref<10000x128xf32, #tpu.memory_space<hbm>>) target(%arg11 : memref<40x128xf32, #tpu.memory_space<vmem>>) offsets(%dma_start3A_178 : memref<40xi32, #tpu.memory_space<vmem>>) semaphore(%arg21 : memref<!tpu.dma_semaphore, #tpu.memory_space<semaphore_mem>>)
      %add3A_182 = arith.constant 1 : i32
      %add3A_183 = arith.addi %mul3A_152, %add3A_182 : i32
      %mul3A_184 = arith.constant 40 : i32
      %mul3A_185 = arith.muli %add3A_183, %mul3A_184 : i32
      %dma_wait3A_186 = tpu.memref_slice %arg5[%mul3A_185] : memref<3000xi32, #tpu.memory_space<vmem>> -> memref<40xi32, #tpu.memory_space<vmem>>
      %dma_wait3A_187 = arith.constant 0 : i32
      %dma_wait3A_188 = arith.constant 0 : i32
      %dma_wait3A_189 = tpu.memref_slice %arg2[%dma_wait3A_187, %dma_wait3A_188] : memref<10000x128xf32, #tpu.memory_space<hbm>> -> memref<10000x128xf32, #tpu.memory_space<hbm>>
      tpu.wait_indirect_dma semaphore(%arg17 : memref<!tpu.dma_semaphore, #tpu.memory_space<semaphore_mem>>) src(%dma_wait3A_189 : memref<10000x128xf32, #tpu.memory_space<hbm>>) dst(%arg7 : memref<40x128xf32, #tpu.memory_space<vmem>>)
      %add3A_190 = arith.constant 1 : i32
      %add3A_191 = arith.addi %mul3A_152, %add3A_190 : i32
      %mul3A_192 = arith.constant 40 : i32
      %mul3A_193 = arith.muli %add3A_191, %mul3A_192 : i32
      %add3A_194 = arith.addi %mul3A_2, %mul3A_193 : i32
      %dma_start3A_195 = arith.constant 0 : i32
      %dma_start3A_196 = tpu.memref_slice %arg4[%add3A_194, %dma_start3A_195] : memref<96000x128xf32, #tpu.memory_space<hbm>> -> memref<40x128xf32, #tpu.memory_space<hbm>>
      %dma_start3A_197 = arith.constant 0 : i32
      %dma_start3A_198 = tpu.memref_slice %arg4[%add3A_194, %dma_start3A_197] : memref<96000x128xf32, #tpu.memory_space<hbm>> -> memref<40x128xf32, #tpu.memory_space<hbm>>
      tpu.enqueue_dma source(%arg7 : memref<40x128xf32, #tpu.memory_space<vmem>>) target(%dma_start3A_198 : memref<40x128xf32, #tpu.memory_space<hbm>>) target_semaphore(%arg27 : memref<!tpu.dma_semaphore, #tpu.memory_space<semaphore_mem>>)
      %gt3A_199 = arith.constant 0 : i32
      %gt3A_200 = arith.cmpi sgt, %scan3A_148, %gt3A_199 : i32
      %convert_element_type3A_201 = arith.extui %gt3A_200 : i1 to i32
      %cond3A_202 = arith.constant 0 : i32
      %cond3A_203 = arith.cmpi ne, %convert_element_type3A_201, %cond3A_202 : i32
      scf.if %cond3A_203 {
        %sub3A = arith.constant 5 : i32
        %sub3A_510 = arith.subi %mul3A_152, %sub3A : i32
        %add3A_511 = arith.constant 1 : i32
        %add3A_512 = arith.addi %sub3A_510, %add3A_511 : i32
        %mul3A_513 = arith.constant 40 : i32
        %mul3A_514 = arith.muli %add3A_512, %mul3A_513 : i32
        %add3A_515 = arith.addi %mul3A_2, %mul3A_514 : i32
        %dma_wait3A_516 = arith.constant 0 : i32
        %dma_wait3A_517 = tpu.memref_slice %arg4[%add3A_515, %dma_wait3A_516] : memref<96000x128xf32, #tpu.memory_space<hbm>> -> memref<40x128xf32, #tpu.memory_space<hbm>>
        %dma_wait3A_518 = arith.constant 0 : i32
        %dma_wait3A_519 = tpu.memref_slice %arg4[%add3A_515, %dma_wait3A_518] : memref<96000x128xf32, #tpu.memory_space<hbm>> -> memref<40x128xf32, #tpu.memory_space<hbm>>
        tpu.wait_dma2 semaphore(%arg32 : memref<!tpu.dma_semaphore, #tpu.memory_space<semaphore_mem>>) src(%arg12 : memref<40x128xf32, #tpu.memory_space<vmem>>) dst(%dma_wait3A_519 : memref<40x128xf32, #tpu.memory_space<hbm>>)
      } else {
      }
      %add3A_204 = arith.constant 5 : i32
      %add3A_205 = arith.addi %mul3A_152, %add3A_204 : i32
      %add3A_206 = arith.constant 1 : i32
      %add3A_207 = arith.addi %add3A_205, %add3A_206 : i32
      %mul3A_208 = arith.constant 40 : i32
      %mul3A_209 = arith.muli %add3A_207, %mul3A_208 : i32
      %dma_start3A_210 = tpu.memref_slice %arg5[%mul3A_209] : memref<3000xi32, #tpu.memory_space<vmem>> -> memref<40xi32, #tpu.memory_space<vmem>>
      %dma_start3A_211 = arith.constant 0 : i32
      %dma_start3A_212 = arith.constant 0 : i32
      %dma_start3A_213 = tpu.memref_slice %arg2[%dma_start3A_211, %dma_start3A_212] : memref<10000x128xf32, #tpu.memory_space<hbm>> -> memref<10000x128xf32, #tpu.memory_space<hbm>>
      tpu.enqueue_indirect_dma source(%dma_start3A_213 : memref<10000x128xf32, #tpu.memory_space<hbm>>) target(%arg12 : memref<40x128xf32, #tpu.memory_space<vmem>>) offsets(%dma_start3A_210 : memref<40xi32, #tpu.memory_space<vmem>>) semaphore(%arg22 : memref<!tpu.dma_semaphore, #tpu.memory_space<semaphore_mem>>)
      %add3A_214 = arith.constant 2 : i32
      %add3A_215 = arith.addi %mul3A_152, %add3A_214 : i32
      %mul3A_216 = arith.constant 40 : i32
      %mul3A_217 = arith.muli %add3A_215, %mul3A_216 : i32
      %dma_wait3A_218 = tpu.memref_slice %arg5[%mul3A_217] : memref<3000xi32, #tpu.memory_space<vmem>> -> memref<40xi32, #tpu.memory_space<vmem>>
      %dma_wait3A_219 = arith.constant 0 : i32
      %dma_wait3A_220 = arith.constant 0 : i32
      %dma_wait3A_221 = tpu.memref_slice %arg2[%dma_wait3A_219, %dma_wait3A_220] : memref<10000x128xf32, #tpu.memory_space<hbm>> -> memref<10000x128xf32, #tpu.memory_space<hbm>>
      tpu.wait_indirect_dma semaphore(%arg18 : memref<!tpu.dma_semaphore, #tpu.memory_space<semaphore_mem>>) src(%dma_wait3A_221 : memref<10000x128xf32, #tpu.memory_space<hbm>>) dst(%arg8 : memref<40x128xf32, #tpu.memory_space<vmem>>)
      %add3A_222 = arith.constant 2 : i32
      %add3A_223 = arith.addi %mul3A_152, %add3A_222 : i32
      %mul3A_224 = arith.constant 40 : i32
      %mul3A_225 = arith.muli %add3A_223, %mul3A_224 : i32
      %add3A_226 = arith.addi %mul3A_2, %mul3A_225 : i32
      %dma_start3A_227 = arith.constant 0 : i32
      %dma_start3A_228 = tpu.memref_slice %arg4[%add3A_226, %dma_start3A_227] : memref<96000x128xf32, #tpu.memory_space<hbm>> -> memref<40x128xf32, #tpu.memory_space<hbm>>
      %dma_start3A_229 = arith.constant 0 : i32
      %dma_start3A_230 = tpu.memref_slice %arg4[%add3A_226, %dma_start3A_229] : memref<96000x128xf32, #tpu.memory_space<hbm>> -> memref<40x128xf32, #tpu.memory_space<hbm>>
      tpu.enqueue_dma source(%arg8 : memref<40x128xf32, #tpu.memory_space<vmem>>) target(%dma_start3A_230 : memref<40x128xf32, #tpu.memory_space<hbm>>) target_semaphore(%arg28 : memref<!tpu.dma_semaphore, #tpu.memory_space<semaphore_mem>>)
      %gt3A_231 = arith.constant 0 : i32
      %gt3A_232 = arith.cmpi sgt, %scan3A_148, %gt3A_231 : i32
      %convert_element_type3A_233 = arith.extui %gt3A_232 : i1 to i32
      %cond3A_234 = arith.constant 0 : i32
      %cond3A_235 = arith.cmpi ne, %convert_element_type3A_233, %cond3A_234 : i32
      scf.if %cond3A_235 {
        %sub3A = arith.constant 5 : i32
        %sub3A_510 = arith.subi %mul3A_152, %sub3A : i32
        %add3A_511 = arith.constant 2 : i32
        %add3A_512 = arith.addi %sub3A_510, %add3A_511 : i32
        %mul3A_513 = arith.constant 40 : i32
        %mul3A_514 = arith.muli %add3A_512, %mul3A_513 : i32
        %add3A_515 = arith.addi %mul3A_2, %mul3A_514 : i32
        %dma_wait3A_516 = arith.constant 0 : i32
        %dma_wait3A_517 = tpu.memref_slice %arg4[%add3A_515, %dma_wait3A_516] : memref<96000x128xf32, #tpu.memory_space<hbm>> -> memref<40x128xf32, #tpu.memory_space<hbm>>
        %dma_wait3A_518 = arith.constant 0 : i32
        %dma_wait3A_519 = tpu.memref_slice %arg4[%add3A_515, %dma_wait3A_518] : memref<96000x128xf32, #tpu.memory_space<hbm>> -> memref<40x128xf32, #tpu.memory_space<hbm>>
        tpu.wait_dma2 semaphore(%arg33 : memref<!tpu.dma_semaphore, #tpu.memory_space<semaphore_mem>>) src(%arg13 : memref<40x128xf32, #tpu.memory_space<vmem>>) dst(%dma_wait3A_519 : memref<40x128xf32, #tpu.memory_space<hbm>>)
      } else {
      }
      %add3A_236 = arith.constant 5 : i32
      %add3A_237 = arith.addi %mul3A_152, %add3A_236 : i32
      %add3A_238 = arith.constant 2 : i32
      %add3A_239 = arith.addi %add3A_237, %add3A_238 : i32
      %mul3A_240 = arith.constant 40 : i32
      %mul3A_241 = arith.muli %add3A_239, %mul3A_240 : i32
      %dma_start3A_242 = tpu.memref_slice %arg5[%mul3A_241] : memref<3000xi32, #tpu.memory_space<vmem>> -> memref<40xi32, #tpu.memory_space<vmem>>
      %dma_start3A_243 = arith.constant 0 : i32
      %dma_start3A_244 = arith.constant 0 : i32
      %dma_start3A_245 = tpu.memref_slice %arg2[%dma_start3A_243, %dma_start3A_244] : memref<10000x128xf32, #tpu.memory_space<hbm>> -> memref<10000x128xf32, #tpu.memory_space<hbm>>
      tpu.enqueue_indirect_dma source(%dma_start3A_245 : memref<10000x128xf32, #tpu.memory_space<hbm>>) target(%arg13 : memref<40x128xf32, #tpu.memory_space<vmem>>) offsets(%dma_start3A_242 : memref<40xi32, #tpu.memory_space<vmem>>) semaphore(%arg23 : memref<!tpu.dma_semaphore, #tpu.memory_space<semaphore_mem>>)
      %add3A_246 = arith.constant 3 : i32
      %add3A_247 = arith.addi %mul3A_152, %add3A_246 : i32
      %mul3A_248 = arith.constant 40 : i32
      %mul3A_249 = arith.muli %add3A_247, %mul3A_248 : i32
      %dma_wait3A_250 = tpu.memref_slice %arg5[%mul3A_249] : memref<3000xi32, #tpu.memory_space<vmem>> -> memref<40xi32, #tpu.memory_space<vmem>>
      %dma_wait3A_251 = arith.constant 0 : i32
      %dma_wait3A_252 = arith.constant 0 : i32
      %dma_wait3A_253 = tpu.memref_slice %arg2[%dma_wait3A_251, %dma_wait3A_252] : memref<10000x128xf32, #tpu.memory_space<hbm>> -> memref<10000x128xf32, #tpu.memory_space<hbm>>
      tpu.wait_indirect_dma semaphore(%arg19 : memref<!tpu.dma_semaphore, #tpu.memory_space<semaphore_mem>>) src(%dma_wait3A_253 : memref<10000x128xf32, #tpu.memory_space<hbm>>) dst(%arg9 : memref<40x128xf32, #tpu.memory_space<vmem>>)
      %add3A_254 = arith.constant 3 : i32
      %add3A_255 = arith.addi %mul3A_152, %add3A_254 : i32
      %mul3A_256 = arith.constant 40 : i32
      %mul3A_257 = arith.muli %add3A_255, %mul3A_256 : i32
      %add3A_258 = arith.addi %mul3A_2, %mul3A_257 : i32
      %dma_start3A_259 = arith.constant 0 : i32
      %dma_start3A_260 = tpu.memref_slice %arg4[%add3A_258, %dma_start3A_259] : memref<96000x128xf32, #tpu.memory_space<hbm>> -> memref<40x128xf32, #tpu.memory_space<hbm>>
      %dma_start3A_261 = arith.constant 0 : i32
      %dma_start3A_262 = tpu.memref_slice %arg4[%add3A_258, %dma_start3A_261] : memref<96000x128xf32, #tpu.memory_space<hbm>> -> memref<40x128xf32, #tpu.memory_space<hbm>>
      tpu.enqueue_dma source(%arg9 : memref<40x128xf32, #tpu.memory_space<vmem>>) target(%dma_start3A_262 : memref<40x128xf32, #tpu.memory_space<hbm>>) target_semaphore(%arg29 : memref<!tpu.dma_semaphore, #tpu.memory_space<semaphore_mem>>)
      %gt3A_263 = arith.constant 0 : i32
      %gt3A_264 = arith.cmpi sgt, %scan3A_148, %gt3A_263 : i32
      %convert_element_type3A_265 = arith.extui %gt3A_264 : i1 to i32
      %cond3A_266 = arith.constant 0 : i32
      %cond3A_267 = arith.cmpi ne, %convert_element_type3A_265, %cond3A_266 : i32
      scf.if %cond3A_267 {
        %sub3A = arith.constant 5 : i32
        %sub3A_510 = arith.subi %mul3A_152, %sub3A : i32
        %add3A_511 = arith.constant 3 : i32
        %add3A_512 = arith.addi %sub3A_510, %add3A_511 : i32
        %mul3A_513 = arith.constant 40 : i32
        %mul3A_514 = arith.muli %add3A_512, %mul3A_513 : i32
        %add3A_515 = arith.addi %mul3A_2, %mul3A_514 : i32
        %dma_wait3A_516 = arith.constant 0 : i32
        %dma_wait3A_517 = tpu.memref_slice %arg4[%add3A_515, %dma_wait3A_516] : memref<96000x128xf32, #tpu.memory_space<hbm>> -> memref<40x128xf32, #tpu.memory_space<hbm>>
        %dma_wait3A_518 = arith.constant 0 : i32
        %dma_wait3A_519 = tpu.memref_slice %arg4[%add3A_515, %dma_wait3A_518] : memref<96000x128xf32, #tpu.memory_space<hbm>> -> memref<40x128xf32, #tpu.memory_space<hbm>>
        tpu.wait_dma2 semaphore(%arg34 : memref<!tpu.dma_semaphore, #tpu.memory_space<semaphore_mem>>) src(%arg14 : memref<40x128xf32, #tpu.memory_space<vmem>>) dst(%dma_wait3A_519 : memref<40x128xf32, #tpu.memory_space<hbm>>)
      } else {
      }
      %add3A_268 = arith.constant 5 : i32
      %add3A_269 = arith.addi %mul3A_152, %add3A_268 : i32
      %add3A_270 = arith.constant 3 : i32
      %add3A_271 = arith.addi %add3A_269, %add3A_270 : i32
      %mul3A_272 = arith.constant 40 : i32
      %mul3A_273 = arith.muli %add3A_271, %mul3A_272 : i32
      %dma_start3A_274 = tpu.memref_slice %arg5[%mul3A_273] : memref<3000xi32, #tpu.memory_space<vmem>> -> memref<40xi32, #tpu.memory_space<vmem>>
      %dma_start3A_275 = arith.constant 0 : i32
      %dma_start3A_276 = arith.constant 0 : i32
      %dma_start3A_277 = tpu.memref_slice %arg2[%dma_start3A_275, %dma_start3A_276] : memref<10000x128xf32, #tpu.memory_space<hbm>> -> memref<10000x128xf32, #tpu.memory_space<hbm>>
      tpu.enqueue_indirect_dma source(%dma_start3A_277 : memref<10000x128xf32, #tpu.memory_space<hbm>>) target(%arg14 : memref<40x128xf32, #tpu.memory_space<vmem>>) offsets(%dma_start3A_274 : memref<40xi32, #tpu.memory_space<vmem>>) semaphore(%arg24 : memref<!tpu.dma_semaphore, #tpu.memory_space<semaphore_mem>>)
      %add3A_278 = arith.constant 4 : i32
      %add3A_279 = arith.addi %mul3A_152, %add3A_278 : i32
      %mul3A_280 = arith.constant 40 : i32
      %mul3A_281 = arith.muli %add3A_279, %mul3A_280 : i32
      %dma_wait3A_282 = tpu.memref_slice %arg5[%mul3A_281] : memref<3000xi32, #tpu.memory_space<vmem>> -> memref<40xi32, #tpu.memory_space<vmem>>
      %dma_wait3A_283 = arith.constant 0 : i32
      %dma_wait3A_284 = arith.constant 0 : i32
      %dma_wait3A_285 = tpu.memref_slice %arg2[%dma_wait3A_283, %dma_wait3A_284] : memref<10000x128xf32, #tpu.memory_space<hbm>> -> memref<10000x128xf32, #tpu.memory_space<hbm>>
      tpu.wait_indirect_dma semaphore(%arg20 : memref<!tpu.dma_semaphore, #tpu.memory_space<semaphore_mem>>) src(%dma_wait3A_285 : memref<10000x128xf32, #tpu.memory_space<hbm>>) dst(%arg10 : memref<40x128xf32, #tpu.memory_space<vmem>>)
      %add3A_286 = arith.constant 4 : i32
      %add3A_287 = arith.addi %mul3A_152, %add3A_286 : i32
      %mul3A_288 = arith.constant 40 : i32
      %mul3A_289 = arith.muli %add3A_287, %mul3A_288 : i32
      %add3A_290 = arith.addi %mul3A_2, %mul3A_289 : i32
      %dma_start3A_291 = arith.constant 0 : i32
      %dma_start3A_292 = tpu.memref_slice %arg4[%add3A_290, %dma_start3A_291] : memref<96000x128xf32, #tpu.memory_space<hbm>> -> memref<40x128xf32, #tpu.memory_space<hbm>>
      %dma_start3A_293 = arith.constant 0 : i32
      %dma_start3A_294 = tpu.memref_slice %arg4[%add3A_290, %dma_start3A_293] : memref<96000x128xf32, #tpu.memory_space<hbm>> -> memref<40x128xf32, #tpu.memory_space<hbm>>
      tpu.enqueue_dma source(%arg10 : memref<40x128xf32, #tpu.memory_space<vmem>>) target(%dma_start3A_294 : memref<40x128xf32, #tpu.memory_space<hbm>>) target_semaphore(%arg30 : memref<!tpu.dma_semaphore, #tpu.memory_space<semaphore_mem>>)
      %gt3A_295 = arith.constant 0 : i32
      %gt3A_296 = arith.cmpi sgt, %scan3A_148, %gt3A_295 : i32
      %convert_element_type3A_297 = arith.extui %gt3A_296 : i1 to i32
      %cond3A_298 = arith.constant 0 : i32
      %cond3A_299 = arith.cmpi ne, %convert_element_type3A_297, %cond3A_298 : i32
      scf.if %cond3A_299 {
        %sub3A = arith.constant 5 : i32
        %sub3A_510 = arith.subi %mul3A_152, %sub3A : i32
        %add3A_511 = arith.constant 4 : i32
        %add3A_512 = arith.addi %sub3A_510, %add3A_511 : i32
        %mul3A_513 = arith.constant 40 : i32
        %mul3A_514 = arith.muli %add3A_512, %mul3A_513 : i32
        %add3A_515 = arith.addi %mul3A_2, %mul3A_514 : i32
        %dma_wait3A_516 = arith.constant 0 : i32
        %dma_wait3A_517 = tpu.memref_slice %arg4[%add3A_515, %dma_wait3A_516] : memref<96000x128xf32, #tpu.memory_space<hbm>> -> memref<40x128xf32, #tpu.memory_space<hbm>>
        %dma_wait3A_518 = arith.constant 0 : i32
        %dma_wait3A_519 = tpu.memref_slice %arg4[%add3A_515, %dma_wait3A_518] : memref<96000x128xf32, #tpu.memory_space<hbm>> -> memref<40x128xf32, #tpu.memory_space<hbm>>
        tpu.wait_dma2 semaphore(%arg35 : memref<!tpu.dma_semaphore, #tpu.memory_space<semaphore_mem>>) src(%arg15 : memref<40x128xf32, #tpu.memory_space<vmem>>) dst(%dma_wait3A_519 : memref<40x128xf32, #tpu.memory_space<hbm>>)
      } else {
      }
      %add3A_300 = arith.constant 5 : i32
      %add3A_301 = arith.addi %mul3A_152, %add3A_300 : i32
      %add3A_302 = arith.constant 4 : i32
      %add3A_303 = arith.addi %add3A_301, %add3A_302 : i32
      %mul3A_304 = arith.constant 40 : i32
      %mul3A_305 = arith.muli %add3A_303, %mul3A_304 : i32
      %dma_start3A_306 = tpu.memref_slice %arg5[%mul3A_305] : memref<3000xi32, #tpu.memory_space<vmem>> -> memref<40xi32, #tpu.memory_space<vmem>>
      %dma_start3A_307 = arith.constant 0 : i32
      %dma_start3A_308 = arith.constant 0 : i32
      %dma_start3A_309 = tpu.memref_slice %arg2[%dma_start3A_307, %dma_start3A_308] : memref<10000x128xf32, #tpu.memory_space<hbm>> -> memref<10000x128xf32, #tpu.memory_space<hbm>>
      tpu.enqueue_indirect_dma source(%dma_start3A_309 : memref<10000x128xf32, #tpu.memory_space<hbm>>) target(%arg15 : memref<40x128xf32, #tpu.memory_space<vmem>>) offsets(%dma_start3A_306 : memref<40xi32, #tpu.memory_space<vmem>>) semaphore(%arg25 : memref<!tpu.dma_semaphore, #tpu.memory_space<semaphore_mem>>)
      %add3A_310 = arith.constant 5 : i32
      %add3A_311 = arith.addi %mul3A_152, %add3A_310 : i32
      %add3A_312 = arith.constant 0 : i32
      %add3A_313 = arith.addi %add3A_311, %add3A_312 : i32
      %mul3A_314 = arith.constant 40 : i32
      %mul3A_315 = arith.muli %add3A_313, %mul3A_314 : i32
      %dma_wait3A_316 = tpu.memref_slice %arg5[%mul3A_315] : memref<3000xi32, #tpu.memory_space<vmem>> -> memref<40xi32, #tpu.memory_space<vmem>>
      %dma_wait3A_317 = arith.constant 0 : i32
      %dma_wait3A_318 = arith.constant 0 : i32
      %dma_wait3A_319 = tpu.memref_slice %arg2[%dma_wait3A_317, %dma_wait3A_318] : memref<10000x128xf32, #tpu.memory_space<hbm>> -> memref<10000x128xf32, #tpu.memory_space<hbm>>
      tpu.wait_indirect_dma semaphore(%arg21 : memref<!tpu.dma_semaphore, #tpu.memory_space<semaphore_mem>>) src(%dma_wait3A_319 : memref<10000x128xf32, #tpu.memory_space<hbm>>) dst(%arg11 : memref<40x128xf32, #tpu.memory_space<vmem>>)
      %add3A_320 = arith.constant 5 : i32
      %add3A_321 = arith.addi %mul3A_152, %add3A_320 : i32
      %add3A_322 = arith.constant 0 : i32
      %add3A_323 = arith.addi %add3A_321, %add3A_322 : i32
      %mul3A_324 = arith.constant 40 : i32
      %mul3A_325 = arith.muli %add3A_323, %mul3A_324 : i32
      %add3A_326 = arith.addi %mul3A_2, %mul3A_325 : i32
      %dma_start3A_327 = arith.constant 0 : i32
      %dma_start3A_328 = tpu.memref_slice %arg4[%add3A_326, %dma_start3A_327] : memref<96000x128xf32, #tpu.memory_space<hbm>> -> memref<40x128xf32, #tpu.memory_space<hbm>>
      %dma_start3A_329 = arith.constant 0 : i32
      %dma_start3A_330 = tpu.memref_slice %arg4[%add3A_326, %dma_start3A_329] : memref<96000x128xf32, #tpu.memory_space<hbm>> -> memref<40x128xf32, #tpu.memory_space<hbm>>
      tpu.enqueue_dma source(%arg11 : memref<40x128xf32, #tpu.memory_space<vmem>>) target(%dma_start3A_330 : memref<40x128xf32, #tpu.memory_space<hbm>>) target_semaphore(%arg31 : memref<!tpu.dma_semaphore, #tpu.memory_space<semaphore_mem>>)
      %add3A_331 = arith.constant 0 : i32
      %add3A_332 = arith.addi %mul3A_152, %add3A_331 : i32
      %mul3A_333 = arith.constant 40 : i32
      %mul3A_334 = arith.muli %add3A_332, %mul3A_333 : i32
      %add3A_335 = arith.addi %mul3A_2, %mul3A_334 : i32
      %dma_wait3A_336 = arith.constant 0 : i32
      %dma_wait3A_337 = tpu.memref_slice %arg4[%add3A_335, %dma_wait3A_336] : memref<96000x128xf32, #tpu.memory_space<hbm>> -> memref<40x128xf32, #tpu.memory_space<hbm>>
      %dma_wait3A_338 = arith.constant 0 : i32
      %dma_wait3A_339 = tpu.memref_slice %arg4[%add3A_335, %dma_wait3A_338] : memref<96000x128xf32, #tpu.memory_space<hbm>> -> memref<40x128xf32, #tpu.memory_space<hbm>>
      tpu.wait_dma2 semaphore(%arg26 : memref<!tpu.dma_semaphore, #tpu.memory_space<semaphore_mem>>) src(%arg6 : memref<40x128xf32, #tpu.memory_space<vmem>>) dst(%dma_wait3A_339 : memref<40x128xf32, #tpu.memory_space<hbm>>)
      %add3A_340 = arith.constant 10 : i32
      %add3A_341 = arith.addi %mul3A_152, %add3A_340 : i32
      %add3A_342 = arith.constant 0 : i32
      %add3A_343 = arith.addi %add3A_341, %add3A_342 : i32
      %mul3A_344 = arith.constant 40 : i32
      %mul3A_345 = arith.muli %add3A_343, %mul3A_344 : i32
      %dma_start3A_346 = tpu.memref_slice %arg5[%mul3A_345] : memref<3000xi32, #tpu.memory_space<vmem>> -> memref<40xi32, #tpu.memory_space<vmem>>
      %dma_start3A_347 = arith.constant 0 : i32
      %dma_start3A_348 = arith.constant 0 : i32
      %dma_start3A_349 = tpu.memref_slice %arg2[%dma_start3A_347, %dma_start3A_348] : memref<10000x128xf32, #tpu.memory_space<hbm>> -> memref<10000x128xf32, #tpu.memory_space<hbm>>
      tpu.enqueue_indirect_dma source(%dma_start3A_349 : memref<10000x128xf32, #tpu.memory_space<hbm>>) target(%arg6 : memref<40x128xf32, #tpu.memory_space<vmem>>) offsets(%dma_start3A_346 : memref<40xi32, #tpu.memory_space<vmem>>) semaphore(%arg16 : memref<!tpu.dma_semaphore, #tpu.memory_space<semaphore_mem>>)
      %add3A_350 = arith.constant 5 : i32
      %add3A_351 = arith.addi %mul3A_152, %add3A_350 : i32
      %add3A_352 = arith.constant 1 : i32
      %add3A_353 = arith.addi %add3A_351, %add3A_352 : i32
      %mul3A_354 = arith.constant 40 : i32
      %mul3A_355 = arith.muli %add3A_353, %mul3A_354 : i32
      %dma_wait3A_356 = tpu.memref_slice %arg5[%mul3A_355] : memref<3000xi32, #tpu.memory_space<vmem>> -> memref<40xi32, #tpu.memory_space<vmem>>
      %dma_wait3A_357 = arith.constant 0 : i32
      %dma_wait3A_358 = arith.constant 0 : i32
      %dma_wait3A_359 = tpu.memref_slice %arg2[%dma_wait3A_357, %dma_wait3A_358] : memref<10000x128xf32, #tpu.memory_space<hbm>> -> memref<10000x128xf32, #tpu.memory_space<hbm>>
      tpu.wait_indirect_dma semaphore(%arg22 : memref<!tpu.dma_semaphore, #tpu.memory_space<semaphore_mem>>) src(%dma_wait3A_359 : memref<10000x128xf32, #tpu.memory_space<hbm>>) dst(%arg12 : memref<40x128xf32, #tpu.memory_space<vmem>>)
      %add3A_360 = arith.constant 5 : i32
      %add3A_361 = arith.addi %mul3A_152, %add3A_360 : i32
      %add3A_362 = arith.constant 1 : i32
      %add3A_363 = arith.addi %add3A_361, %add3A_362 : i32
      %mul3A_364 = arith.constant 40 : i32
      %mul3A_365 = arith.muli %add3A_363, %mul3A_364 : i32
      %add3A_366 = arith.addi %mul3A_2, %mul3A_365 : i32
      %dma_start3A_367 = arith.constant 0 : i32
      %dma_start3A_368 = tpu.memref_slice %arg4[%add3A_366, %dma_start3A_367] : memref<96000x128xf32, #tpu.memory_space<hbm>> -> memref<40x128xf32, #tpu.memory_space<hbm>>
      %dma_start3A_369 = arith.constant 0 : i32
      %dma_start3A_370 = tpu.memref_slice %arg4[%add3A_366, %dma_start3A_369] : memref<96000x128xf32, #tpu.memory_space<hbm>> -> memref<40x128xf32, #tpu.memory_space<hbm>>
      tpu.enqueue_dma source(%arg12 : memref<40x128xf32, #tpu.memory_space<vmem>>) target(%dma_start3A_370 : memref<40x128xf32, #tpu.memory_space<hbm>>) target_semaphore(%arg32 : memref<!tpu.dma_semaphore, #tpu.memory_space<semaphore_mem>>)
      %add3A_371 = arith.constant 1 : i32
      %add3A_372 = arith.addi %mul3A_152, %add3A_371 : i32
      %mul3A_373 = arith.constant 40 : i32
      %mul3A_374 = arith.muli %add3A_372, %mul3A_373 : i32
      %add3A_375 = arith.addi %mul3A_2, %mul3A_374 : i32
      %dma_wait3A_376 = arith.constant 0 : i32
      %dma_wait3A_377 = tpu.memref_slice %arg4[%add3A_375, %dma_wait3A_376] : memref<96000x128xf32, #tpu.memory_space<hbm>> -> memref<40x128xf32, #tpu.memory_space<hbm>>
      %dma_wait3A_378 = arith.constant 0 : i32
      %dma_wait3A_379 = tpu.memref_slice %arg4[%add3A_375, %dma_wait3A_378] : memref<96000x128xf32, #tpu.memory_space<hbm>> -> memref<40x128xf32, #tpu.memory_space<hbm>>
      tpu.wait_dma2 semaphore(%arg27 : memref<!tpu.dma_semaphore, #tpu.memory_space<semaphore_mem>>) src(%arg7 : memref<40x128xf32, #tpu.memory_space<vmem>>) dst(%dma_wait3A_379 : memref<40x128xf32, #tpu.memory_space<hbm>>)
      %add3A_380 = arith.constant 10 : i32
      %add3A_381 = arith.addi %mul3A_152, %add3A_380 : i32
      %add3A_382 = arith.constant 1 : i32
      %add3A_383 = arith.addi %add3A_381, %add3A_382 : i32
      %mul3A_384 = arith.constant 40 : i32
      %mul3A_385 = arith.muli %add3A_383, %mul3A_384 : i32
      %dma_start3A_386 = tpu.memref_slice %arg5[%mul3A_385] : memref<3000xi32, #tpu.memory_space<vmem>> -> memref<40xi32, #tpu.memory_space<vmem>>
      %dma_start3A_387 = arith.constant 0 : i32
      %dma_start3A_388 = arith.constant 0 : i32
      %dma_start3A_389 = tpu.memref_slice %arg2[%dma_start3A_387, %dma_start3A_388] : memref<10000x128xf32, #tpu.memory_space<hbm>> -> memref<10000x128xf32, #tpu.memory_space<hbm>>
      tpu.enqueue_indirect_dma source(%dma_start3A_389 : memref<10000x128xf32, #tpu.memory_space<hbm>>) target(%arg7 : memref<40x128xf32, #tpu.memory_space<vmem>>) offsets(%dma_start3A_386 : memref<40xi32, #tpu.memory_space<vmem>>) semaphore(%arg17 : memref<!tpu.dma_semaphore, #tpu.memory_space<semaphore_mem>>)
      %add3A_390 = arith.constant 5 : i32
      %add3A_391 = arith.addi %mul3A_152, %add3A_390 : i32
      %add3A_392 = arith.constant 2 : i32
      %add3A_393 = arith.addi %add3A_391, %add3A_392 : i32
      %mul3A_394 = arith.constant 40 : i32
      %mul3A_395 = arith.muli %add3A_393, %mul3A_394 : i32
      %dma_wait3A_396 = tpu.memref_slice %arg5[%mul3A_395] : memref<3000xi32, #tpu.memory_space<vmem>> -> memref<40xi32, #tpu.memory_space<vmem>>
      %dma_wait3A_397 = arith.constant 0 : i32
      %dma_wait3A_398 = arith.constant 0 : i32
      %dma_wait3A_399 = tpu.memref_slice %arg2[%dma_wait3A_397, %dma_wait3A_398] : memref<10000x128xf32, #tpu.memory_space<hbm>> -> memref<10000x128xf32, #tpu.memory_space<hbm>>
      tpu.wait_indirect_dma semaphore(%arg23 : memref<!tpu.dma_semaphore, #tpu.memory_space<semaphore_mem>>) src(%dma_wait3A_399 : memref<10000x128xf32, #tpu.memory_space<hbm>>) dst(%arg13 : memref<40x128xf32, #tpu.memory_space<vmem>>)
      %add3A_400 = arith.constant 5 : i32
      %add3A_401 = arith.addi %mul3A_152, %add3A_400 : i32
      %add3A_402 = arith.constant 2 : i32
      %add3A_403 = arith.addi %add3A_401, %add3A_402 : i32
      %mul3A_404 = arith.constant 40 : i32
      %mul3A_405 = arith.muli %add3A_403, %mul3A_404 : i32
      %add3A_406 = arith.addi %mul3A_2, %mul3A_405 : i32
      %dma_start3A_407 = arith.constant 0 : i32
      %dma_start3A_408 = tpu.memref_slice %arg4[%add3A_406, %dma_start3A_407] : memref<96000x128xf32, #tpu.memory_space<hbm>> -> memref<40x128xf32, #tpu.memory_space<hbm>>
      %dma_start3A_409 = arith.constant 0 : i32
      %dma_start3A_410 = tpu.memref_slice %arg4[%add3A_406, %dma_start3A_409] : memref<96000x128xf32, #tpu.memory_space<hbm>> -> memref<40x128xf32, #tpu.memory_space<hbm>>
      tpu.enqueue_dma source(%arg13 : memref<40x128xf32, #tpu.memory_space<vmem>>) target(%dma_start3A_410 : memref<40x128xf32, #tpu.memory_space<hbm>>) target_semaphore(%arg33 : memref<!tpu.dma_semaphore, #tpu.memory_space<semaphore_mem>>)
      %add3A_411 = arith.constant 2 : i32
      %add3A_412 = arith.addi %mul3A_152, %add3A_411 : i32
      %mul3A_413 = arith.constant 40 : i32
      %mul3A_414 = arith.muli %add3A_412, %mul3A_413 : i32
      %add3A_415 = arith.addi %mul3A_2, %mul3A_414 : i32
      %dma_wait3A_416 = arith.constant 0 : i32
      %dma_wait3A_417 = tpu.memref_slice %arg4[%add3A_415, %dma_wait3A_416] : memref<96000x128xf32, #tpu.memory_space<hbm>> -> memref<40x128xf32, #tpu.memory_space<hbm>>
      %dma_wait3A_418 = arith.constant 0 : i32
      %dma_wait3A_419 = tpu.memref_slice %arg4[%add3A_415, %dma_wait3A_418] : memref<96000x128xf32, #tpu.memory_space<hbm>> -> memref<40x128xf32, #tpu.memory_space<hbm>>
      tpu.wait_dma2 semaphore(%arg28 : memref<!tpu.dma_semaphore, #tpu.memory_space<semaphore_mem>>) src(%arg8 : memref<40x128xf32, #tpu.memory_space<vmem>>) dst(%dma_wait3A_419 : memref<40x128xf32, #tpu.memory_space<hbm>>)
      %add3A_420 = arith.constant 10 : i32
      %add3A_421 = arith.addi %mul3A_152, %add3A_420 : i32
      %add3A_422 = arith.constant 2 : i32
      %add3A_423 = arith.addi %add3A_421, %add3A_422 : i32
      %mul3A_424 = arith.constant 40 : i32
      %mul3A_425 = arith.muli %add3A_423, %mul3A_424 : i32
      %dma_start3A_426 = tpu.memref_slice %arg5[%mul3A_425] : memref<3000xi32, #tpu.memory_space<vmem>> -> memref<40xi32, #tpu.memory_space<vmem>>
      %dma_start3A_427 = arith.constant 0 : i32
      %dma_start3A_428 = arith.constant 0 : i32
      %dma_start3A_429 = tpu.memref_slice %arg2[%dma_start3A_427, %dma_start3A_428] : memref<10000x128xf32, #tpu.memory_space<hbm>> -> memref<10000x128xf32, #tpu.memory_space<hbm>>
      tpu.enqueue_indirect_dma source(%dma_start3A_429 : memref<10000x128xf32, #tpu.memory_space<hbm>>) target(%arg8 : memref<40x128xf32, #tpu.memory_space<vmem>>) offsets(%dma_start3A_426 : memref<40xi32, #tpu.memory_space<vmem>>) semaphore(%arg18 : memref<!tpu.dma_semaphore, #tpu.memory_space<semaphore_mem>>)
      %add3A_430 = arith.constant 5 : i32
      %add3A_431 = arith.addi %mul3A_152, %add3A_430 : i32
      %add3A_432 = arith.constant 3 : i32
      %add3A_433 = arith.addi %add3A_431, %add3A_432 : i32
      %mul3A_434 = arith.constant 40 : i32
      %mul3A_435 = arith.muli %add3A_433, %mul3A_434 : i32
      %dma_wait3A_436 = tpu.memref_slice %arg5[%mul3A_435] : memref<3000xi32, #tpu.memory_space<vmem>> -> memref<40xi32, #tpu.memory_space<vmem>>
      %dma_wait3A_437 = arith.constant 0 : i32
      %dma_wait3A_438 = arith.constant 0 : i32
      %dma_wait3A_439 = tpu.memref_slice %arg2[%dma_wait3A_437, %dma_wait3A_438] : memref<10000x128xf32, #tpu.memory_space<hbm>> -> memref<10000x128xf32, #tpu.memory_space<hbm>>
      tpu.wait_indirect_dma semaphore(%arg24 : memref<!tpu.dma_semaphore, #tpu.memory_space<semaphore_mem>>) src(%dma_wait3A_439 : memref<10000x128xf32, #tpu.memory_space<hbm>>) dst(%arg14 : memref<40x128xf32, #tpu.memory_space<vmem>>)
      %add3A_440 = arith.constant 5 : i32
      %add3A_441 = arith.addi %mul3A_152, %add3A_440 : i32
      %add3A_442 = arith.constant 3 : i32
      %add3A_443 = arith.addi %add3A_441, %add3A_442 : i32
      %mul3A_444 = arith.constant 40 : i32
      %mul3A_445 = arith.muli %add3A_443, %mul3A_444 : i32
      %add3A_446 = arith.addi %mul3A_2, %mul3A_445 : i32
      %dma_start3A_447 = arith.constant 0 : i32
      %dma_start3A_448 = tpu.memref_slice %arg4[%add3A_446, %dma_start3A_447] : memref<96000x128xf32, #tpu.memory_space<hbm>> -> memref<40x128xf32, #tpu.memory_space<hbm>>
      %dma_start3A_449 = arith.constant 0 : i32
      %dma_start3A_450 = tpu.memref_slice %arg4[%add3A_446, %dma_start3A_449] : memref<96000x128xf32, #tpu.memory_space<hbm>> -> memref<40x128xf32, #tpu.memory_space<hbm>>
      tpu.enqueue_dma source(%arg14 : memref<40x128xf32, #tpu.memory_space<vmem>>) target(%dma_start3A_450 : memref<40x128xf32, #tpu.memory_space<hbm>>) target_semaphore(%arg34 : memref<!tpu.dma_semaphore, #tpu.memory_space<semaphore_mem>>)
      %add3A_451 = arith.constant 3 : i32
      %add3A_452 = arith.addi %mul3A_152, %add3A_451 : i32
      %mul3A_453 = arith.constant 40 : i32
      %mul3A_454 = arith.muli %add3A_452, %mul3A_453 : i32
      %add3A_455 = arith.addi %mul3A_2, %mul3A_454 : i32
      %dma_wait3A_456 = arith.constant 0 : i32
      %dma_wait3A_457 = tpu.memref_slice %arg4[%add3A_455, %dma_wait3A_456] : memref<96000x128xf32, #tpu.memory_space<hbm>> -> memref<40x128xf32, #tpu.memory_space<hbm>>
      %dma_wait3A_458 = arith.constant 0 : i32
      %dma_wait3A_459 = tpu.memref_slice %arg4[%add3A_455, %dma_wait3A_458] : memref<96000x128xf32, #tpu.memory_space<hbm>> -> memref<40x128xf32, #tpu.memory_space<hbm>>
      tpu.wait_dma2 semaphore(%arg29 : memref<!tpu.dma_semaphore, #tpu.memory_space<semaphore_mem>>) src(%arg9 : memref<40x128xf32, #tpu.memory_space<vmem>>) dst(%dma_wait3A_459 : memref<40x128xf32, #tpu.memory_space<hbm>>)
      %add3A_460 = arith.constant 10 : i32
      %add3A_461 = arith.addi %mul3A_152, %add3A_460 : i32
      %add3A_462 = arith.constant 3 : i32
      %add3A_463 = arith.addi %add3A_461, %add3A_462 : i32
      %mul3A_464 = arith.constant 40 : i32
      %mul3A_465 = arith.muli %add3A_463, %mul3A_464 : i32
      %dma_start3A_466 = tpu.memref_slice %arg5[%mul3A_465] : memref<3000xi32, #tpu.memory_space<vmem>> -> memref<40xi32, #tpu.memory_space<vmem>>
      %dma_start3A_467 = arith.constant 0 : i32
      %dma_start3A_468 = arith.constant 0 : i32
      %dma_start3A_469 = tpu.memref_slice %arg2[%dma_start3A_467, %dma_start3A_468] : memref<10000x128xf32, #tpu.memory_space<hbm>> -> memref<10000x128xf32, #tpu.memory_space<hbm>>
      tpu.enqueue_indirect_dma source(%dma_start3A_469 : memref<10000x128xf32, #tpu.memory_space<hbm>>) target(%arg9 : memref<40x128xf32, #tpu.memory_space<vmem>>) offsets(%dma_start3A_466 : memref<40xi32, #tpu.memory_space<vmem>>) semaphore(%arg19 : memref<!tpu.dma_semaphore, #tpu.memory_space<semaphore_mem>>)
      %add3A_470 = arith.constant 5 : i32
      %add3A_471 = arith.addi %mul3A_152, %add3A_470 : i32
      %add3A_472 = arith.constant 4 : i32
      %add3A_473 = arith.addi %add3A_471, %add3A_472 : i32
      %mul3A_474 = arith.constant 40 : i32
      %mul3A_475 = arith.muli %add3A_473, %mul3A_474 : i32
      %dma_wait3A_476 = tpu.memref_slice %arg5[%mul3A_475] : memref<3000xi32, #tpu.memory_space<vmem>> -> memref<40xi32, #tpu.memory_space<vmem>>
      %dma_wait3A_477 = arith.constant 0 : i32
      %dma_wait3A_478 = arith.constant 0 : i32
      %dma_wait3A_479 = tpu.memref_slice %arg2[%dma_wait3A_477, %dma_wait3A_478] : memref<10000x128xf32, #tpu.memory_space<hbm>> -> memref<10000x128xf32, #tpu.memory_space<hbm>>
      tpu.wait_indirect_dma semaphore(%arg25 : memref<!tpu.dma_semaphore, #tpu.memory_space<semaphore_mem>>) src(%dma_wait3A_479 : memref<10000x128xf32, #tpu.memory_space<hbm>>) dst(%arg15 : memref<40x128xf32, #tpu.memory_space<vmem>>)
      %add3A_480 = arith.constant 5 : i32
      %add3A_481 = arith.addi %mul3A_152, %add3A_480 : i32
      %add3A_482 = arith.constant 4 : i32
      %add3A_483 = arith.addi %add3A_481, %add3A_482 : i32
      %mul3A_484 = arith.constant 40 : i32
      %mul3A_485 = arith.muli %add3A_483, %mul3A_484 : i32
      %add3A_486 = arith.addi %mul3A_2, %mul3A_485 : i32
      %dma_start3A_487 = arith.constant 0 : i32
      %dma_start3A_488 = tpu.memref_slice %arg4[%add3A_486, %dma_start3A_487] : memref<96000x128xf32, #tpu.memory_space<hbm>> -> memref<40x128xf32, #tpu.memory_space<hbm>>
      %dma_start3A_489 = arith.constant 0 : i32
      %dma_start3A_490 = tpu.memref_slice %arg4[%add3A_486, %dma_start3A_489] : memref<96000x128xf32, #tpu.memory_space<hbm>> -> memref<40x128xf32, #tpu.memory_space<hbm>>
      tpu.enqueue_dma source(%arg15 : memref<40x128xf32, #tpu.memory_space<vmem>>) target(%dma_start3A_490 : memref<40x128xf32, #tpu.memory_space<hbm>>) target_semaphore(%arg35 : memref<!tpu.dma_semaphore, #tpu.memory_space<semaphore_mem>>)
      %add3A_491 = arith.constant 4 : i32
      %add3A_492 = arith.addi %mul3A_152, %add3A_491 : i32
      %mul3A_493 = arith.constant 40 : i32
      %mul3A_494 = arith.muli %add3A_492, %mul3A_493 : i32
      %add3A_495 = arith.addi %mul3A_2, %mul3A_494 : i32
      %dma_wait3A_496 = arith.constant 0 : i32
      %dma_wait3A_497 = tpu.memref_slice %arg4[%add3A_495, %dma_wait3A_496] : memref<96000x128xf32, #tpu.memory_space<hbm>> -> memref<40x128xf32, #tpu.memory_space<hbm>>
      %dma_wait3A_498 = arith.constant 0 : i32
      %dma_wait3A_499 = tpu.memref_slice %arg4[%add3A_495, %dma_wait3A_498] : memref<96000x128xf32, #tpu.memory_space<hbm>> -> memref<40x128xf32, #tpu.memory_space<hbm>>
      tpu.wait_dma2 semaphore(%arg30 : memref<!tpu.dma_semaphore, #tpu.memory_space<semaphore_mem>>) src(%arg10 : memref<40x128xf32, #tpu.memory_space<vmem>>) dst(%dma_wait3A_499 : memref<40x128xf32, #tpu.memory_space<hbm>>)
      %add3A_500 = arith.constant 10 : i32
      %add3A_501 = arith.addi %mul3A_152, %add3A_500 : i32
      %add3A_502 = arith.constant 4 : i32
      %add3A_503 = arith.addi %add3A_501, %add3A_502 : i32
      %mul3A_504 = arith.constant 40 : i32
      %mul3A_505 = arith.muli %add3A_503, %mul3A_504 : i32
      %dma_start3A_506 = tpu.memref_slice %arg5[%mul3A_505] : memref<3000xi32, #tpu.memory_space<vmem>> -> memref<40xi32, #tpu.memory_space<vmem>>
      %dma_start3A_507 = arith.constant 0 : i32
      %dma_start3A_508 = arith.constant 0 : i32
      %dma_start3A_509 = tpu.memref_slice %arg2[%dma_start3A_507, %dma_start3A_508] : memref<10000x128xf32, #tpu.memory_space<hbm>> -> memref<10000x128xf32, #tpu.memory_space<hbm>>
      tpu.enqueue_indirect_dma source(%dma_start3A_509 : memref<10000x128xf32, #tpu.memory_space<hbm>>) target(%arg10 : memref<40x128xf32, #tpu.memory_space<vmem>>) offsets(%dma_start3A_506 : memref<40xi32, #tpu.memory_space<vmem>>) semaphore(%arg20 : memref<!tpu.dma_semaphore, #tpu.memory_space<semaphore_mem>>)
    }
    %scan3A_33 = arith.constant 7 : i32
    %dma_wait3A = arith.constant 2800 : i32
    %dma_wait3A_34 = tpu.memref_slice %arg5[%dma_wait3A] : memref<3000xi32, #tpu.memory_space<vmem>> -> memref<40xi32, #tpu.memory_space<vmem>>
    %dma_wait3A_35 = arith.constant 0 : i32
    %dma_wait3A_36 = arith.constant 0 : i32
    %dma_wait3A_37 = tpu.memref_slice %arg2[%dma_wait3A_35, %dma_wait3A_36] : memref<10000x128xf32, #tpu.memory_space<hbm>> -> memref<10000x128xf32, #tpu.memory_space<hbm>>
    tpu.wait_indirect_dma semaphore(%arg16 : memref<!tpu.dma_semaphore, #tpu.memory_space<semaphore_mem>>) src(%dma_wait3A_37 : memref<10000x128xf32, #tpu.memory_space<hbm>>) dst(%arg6 : memref<40x128xf32, #tpu.memory_space<vmem>>)
    %add3A_38 = arith.constant 2800 : i32
    %add3A_39 = arith.addi %mul3A_2, %add3A_38 : i32
    %dma_start3A_40 = arith.constant 0 : i32
    %dma_start3A_41 = tpu.memref_slice %arg4[%add3A_39, %dma_start3A_40] : memref<96000x128xf32, #tpu.memory_space<hbm>> -> memref<40x128xf32, #tpu.memory_space<hbm>>
    %dma_start3A_42 = arith.constant 0 : i32
    %dma_start3A_43 = tpu.memref_slice %arg4[%add3A_39, %dma_start3A_42] : memref<96000x128xf32, #tpu.memory_space<hbm>> -> memref<40x128xf32, #tpu.memory_space<hbm>>
    tpu.enqueue_dma source(%arg6 : memref<40x128xf32, #tpu.memory_space<vmem>>) target(%dma_start3A_43 : memref<40x128xf32, #tpu.memory_space<hbm>>) target_semaphore(%arg26 : memref<!tpu.dma_semaphore, #tpu.memory_space<semaphore_mem>>)
    %add3A_44 = arith.constant 2600 : i32
    %add3A_45 = arith.addi %mul3A_2, %add3A_44 : i32
    %dma_wait3A_46 = arith.constant 0 : i32
    %dma_wait3A_47 = tpu.memref_slice %arg4[%add3A_45, %dma_wait3A_46] : memref<96000x128xf32, #tpu.memory_space<hbm>> -> memref<40x128xf32, #tpu.memory_space<hbm>>
    %dma_wait3A_48 = arith.constant 0 : i32
    %dma_wait3A_49 = tpu.memref_slice %arg4[%add3A_45, %dma_wait3A_48] : memref<96000x128xf32, #tpu.memory_space<hbm>> -> memref<40x128xf32, #tpu.memory_space<hbm>>
    tpu.wait_dma2 semaphore(%arg31 : memref<!tpu.dma_semaphore, #tpu.memory_space<semaphore_mem>>) src(%arg11 : memref<40x128xf32, #tpu.memory_space<vmem>>) dst(%dma_wait3A_49 : memref<40x128xf32, #tpu.memory_space<hbm>>)
    %dma_wait3A_50 = arith.constant 2840 : i32
    %dma_wait3A_51 = tpu.memref_slice %arg5[%dma_wait3A_50] : memref<3000xi32, #tpu.memory_space<vmem>> -> memref<40xi32, #tpu.memory_space<vmem>>
    %dma_wait3A_52 = arith.constant 0 : i32
    %dma_wait3A_53 = arith.constant 0 : i32
    %dma_wait3A_54 = tpu.memref_slice %arg2[%dma_wait3A_52, %dma_wait3A_53] : memref<10000x128xf32, #tpu.memory_space<hbm>> -> memref<10000x128xf32, #tpu.memory_space<hbm>>
    tpu.wait_indirect_dma semaphore(%arg17 : memref<!tpu.dma_semaphore, #tpu.memory_space<semaphore_mem>>) src(%dma_wait3A_54 : memref<10000x128xf32, #tpu.memory_space<hbm>>) dst(%arg7 : memref<40x128xf32, #tpu.memory_space<vmem>>)
    %add3A_55 = arith.constant 2840 : i32
    %add3A_56 = arith.addi %mul3A_2, %add3A_55 : i32
    %dma_start3A_57 = arith.constant 0 : i32
    %dma_start3A_58 = tpu.memref_slice %arg4[%add3A_56, %dma_start3A_57] : memref<96000x128xf32, #tpu.memory_space<hbm>> -> memref<40x128xf32, #tpu.memory_space<hbm>>
    %dma_start3A_59 = arith.constant 0 : i32
    %dma_start3A_60 = tpu.memref_slice %arg4[%add3A_56, %dma_start3A_59] : memref<96000x128xf32, #tpu.memory_space<hbm>> -> memref<40x128xf32, #tpu.memory_space<hbm>>
    tpu.enqueue_dma source(%arg7 : memref<40x128xf32, #tpu.memory_space<vmem>>) target(%dma_start3A_60 : memref<40x128xf32, #tpu.memory_space<hbm>>) target_semaphore(%arg27 : memref<!tpu.dma_semaphore, #tpu.memory_space<semaphore_mem>>)
    %add3A_61 = arith.constant 2640 : i32
    %add3A_62 = arith.addi %mul3A_2, %add3A_61 : i32
    %dma_wait3A_63 = arith.constant 0 : i32
    %dma_wait3A_64 = tpu.memref_slice %arg4[%add3A_62, %dma_wait3A_63] : memref<96000x128xf32, #tpu.memory_space<hbm>> -> memref<40x128xf32, #tpu.memory_space<hbm>>
    %dma_wait3A_65 = arith.constant 0 : i32
    %dma_wait3A_66 = tpu.memref_slice %arg4[%add3A_62, %dma_wait3A_65] : memref<96000x128xf32, #tpu.memory_space<hbm>> -> memref<40x128xf32, #tpu.memory_space<hbm>>
    tpu.wait_dma2 semaphore(%arg32 : memref<!tpu.dma_semaphore, #tpu.memory_space<semaphore_mem>>) src(%arg12 : memref<40x128xf32, #tpu.memory_space<vmem>>) dst(%dma_wait3A_66 : memref<40x128xf32, #tpu.memory_space<hbm>>)
    %dma_wait3A_67 = arith.constant 2880 : i32
    %dma_wait3A_68 = tpu.memref_slice %arg5[%dma_wait3A_67] : memref<3000xi32, #tpu.memory_space<vmem>> -> memref<40xi32, #tpu.memory_space<vmem>>
    %dma_wait3A_69 = arith.constant 0 : i32
    %dma_wait3A_70 = arith.constant 0 : i32
    %dma_wait3A_71 = tpu.memref_slice %arg2[%dma_wait3A_69, %dma_wait3A_70] : memref<10000x128xf32, #tpu.memory_space<hbm>> -> memref<10000x128xf32, #tpu.memory_space<hbm>>
    tpu.wait_indirect_dma semaphore(%arg18 : memref<!tpu.dma_semaphore, #tpu.memory_space<semaphore_mem>>) src(%dma_wait3A_71 : memref<10000x128xf32, #tpu.memory_space<hbm>>) dst(%arg8 : memref<40x128xf32, #tpu.memory_space<vmem>>)
    %add3A_72 = arith.constant 2880 : i32
    %add3A_73 = arith.addi %mul3A_2, %add3A_72 : i32
    %dma_start3A_74 = arith.constant 0 : i32
    %dma_start3A_75 = tpu.memref_slice %arg4[%add3A_73, %dma_start3A_74] : memref<96000x128xf32, #tpu.memory_space<hbm>> -> memref<40x128xf32, #tpu.memory_space<hbm>>
    %dma_start3A_76 = arith.constant 0 : i32
    %dma_start3A_77 = tpu.memref_slice %arg4[%add3A_73, %dma_start3A_76] : memref<96000x128xf32, #tpu.memory_space<hbm>> -> memref<40x128xf32, #tpu.memory_space<hbm>>
    tpu.enqueue_dma source(%arg8 : memref<40x128xf32, #tpu.memory_space<vmem>>) target(%dma_start3A_77 : memref<40x128xf32, #tpu.memory_space<hbm>>) target_semaphore(%arg28 : memref<!tpu.dma_semaphore, #tpu.memory_space<semaphore_mem>>)
    %add3A_78 = arith.constant 2680 : i32
    %add3A_79 = arith.addi %mul3A_2, %add3A_78 : i32
    %dma_wait3A_80 = arith.constant 0 : i32
    %dma_wait3A_81 = tpu.memref_slice %arg4[%add3A_79, %dma_wait3A_80] : memref<96000x128xf32, #tpu.memory_space<hbm>> -> memref<40x128xf32, #tpu.memory_space<hbm>>
    %dma_wait3A_82 = arith.constant 0 : i32
    %dma_wait3A_83 = tpu.memref_slice %arg4[%add3A_79, %dma_wait3A_82] : memref<96000x128xf32, #tpu.memory_space<hbm>> -> memref<40x128xf32, #tpu.memory_space<hbm>>
    tpu.wait_dma2 semaphore(%arg33 : memref<!tpu.dma_semaphore, #tpu.memory_space<semaphore_mem>>) src(%arg13 : memref<40x128xf32, #tpu.memory_space<vmem>>) dst(%dma_wait3A_83 : memref<40x128xf32, #tpu.memory_space<hbm>>)
    %dma_wait3A_84 = arith.constant 2920 : i32
    %dma_wait3A_85 = tpu.memref_slice %arg5[%dma_wait3A_84] : memref<3000xi32, #tpu.memory_space<vmem>> -> memref<40xi32, #tpu.memory_space<vmem>>
    %dma_wait3A_86 = arith.constant 0 : i32
    %dma_wait3A_87 = arith.constant 0 : i32
    %dma_wait3A_88 = tpu.memref_slice %arg2[%dma_wait3A_86, %dma_wait3A_87] : memref<10000x128xf32, #tpu.memory_space<hbm>> -> memref<10000x128xf32, #tpu.memory_space<hbm>>
    tpu.wait_indirect_dma semaphore(%arg19 : memref<!tpu.dma_semaphore, #tpu.memory_space<semaphore_mem>>) src(%dma_wait3A_88 : memref<10000x128xf32, #tpu.memory_space<hbm>>) dst(%arg9 : memref<40x128xf32, #tpu.memory_space<vmem>>)
    %add3A_89 = arith.constant 2920 : i32
    %add3A_90 = arith.addi %mul3A_2, %add3A_89 : i32
    %dma_start3A_91 = arith.constant 0 : i32
    %dma_start3A_92 = tpu.memref_slice %arg4[%add3A_90, %dma_start3A_91] : memref<96000x128xf32, #tpu.memory_space<hbm>> -> memref<40x128xf32, #tpu.memory_space<hbm>>
    %dma_start3A_93 = arith.constant 0 : i32
    %dma_start3A_94 = tpu.memref_slice %arg4[%add3A_90, %dma_start3A_93] : memref<96000x128xf32, #tpu.memory_space<hbm>> -> memref<40x128xf32, #tpu.memory_space<hbm>>
    tpu.enqueue_dma source(%arg9 : memref<40x128xf32, #tpu.memory_space<vmem>>) target(%dma_start3A_94 : memref<40x128xf32, #tpu.memory_space<hbm>>) target_semaphore(%arg29 : memref<!tpu.dma_semaphore, #tpu.memory_space<semaphore_mem>>)
    %add3A_95 = arith.constant 2720 : i32
    %add3A_96 = arith.addi %mul3A_2, %add3A_95 : i32
    %dma_wait3A_97 = arith.constant 0 : i32
    %dma_wait3A_98 = tpu.memref_slice %arg4[%add3A_96, %dma_wait3A_97] : memref<96000x128xf32, #tpu.memory_space<hbm>> -> memref<40x128xf32, #tpu.memory_space<hbm>>
    %dma_wait3A_99 = arith.constant 0 : i32
    %dma_wait3A_100 = tpu.memref_slice %arg4[%add3A_96, %dma_wait3A_99] : memref<96000x128xf32, #tpu.memory_space<hbm>> -> memref<40x128xf32, #tpu.memory_space<hbm>>
    tpu.wait_dma2 semaphore(%arg34 : memref<!tpu.dma_semaphore, #tpu.memory_space<semaphore_mem>>) src(%arg14 : memref<40x128xf32, #tpu.memory_space<vmem>>) dst(%dma_wait3A_100 : memref<40x128xf32, #tpu.memory_space<hbm>>)
    %dma_wait3A_101 = arith.constant 2960 : i32
    %dma_wait3A_102 = tpu.memref_slice %arg5[%dma_wait3A_101] : memref<3000xi32, #tpu.memory_space<vmem>> -> memref<40xi32, #tpu.memory_space<vmem>>
    %dma_wait3A_103 = arith.constant 0 : i32
    %dma_wait3A_104 = arith.constant 0 : i32
    %dma_wait3A_105 = tpu.memref_slice %arg2[%dma_wait3A_103, %dma_wait3A_104] : memref<10000x128xf32, #tpu.memory_space<hbm>> -> memref<10000x128xf32, #tpu.memory_space<hbm>>
    tpu.wait_indirect_dma semaphore(%arg20 : memref<!tpu.dma_semaphore, #tpu.memory_space<semaphore_mem>>) src(%dma_wait3A_105 : memref<10000x128xf32, #tpu.memory_space<hbm>>) dst(%arg10 : memref<40x128xf32, #tpu.memory_space<vmem>>)
    %add3A_106 = arith.constant 2960 : i32
    %add3A_107 = arith.addi %mul3A_2, %add3A_106 : i32
    %dma_start3A_108 = arith.constant 0 : i32
    %dma_start3A_109 = tpu.memref_slice %arg4[%add3A_107, %dma_start3A_108] : memref<96000x128xf32, #tpu.memory_space<hbm>> -> memref<40x128xf32, #tpu.memory_space<hbm>>
    %dma_start3A_110 = arith.constant 0 : i32
    %dma_start3A_111 = tpu.memref_slice %arg4[%add3A_107, %dma_start3A_110] : memref<96000x128xf32, #tpu.memory_space<hbm>> -> memref<40x128xf32, #tpu.memory_space<hbm>>
    tpu.enqueue_dma source(%arg10 : memref<40x128xf32, #tpu.memory_space<vmem>>) target(%dma_start3A_111 : memref<40x128xf32, #tpu.memory_space<hbm>>) target_semaphore(%arg30 : memref<!tpu.dma_semaphore, #tpu.memory_space<semaphore_mem>>)
    %add3A_112 = arith.constant 2760 : i32
    %add3A_113 = arith.addi %mul3A_2, %add3A_112 : i32
    %dma_wait3A_114 = arith.constant 0 : i32
    %dma_wait3A_115 = tpu.memref_slice %arg4[%add3A_113, %dma_wait3A_114] : memref<96000x128xf32, #tpu.memory_space<hbm>> -> memref<40x128xf32, #tpu.memory_space<hbm>>
    %dma_wait3A_116 = arith.constant 0 : i32
    %dma_wait3A_117 = tpu.memref_slice %arg4[%add3A_113, %dma_wait3A_116] : memref<96000x128xf32, #tpu.memory_space<hbm>> -> memref<40x128xf32, #tpu.memory_space<hbm>>
    tpu.wait_dma2 semaphore(%arg35 : memref<!tpu.dma_semaphore, #tpu.memory_space<semaphore_mem>>) src(%arg15 : memref<40x128xf32, #tpu.memory_space<vmem>>) dst(%dma_wait3A_117 : memref<40x128xf32, #tpu.memory_space<hbm>>)
    %add3A_118 = arith.constant 2800 : i32
    %add3A_119 = arith.addi %mul3A_2, %add3A_118 : i32
    %dma_wait3A_120 = arith.constant 0 : i32
    %dma_wait3A_121 = tpu.memref_slice %arg4[%add3A_119, %dma_wait3A_120] : memref<96000x128xf32, #tpu.memory_space<hbm>> -> memref<40x128xf32, #tpu.memory_space<hbm>>
    %dma_wait3A_122 = arith.constant 0 : i32
    %dma_wait3A_123 = tpu.memref_slice %arg4[%add3A_119, %dma_wait3A_122] : memref<96000x128xf32, #tpu.memory_space<hbm>> -> memref<40x128xf32, #tpu.memory_space<hbm>>
    tpu.wait_dma2 semaphore(%arg26 : memref<!tpu.dma_semaphore, #tpu.memory_space<semaphore_mem>>) src(%arg6 : memref<40x128xf32, #tpu.memory_space<vmem>>) dst(%dma_wait3A_123 : memref<40x128xf32, #tpu.memory_space<hbm>>)
    %add3A_124 = arith.constant 2840 : i32
    %add3A_125 = arith.addi %mul3A_2, %add3A_124 : i32
    %dma_wait3A_126 = arith.constant 0 : i32
    %dma_wait3A_127 = tpu.memref_slice %arg4[%add3A_125, %dma_wait3A_126] : memref<96000x128xf32, #tpu.memory_space<hbm>> -> memref<40x128xf32, #tpu.memory_space<hbm>>
    %dma_wait3A_128 = arith.constant 0 : i32
    %dma_wait3A_129 = tpu.memref_slice %arg4[%add3A_125, %dma_wait3A_128] : memref<96000x128xf32, #tpu.memory_space<hbm>> -> memref<40x128xf32, #tpu.memory_space<hbm>>
    tpu.wait_dma2 semaphore(%arg27 : memref<!tpu.dma_semaphore, #tpu.memory_space<semaphore_mem>>) src(%arg7 : memref<40x128xf32, #tpu.memory_space<vmem>>) dst(%dma_wait3A_129 : memref<40x128xf32, #tpu.memory_space<hbm>>)
    %add3A_130 = arith.constant 2880 : i32
    %add3A_131 = arith.addi %mul3A_2, %add3A_130 : i32
    %dma_wait3A_132 = arith.constant 0 : i32
    %dma_wait3A_133 = tpu.memref_slice %arg4[%add3A_131, %dma_wait3A_132] : memref<96000x128xf32, #tpu.memory_space<hbm>> -> memref<40x128xf32, #tpu.memory_space<hbm>>
    %dma_wait3A_134 = arith.constant 0 : i32
    %dma_wait3A_135 = tpu.memref_slice %arg4[%add3A_131, %dma_wait3A_134] : memref<96000x128xf32, #tpu.memory_space<hbm>> -> memref<40x128xf32, #tpu.memory_space<hbm>>
    tpu.wait_dma2 semaphore(%arg28 : memref<!tpu.dma_semaphore, #tpu.memory_space<semaphore_mem>>) src(%arg8 : memref<40x128xf32, #tpu.memory_space<vmem>>) dst(%dma_wait3A_135 : memref<40x128xf32, #tpu.memory_space<hbm>>)
    %add3A_136 = arith.constant 2920 : i32
    %add3A_137 = arith.addi %mul3A_2, %add3A_136 : i32
    %dma_wait3A_138 = arith.constant 0 : i32
    %dma_wait3A_139 = tpu.memref_slice %arg4[%add3A_137, %dma_wait3A_138] : memref<96000x128xf32, #tpu.memory_space<hbm>> -> memref<40x128xf32, #tpu.memory_space<hbm>>
    %dma_wait3A_140 = arith.constant 0 : i32
    %dma_wait3A_141 = tpu.memref_slice %arg4[%add3A_137, %dma_wait3A_140] : memref<96000x128xf32, #tpu.memory_space<hbm>> -> memref<40x128xf32, #tpu.memory_space<hbm>>
    tpu.wait_dma2 semaphore(%arg29 : memref<!tpu.dma_semaphore, #tpu.memory_space<semaphore_mem>>) src(%arg9 : memref<40x128xf32, #tpu.memory_space<vmem>>) dst(%dma_wait3A_141 : memref<40x128xf32, #tpu.memory_space<hbm>>)
    %add3A_142 = arith.constant 2960 : i32
    %add3A_143 = arith.addi %mul3A_2, %add3A_142 : i32
    %dma_wait3A_144 = arith.constant 0 : i32
    %dma_wait3A_145 = tpu.memref_slice %arg4[%add3A_143, %dma_wait3A_144] : memref<96000x128xf32, #tpu.memory_space<hbm>> -> memref<40x128xf32, #tpu.memory_space<hbm>>
    %dma_wait3A_146 = arith.constant 0 : i32
    %dma_wait3A_147 = tpu.memref_slice %arg4[%add3A_143, %dma_wait3A_146] : memref<96000x128xf32, #tpu.memory_space<hbm>> -> memref<40x128xf32, #tpu.memory_space<hbm>>
    tpu.wait_dma2 semaphore(%arg30 : memref<!tpu.dma_semaphore, #tpu.memory_space<semaphore_mem>>) src(%arg10 : memref<40x128xf32, #tpu.memory_space<vmem>>) dst(%dma_wait3A_147 : memref<40x128xf32, #tpu.memory_space<hbm>>)
    return
  }
}

module attributes {stable_mosaic.version = 14 : i64} {
  func.func @_prep_body(%arg0: memref<1x10000x128xf32, #tpu.memory_space<vmem>>, %arg1: memref<1x10000x3xf32, #tpu.memory_space<vmem>>, %arg2: memref<257x128xf32, #tpu.memory_space<vmem>>, %arg3: memref<1x128xf32, #tpu.memory_space<vmem>>, %arg4: memref<1x10000x128xf32, #tpu.memory_space<vmem>>, %arg5: memref<10000x128xf32, #tpu.memory_space<vmem>>) attributes {dimension_semantics = [], scalar_prefetch = 0 : i64, scratch_operands = 0 : i64, tpu.core_type = #tpu.core_type<tc>} {
    %get3A = arith.constant 0 : index
    %get3A_0 = arith.constant 0 : index
    %get3A_1 = arith.constant 0 : index
    %get3A_2 = vector.load %arg0[%get3A, %get3A_0, %get3A_1] : memref<1x10000x128xf32, #tpu.memory_space<vmem>>, vector<1x10000x128xf32>
    %get3A_3 = vector.shape_cast %get3A_2 : vector<1x10000x128xf32> to vector<10000x128xf32>
    %get3A_4 = arith.constant 0 : index
    %get3A_5 = arith.constant 0 : index
    %get3A_6 = vector.load %arg2[%get3A_4, %get3A_5] : memref<257x128xf32, #tpu.memory_space<vmem>>, vector<128x128xf32>
    %dot_general3A = arith.constant dense<0.000000e+00> : vector<10000x128xf32>
    %dot_general3A_7 = tpu.matmul %get3A_3, %get3A_6, %dot_general3A {dimension_numbers = #tpu.dot_dimension_numbers<[1], [0], [0], [1], [0, 0, 1, 1], [], []>, transpose_lhs_hint = false} : vector<10000x128xf32>, vector<128x128xf32>, vector<10000x128xf32> -> vector<10000x128xf32>
    %get3A_8 = arith.constant 0 : index
    %get3A_9 = arith.constant 0 : index
    %get3A_10 = vector.load %arg3[%get3A_8, %get3A_9] : memref<1x128xf32, #tpu.memory_space<vmem>>, vector<1x128xf32>
    %add3A = vector.broadcast %get3A_10 : vector<1x128xf32> to vector<10000x128xf32>
    %add3A_11 = arith.addf %dot_general3A_7, %add3A : vector<10000x128xf32>
    %swap3A = arith.constant 0 : index
    %swap3A_12 = arith.constant 0 : index
    %swap3A_13 = arith.constant 0 : index
    %swap3A_14 = vector.load %arg4[%swap3A, %swap3A_12, %swap3A_13] : memref<1x10000x128xf32, #tpu.memory_space<vmem>>, vector<1x10000x128xf32>
    %swap3A_15 = vector.shape_cast %swap3A_14 : vector<1x10000x128xf32> to vector<10000x128xf32>
    %swap3A_16 = vector.shape_cast %add3A_11 : vector<10000x128xf32> to vector<1x10000x128xf32>
    tpu.vector_store %arg4[%swap3A, %swap3A_12, %swap3A_13], %swap3A_16 {strides = array<i32>} : memref<1x10000x128xf32, #tpu.memory_space<vmem>>, vector<1x10000x128xf32>,
    %get3A_17 = arith.constant 128 : index
    %get3A_18 = arith.constant 0 : index
    %get3A_19 = vector.load %arg2[%get3A_17, %get3A_18] : memref<257x128xf32, #tpu.memory_space<vmem>>, vector<128x128xf32>
    %convert_element_type3A = arith.truncf %get3A_3 : vector<10000x128xf32> to vector<10000x128xbf16>
    %convert_element_type3A_20 = arith.truncf %get3A_19 : vector<128x128xf32> to vector<128x128xbf16>
    %dot_general3A_21 = arith.constant dense<0.000000e+00> : vector<10000x128xf32>
    %dot_general3A_22 = tpu.matmul %convert_element_type3A, %convert_element_type3A_20, %dot_general3A_21 {dimension_numbers = #tpu.dot_dimension_numbers<[1], [0], [0], [1], [0, 0, 1, 1], [], []>, transpose_lhs_hint = false} : vector<10000x128xbf16>, vector<128x128xbf16>, vector<10000x128xf32> -> vector<10000x128xf32>
    %bitcast_convert_type3A = tpu.bitcast %dot_general3A_22 : vector<10000x128xf32> -> vector<10000x128xi32>
    %slice3A = vector.extract_strided_slice %bitcast_convert_type3A {offsets = [0, 0], sizes = [10000, 64], strides = [1, 1]} : vector<10000x128xi32> to vector<10000x64xi32>
    %add3A_23 = arith.constant 32768 : i32
    %add3A_24 = vector.broadcast %add3A_23 : i32 to vector<10000x64xi32>
    %add3A_25 = arith.addi %slice3A, %add3A_24 : vector<10000x64xi32>
    %shift_right_logical3A = arith.constant 16 : i32
    %shift_right_logical3A_26 = vector.broadcast %shift_right_logical3A : i32 to vector<10000x64xi32>
    %shift_right_logical3A_27 = arith.shrui %add3A_25, %shift_right_logical3A_26 : vector<10000x64xi32>
    %slice3A_28 = vector.extract_strided_slice %bitcast_convert_type3A {offsets = [0, 64], sizes = [10000, 64], strides = [1, 1]} : vector<10000x128xi32> to vector<10000x64xi32>
    %add3A_29 = arith.constant 32768 : i32
    %add3A_30 = vector.broadcast %add3A_29 : i32 to vector<10000x64xi32>
    %add3A_31 = arith.addi %slice3A_28, %add3A_30 : vector<10000x64xi32>
    %and3A = arith.constant -65536 : i32
    %and3A_32 = vector.broadcast %and3A : i32 to vector<10000x64xi32>
    %and3A_33 = arith.andi %add3A_31, %and3A_32 : vector<10000x64xi32>
    %or3A = arith.ori %and3A_33, %shift_right_logical3A_27 : vector<10000x64xi32>
    %bitcast_convert_type3A_34 = tpu.bitcast %or3A : vector<10000x64xi32> -> vector<10000x64xf32>
    %swap3A_35 = arith.constant 0 : index
    %swap3A_36 = arith.constant 0 : index
    %swap3A_37 = vector.load %arg5[%swap3A_35, %swap3A_36] : memref<10000x128xf32, #tpu.memory_space<vmem>>, vector<10000x64xf32>
    tpu.vector_store %arg5[%swap3A_35, %swap3A_36], %bitcast_convert_type3A_34 {strides = array<i32>} : memref<10000x128xf32, #tpu.memory_space<vmem>>, vector<10000x64xf32>,
    %get3A_38 = arith.constant 0 : index
    %get3A_39 = arith.constant 0 : index
    %get3A_40 = arith.constant 0 : index
    %get3A_41 = vector.load %arg1[%get3A_38, %get3A_39, %get3A_40] : memref<1x10000x3xf32, #tpu.memory_space<vmem>>, vector<1x10000x3xf32>
    %get3A_42 = vector.shape_cast %get3A_41 : vector<1x10000x3xf32> to vector<10000x3xf32>
    %swap3A_43 = arith.constant 0 : index
    %swap3A_44 = arith.constant 64 : index
    %swap3A_45 = vector.load %arg5[%swap3A_43, %swap3A_44] : memref<10000x128xf32, #tpu.memory_space<vmem>>, vector<10000x3xf32>
    tpu.vector_store %arg5[%swap3A_43, %swap3A_44], %get3A_42 {strides = array<i32>} : memref<10000x128xf32, #tpu.memory_space<vmem>>, vector<10000x3xf32>,
    %broadcast_in_dim3A = arith.constant 0.000000e+00 : f32
    %broadcast_in_dim3A_46 = vector.broadcast %broadcast_in_dim3A : f32 to vector<10000x61xf32>
    %swap3A_47 = arith.constant 0 : index
    %swap3A_48 = arith.constant 67 : index
    %swap3A_49 = vector.load %arg5[%swap3A_47, %swap3A_48] : memref<10000x128xf32, #tpu.memory_space<vmem>>, vector<10000x61xf32>
    tpu.vector_store %arg5[%swap3A_47, %swap3A_48], %broadcast_in_dim3A_46 {strides = array<i32>} : memref<10000x128xf32, #tpu.memory_space<vmem>>, vector<10000x61xf32>,
    return
  }
}

module attributes {stable_mosaic.version = 14 : i64} {
  func.func @_edge_body(%arg0: i32, %arg1: memref<6400x128xf32, #tpu.memory_space<vmem>>, %arg2: memref<1x200x128xf32, #tpu.memory_space<vmem>>, %arg3: memref<1x200x128xf32, #tpu.memory_space<vmem>>, %arg4: memref<1x200x3xf32, #tpu.memory_space<vmem>>, %arg5: memref<1x128xf32, #tpu.memory_space<vmem>>, %arg6: memref<128x128xf32, #tpu.memory_space<vmem>>, %arg7: memref<1x128xf32, #tpu.memory_space<vmem>>, %arg8: memref<128x128xf32, #tpu.memory_space<vmem>>, %arg9: memref<1x128xf32, #tpu.memory_space<vmem>>, %arg10: memref<128x8xf32, #tpu.memory_space<vmem>>, %arg11: memref<128x128xf32, #tpu.memory_space<vmem>>, %arg12: memref<128x128xf32, #tpu.memory_space<vmem>>, %arg13: memref<1x128xf32, #tpu.memory_space<vmem>>, %arg14: memref<128x128xf32, #tpu.memory_space<vmem>>, %arg15: memref<1x128xf32, #tpu.memory_space<vmem>>, %arg16: memref<1x200x128xf32, #tpu.memory_space<vmem>>, %arg17: memref<1x200x3xf32, #tpu.memory_space<vmem>>) attributes {dimension_semantics = [#tpu.dimension_semantics<arbitrary>], iteration_bounds = array<i64: 10>, scalar_prefetch = 0 : i64, scratch_operands = 0 : i64, tpu.core_type = #tpu.core_type<tc>, window_params = [{transform_indices = @transform_0, window_bounds = array<i64: 6400, 128>}, {transform_indices = @transform_1, window_bounds = array<i64: 1, 200, 128>}, {transform_indices = @transform_2, window_bounds = array<i64: 1, 200, 128>}, {transform_indices = @transform_3, window_bounds = array<i64: 1, 200, 3>}, {pipeline_mode = #tpu.pipeline_mode<synchronous>, transform_indices = @transform_4, window_bounds = array<i64: 1, 128>}, {pipeline_mode = #tpu.pipeline_mode<synchronous>, transform_indices = @transform_5, window_bounds = array<i64: 128, 128>}, {pipeline_mode = #tpu.pipeline_mode<synchronous>, transform_indices = @transform_6, window_bounds = array<i64: 1, 128>}, {pipeline_mode = #tpu.pipeline_mode<synchronous>, transform_indices = @transform_7, window_bounds = array<i64: 128, 128>}, {pipeline_mode = #tpu.pipeline_mode<synchronous>, transform_indices = @transform_8, window_bounds = array<i64: 1, 128>}, {pipeline_mode = #tpu.pipeline_mode<synchronous>, transform_indices = @transform_9, window_bounds = array<i64: 128, 8>}, {pipeline_mode = #tpu.pipeline_mode<synchronous>, transform_indices = @transform_10, window_bounds = array<i64: 128, 128>}, {pipeline_mode = #tpu.pipeline_mode<synchronous>, transform_indices = @transform_11, window_bounds = array<i64: 128, 128>}, {pipeline_mode = #tpu.pipeline_mode<synchronous>, transform_indices = @transform_12, window_bounds = array<i64: 1, 128>}, {pipeline_mode = #tpu.pipeline_mode<synchronous>, transform_indices = @transform_13, window_bounds = array<i64: 128, 128>}, {pipeline_mode = #tpu.pipeline_mode<synchronous>, transform_indices = @transform_14, window_bounds = array<i64: 1, 128>}, {transform_indices = @transform_15, window_bounds = array<i64: 1, 200, 128>}, {transform_indices = @transform_16, window_bounds = array<i64: 1, 200, 3>}]} {
    %get3A = arith.constant 0 : index
    %get3A_0 = arith.constant 0 : index
    %get3A_1 = vector.load %arg1[%get3A, %get3A_0] : memref<6400x128xf32, #tpu.memory_space<vmem>>, vector<6400x128xf32>
    %slice3A = vector.extract_strided_slice %get3A_1 {offsets = [0, 0], sizes = [6400, 64], strides = [1, 1]} : vector<6400x128xf32> to vector<6400x64xf32>
    %bitcast_convert_type3A = tpu.bitcast %slice3A : vector<6400x64xf32> -> vector<6400x64xi32>
    %shift_left3A = arith.constant 16 : i32
    %shift_left3A_2 = vector.broadcast %shift_left3A : i32 to vector<6400x64xi32>
    %shift_left3A_3 = arith.shli %bitcast_convert_type3A, %shift_left3A_2 : vector<6400x64xi32>
    %bitcast_convert_type3A_4 = tpu.bitcast %shift_left3A_3 : vector<6400x64xi32> -> vector<6400x64xf32>
    %and3A = arith.constant -65536 : i32
    %and3A_5 = vector.broadcast %and3A : i32 to vector<6400x64xi32>
    %and3A_6 = arith.andi %bitcast_convert_type3A, %and3A_5 : vector<6400x64xi32>
    %bitcast_convert_type3A_7 = tpu.bitcast %and3A_6 : vector<6400x64xi32> -> vector<6400x64xf32>
    %concatenate3A = tpu.concatenate %bitcast_convert_type3A_4, %bitcast_convert_type3A_7 in 1 : vector<6400x64xf32>, vector<6400x64xf32> -> vector<6400x128xf32>
    %slice3A_8 = vector.extract_strided_slice %get3A_1 {offsets = [0, 64], sizes = [6400, 3], strides = [1, 1]} : vector<6400x128xf32> to vector<6400x3xf32>
    %get3A_9 = arith.constant 0 : index
    %get3A_10 = arith.constant 0 : index
    %get3A_11 = arith.constant 0 : index
    %get3A_12 = vector.load %arg4[%get3A_9, %get3A_10, %get3A_11] : memref<1x200x3xf32, #tpu.memory_space<vmem>>, vector<1x200x3xf32>
    %get3A_13 = vector.shape_cast %get3A_12 : vector<1x200x3xf32> to vector<200x3xf32>
    %broadcast_in_dim3A = vector.shape_cast %get3A_13 : vector<200x3xf32> to vector<200x1x3xf32>
    %broadcast_in_dim3A_14 = vector.shape_cast %broadcast_in_dim3A : vector<200x1x3xf32> to vector<200x1x3xf32>
    %broadcast_in_dim3A_15 = vector.broadcast %broadcast_in_dim3A_14 : vector<200x1x3xf32> to vector<200x32x3xf32>
    %reshape3A = vector.shape_cast %broadcast_in_dim3A_15 : vector<200x32x3xf32> to vector<6400x3xf32>
    %sub3A = arith.subf %reshape3A, %slice3A_8 : vector<6400x3xf32>
    %mul3A = arith.mulf %sub3A, %sub3A : vector<6400x3xf32>
    %reduce_sum3A = arith.constant dense<0.000000e+00> : vector<6400xf32>
    %reduce_sum3A_16 = vector.multi_reduction <add>, %mul3A, %reduce_sum3A [1] : vector<6400x3xf32> to vector<6400xf32>
    %broadcast_in_dim3A_17 = vector.shape_cast %reduce_sum3A_16 : vector<6400xf32> to vector<6400x1xf32>
    %get3A_18 = arith.constant 0 : index
    %get3A_19 = arith.constant 0 : index
    %get3A_20 = arith.constant 0 : index
    %get3A_21 = vector.load %arg2[%get3A_18, %get3A_19, %get3A_20] : memref<1x200x128xf32, #tpu.memory_space<vmem>>, vector<1x200x128xf32>
    %get3A_22 = vector.shape_cast %get3A_21 : vector<1x200x128xf32> to vector<200x128xf32>
    %broadcast_in_dim3A_23 = vector.shape_cast %get3A_22 : vector<200x128xf32> to vector<200x1x128xf32>
    %broadcast_in_dim3A_24 = vector.shape_cast %broadcast_in_dim3A_23 : vector<200x1x128xf32> to vector<200x1x128xf32>
    %broadcast_in_dim3A_25 = vector.broadcast %broadcast_in_dim3A_24 : vector<200x1x128xf32> to vector<200x32x128xf32>
    %reshape3A_26 = vector.shape_cast %broadcast_in_dim3A_25 : vector<200x32x128xf32> to vector<6400x128xf32>
    %add3A = arith.addf %reshape3A_26, %concatenate3A : vector<6400x128xf32>
    %get3A_27 = arith.constant 0 : index
    %get3A_28 = arith.constant 0 : index
    %get3A_29 = vector.load %arg5[%get3A_27, %get3A_28] : memref<1x128xf32, #tpu.memory_space<vmem>>, vector<1x128xf32>
    %mul3A_30 = vector.broadcast %broadcast_in_dim3A_17 : vector<6400x1xf32> to vector<6400x128xf32>
    %mul3A_31 = vector.broadcast %get3A_29 : vector<1x128xf32> to vector<6400x128xf32>
    %mul3A_32 = arith.mulf %mul3A_30, %mul3A_31 : vector<6400x128xf32>
    %add3A_33 = arith.addf %add3A, %mul3A_32 : vector<6400x128xf32>
    %convert_element_type3A = arith.truncf %add3A_33 : vector<6400x128xf32> to vector<6400x128xbf16>
    %mul3A_34 = arith.constant 5.000000e-01 : bf16
    %mul3A_35 = vector.broadcast %mul3A_34 : bf16 to vector<6400x128xbf16>
    %mul3A_36 = arith.mulf %mul3A_35, %convert_element_type3A : vector<6400x128xbf16>
    %tanh3A = math.tanh %mul3A_36 : vector<6400x128xbf16>
    %mul3A_37 = arith.mulf %mul3A_36, %tanh3A : vector<6400x128xbf16>
    %add3A_38 = arith.addf %mul3A_37, %mul3A_36 : vector<6400x128xbf16>
    %get3A_39 = arith.constant 0 : index
    %get3A_40 = arith.constant 0 : index
    %get3A_41 = vector.load %arg6[%get3A_39, %get3A_40] : memref<128x128xf32, #tpu.memory_space<vmem>>, vector<128x128xf32>
    %convert_element_type3A_42 = arith.truncf %get3A_41 : vector<128x128xf32> to vector<128x128xbf16>
    %dot_general3A = arith.constant dense<0.000000e+00> : vector<6400x128xf32>
    %dot_general3A_43 = tpu.matmul %add3A_38, %convert_element_type3A_42, %dot_general3A {dimension_numbers = #tpu.dot_dimension_numbers<[1], [0], [0], [1], [0, 0, 1, 1], [], []>, transpose_lhs_hint = false} : vector<6400x128xbf16>, vector<128x128xbf16>, vector<6400x128xf32> -> vector<6400x128xf32>
    %get3A_44 = arith.constant 0 : index
    %get3A_45 = arith.constant 0 : index
    %get3A_46 = vector.load %arg7[%get3A_44, %get3A_45] : memref<1x128xf32, #tpu.memory_space<vmem>>, vector<1x128xf32>
    %add3A_47 = vector.broadcast %get3A_46 : vector<1x128xf32> to vector<6400x128xf32>
    %add3A_48 = arith.addf %dot_general3A_43, %add3A_47 : vector<6400x128xf32>
    %convert_element_type3A_49 = arith.truncf %add3A_48 : vector<6400x128xf32> to vector<6400x128xbf16>
    %mul3A_50 = arith.constant 5.000000e-01 : bf16
    %mul3A_51 = vector.broadcast %mul3A_50 : bf16 to vector<6400x128xbf16>
    %mul3A_52 = arith.mulf %mul3A_51, %convert_element_type3A_49 : vector<6400x128xbf16>
    %tanh3A_53 = math.tanh %mul3A_52 : vector<6400x128xbf16>
    %mul3A_54 = arith.mulf %mul3A_52, %tanh3A_53 : vector<6400x128xbf16>
    %add3A_55 = arith.addf %mul3A_54, %mul3A_52 : vector<6400x128xbf16>
    %get3A_56 = arith.constant 0 : index
    %get3A_57 = arith.constant 0 : index
    %get3A_58 = vector.load %arg8[%get3A_56, %get3A_57] : memref<128x128xf32, #tpu.memory_space<vmem>>, vector<128x128xf32>
    %convert_element_type3A_59 = arith.truncf %get3A_58 : vector<128x128xf32> to vector<128x128xbf16>
    %dot_general3A_60 = arith.constant dense<0.000000e+00> : vector<6400x128xf32>
    %dot_general3A_61 = tpu.matmul %add3A_55, %convert_element_type3A_59, %dot_general3A_60 {dimension_numbers = #tpu.dot_dimension_numbers<[1], [0], [0], [1], [0, 0, 1, 1], [], []>, transpose_lhs_hint = false} : vector<6400x128xbf16>, vector<128x128xbf16>, vector<6400x128xf32> -> vector<6400x128xf32>
    %get3A_62 = arith.constant 0 : index
    %get3A_63 = arith.constant 0 : index
    %get3A_64 = vector.load %arg9[%get3A_62, %get3A_63] : memref<1x128xf32, #tpu.memory_space<vmem>>, vector<1x128xf32>
    %add3A_65 = vector.broadcast %get3A_64 : vector<1x128xf32> to vector<6400x128xf32>
    %add3A_66 = arith.addf %dot_general3A_61, %add3A_65 : vector<6400x128xf32>
    %convert_element_type3A_67 = arith.truncf %add3A_66 : vector<6400x128xf32> to vector<6400x128xbf16>
    %mul3A_68 = arith.constant 5.000000e-01 : bf16
    %mul3A_69 = vector.broadcast %mul3A_68 : bf16 to vector<6400x128xbf16>
    %mul3A_70 = arith.mulf %mul3A_69, %convert_element_type3A_67 : vector<6400x128xbf16>
    %tanh3A_71 = math.tanh %mul3A_70 : vector<6400x128xbf16>
    %mul3A_72 = arith.mulf %mul3A_70, %tanh3A_71 : vector<6400x128xbf16>
    %add3A_73 = arith.addf %mul3A_72, %mul3A_70 : vector<6400x128xbf16>
    %get3A_74 = arith.constant 0 : index
    %get3A_75 = arith.constant 0 : index
    %get3A_76 = vector.load %arg10[%get3A_74, %get3A_75] : memref<128x8xf32, #tpu.memory_space<vmem>>, vector<128x8xf32>
    %convert_element_type3A_77 = arith.truncf %get3A_76 : vector<128x8xf32> to vector<128x8xbf16>
    %dot_general3A_78 = arith.constant dense<0.000000e+00> : vector<6400x8xf32>
    %dot_general3A_79 = tpu.matmul %add3A_73, %convert_element_type3A_77, %dot_general3A_78 {dimension_numbers = #tpu.dot_dimension_numbers<[1], [0], [0], [1], [0, 0, 1, 1], [], []>, transpose_lhs_hint = false} : vector<6400x128xbf16>, vector<128x8xbf16>, vector<6400x8xf32> -> vector<6400x8xf32>
    %slice3A_80 = vector.extract_strided_slice %dot_general3A_79 {offsets = [0, 0], sizes = [6400, 1], strides = [1, 1]} : vector<6400x8xf32> to vector<6400x1xf32>
    %reshape3A_81 = vector.shape_cast %add3A_55 : vector<6400x128xbf16> to vector<200x32x128xbf16>
    %convert_element_type3A_82 = arith.extf %reshape3A_81 : vector<200x32x128xbf16> to vector<200x32x128xf32>
    %reduce_sum3A_83 = arith.constant dense<0.000000e+00> : vector<200x128xf32>
    %reduce_sum3A_84 = vector.multi_reduction <add>, %convert_element_type3A_82, %reduce_sum3A_83 [1] : vector<200x32x128xf32> to vector<200x128xf32>
    %mul3A_85 = vector.broadcast %slice3A_80 : vector<6400x1xf32> to vector<6400x3xf32>
    %mul3A_86 = arith.mulf %sub3A, %mul3A_85 : vector<6400x3xf32>
    %reshape3A_87 = vector.shape_cast %mul3A_86 : vector<6400x3xf32> to vector<200x32x3xf32>
    %reduce_sum3A_88 = arith.constant dense<0.000000e+00> : vector<200x3xf32>
    %reduce_sum3A_89 = vector.multi_reduction <add>, %reshape3A_87, %reduce_sum3A_88 [1] : vector<200x32x3xf32> to vector<200x3xf32>
    %mul3A_90 = arith.constant 3.125000e-02 : f32
    %mul3A_91 = vector.broadcast %mul3A_90 : f32 to vector<200x3xf32>
    %mul3A_92 = arith.mulf %reduce_sum3A_89, %mul3A_91 : vector<200x3xf32>
    %add3A_93 = arith.addf %get3A_13, %mul3A_92 : vector<200x3xf32>
    %swap3A = arith.constant 0 : index
    %swap3A_94 = arith.constant 0 : index
    %swap3A_95 = arith.constant 0 : index
    %swap3A_96 = vector.load %arg17[%swap3A, %swap3A_94, %swap3A_95] : memref<1x200x3xf32, #tpu.memory_space<vmem>>, vector<1x200x3xf32>
    %swap3A_97 = vector.shape_cast %swap3A_96 : vector<1x200x3xf32> to vector<200x3xf32>
    %swap3A_98 = vector.shape_cast %add3A_93 : vector<200x3xf32> to vector<1x200x3xf32>
    tpu.vector_store %arg17[%swap3A, %swap3A_94, %swap3A_95], %swap3A_98 {strides = array<i32>} : memref<1x200x3xf32, #tpu.memory_space<vmem>>, vector<1x200x3xf32>,
    %get3A_99 = arith.constant 0 : index
    %get3A_100 = arith.constant 0 : index
    %get3A_101 = arith.constant 0 : index
    %get3A_102 = vector.load %arg3[%get3A_99, %get3A_100, %get3A_101] : memref<1x200x128xf32, #tpu.memory_space<vmem>>, vector<1x200x128xf32>
    %get3A_103 = vector.shape_cast %get3A_102 : vector<1x200x128xf32> to vector<200x128xf32>
    %get3A_104 = arith.constant 0 : index
    %get3A_105 = arith.constant 0 : index
    %get3A_106 = vector.load %arg11[%get3A_104, %get3A_105] : memref<128x128xf32, #tpu.memory_space<vmem>>, vector<128x128xf32>
    %convert_element_type3A_107 = arith.truncf %get3A_103 : vector<200x128xf32> to vector<200x128xbf16>
    %convert_element_type3A_108 = arith.truncf %get3A_106 : vector<128x128xf32> to vector<128x128xbf16>
    %dot_general3A_109 = arith.constant dense<0.000000e+00> : vector<200x128xf32>
    %dot_general3A_110 = tpu.matmul %convert_element_type3A_107, %convert_element_type3A_108, %dot_general3A_109 {dimension_numbers = #tpu.dot_dimension_numbers<[1], [0], [0], [1], [0, 0, 1, 1], [], []>, transpose_lhs_hint = false} : vector<200x128xbf16>, vector<128x128xbf16>, vector<200x128xf32> -> vector<200x128xf32>
    %get3A_111 = arith.constant 0 : index
    %get3A_112 = arith.constant 0 : index
    %get3A_113 = vector.load %arg12[%get3A_111, %get3A_112] : memref<128x128xf32, #tpu.memory_space<vmem>>, vector<128x128xf32>
    %convert_element_type3A_114 = arith.truncf %reduce_sum3A_84 : vector<200x128xf32> to vector<200x128xbf16>
    %convert_element_type3A_115 = arith.truncf %get3A_113 : vector<128x128xf32> to vector<128x128xbf16>
    %dot_general3A_116 = arith.constant dense<0.000000e+00> : vector<200x128xf32>
    %dot_general3A_117 = tpu.matmul %convert_element_type3A_114, %convert_element_type3A_115, %dot_general3A_116 {dimension_numbers = #tpu.dot_dimension_numbers<[1], [0], [0], [1], [0, 0, 1, 1], [], []>, transpose_lhs_hint = false} : vector<200x128xbf16>, vector<128x128xbf16>, vector<200x128xf32> -> vector<200x128xf32>
    %add3A_118 = arith.addf %dot_general3A_110, %dot_general3A_117 : vector<200x128xf32>
    %get3A_119 = arith.constant 0 : index
    %get3A_120 = arith.constant 0 : index
    %get3A_121 = vector.load %arg13[%get3A_119, %get3A_120] : memref<1x128xf32, #tpu.memory_space<vmem>>, vector<1x128xf32>
    %add3A_122 = vector.broadcast %get3A_121 : vector<1x128xf32> to vector<200x128xf32>
    %add3A_123 = arith.addf %add3A_118, %add3A_122 : vector<200x128xf32>
    %mul3A_124 = arith.constant 5.000000e-01 : f32
    %mul3A_125 = vector.broadcast %mul3A_124 : f32 to vector<200x128xf32>
    %mul3A_126 = arith.mulf %mul3A_125, %add3A_123 : vector<200x128xf32>
    %tanh3A_127 = math.tanh %mul3A_126 : vector<200x128xf32>
    %mul3A_128 = arith.mulf %mul3A_126, %tanh3A_127 : vector<200x128xf32>
    %add3A_129 = arith.addf %mul3A_128, %mul3A_126 : vector<200x128xf32>
    %get3A_130 = arith.constant 0 : index
    %get3A_131 = arith.constant 0 : index
    %get3A_132 = vector.load %arg14[%get3A_130, %get3A_131] : memref<128x128xf32, #tpu.memory_space<vmem>>, vector<128x128xf32>
    %convert_element_type3A_133 = arith.truncf %add3A_129 : vector<200x128xf32> to vector<200x128xbf16>
    %convert_element_type3A_134 = arith.truncf %get3A_132 : vector<128x128xf32> to vector<128x128xbf16>
    %dot_general3A_135 = arith.constant dense<0.000000e+00> : vector<200x128xf32>
    %dot_general3A_136 = tpu.matmul %convert_element_type3A_133, %convert_element_type3A_134, %dot_general3A_135 {dimension_numbers = #tpu.dot_dimension_numbers<[1], [0], [0], [1], [0, 0, 1, 1], [], []>, transpose_lhs_hint = false} : vector<200x128xbf16>, vector<128x128xbf16>, vector<200x128xf32> -> vector<200x128xf32>
    %get3A_137 = arith.constant 0 : index
    %get3A_138 = arith.constant 0 : index
    %get3A_139 = vector.load %arg15[%get3A_137, %get3A_138] : memref<1x128xf32, #tpu.memory_space<vmem>>, vector<1x128xf32>
    %add3A_140 = vector.broadcast %get3A_139 : vector<1x128xf32> to vector<200x128xf32>
    %add3A_141 = arith.addf %dot_general3A_136, %add3A_140 : vector<200x128xf32>
    %add3A_142 = arith.addf %add3A_141, %get3A_103 : vector<200x128xf32>
    %swap3A_143 = arith.constant 0 : index
    %swap3A_144 = arith.constant 0 : index
    %swap3A_145 = arith.constant 0 : index
    %swap3A_146 = vector.load %arg16[%swap3A_143, %swap3A_144, %swap3A_145] : memref<1x200x128xf32, #tpu.memory_space<vmem>>, vector<1x200x128xf32>
    %swap3A_147 = vector.shape_cast %swap3A_146 : vector<1x200x128xf32> to vector<200x128xf32>
    %swap3A_148 = vector.shape_cast %add3A_142 : vector<200x128xf32> to vector<1x200x128xf32>
    tpu.vector_store %arg16[%swap3A_143, %swap3A_144, %swap3A_145], %swap3A_148 {strides = array<i32>} : memref<1x200x128xf32, #tpu.memory_space<vmem>>, vector<1x200x128xf32>,
    return
  }
  func.func @transform_0(%arg0: i32) -> (i32, i32) {
    %c0_i32 = arith.constant 0 : i32
    %c0_i32_0 = arith.constant 0 : i32
    return %arg0, %c0_i32 : i32, i32
  }
  func.func @transform_1(%arg0: i32) -> (i32, i32, i32) {
    %add3A = arith.constant 0 : i32
    %add3A_0 = arith.addi %arg0, %add3A : i32
    %c0_i32 = arith.constant 0 : i32
    %c0_i32_1 = arith.constant 0 : i32
    %c0_i32_2 = arith.constant 0 : i32
    return %c0_i32, %add3A_0, %c0_i32_1 : i32, i32, i32
  }
  func.func @transform_2(%arg0: i32) -> (i32, i32, i32) {
    %add3A = arith.constant 0 : i32
    %add3A_0 = arith.addi %arg0, %add3A : i32
    %c0_i32 = arith.constant 0 : i32
    %c0_i32_1 = arith.constant 0 : i32
    %c0_i32_2 = arith.constant 0 : i32
    return %c0_i32, %add3A_0, %c0_i32_1 : i32, i32, i32
  }
  func.func @transform_3(%arg0: i32) -> (i32, i32, i32) {
    %add3A = arith.constant 0 : i32
    %add3A_0 = arith.addi %arg0, %add3A : i32
    %c0_i32 = arith.constant 0 : i32
    %c0_i32_1 = arith.constant 0 : i32
    %c0_i32_2 = arith.constant 0 : i32
    return %c0_i32, %add3A_0, %c0_i32_1 : i32, i32, i32
  }
  func.func @transform_4(%arg0: i32) -> (i32, i32) {
    %c0_i32 = arith.constant 0 : i32
    %c0_i32_0 = arith.constant 0 : i32
    %c0_i32_1 = arith.constant 0 : i32
    return %c0_i32, %c0_i32_0 : i32, i32
  }
  func.func @transform_5(%arg0: i32) -> (i32, i32) {
    %c0_i32 = arith.constant 0 : i32
    %c0_i32_0 = arith.constant 0 : i32
    %c0_i32_1 = arith.constant 0 : i32
    return %c0_i32, %c0_i32_0 : i32, i32
  }
  func.func @transform_6(%arg0: i32) -> (i32, i32) {
    %c0_i32 = arith.constant 0 : i32
    %c0_i32_0 = arith.constant 0 : i32
    %c0_i32_1 = arith.constant 0 : i32
    return %c0_i32, %c0_i32_0 : i32, i32
  }
  func.func @transform_7(%arg0: i32) -> (i32, i32) {
    %c0_i32 = arith.constant 0 : i32
    %c0_i32_0 = arith.constant 0 : i32
    %c0_i32_1 = arith.constant 0 : i32
    return %c0_i32, %c0_i32_0 : i32, i32
  }
  func.func @transform_8(%arg0: i32) -> (i32, i32) {
    %c0_i32 = arith.constant 0 : i32
    %c0_i32_0 = arith.constant 0 : i32
    %c0_i32_1 = arith.constant 0 : i32
    return %c0_i32, %c0_i32_0 : i32, i32
  }
  func.func @transform_9(%arg0: i32) -> (i32, i32) {
    %c0_i32 = arith.constant 0 : i32
    %c0_i32_0 = arith.constant 0 : i32
    %c0_i32_1 = arith.constant 0 : i32
    return %c0_i32, %c0_i32_0 : i32, i32
  }
  func.func @transform_10(%arg0: i32) -> (i32, i32) {
    %c0_i32 = arith.constant 0 : i32
    %c0_i32_0 = arith.constant 0 : i32
    %c0_i32_1 = arith.constant 0 : i32
    return %c0_i32, %c0_i32_0 : i32, i32
  }
  func.func @transform_11(%arg0: i32) -> (i32, i32) {
    %c0_i32 = arith.constant 0 : i32
    %c0_i32_0 = arith.constant 0 : i32
    %c0_i32_1 = arith.constant 0 : i32
    return %c0_i32, %c0_i32_0 : i32, i32
  }
  func.func @transform_12(%arg0: i32) -> (i32, i32) {
    %c0_i32 = arith.constant 0 : i32
    %c0_i32_0 = arith.constant 0 : i32
    %c0_i32_1 = arith.constant 0 : i32
    return %c0_i32, %c0_i32_0 : i32, i32
  }
  func.func @transform_13(%arg0: i32) -> (i32, i32) {
    %c0_i32 = arith.constant 0 : i32
    %c0_i32_0 = arith.constant 0 : i32
    %c0_i32_1 = arith.constant 0 : i32
    return %c0_i32, %c0_i32_0 : i32, i32
  }
  func.func @transform_14(%arg0: i32) -> (i32, i32) {
    %c0_i32 = arith.constant 0 : i32
    %c0_i32_0 = arith.constant 0 : i32
    %c0_i32_1 = arith.constant 0 : i32
    return %c0_i32, %c0_i32_0 : i32, i32
  }
  func.func @transform_15(%arg0: i32) -> (i32, i32, i32) {
    %c0_i32 = arith.constant 0 : i32
    %c0_i32_0 = arith.constant 0 : i32
    %c0_i32_1 = arith.constant 0 : i32
    return %c0_i32, %arg0, %c0_i32_0 : i32, i32, i32
  }
  func.func @transform_16(%arg0: i32) -> (i32, i32, i32) {
    %c0_i32 = arith.constant 0 : i32
    %c0_i32_0 = arith.constant 0 : i32
    %c0_i32_1 = arith.constant 0 : i32
    return %c0_i32, %arg0, %c0_i32_0 : i32, i32, i32
  }
}

module attributes {stable_mosaic.version = 14 : i64} {
  func.func @_edge_body(%arg0: i32, %arg1: memref<6400x128xf32, #tpu.memory_space<vmem>>, %arg2: memref<1x200x128xf32, #tpu.memory_space<vmem>>, %arg3: memref<1x200x128xf32, #tpu.memory_space<vmem>>, %arg4: memref<1x200x3xf32, #tpu.memory_space<vmem>>, %arg5: memref<1x128xf32, #tpu.memory_space<vmem>>, %arg6: memref<128x128xf32, #tpu.memory_space<vmem>>, %arg7: memref<1x128xf32, #tpu.memory_space<vmem>>, %arg8: memref<128x128xf32, #tpu.memory_space<vmem>>, %arg9: memref<1x128xf32, #tpu.memory_space<vmem>>, %arg10: memref<128x8xf32, #tpu.memory_space<vmem>>, %arg11: memref<128x128xf32, #tpu.memory_space<vmem>>, %arg12: memref<128x128xf32, #tpu.memory_space<vmem>>, %arg13: memref<1x128xf32, #tpu.memory_space<vmem>>, %arg14: memref<128x128xf32, #tpu.memory_space<vmem>>, %arg15: memref<1x128xf32, #tpu.memory_space<vmem>>, %arg16: memref<1x200x128xf32, #tpu.memory_space<vmem>>, %arg17: memref<1x200x3xf32, #tpu.memory_space<vmem>>) attributes {dimension_semantics = [#tpu.dimension_semantics<arbitrary>], iteration_bounds = array<i64: 15>, scalar_prefetch = 0 : i64, scratch_operands = 0 : i64, tpu.core_type = #tpu.core_type<tc>, window_params = [{transform_indices = @transform_0, window_bounds = array<i64: 6400, 128>}, {transform_indices = @transform_1, window_bounds = array<i64: 1, 200, 128>}, {transform_indices = @transform_2, window_bounds = array<i64: 1, 200, 128>}, {transform_indices = @transform_3, window_bounds = array<i64: 1, 200, 3>}, {pipeline_mode = #tpu.pipeline_mode<synchronous>, transform_indices = @transform_4, window_bounds = array<i64: 1, 128>}, {pipeline_mode = #tpu.pipeline_mode<synchronous>, transform_indices = @transform_5, window_bounds = array<i64: 128, 128>}, {pipeline_mode = #tpu.pipeline_mode<synchronous>, transform_indices = @transform_6, window_bounds = array<i64: 1, 128>}, {pipeline_mode = #tpu.pipeline_mode<synchronous>, transform_indices = @transform_7, window_bounds = array<i64: 128, 128>}, {pipeline_mode = #tpu.pipeline_mode<synchronous>, transform_indices = @transform_8, window_bounds = array<i64: 1, 128>}, {pipeline_mode = #tpu.pipeline_mode<synchronous>, transform_indices = @transform_9, window_bounds = array<i64: 128, 8>}, {pipeline_mode = #tpu.pipeline_mode<synchronous>, transform_indices = @transform_10, window_bounds = array<i64: 128, 128>}, {pipeline_mode = #tpu.pipeline_mode<synchronous>, transform_indices = @transform_11, window_bounds = array<i64: 128, 128>}, {pipeline_mode = #tpu.pipeline_mode<synchronous>, transform_indices = @transform_12, window_bounds = array<i64: 1, 128>}, {pipeline_mode = #tpu.pipeline_mode<synchronous>, transform_indices = @transform_13, window_bounds = array<i64: 128, 128>}, {pipeline_mode = #tpu.pipeline_mode<synchronous>, transform_indices = @transform_14, window_bounds = array<i64: 1, 128>}, {transform_indices = @transform_15, window_bounds = array<i64: 1, 200, 128>}, {transform_indices = @transform_16, window_bounds = array<i64: 1, 200, 3>}]} {
    %get3A = arith.constant 0 : index
    %get3A_0 = arith.constant 0 : index
    %get3A_1 = vector.load %arg1[%get3A, %get3A_0] : memref<6400x128xf32, #tpu.memory_space<vmem>>, vector<6400x128xf32>
    %slice3A = vector.extract_strided_slice %get3A_1 {offsets = [0, 0], sizes = [6400, 64], strides = [1, 1]} : vector<6400x128xf32> to vector<6400x64xf32>
    %bitcast_convert_type3A = tpu.bitcast %slice3A : vector<6400x64xf32> -> vector<6400x64xi32>
    %shift_left3A = arith.constant 16 : i32
    %shift_left3A_2 = vector.broadcast %shift_left3A : i32 to vector<6400x64xi32>
    %shift_left3A_3 = arith.shli %bitcast_convert_type3A, %shift_left3A_2 : vector<6400x64xi32>
    %bitcast_convert_type3A_4 = tpu.bitcast %shift_left3A_3 : vector<6400x64xi32> -> vector<6400x64xf32>
    %and3A = arith.constant -65536 : i32
    %and3A_5 = vector.broadcast %and3A : i32 to vector<6400x64xi32>
    %and3A_6 = arith.andi %bitcast_convert_type3A, %and3A_5 : vector<6400x64xi32>
    %bitcast_convert_type3A_7 = tpu.bitcast %and3A_6 : vector<6400x64xi32> -> vector<6400x64xf32>
    %concatenate3A = tpu.concatenate %bitcast_convert_type3A_4, %bitcast_convert_type3A_7 in 1 : vector<6400x64xf32>, vector<6400x64xf32> -> vector<6400x128xf32>
    %slice3A_8 = vector.extract_strided_slice %get3A_1 {offsets = [0, 64], sizes = [6400, 3], strides = [1, 1]} : vector<6400x128xf32> to vector<6400x3xf32>
    %get3A_9 = arith.constant 0 : index
    %get3A_10 = arith.constant 0 : index
    %get3A_11 = arith.constant 0 : index
    %get3A_12 = vector.load %arg4[%get3A_9, %get3A_10, %get3A_11] : memref<1x200x3xf32, #tpu.memory_space<vmem>>, vector<1x200x3xf32>
    %get3A_13 = vector.shape_cast %get3A_12 : vector<1x200x3xf32> to vector<200x3xf32>
    %broadcast_in_dim3A = vector.shape_cast %get3A_13 : vector<200x3xf32> to vector<200x1x3xf32>
    %broadcast_in_dim3A_14 = vector.shape_cast %broadcast_in_dim3A : vector<200x1x3xf32> to vector<200x1x3xf32>
    %broadcast_in_dim3A_15 = vector.broadcast %broadcast_in_dim3A_14 : vector<200x1x3xf32> to vector<200x32x3xf32>
    %reshape3A = vector.shape_cast %broadcast_in_dim3A_15 : vector<200x32x3xf32> to vector<6400x3xf32>
    %sub3A = arith.subf %reshape3A, %slice3A_8 : vector<6400x3xf32>
    %mul3A = arith.mulf %sub3A, %sub3A : vector<6400x3xf32>
    %reduce_sum3A = arith.constant dense<0.000000e+00> : vector<6400xf32>
    %reduce_sum3A_16 = vector.multi_reduction <add>, %mul3A, %reduce_sum3A [1] : vector<6400x3xf32> to vector<6400xf32>
    %broadcast_in_dim3A_17 = vector.shape_cast %reduce_sum3A_16 : vector<6400xf32> to vector<6400x1xf32>
    %get3A_18 = arith.constant 0 : index
    %get3A_19 = arith.constant 0 : index
    %get3A_20 = arith.constant 0 : index
    %get3A_21 = vector.load %arg2[%get3A_18, %get3A_19, %get3A_20] : memref<1x200x128xf32, #tpu.memory_space<vmem>>, vector<1x200x128xf32>
    %get3A_22 = vector.shape_cast %get3A_21 : vector<1x200x128xf32> to vector<200x128xf32>
    %broadcast_in_dim3A_23 = vector.shape_cast %get3A_22 : vector<200x128xf32> to vector<200x1x128xf32>
    %broadcast_in_dim3A_24 = vector.shape_cast %broadcast_in_dim3A_23 : vector<200x1x128xf32> to vector<200x1x128xf32>
    %broadcast_in_dim3A_25 = vector.broadcast %broadcast_in_dim3A_24 : vector<200x1x128xf32> to vector<200x32x128xf32>
    %reshape3A_26 = vector.shape_cast %broadcast_in_dim3A_25 : vector<200x32x128xf32> to vector<6400x128xf32>
    %add3A = arith.addf %reshape3A_26, %concatenate3A : vector<6400x128xf32>
    %get3A_27 = arith.constant 0 : index
    %get3A_28 = arith.constant 0 : index
    %get3A_29 = vector.load %arg5[%get3A_27, %get3A_28] : memref<1x128xf32, #tpu.memory_space<vmem>>, vector<1x128xf32>
    %mul3A_30 = vector.broadcast %broadcast_in_dim3A_17 : vector<6400x1xf32> to vector<6400x128xf32>
    %mul3A_31 = vector.broadcast %get3A_29 : vector<1x128xf32> to vector<6400x128xf32>
    %mul3A_32 = arith.mulf %mul3A_30, %mul3A_31 : vector<6400x128xf32>
    %add3A_33 = arith.addf %add3A, %mul3A_32 : vector<6400x128xf32>
    %convert_element_type3A = arith.truncf %add3A_33 : vector<6400x128xf32> to vector<6400x128xbf16>
    %mul3A_34 = arith.constant 5.000000e-01 : bf16
    %mul3A_35 = vector.broadcast %mul3A_34 : bf16 to vector<6400x128xbf16>
    %mul3A_36 = arith.mulf %mul3A_35, %convert_element_type3A : vector<6400x128xbf16>
    %tanh3A = math.tanh %mul3A_36 : vector<6400x128xbf16>
    %mul3A_37 = arith.mulf %mul3A_36, %tanh3A : vector<6400x128xbf16>
    %add3A_38 = arith.addf %mul3A_37, %mul3A_36 : vector<6400x128xbf16>
    %get3A_39 = arith.constant 0 : index
    %get3A_40 = arith.constant 0 : index
    %get3A_41 = vector.load %arg6[%get3A_39, %get3A_40] : memref<128x128xf32, #tpu.memory_space<vmem>>, vector<128x128xf32>
    %convert_element_type3A_42 = arith.truncf %get3A_41 : vector<128x128xf32> to vector<128x128xbf16>
    %dot_general3A = arith.constant dense<0.000000e+00> : vector<6400x128xf32>
    %dot_general3A_43 = tpu.matmul %add3A_38, %convert_element_type3A_42, %dot_general3A {dimension_numbers = #tpu.dot_dimension_numbers<[1], [0], [0], [1], [0, 0, 1, 1], [], []>, transpose_lhs_hint = false} : vector<6400x128xbf16>, vector<128x128xbf16>, vector<6400x128xf32> -> vector<6400x128xf32>
    %get3A_44 = arith.constant 0 : index
    %get3A_45 = arith.constant 0 : index
    %get3A_46 = vector.load %arg7[%get3A_44, %get3A_45] : memref<1x128xf32, #tpu.memory_space<vmem>>, vector<1x128xf32>
    %add3A_47 = vector.broadcast %get3A_46 : vector<1x128xf32> to vector<6400x128xf32>
    %add3A_48 = arith.addf %dot_general3A_43, %add3A_47 : vector<6400x128xf32>
    %convert_element_type3A_49 = arith.truncf %add3A_48 : vector<6400x128xf32> to vector<6400x128xbf16>
    %mul3A_50 = arith.constant 5.000000e-01 : bf16
    %mul3A_51 = vector.broadcast %mul3A_50 : bf16 to vector<6400x128xbf16>
    %mul3A_52 = arith.mulf %mul3A_51, %convert_element_type3A_49 : vector<6400x128xbf16>
    %tanh3A_53 = math.tanh %mul3A_52 : vector<6400x128xbf16>
    %mul3A_54 = arith.mulf %mul3A_52, %tanh3A_53 : vector<6400x128xbf16>
    %add3A_55 = arith.addf %mul3A_54, %mul3A_52 : vector<6400x128xbf16>
    %get3A_56 = arith.constant 0 : index
    %get3A_57 = arith.constant 0 : index
    %get3A_58 = vector.load %arg8[%get3A_56, %get3A_57] : memref<128x128xf32, #tpu.memory_space<vmem>>, vector<128x128xf32>
    %convert_element_type3A_59 = arith.truncf %get3A_58 : vector<128x128xf32> to vector<128x128xbf16>
    %dot_general3A_60 = arith.constant dense<0.000000e+00> : vector<6400x128xf32>
    %dot_general3A_61 = tpu.matmul %add3A_55, %convert_element_type3A_59, %dot_general3A_60 {dimension_numbers = #tpu.dot_dimension_numbers<[1], [0], [0], [1], [0, 0, 1, 1], [], []>, transpose_lhs_hint = false} : vector<6400x128xbf16>, vector<128x128xbf16>, vector<6400x128xf32> -> vector<6400x128xf32>
    %get3A_62 = arith.constant 0 : index
    %get3A_63 = arith.constant 0 : index
    %get3A_64 = vector.load %arg9[%get3A_62, %get3A_63] : memref<1x128xf32, #tpu.memory_space<vmem>>, vector<1x128xf32>
    %add3A_65 = vector.broadcast %get3A_64 : vector<1x128xf32> to vector<6400x128xf32>
    %add3A_66 = arith.addf %dot_general3A_61, %add3A_65 : vector<6400x128xf32>
    %convert_element_type3A_67 = arith.truncf %add3A_66 : vector<6400x128xf32> to vector<6400x128xbf16>
    %mul3A_68 = arith.constant 5.000000e-01 : bf16
    %mul3A_69 = vector.broadcast %mul3A_68 : bf16 to vector<6400x128xbf16>
    %mul3A_70 = arith.mulf %mul3A_69, %convert_element_type3A_67 : vector<6400x128xbf16>
    %tanh3A_71 = math.tanh %mul3A_70 : vector<6400x128xbf16>
    %mul3A_72 = arith.mulf %mul3A_70, %tanh3A_71 : vector<6400x128xbf16>
    %add3A_73 = arith.addf %mul3A_72, %mul3A_70 : vector<6400x128xbf16>
    %get3A_74 = arith.constant 0 : index
    %get3A_75 = arith.constant 0 : index
    %get3A_76 = vector.load %arg10[%get3A_74, %get3A_75] : memref<128x8xf32, #tpu.memory_space<vmem>>, vector<128x8xf32>
    %convert_element_type3A_77 = arith.truncf %get3A_76 : vector<128x8xf32> to vector<128x8xbf16>
    %dot_general3A_78 = arith.constant dense<0.000000e+00> : vector<6400x8xf32>
    %dot_general3A_79 = tpu.matmul %add3A_73, %convert_element_type3A_77, %dot_general3A_78 {dimension_numbers = #tpu.dot_dimension_numbers<[1], [0], [0], [1], [0, 0, 1, 1], [], []>, transpose_lhs_hint = false} : vector<6400x128xbf16>, vector<128x8xbf16>, vector<6400x8xf32> -> vector<6400x8xf32>
    %slice3A_80 = vector.extract_strided_slice %dot_general3A_79 {offsets = [0, 0], sizes = [6400, 1], strides = [1, 1]} : vector<6400x8xf32> to vector<6400x1xf32>
    %reshape3A_81 = vector.shape_cast %add3A_55 : vector<6400x128xbf16> to vector<200x32x128xbf16>
    %convert_element_type3A_82 = arith.extf %reshape3A_81 : vector<200x32x128xbf16> to vector<200x32x128xf32>
    %reduce_sum3A_83 = arith.constant dense<0.000000e+00> : vector<200x128xf32>
    %reduce_sum3A_84 = vector.multi_reduction <add>, %convert_element_type3A_82, %reduce_sum3A_83 [1] : vector<200x32x128xf32> to vector<200x128xf32>
    %mul3A_85 = vector.broadcast %slice3A_80 : vector<6400x1xf32> to vector<6400x3xf32>
    %mul3A_86 = arith.mulf %sub3A, %mul3A_85 : vector<6400x3xf32>
    %reshape3A_87 = vector.shape_cast %mul3A_86 : vector<6400x3xf32> to vector<200x32x3xf32>
    %reduce_sum3A_88 = arith.constant dense<0.000000e+00> : vector<200x3xf32>
    %reduce_sum3A_89 = vector.multi_reduction <add>, %reshape3A_87, %reduce_sum3A_88 [1] : vector<200x32x3xf32> to vector<200x3xf32>
    %mul3A_90 = arith.constant 3.125000e-02 : f32
    %mul3A_91 = vector.broadcast %mul3A_90 : f32 to vector<200x3xf32>
    %mul3A_92 = arith.mulf %reduce_sum3A_89, %mul3A_91 : vector<200x3xf32>
    %add3A_93 = arith.addf %get3A_13, %mul3A_92 : vector<200x3xf32>
    %swap3A = arith.constant 0 : index
    %swap3A_94 = arith.constant 0 : index
    %swap3A_95 = arith.constant 0 : index
    %swap3A_96 = vector.load %arg17[%swap3A, %swap3A_94, %swap3A_95] : memref<1x200x3xf32, #tpu.memory_space<vmem>>, vector<1x200x3xf32>
    %swap3A_97 = vector.shape_cast %swap3A_96 : vector<1x200x3xf32> to vector<200x3xf32>
    %swap3A_98 = vector.shape_cast %add3A_93 : vector<200x3xf32> to vector<1x200x3xf32>
    tpu.vector_store %arg17[%swap3A, %swap3A_94, %swap3A_95], %swap3A_98 {strides = array<i32>} : memref<1x200x3xf32, #tpu.memory_space<vmem>>, vector<1x200x3xf32>,
    %get3A_99 = arith.constant 0 : index
    %get3A_100 = arith.constant 0 : index
    %get3A_101 = arith.constant 0 : index
    %get3A_102 = vector.load %arg3[%get3A_99, %get3A_100, %get3A_101] : memref<1x200x128xf32, #tpu.memory_space<vmem>>, vector<1x200x128xf32>
    %get3A_103 = vector.shape_cast %get3A_102 : vector<1x200x128xf32> to vector<200x128xf32>
    %get3A_104 = arith.constant 0 : index
    %get3A_105 = arith.constant 0 : index
    %get3A_106 = vector.load %arg11[%get3A_104, %get3A_105] : memref<128x128xf32, #tpu.memory_space<vmem>>, vector<128x128xf32>
    %convert_element_type3A_107 = arith.truncf %get3A_103 : vector<200x128xf32> to vector<200x128xbf16>
    %convert_element_type3A_108 = arith.truncf %get3A_106 : vector<128x128xf32> to vector<128x128xbf16>
    %dot_general3A_109 = arith.constant dense<0.000000e+00> : vector<200x128xf32>
    %dot_general3A_110 = tpu.matmul %convert_element_type3A_107, %convert_element_type3A_108, %dot_general3A_109 {dimension_numbers = #tpu.dot_dimension_numbers<[1], [0], [0], [1], [0, 0, 1, 1], [], []>, transpose_lhs_hint = false} : vector<200x128xbf16>, vector<128x128xbf16>, vector<200x128xf32> -> vector<200x128xf32>
    %get3A_111 = arith.constant 0 : index
    %get3A_112 = arith.constant 0 : index
    %get3A_113 = vector.load %arg12[%get3A_111, %get3A_112] : memref<128x128xf32, #tpu.memory_space<vmem>>, vector<128x128xf32>
    %convert_element_type3A_114 = arith.truncf %reduce_sum3A_84 : vector<200x128xf32> to vector<200x128xbf16>
    %convert_element_type3A_115 = arith.truncf %get3A_113 : vector<128x128xf32> to vector<128x128xbf16>
    %dot_general3A_116 = arith.constant dense<0.000000e+00> : vector<200x128xf32>
    %dot_general3A_117 = tpu.matmul %convert_element_type3A_114, %convert_element_type3A_115, %dot_general3A_116 {dimension_numbers = #tpu.dot_dimension_numbers<[1], [0], [0], [1], [0, 0, 1, 1], [], []>, transpose_lhs_hint = false} : vector<200x128xbf16>, vector<128x128xbf16>, vector<200x128xf32> -> vector<200x128xf32>
    %add3A_118 = arith.addf %dot_general3A_110, %dot_general3A_117 : vector<200x128xf32>
    %get3A_119 = arith.constant 0 : index
    %get3A_120 = arith.constant 0 : index
    %get3A_121 = vector.load %arg13[%get3A_119, %get3A_120] : memref<1x128xf32, #tpu.memory_space<vmem>>, vector<1x128xf32>
    %add3A_122 = vector.broadcast %get3A_121 : vector<1x128xf32> to vector<200x128xf32>
    %add3A_123 = arith.addf %add3A_118, %add3A_122 : vector<200x128xf32>
    %mul3A_124 = arith.constant 5.000000e-01 : f32
    %mul3A_125 = vector.broadcast %mul3A_124 : f32 to vector<200x128xf32>
    %mul3A_126 = arith.mulf %mul3A_125, %add3A_123 : vector<200x128xf32>
    %tanh3A_127 = math.tanh %mul3A_126 : vector<200x128xf32>
    %mul3A_128 = arith.mulf %mul3A_126, %tanh3A_127 : vector<200x128xf32>
    %add3A_129 = arith.addf %mul3A_128, %mul3A_126 : vector<200x128xf32>
    %get3A_130 = arith.constant 0 : index
    %get3A_131 = arith.constant 0 : index
    %get3A_132 = vector.load %arg14[%get3A_130, %get3A_131] : memref<128x128xf32, #tpu.memory_space<vmem>>, vector<128x128xf32>
    %convert_element_type3A_133 = arith.truncf %add3A_129 : vector<200x128xf32> to vector<200x128xbf16>
    %convert_element_type3A_134 = arith.truncf %get3A_132 : vector<128x128xf32> to vector<128x128xbf16>
    %dot_general3A_135 = arith.constant dense<0.000000e+00> : vector<200x128xf32>
    %dot_general3A_136 = tpu.matmul %convert_element_type3A_133, %convert_element_type3A_134, %dot_general3A_135 {dimension_numbers = #tpu.dot_dimension_numbers<[1], [0], [0], [1], [0, 0, 1, 1], [], []>, transpose_lhs_hint = false} : vector<200x128xbf16>, vector<128x128xbf16>, vector<200x128xf32> -> vector<200x128xf32>
    %get3A_137 = arith.constant 0 : index
    %get3A_138 = arith.constant 0 : index
    %get3A_139 = vector.load %arg15[%get3A_137, %get3A_138] : memref<1x128xf32, #tpu.memory_space<vmem>>, vector<1x128xf32>
    %add3A_140 = vector.broadcast %get3A_139 : vector<1x128xf32> to vector<200x128xf32>
    %add3A_141 = arith.addf %dot_general3A_136, %add3A_140 : vector<200x128xf32>
    %add3A_142 = arith.addf %add3A_141, %get3A_103 : vector<200x128xf32>
    %swap3A_143 = arith.constant 0 : index
    %swap3A_144 = arith.constant 0 : index
    %swap3A_145 = arith.constant 0 : index
    %swap3A_146 = vector.load %arg16[%swap3A_143, %swap3A_144, %swap3A_145] : memref<1x200x128xf32, #tpu.memory_space<vmem>>, vector<1x200x128xf32>
    %swap3A_147 = vector.shape_cast %swap3A_146 : vector<1x200x128xf32> to vector<200x128xf32>
    %swap3A_148 = vector.shape_cast %add3A_142 : vector<200x128xf32> to vector<1x200x128xf32>
    tpu.vector_store %arg16[%swap3A_143, %swap3A_144, %swap3A_145], %swap3A_148 {strides = array<i32>} : memref<1x200x128xf32, #tpu.memory_space<vmem>>, vector<1x200x128xf32>,
    return
  }
  func.func @transform_0(%arg0: i32) -> (i32, i32) {
    %c0_i32 = arith.constant 0 : i32
    %c0_i32_0 = arith.constant 0 : i32
    return %arg0, %c0_i32 : i32, i32
  }
  func.func @transform_1(%arg0: i32) -> (i32, i32, i32) {
    %add3A = arith.constant 10 : i32
    %add3A_0 = arith.addi %arg0, %add3A : i32
    %c0_i32 = arith.constant 0 : i32
    %c0_i32_1 = arith.constant 0 : i32
    %c0_i32_2 = arith.constant 0 : i32
    return %c0_i32, %add3A_0, %c0_i32_1 : i32, i32, i32
  }
  func.func @transform_2(%arg0: i32) -> (i32, i32, i32) {
    %add3A = arith.constant 10 : i32
    %add3A_0 = arith.addi %arg0, %add3A : i32
    %c0_i32 = arith.constant 0 : i32
    %c0_i32_1 = arith.constant 0 : i32
    %c0_i32_2 = arith.constant 0 : i32
    return %c0_i32, %add3A_0, %c0_i32_1 : i32, i32, i32
  }
  func.func @transform_3(%arg0: i32) -> (i32, i32, i32) {
    %add3A = arith.constant 10 : i32
    %add3A_0 = arith.addi %arg0, %add3A : i32
    %c0_i32 = arith.constant 0 : i32
    %c0_i32_1 = arith.constant 0 : i32
    %c0_i32_2 = arith.constant 0 : i32
    return %c0_i32, %add3A_0, %c0_i32_1 : i32, i32, i32
  }
  func.func @transform_4(%arg0: i32) -> (i32, i32) {
    %c0_i32 = arith.constant 0 : i32
    %c0_i32_0 = arith.constant 0 : i32
    %c0_i32_1 = arith.constant 0 : i32
    return %c0_i32, %c0_i32_0 : i32, i32
  }
  func.func @transform_5(%arg0: i32) -> (i32, i32) {
    %c0_i32 = arith.constant 0 : i32
    %c0_i32_0 = arith.constant 0 : i32
    %c0_i32_1 = arith.constant 0 : i32
    return %c0_i32, %c0_i32_0 : i32, i32
  }
  func.func @transform_6(%arg0: i32) -> (i32, i32) {
    %c0_i32 = arith.constant 0 : i32
    %c0_i32_0 = arith.constant 0 : i32
    %c0_i32_1 = arith.constant 0 : i32
    return %c0_i32, %c0_i32_0 : i32, i32
  }
  func.func @transform_7(%arg0: i32) -> (i32, i32) {
    %c0_i32 = arith.constant 0 : i32
    %c0_i32_0 = arith.constant 0 : i32
    %c0_i32_1 = arith.constant 0 : i32
    return %c0_i32, %c0_i32_0 : i32, i32
  }
  func.func @transform_8(%arg0: i32) -> (i32, i32) {
    %c0_i32 = arith.constant 0 : i32
    %c0_i32_0 = arith.constant 0 : i32
    %c0_i32_1 = arith.constant 0 : i32
    return %c0_i32, %c0_i32_0 : i32, i32
  }
  func.func @transform_9(%arg0: i32) -> (i32, i32) {
    %c0_i32 = arith.constant 0 : i32
    %c0_i32_0 = arith.constant 0 : i32
    %c0_i32_1 = arith.constant 0 : i32
    return %c0_i32, %c0_i32_0 : i32, i32
  }
  func.func @transform_10(%arg0: i32) -> (i32, i32) {
    %c0_i32 = arith.constant 0 : i32
    %c0_i32_0 = arith.constant 0 : i32
    %c0_i32_1 = arith.constant 0 : i32
    return %c0_i32, %c0_i32_0 : i32, i32
  }
  func.func @transform_11(%arg0: i32) -> (i32, i32) {
    %c0_i32 = arith.constant 0 : i32
    %c0_i32_0 = arith.constant 0 : i32
    %c0_i32_1 = arith.constant 0 : i32
    return %c0_i32, %c0_i32_0 : i32, i32
  }
  func.func @transform_12(%arg0: i32) -> (i32, i32) {
    %c0_i32 = arith.constant 0 : i32
    %c0_i32_0 = arith.constant 0 : i32
    %c0_i32_1 = arith.constant 0 : i32
    return %c0_i32, %c0_i32_0 : i32, i32
  }
  func.func @transform_13(%arg0: i32) -> (i32, i32) {
    %c0_i32 = arith.constant 0 : i32
    %c0_i32_0 = arith.constant 0 : i32
    %c0_i32_1 = arith.constant 0 : i32
    return %c0_i32, %c0_i32_0 : i32, i32
  }
  func.func @transform_14(%arg0: i32) -> (i32, i32) {
    %c0_i32 = arith.constant 0 : i32
    %c0_i32_0 = arith.constant 0 : i32
    %c0_i32_1 = arith.constant 0 : i32
    return %c0_i32, %c0_i32_0 : i32, i32
  }
  func.func @transform_15(%arg0: i32) -> (i32, i32, i32) {
    %c0_i32 = arith.constant 0 : i32
    %c0_i32_0 = arith.constant 0 : i32
    %c0_i32_1 = arith.constant 0 : i32
    return %c0_i32, %arg0, %c0_i32_0 : i32, i32, i32
  }
  func.func @transform_16(%arg0: i32) -> (i32, i32, i32) {
    %c0_i32 = arith.constant 0 : i32
    %c0_i32_0 = arith.constant 0 : i32
    %c0_i32_1 = arith.constant 0 : i32
    return %c0_i32, %arg0, %c0_i32_0 : i32, i32, i32
  }
}

module attributes {stable_mosaic.version = 14 : i64} {
  func.func @_edge_body(%arg0: i32, %arg1: memref<6400x128xf32, #tpu.memory_space<vmem>>, %arg2: memref<1x200x128xf32, #tpu.memory_space<vmem>>, %arg3: memref<1x200x128xf32, #tpu.memory_space<vmem>>, %arg4: memref<1x200x3xf32, #tpu.memory_space<vmem>>, %arg5: memref<1x128xf32, #tpu.memory_space<vmem>>, %arg6: memref<128x128xf32, #tpu.memory_space<vmem>>, %arg7: memref<1x128xf32, #tpu.memory_space<vmem>>, %arg8: memref<128x128xf32, #tpu.memory_space<vmem>>, %arg9: memref<1x128xf32, #tpu.memory_space<vmem>>, %arg10: memref<128x8xf32, #tpu.memory_space<vmem>>, %arg11: memref<128x128xf32, #tpu.memory_space<vmem>>, %arg12: memref<128x128xf32, #tpu.memory_space<vmem>>, %arg13: memref<1x128xf32, #tpu.memory_space<vmem>>, %arg14: memref<128x128xf32, #tpu.memory_space<vmem>>, %arg15: memref<1x128xf32, #tpu.memory_space<vmem>>, %arg16: memref<1x200x128xf32, #tpu.memory_space<vmem>>, %arg17: memref<1x200x3xf32, #tpu.memory_space<vmem>>) attributes {dimension_semantics = [#tpu.dimension_semantics<arbitrary>], iteration_bounds = array<i64: 25>, scalar_prefetch = 0 : i64, scratch_operands = 0 : i64, tpu.core_type = #tpu.core_type<tc>, window_params = [{transform_indices = @transform_0, window_bounds = array<i64: 6400, 128>}, {transform_indices = @transform_1, window_bounds = array<i64: 1, 200, 128>}, {transform_indices = @transform_2, window_bounds = array<i64: 1, 200, 128>}, {transform_indices = @transform_3, window_bounds = array<i64: 1, 200, 3>}, {pipeline_mode = #tpu.pipeline_mode<synchronous>, transform_indices = @transform_4, window_bounds = array<i64: 1, 128>}, {pipeline_mode = #tpu.pipeline_mode<synchronous>, transform_indices = @transform_5, window_bounds = array<i64: 128, 128>}, {pipeline_mode = #tpu.pipeline_mode<synchronous>, transform_indices = @transform_6, window_bounds = array<i64: 1, 128>}, {pipeline_mode = #tpu.pipeline_mode<synchronous>, transform_indices = @transform_7, window_bounds = array<i64: 128, 128>}, {pipeline_mode = #tpu.pipeline_mode<synchronous>, transform_indices = @transform_8, window_bounds = array<i64: 1, 128>}, {pipeline_mode = #tpu.pipeline_mode<synchronous>, transform_indices = @transform_9, window_bounds = array<i64: 128, 8>}, {pipeline_mode = #tpu.pipeline_mode<synchronous>, transform_indices = @transform_10, window_bounds = array<i64: 128, 128>}, {pipeline_mode = #tpu.pipeline_mode<synchronous>, transform_indices = @transform_11, window_bounds = array<i64: 128, 128>}, {pipeline_mode = #tpu.pipeline_mode<synchronous>, transform_indices = @transform_12, window_bounds = array<i64: 1, 128>}, {pipeline_mode = #tpu.pipeline_mode<synchronous>, transform_indices = @transform_13, window_bounds = array<i64: 128, 128>}, {pipeline_mode = #tpu.pipeline_mode<synchronous>, transform_indices = @transform_14, window_bounds = array<i64: 1, 128>}, {transform_indices = @transform_15, window_bounds = array<i64: 1, 200, 128>}, {transform_indices = @transform_16, window_bounds = array<i64: 1, 200, 3>}]} {
    %get3A = arith.constant 0 : index
    %get3A_0 = arith.constant 0 : index
    %get3A_1 = vector.load %arg1[%get3A, %get3A_0] : memref<6400x128xf32, #tpu.memory_space<vmem>>, vector<6400x128xf32>
    %slice3A = vector.extract_strided_slice %get3A_1 {offsets = [0, 0], sizes = [6400, 64], strides = [1, 1]} : vector<6400x128xf32> to vector<6400x64xf32>
    %bitcast_convert_type3A = tpu.bitcast %slice3A : vector<6400x64xf32> -> vector<6400x64xi32>
    %shift_left3A = arith.constant 16 : i32
    %shift_left3A_2 = vector.broadcast %shift_left3A : i32 to vector<6400x64xi32>
    %shift_left3A_3 = arith.shli %bitcast_convert_type3A, %shift_left3A_2 : vector<6400x64xi32>
    %bitcast_convert_type3A_4 = tpu.bitcast %shift_left3A_3 : vector<6400x64xi32> -> vector<6400x64xf32>
    %and3A = arith.constant -65536 : i32
    %and3A_5 = vector.broadcast %and3A : i32 to vector<6400x64xi32>
    %and3A_6 = arith.andi %bitcast_convert_type3A, %and3A_5 : vector<6400x64xi32>
    %bitcast_convert_type3A_7 = tpu.bitcast %and3A_6 : vector<6400x64xi32> -> vector<6400x64xf32>
    %concatenate3A = tpu.concatenate %bitcast_convert_type3A_4, %bitcast_convert_type3A_7 in 1 : vector<6400x64xf32>, vector<6400x64xf32> -> vector<6400x128xf32>
    %slice3A_8 = vector.extract_strided_slice %get3A_1 {offsets = [0, 64], sizes = [6400, 3], strides = [1, 1]} : vector<6400x128xf32> to vector<6400x3xf32>
    %get3A_9 = arith.constant 0 : index
    %get3A_10 = arith.constant 0 : index
    %get3A_11 = arith.constant 0 : index
    %get3A_12 = vector.load %arg4[%get3A_9, %get3A_10, %get3A_11] : memref<1x200x3xf32, #tpu.memory_space<vmem>>, vector<1x200x3xf32>
    %get3A_13 = vector.shape_cast %get3A_12 : vector<1x200x3xf32> to vector<200x3xf32>
    %broadcast_in_dim3A = vector.shape_cast %get3A_13 : vector<200x3xf32> to vector<200x1x3xf32>
    %broadcast_in_dim3A_14 = vector.shape_cast %broadcast_in_dim3A : vector<200x1x3xf32> to vector<200x1x3xf32>
    %broadcast_in_dim3A_15 = vector.broadcast %broadcast_in_dim3A_14 : vector<200x1x3xf32> to vector<200x32x3xf32>
    %reshape3A = vector.shape_cast %broadcast_in_dim3A_15 : vector<200x32x3xf32> to vector<6400x3xf32>
    %sub3A = arith.subf %reshape3A, %slice3A_8 : vector<6400x3xf32>
    %mul3A = arith.mulf %sub3A, %sub3A : vector<6400x3xf32>
    %reduce_sum3A = arith.constant dense<0.000000e+00> : vector<6400xf32>
    %reduce_sum3A_16 = vector.multi_reduction <add>, %mul3A, %reduce_sum3A [1] : vector<6400x3xf32> to vector<6400xf32>
    %broadcast_in_dim3A_17 = vector.shape_cast %reduce_sum3A_16 : vector<6400xf32> to vector<6400x1xf32>
    %get3A_18 = arith.constant 0 : index
    %get3A_19 = arith.constant 0 : index
    %get3A_20 = arith.constant 0 : index
    %get3A_21 = vector.load %arg2[%get3A_18, %get3A_19, %get3A_20] : memref<1x200x128xf32, #tpu.memory_space<vmem>>, vector<1x200x128xf32>
    %get3A_22 = vector.shape_cast %get3A_21 : vector<1x200x128xf32> to vector<200x128xf32>
    %broadcast_in_dim3A_23 = vector.shape_cast %get3A_22 : vector<200x128xf32> to vector<200x1x128xf32>
    %broadcast_in_dim3A_24 = vector.shape_cast %broadcast_in_dim3A_23 : vector<200x1x128xf32> to vector<200x1x128xf32>
    %broadcast_in_dim3A_25 = vector.broadcast %broadcast_in_dim3A_24 : vector<200x1x128xf32> to vector<200x32x128xf32>
    %reshape3A_26 = vector.shape_cast %broadcast_in_dim3A_25 : vector<200x32x128xf32> to vector<6400x128xf32>
    %add3A = arith.addf %reshape3A_26, %concatenate3A : vector<6400x128xf32>
    %get3A_27 = arith.constant 0 : index
    %get3A_28 = arith.constant 0 : index
    %get3A_29 = vector.load %arg5[%get3A_27, %get3A_28] : memref<1x128xf32, #tpu.memory_space<vmem>>, vector<1x128xf32>
    %mul3A_30 = vector.broadcast %broadcast_in_dim3A_17 : vector<6400x1xf32> to vector<6400x128xf32>
    %mul3A_31 = vector.broadcast %get3A_29 : vector<1x128xf32> to vector<6400x128xf32>
    %mul3A_32 = arith.mulf %mul3A_30, %mul3A_31 : vector<6400x128xf32>
    %add3A_33 = arith.addf %add3A, %mul3A_32 : vector<6400x128xf32>
    %convert_element_type3A = arith.truncf %add3A_33 : vector<6400x128xf32> to vector<6400x128xbf16>
    %mul3A_34 = arith.constant 5.000000e-01 : bf16
    %mul3A_35 = vector.broadcast %mul3A_34 : bf16 to vector<6400x128xbf16>
    %mul3A_36 = arith.mulf %mul3A_35, %convert_element_type3A : vector<6400x128xbf16>
    %tanh3A = math.tanh %mul3A_36 : vector<6400x128xbf16>
    %mul3A_37 = arith.mulf %mul3A_36, %tanh3A : vector<6400x128xbf16>
    %add3A_38 = arith.addf %mul3A_37, %mul3A_36 : vector<6400x128xbf16>
    %get3A_39 = arith.constant 0 : index
    %get3A_40 = arith.constant 0 : index
    %get3A_41 = vector.load %arg6[%get3A_39, %get3A_40] : memref<128x128xf32, #tpu.memory_space<vmem>>, vector<128x128xf32>
    %convert_element_type3A_42 = arith.truncf %get3A_41 : vector<128x128xf32> to vector<128x128xbf16>
    %dot_general3A = arith.constant dense<0.000000e+00> : vector<6400x128xf32>
    %dot_general3A_43 = tpu.matmul %add3A_38, %convert_element_type3A_42, %dot_general3A {dimension_numbers = #tpu.dot_dimension_numbers<[1], [0], [0], [1], [0, 0, 1, 1], [], []>, transpose_lhs_hint = false} : vector<6400x128xbf16>, vector<128x128xbf16>, vector<6400x128xf32> -> vector<6400x128xf32>
    %get3A_44 = arith.constant 0 : index
    %get3A_45 = arith.constant 0 : index
    %get3A_46 = vector.load %arg7[%get3A_44, %get3A_45] : memref<1x128xf32, #tpu.memory_space<vmem>>, vector<1x128xf32>
    %add3A_47 = vector.broadcast %get3A_46 : vector<1x128xf32> to vector<6400x128xf32>
    %add3A_48 = arith.addf %dot_general3A_43, %add3A_47 : vector<6400x128xf32>
    %convert_element_type3A_49 = arith.truncf %add3A_48 : vector<6400x128xf32> to vector<6400x128xbf16>
    %mul3A_50 = arith.constant 5.000000e-01 : bf16
    %mul3A_51 = vector.broadcast %mul3A_50 : bf16 to vector<6400x128xbf16>
    %mul3A_52 = arith.mulf %mul3A_51, %convert_element_type3A_49 : vector<6400x128xbf16>
    %tanh3A_53 = math.tanh %mul3A_52 : vector<6400x128xbf16>
    %mul3A_54 = arith.mulf %mul3A_52, %tanh3A_53 : vector<6400x128xbf16>
    %add3A_55 = arith.addf %mul3A_54, %mul3A_52 : vector<6400x128xbf16>
    %get3A_56 = arith.constant 0 : index
    %get3A_57 = arith.constant 0 : index
    %get3A_58 = vector.load %arg8[%get3A_56, %get3A_57] : memref<128x128xf32, #tpu.memory_space<vmem>>, vector<128x128xf32>
    %convert_element_type3A_59 = arith.truncf %get3A_58 : vector<128x128xf32> to vector<128x128xbf16>
    %dot_general3A_60 = arith.constant dense<0.000000e+00> : vector<6400x128xf32>
    %dot_general3A_61 = tpu.matmul %add3A_55, %convert_element_type3A_59, %dot_general3A_60 {dimension_numbers = #tpu.dot_dimension_numbers<[1], [0], [0], [1], [0, 0, 1, 1], [], []>, transpose_lhs_hint = false} : vector<6400x128xbf16>, vector<128x128xbf16>, vector<6400x128xf32> -> vector<6400x128xf32>
    %get3A_62 = arith.constant 0 : index
    %get3A_63 = arith.constant 0 : index
    %get3A_64 = vector.load %arg9[%get3A_62, %get3A_63] : memref<1x128xf32, #tpu.memory_space<vmem>>, vector<1x128xf32>
    %add3A_65 = vector.broadcast %get3A_64 : vector<1x128xf32> to vector<6400x128xf32>
    %add3A_66 = arith.addf %dot_general3A_61, %add3A_65 : vector<6400x128xf32>
    %convert_element_type3A_67 = arith.truncf %add3A_66 : vector<6400x128xf32> to vector<6400x128xbf16>
    %mul3A_68 = arith.constant 5.000000e-01 : bf16
    %mul3A_69 = vector.broadcast %mul3A_68 : bf16 to vector<6400x128xbf16>
    %mul3A_70 = arith.mulf %mul3A_69, %convert_element_type3A_67 : vector<6400x128xbf16>
    %tanh3A_71 = math.tanh %mul3A_70 : vector<6400x128xbf16>
    %mul3A_72 = arith.mulf %mul3A_70, %tanh3A_71 : vector<6400x128xbf16>
    %add3A_73 = arith.addf %mul3A_72, %mul3A_70 : vector<6400x128xbf16>
    %get3A_74 = arith.constant 0 : index
    %get3A_75 = arith.constant 0 : index
    %get3A_76 = vector.load %arg10[%get3A_74, %get3A_75] : memref<128x8xf32, #tpu.memory_space<vmem>>, vector<128x8xf32>
    %convert_element_type3A_77 = arith.truncf %get3A_76 : vector<128x8xf32> to vector<128x8xbf16>
    %dot_general3A_78 = arith.constant dense<0.000000e+00> : vector<6400x8xf32>
    %dot_general3A_79 = tpu.matmul %add3A_73, %convert_element_type3A_77, %dot_general3A_78 {dimension_numbers = #tpu.dot_dimension_numbers<[1], [0], [0], [1], [0, 0, 1, 1], [], []>, transpose_lhs_hint = false} : vector<6400x128xbf16>, vector<128x8xbf16>, vector<6400x8xf32> -> vector<6400x8xf32>
    %slice3A_80 = vector.extract_strided_slice %dot_general3A_79 {offsets = [0, 0], sizes = [6400, 1], strides = [1, 1]} : vector<6400x8xf32> to vector<6400x1xf32>
    %reshape3A_81 = vector.shape_cast %add3A_55 : vector<6400x128xbf16> to vector<200x32x128xbf16>
    %convert_element_type3A_82 = arith.extf %reshape3A_81 : vector<200x32x128xbf16> to vector<200x32x128xf32>
    %reduce_sum3A_83 = arith.constant dense<0.000000e+00> : vector<200x128xf32>
    %reduce_sum3A_84 = vector.multi_reduction <add>, %convert_element_type3A_82, %reduce_sum3A_83 [1] : vector<200x32x128xf32> to vector<200x128xf32>
    %mul3A_85 = vector.broadcast %slice3A_80 : vector<6400x1xf32> to vector<6400x3xf32>
    %mul3A_86 = arith.mulf %sub3A, %mul3A_85 : vector<6400x3xf32>
    %reshape3A_87 = vector.shape_cast %mul3A_86 : vector<6400x3xf32> to vector<200x32x3xf32>
    %reduce_sum3A_88 = arith.constant dense<0.000000e+00> : vector<200x3xf32>
    %reduce_sum3A_89 = vector.multi_reduction <add>, %reshape3A_87, %reduce_sum3A_88 [1] : vector<200x32x3xf32> to vector<200x3xf32>
    %mul3A_90 = arith.constant 3.125000e-02 : f32
    %mul3A_91 = vector.broadcast %mul3A_90 : f32 to vector<200x3xf32>
    %mul3A_92 = arith.mulf %reduce_sum3A_89, %mul3A_91 : vector<200x3xf32>
    %add3A_93 = arith.addf %get3A_13, %mul3A_92 : vector<200x3xf32>
    %swap3A = arith.constant 0 : index
    %swap3A_94 = arith.constant 0 : index
    %swap3A_95 = arith.constant 0 : index
    %swap3A_96 = vector.load %arg17[%swap3A, %swap3A_94, %swap3A_95] : memref<1x200x3xf32, #tpu.memory_space<vmem>>, vector<1x200x3xf32>
    %swap3A_97 = vector.shape_cast %swap3A_96 : vector<1x200x3xf32> to vector<200x3xf32>
    %swap3A_98 = vector.shape_cast %add3A_93 : vector<200x3xf32> to vector<1x200x3xf32>
    tpu.vector_store %arg17[%swap3A, %swap3A_94, %swap3A_95], %swap3A_98 {strides = array<i32>} : memref<1x200x3xf32, #tpu.memory_space<vmem>>, vector<1x200x3xf32>,
    %get3A_99 = arith.constant 0 : index
    %get3A_100 = arith.constant 0 : index
    %get3A_101 = arith.constant 0 : index
    %get3A_102 = vector.load %arg3[%get3A_99, %get3A_100, %get3A_101] : memref<1x200x128xf32, #tpu.memory_space<vmem>>, vector<1x200x128xf32>
    %get3A_103 = vector.shape_cast %get3A_102 : vector<1x200x128xf32> to vector<200x128xf32>
    %get3A_104 = arith.constant 0 : index
    %get3A_105 = arith.constant 0 : index
    %get3A_106 = vector.load %arg11[%get3A_104, %get3A_105] : memref<128x128xf32, #tpu.memory_space<vmem>>, vector<128x128xf32>
    %convert_element_type3A_107 = arith.truncf %get3A_103 : vector<200x128xf32> to vector<200x128xbf16>
    %convert_element_type3A_108 = arith.truncf %get3A_106 : vector<128x128xf32> to vector<128x128xbf16>
    %dot_general3A_109 = arith.constant dense<0.000000e+00> : vector<200x128xf32>
    %dot_general3A_110 = tpu.matmul %convert_element_type3A_107, %convert_element_type3A_108, %dot_general3A_109 {dimension_numbers = #tpu.dot_dimension_numbers<[1], [0], [0], [1], [0, 0, 1, 1], [], []>, transpose_lhs_hint = false} : vector<200x128xbf16>, vector<128x128xbf16>, vector<200x128xf32> -> vector<200x128xf32>
    %get3A_111 = arith.constant 0 : index
    %get3A_112 = arith.constant 0 : index
    %get3A_113 = vector.load %arg12[%get3A_111, %get3A_112] : memref<128x128xf32, #tpu.memory_space<vmem>>, vector<128x128xf32>
    %convert_element_type3A_114 = arith.truncf %reduce_sum3A_84 : vector<200x128xf32> to vector<200x128xbf16>
    %convert_element_type3A_115 = arith.truncf %get3A_113 : vector<128x128xf32> to vector<128x128xbf16>
    %dot_general3A_116 = arith.constant dense<0.000000e+00> : vector<200x128xf32>
    %dot_general3A_117 = tpu.matmul %convert_element_type3A_114, %convert_element_type3A_115, %dot_general3A_116 {dimension_numbers = #tpu.dot_dimension_numbers<[1], [0], [0], [1], [0, 0, 1, 1], [], []>, transpose_lhs_hint = false} : vector<200x128xbf16>, vector<128x128xbf16>, vector<200x128xf32> -> vector<200x128xf32>
    %add3A_118 = arith.addf %dot_general3A_110, %dot_general3A_117 : vector<200x128xf32>
    %get3A_119 = arith.constant 0 : index
    %get3A_120 = arith.constant 0 : index
    %get3A_121 = vector.load %arg13[%get3A_119, %get3A_120] : memref<1x128xf32, #tpu.memory_space<vmem>>, vector<1x128xf32>
    %add3A_122 = vector.broadcast %get3A_121 : vector<1x128xf32> to vector<200x128xf32>
    %add3A_123 = arith.addf %add3A_118, %add3A_122 : vector<200x128xf32>
    %mul3A_124 = arith.constant 5.000000e-01 : f32
    %mul3A_125 = vector.broadcast %mul3A_124 : f32 to vector<200x128xf32>
    %mul3A_126 = arith.mulf %mul3A_125, %add3A_123 : vector<200x128xf32>
    %tanh3A_127 = math.tanh %mul3A_126 : vector<200x128xf32>
    %mul3A_128 = arith.mulf %mul3A_126, %tanh3A_127 : vector<200x128xf32>
    %add3A_129 = arith.addf %mul3A_128, %mul3A_126 : vector<200x128xf32>
    %get3A_130 = arith.constant 0 : index
    %get3A_131 = arith.constant 0 : index
    %get3A_132 = vector.load %arg14[%get3A_130, %get3A_131] : memref<128x128xf32, #tpu.memory_space<vmem>>, vector<128x128xf32>
    %convert_element_type3A_133 = arith.truncf %add3A_129 : vector<200x128xf32> to vector<200x128xbf16>
    %convert_element_type3A_134 = arith.truncf %get3A_132 : vector<128x128xf32> to vector<128x128xbf16>
    %dot_general3A_135 = arith.constant dense<0.000000e+00> : vector<200x128xf32>
    %dot_general3A_136 = tpu.matmul %convert_element_type3A_133, %convert_element_type3A_134, %dot_general3A_135 {dimension_numbers = #tpu.dot_dimension_numbers<[1], [0], [0], [1], [0, 0, 1, 1], [], []>, transpose_lhs_hint = false} : vector<200x128xbf16>, vector<128x128xbf16>, vector<200x128xf32> -> vector<200x128xf32>
    %get3A_137 = arith.constant 0 : index
    %get3A_138 = arith.constant 0 : index
    %get3A_139 = vector.load %arg15[%get3A_137, %get3A_138] : memref<1x128xf32, #tpu.memory_space<vmem>>, vector<1x128xf32>
    %add3A_140 = vector.broadcast %get3A_139 : vector<1x128xf32> to vector<200x128xf32>
    %add3A_141 = arith.addf %dot_general3A_136, %add3A_140 : vector<200x128xf32>
    %add3A_142 = arith.addf %add3A_141, %get3A_103 : vector<200x128xf32>
    %swap3A_143 = arith.constant 0 : index
    %swap3A_144 = arith.constant 0 : index
    %swap3A_145 = arith.constant 0 : index
    %swap3A_146 = vector.load %arg16[%swap3A_143, %swap3A_144, %swap3A_145] : memref<1x200x128xf32, #tpu.memory_space<vmem>>, vector<1x200x128xf32>
    %swap3A_147 = vector.shape_cast %swap3A_146 : vector<1x200x128xf32> to vector<200x128xf32>
    %swap3A_148 = vector.shape_cast %add3A_142 : vector<200x128xf32> to vector<1x200x128xf32>
    tpu.vector_store %arg16[%swap3A_143, %swap3A_144, %swap3A_145], %swap3A_148 {strides = array<i32>} : memref<1x200x128xf32, #tpu.memory_space<vmem>>, vector<1x200x128xf32>,
    return
  }
  func.func @transform_0(%arg0: i32) -> (i32, i32) {
    %c0_i32 = arith.constant 0 : i32
    %c0_i32_0 = arith.constant 0 : i32
    return %arg0, %c0_i32 : i32, i32
  }
  func.func @transform_1(%arg0: i32) -> (i32, i32, i32) {
    %add3A = arith.constant 25 : i32
    %add3A_0 = arith.addi %arg0, %add3A : i32
    %c0_i32 = arith.constant 0 : i32
    %c0_i32_1 = arith.constant 0 : i32
    %c0_i32_2 = arith.constant 0 : i32
    return %c0_i32, %add3A_0, %c0_i32_1 : i32, i32, i32
  }
  func.func @transform_2(%arg0: i32) -> (i32, i32, i32) {
    %add3A = arith.constant 25 : i32
    %add3A_0 = arith.addi %arg0, %add3A : i32
    %c0_i32 = arith.constant 0 : i32
    %c0_i32_1 = arith.constant 0 : i32
    %c0_i32_2 = arith.constant 0 : i32
    return %c0_i32, %add3A_0, %c0_i32_1 : i32, i32, i32
  }
  func.func @transform_3(%arg0: i32) -> (i32, i32, i32) {
    %add3A = arith.constant 25 : i32
    %add3A_0 = arith.addi %arg0, %add3A : i32
    %c0_i32 = arith.constant 0 : i32
    %c0_i32_1 = arith.constant 0 : i32
    %c0_i32_2 = arith.constant 0 : i32
    return %c0_i32, %add3A_0, %c0_i32_1 : i32, i32, i32
  }
  func.func @transform_4(%arg0: i32) -> (i32, i32) {
    %c0_i32 = arith.constant 0 : i32
    %c0_i32_0 = arith.constant 0 : i32
    %c0_i32_1 = arith.constant 0 : i32
    return %c0_i32, %c0_i32_0 : i32, i32
  }
  func.func @transform_5(%arg0: i32) -> (i32, i32) {
    %c0_i32 = arith.constant 0 : i32
    %c0_i32_0 = arith.constant 0 : i32
    %c0_i32_1 = arith.constant 0 : i32
    return %c0_i32, %c0_i32_0 : i32, i32
  }
  func.func @transform_6(%arg0: i32) -> (i32, i32) {
    %c0_i32 = arith.constant 0 : i32
    %c0_i32_0 = arith.constant 0 : i32
    %c0_i32_1 = arith.constant 0 : i32
    return %c0_i32, %c0_i32_0 : i32, i32
  }
  func.func @transform_7(%arg0: i32) -> (i32, i32) {
    %c0_i32 = arith.constant 0 : i32
    %c0_i32_0 = arith.constant 0 : i32
    %c0_i32_1 = arith.constant 0 : i32
    return %c0_i32, %c0_i32_0 : i32, i32
  }
  func.func @transform_8(%arg0: i32) -> (i32, i32) {
    %c0_i32 = arith.constant 0 : i32
    %c0_i32_0 = arith.constant 0 : i32
    %c0_i32_1 = arith.constant 0 : i32
    return %c0_i32, %c0_i32_0 : i32, i32
  }
  func.func @transform_9(%arg0: i32) -> (i32, i32) {
    %c0_i32 = arith.constant 0 : i32
    %c0_i32_0 = arith.constant 0 : i32
    %c0_i32_1 = arith.constant 0 : i32
    return %c0_i32, %c0_i32_0 : i32, i32
  }
  func.func @transform_10(%arg0: i32) -> (i32, i32) {
    %c0_i32 = arith.constant 0 : i32
    %c0_i32_0 = arith.constant 0 : i32
    %c0_i32_1 = arith.constant 0 : i32
    return %c0_i32, %c0_i32_0 : i32, i32
  }
  func.func @transform_11(%arg0: i32) -> (i32, i32) {
    %c0_i32 = arith.constant 0 : i32
    %c0_i32_0 = arith.constant 0 : i32
    %c0_i32_1 = arith.constant 0 : i32
    return %c0_i32, %c0_i32_0 : i32, i32
  }
  func.func @transform_12(%arg0: i32) -> (i32, i32) {
    %c0_i32 = arith.constant 0 : i32
    %c0_i32_0 = arith.constant 0 : i32
    %c0_i32_1 = arith.constant 0 : i32
    return %c0_i32, %c0_i32_0 : i32, i32
  }
  func.func @transform_13(%arg0: i32) -> (i32, i32) {
    %c0_i32 = arith.constant 0 : i32
    %c0_i32_0 = arith.constant 0 : i32
    %c0_i32_1 = arith.constant 0 : i32
    return %c0_i32, %c0_i32_0 : i32, i32
  }
  func.func @transform_14(%arg0: i32) -> (i32, i32) {
    %c0_i32 = arith.constant 0 : i32
    %c0_i32_0 = arith.constant 0 : i32
    %c0_i32_1 = arith.constant 0 : i32
    return %c0_i32, %c0_i32_0 : i32, i32
  }
  func.func @transform_15(%arg0: i32) -> (i32, i32, i32) {
    %c0_i32 = arith.constant 0 : i32
    %c0_i32_0 = arith.constant 0 : i32
    %c0_i32_1 = arith.constant 0 : i32
    return %c0_i32, %arg0, %c0_i32_0 : i32, i32, i32
  }
  func.func @transform_16(%arg0: i32) -> (i32, i32, i32) {
    %c0_i32 = arith.constant 0 : i32
    %c0_i32_0 = arith.constant 0 : i32
    %c0_i32_1 = arith.constant 0 : i32
    return %c0_i32, %arg0, %c0_i32_0 : i32, i32, i32
  }
}

</mosaic_0001>

<sc_bundles>
// kernel: kernel.12.cloned.1.call-start
scs
__scs_entry_jumppad:
0x0: {  	(pc) =	sbr.rel $0x88, $3  }
0x1: {  	(tag) =	ssettag $0x0;
	lr =	simm.s32 $0x1  }
0x2: {  	[smem:$0x3F93] =	sst lr;
	_ =	strace $0xD0000000  }
0x3: {  	_ = 	snop  }
0x4: {  	_ = 	snop  }
0x5: {  	_ = 	snop  }
0x6: {  	_ = 	snop  }
0x7: {  	_ = 	snop  }
__scs_overlays_trampoline_lowered:
0x8: {  	[smem:$0x3FA2] =	sst s0  }
0x9: {  	[smem:$0x3FA3] =	sst s1  }
0xa: {  	[smem:$0x3FA4] =	sst s2  }
0xb: {  	[smem:$0x3FA5] =	sst s3  }
0xc: {  	[smem:$0x3FA6] =	sst s4  }
0xd: {  	[smem:$0x3FA7] =	sst s5  }
0xe: {  	[smem:$0x3FA8] =	sst s6  }
0xf: {  	[smem:$0x3FA9] =	sst s7  }
0x10: {  	[smem:$0x3FAA] =	sst s8  }
0x11: {  	[smem:$0x3FAB] =	sst s9;
	s0 =	simm.s32 @!p0 $0x0  }
0x12: {  	s1 =	sld [smem:$0x3F91];
	s0 =	simm.s32 @p0 $0x1  }
0x13: {  	[smem:$0x3FAC] =	sst s0;
	s0 =	simm.s32 @!p1 $0x0  }
0x14: {  	s2 =	sld [smem:$0x3F90];
	s0 =	simm.s32 @p1 $0x1  }
0x15: {  	[smem:$0x3FAD] =	sst s0;
	s0 =	simm.s32 @!p2 $0x0  }
0x16: {  	s3 =	sld [smem:$0x3FDB];
	s0 =	simm.s32 @p2 $0x1  }
0x17: {  	s4 =	simm.s32 $0x1BF5;
	[smem:$0x3FAF] =	sst s0  }
0x18: {  	s0 =	sld [smem:$0x3F92];
	_ =	swait.ge [sflag:s4], $0x0  }
0x19: {  	s7 =	sld [smem:$0x3F93]  }
0x1a: {  	s8 =	sadd.s32 $0xFFFFE003, lr  }
0x1b: {  	s9 =	sadd.s32 $0xFFFFFEF7, lr;
	s5 =	simm.s32 $0xFFFFFFFF;
	p2 =	slt.u32 s8, $0xFFFFF086  }
0x1c: {  	p1 =	slt.u32 s9, $0xF7A;
	s5 =	simm.s32 @!p2 $0x0  }
0x1d: {  	s5 =	simm.s32 @p1 $0x1;
	p0 =	seq.s32 s7, s2  }
0x1e: {  	s7 =	smul.u32 @!p0 $0xF7A, s2;
	p2 =	seq.s32 @!p0 s5, $0x0  }
0x1f: {  	s9 =	smul.u32 $0xF7A, s1;
	s8 =	simm.s32 @!p0 $0x1BF5;
	p2 =	por !p2, p0  }
0x20: {  	[sflag:s8] =	ssyncset.s32 @!p0 $0xFFFFF086;
	s6 =	sadd.s32 @!p0 s3, s7;
	s7 =	simm.s32 @!p0 $0x108  }
0x21: {  	s3 =	sadd.s32 s3, s9;
	s6 =	sadd.s32 @!p0 $0x88, s6;
	s7 =	simm.s32 @p2 $0x1082  }
0x22: {  	[simem:s7], [sflag:s8] =	dma.local @!p0 [hbm:s6], $0xF7A  }
0x23: {  	s9 =	sor.u32 $0xD0000000, s2;
	s6 =	simm.s32 $0x108;
	_ =	swait.ge @!p0 [sflag:s8], $0x0  }
0x24: {  	s3 =	sadd.s32 $0x88, s3;
	s6 =	simm.s32 @!p1 $0x1082;
	[sflag:s4] =	ssyncset.s32 $0xFFFFF086  }
0x25: {  	[simem:s6], [sflag:s4] =	dma.local [hbm:s3], $0xF7A  }
0x26: {  	[smem:$0x3F93] =	sst s1;
	(tag) =	ssettag s2;
	_ =	strace s9  }
0x27: {  	s1 =	sld [smem:$0x3FA3]  }
0x28: {  	s2 =	sld [smem:$0x3FA4]  }
0x29: {  	s4 =	sld [smem:$0x3FA6]  }
0x2a: {  	p0 =	seq.s32 s5, $0x0;
	s5 =	sld [smem:$0x3FA7]  }
0x2b: {  	s6 =	sld [smem:$0x3FA8]  }
0x2c: {  	s7 =	sld [smem:$0x3FA9]  }
0x2d: {  	s3 =	simm.s32 $0x108;
	s8 =	sld [smem:$0x3FAA]  }
0x2e: {  	s3 =	simm.s32 @!p0 $0x1082;
	s9 =	sld [smem:$0x3FAB]  }
0x2f: {  	lr =	sadd.s32 s0, s3;
	s0 =	sld [smem:$0x3FA2]  }
0x30: {  	s3 =	sld [smem:$0x3FA5]  }
0x31: {  	[smem:$0x3FAE] =	sst s10  }
0x32: {  	s10 =	sld [smem:$0x3FAC];
	_ =	sdelay $0x3  }
0x33: {  	p0 =	seq.s32 s10, $0x1;
	s10 =	sld [smem:$0x3FAE];
	_ =	sdelay $0x3  }
0x34: {  	[smem:$0x3FAE] =	sst s10  }
0x35: {  	s10 =	sld [smem:$0x3FAD];
	_ =	sdelay $0x3  }
0x36: {  	p1 =	seq.s32 s10, $0x1;
	s10 =	sld [smem:$0x3FAE];
	_ =	sdelay $0x3  }
0x37: {  	[smem:$0x3FAE] =	sst s10  }
0x38: {  	s10 =	sld [smem:$0x3FAF]  }
0x39: {  	_ = 	snop;
	(pc) =	sbr.ind lr, $3  }
0x3a: {  	_ = 	snop  }
0x3b: {  	_ = 	snop  }
0x3c: {  	p2 =	seq.s32 s10, $0x1;
	s10 =	sld [smem:$0x3FAE]  }
0x3d: {  	_ =	shalt  }
0x3e: {  	_ =	shalt  }
0x3f: {  	_ =	shalt  }
0x40: {  	_ =	shalt  }
0x41: {  	_ =	shalt  }
0x42: {  	_ =	shalt  }
0x43: {  	_ =	shalt  }
0x44: {  	_ =	shalt  }
0x45: {  	_ =	shalt  }
0x46: {  	_ =	shalt  }
0x47: {  	_ =	shalt  }
0x48: {  	_ =	shalt  }
0x49: {  	_ =	shalt  }
0x4a: {  	_ =	shalt  }
0x4b: {  	_ =	shalt  }
0x4c: {  	_ =	shalt  }
0x4d: {  	_ =	shalt  }
0x4e: {  	_ =	shalt  }
0x4f: {  	_ =	shalt  }
0x50: {  	_ =	shalt  }
0x51: {  	_ =	shalt  }
0x52: {  	_ =	shalt  }
0x53: {  	_ =	shalt  }
0x54: {  	_ =	shalt  }
0x55: {  	_ =	shalt  }
0x56: {  	_ =	shalt  }
0x57: {  	_ =	shalt  }
0x58: {  	_ =	shalt  }
0x59: {  	_ =	shalt  }
0x5a: {  	_ =	shalt  }
0x5b: {  	_ =	shalt  }
0x5c: {  	_ =	shalt  }
0x5d: {  	_ =	shalt  }
0x5e: {  	_ =	shalt  }
0x5f: {  	_ =	shalt  }
0x60: {  	_ =	shalt  }
0x61: {  	_ =	shalt  }
0x62: {  	_ =	shalt  }
0x63: {  	_ =	shalt  }
0x64: {  	_ =	shalt  }
0x65: {  	_ =	shalt  }
0x66: {  	_ =	shalt  }
0x67: {  	_ =	shalt  }
0x68: {  	_ =	shalt  }
0x69: {  	_ =	shalt  }
0x6a: {  	_ =	shalt  }
0x6b: {  	_ =	shalt  }
0x6c: {  	_ =	shalt  }
0x6d: {  	_ =	shalt  }
0x6e: {  	_ =	shalt  }
0x6f: {  	_ =	shalt  }
0x70: {  	_ =	shalt  }
0x71: {  	_ =	shalt  }
0x72: {  	_ =	shalt  }
0x73: {  	_ =	shalt  }
0x74: {  	_ =	shalt  }
0x75: {  	_ =	shalt  }
0x76: {  	_ =	shalt  }
0x77: {  	_ =	shalt  }
0x78: {  	_ =	shalt  }
0x79: {  	_ =	shalt  }
0x7a: {  	_ =	shalt  }
0x7b: {  	_ =	shalt  }
0x7c: {  	_ =	shalt  }
0x7d: {  	_ =	shalt  }
0x7e: {  	_ =	shalt  }
0x7f: {  	_ =	shalt  }
0x80: {  	_ =	shalt  }
0x81: {  	_ =	shalt  }
0x82: {  	_ =	shalt  }
0x83: {  	_ =	shalt  }
0x84: {  	_ =	shalt  }
0x85: {  	_ =	shalt  }
0x86: {  	_ =	shalt  }
0x87: {  	_ =	shalt  }
.Lfunc_end0:
.L_simem_size_0:
called_computation.1_lowered:
.L_overlay_start_0:
0x88: {  	s2 =	sld [smem:$0x3FD9]  }
0x89: {  	s3 =	sld [smem:$0x3FFE];
	_ =	sdelay $0x1  }
0x8a: {  	s1 =	srdreg.scid  }
0x8b: {  	s0 =	sand.u32 $0x1, s1  }
0x8c: {  	s15 =	sshll.u32 s0, $0xA;
	s2 =	sadd.s32 s3, s2  }
0x8d: {  	s2 =	sadd.s32 s2, s15  }
0x8e: {  	[smem:$0x3FBA] =	sst s2  }
0x8f: {  	_ = 	snop  }
0x90: {  	s2 =	sld [smem:$0x3FD0];
	_ =	sdelay $0x2  }
0x91: {  	s16 =	simm.s32 $0xC;
	s4 =	simm.s32 $0x10  }
0x92: {  	[smem:s4], [sflag:s16] =	dma.local [hbm:s2], $0x1  }
0x93: {  	_ =	swait.eq [sflag:s16], $0x1  }
0x94: {  	[sflag:s16] =	ssyncset.done $0x0  }
0x95: {  	[sflag:s16] =	ssyncadd.s32 $0xFFFFFFFF  }
0x96: {  	s17 =	sld [smem:$0x10];
	(tm) =	ssettm $0x1  }
0x97: {  	s18 =	sld [smem:$0x3FFB];
	_ =	sdelay $0x3  }
0x98: {  	_ =	strace s18  }
0x99: {  	s2 =	sld [smem:$0x3FFC];
	_ =	sdelay $0x3  }
0x9a: {  	_ =	strace s2  }
0x9b: {  	s2 =	sld [smem:$0x3FFD];
	_ =	sdelay $0x3  }
0x9c: {  	_ =	strace s2  }
0x9d: {  	_ =	strace $0x8FFFFFFF  }
0x9e: {  	s19 =	sld [smem:$0x3FDB];
	_ =	sdelay $0x1  }
0x9f: {  	s20 =	simm.s32 $_scs_section_size  }
0xa0: {  	s5 =	simm.s32 $_size__tile_overlayer_lowered;
	s6 =	simm.s32 $_tile_overlayer_lowered  }
0xa1: {  	s7 =	simm.s32 $0x1BFF;
	s21 =	sshll.u32 s6, $0x1;
	s4 =	sadd.s32 s20, s19  }
0xa2: {  	s22 =	simm.s32 $0x0;
	s5 =	sshll.u32 s5, $0x1;
	s6 =	sadd.s32 s21, s4  }
0xa3: {  	[timem:s22], [sflag:s7] =	dma.local [hbm:s6], s5  }
0xa4: {  	_ =	swait.ge [sflag:s7], s5  }
0xa5: {  	s5 =	ssub.s32 $0x0, s5;
	[sflag:s7] =	ssyncset.done $0x0  }
0xa6: {  	[sflag:s7] =	ssyncadd.s32 s5;
	_ =	sdelay $0x1  }
0xa7: {  	s23 =	simm.s32 $0x1B8B  }
0xa8: {  	_ =	swait.ge [sflag:s23], $0x1  }
0xa9: {  	[sflag:s23] =	ssyncset.done $0x0  }
0xaa: {  	[sflag:s23] =	ssyncadd.s32 $0xFFFFFFFF  }
0xab: {  	s5 =	sld [smem:$0x0]  }
0xac: {  	s6 =	sand.u32 $0xFFFFFFFE, s1  }
0xad: {  	p0 =	sne.s32 s1, s6  }
0xae: {  	s6 =	sshll.u32 @p0 s6, $0xE  }
0xaf: {  	s6 =	sadd.s32 @p0 $0x11B8D, s6;
	s7 =	sshll.u32 @p0 s5, $0x11  }
0xb0: {  	s6 =	sor.u32 @p0 s7, s6  }
0xb1: {  	[sflag:s6] =	ssyncadd.remote.s32 @p0 $0x1;
	_ =	sdelay $0x1  }
0xb2: {  	s6 =	simm.s32 @p0 $0x1B8D  }
0xb3: {  	_ =	swait.eq @p0 [sflag:s6], $0x1  }
0xb4: {  	[sflag:s6] =	ssyncadd.s32 @p0 $0xFFFFFFFF  }
0xb5: {  	s7 =	sshll.u32 @!p0 s1, $0xE  }
0xb6: {  	s7 =	sor.u32 @!p0 $0x4000, s7;
	s6 =	simm.s32 @!p0 $0x1B8D  }
0xb7: {  	s5 =	sshll.u32 @!p0 s5, $0x11;
	s7 =	sadd.s32 @!p0 $0x11B8D, s7;
	_ =	swait.eq @!p0 [sflag:s6], $0x1  }
0xb8: {  	s5 =	sor.u32 @!p0 s5, s7;
	[sflag:s6] =	ssyncadd.s32 @!p0 $0xFFFFFFFF  }
0xb9: {  	s25 =	simm.s32 $0x1B8E;
	s24 =	sld [smem:$0x3FFE];
	[sflag:s5] =	ssyncadd.remote.s32 @!p0 $0x1  }
0xba: {  	s26 =	simm.s32 $execute0_lowered;
	[smem:$0x3FD2] =	sst s25  }
0xbb: {  	s6 =	sshll.u32 s26, $0x1;
	_ =	strace $0x80000049;
	[dreg:$0x1] =	wrdreg $0xFFFFFFFF  }
0xbc: {  	s28 =	simm.s32 $_size_execute0_lowered;
	s4 =	sadd.s32 s4, s6;
	[dreg:$0x0] =	wrdreg $0x0  }
0xbd: {  	s6 =	sshll.u32 s28, $0x1;
	[dreg:$0x2] =	wrdreg s4  }
0xbe: {  	[dreg:$0x3] =	wrdreg s6  }
0xbf: {  	[dreg:$0x4] =	wrdreg $0xC0  }
0xc0: {  	_ =	task [dreg:s22], $0x5FFFF  }
0xc1: {  	[dreg:$0x1] =	wrdreg $0xFFFFFFFF  }
0xc2: {  	[dreg:$0x0] =	wrdreg $0x60  }
0xc3: {  	[dreg:$0x2] =	wrdreg s17  }
0xc4: {  	[dreg:$0x3] =	wrdreg s24  }
0xc5: {  	[dreg:$0x4] =	wrdreg $0xA  }
0xc6: {  	_ =	task.clear_ibuf [dreg:s22], $0x5FFFF;
	_ =	strace $0x90000049  }
0xc7: {  	s29 =	simm.s32 $0xA;
	_ =	strace $0x8000004B  }
0xc8: {  	_ =	swait.ge [sflag:s29], $0x1  }
0xc9: {  	[sflag:s29] =	ssyncadd.s32 $0xFFFFFFFF  }
0xca: {  	_ =	strace $0x9000004B  }
0xcb: {  	_ =	sfence  }
0xcc: {  	s30 =	sld [smem:$0x0];
	_ =	sdelay $0x2  }
0xcd: {  	s31 =	sshll.u32 s1, $0xD;
	s1 =	sshrl.u32 s1, $0x2  }
0xce: {  	s4 =	sand.u32 $0x4000, s31;
	s1 =	sadd.s32 s1, s30  }
0xcf: {  	s0 =	sor.u32 s4, s0;
	s1 =	sshll.u32 s1, $0x11  }
0xd0: {  	s0 =	sor.u32 s1, s0  }
0xd1: {  	s0 =	sadd.s32 $0x8F2B, s0  }
0xd2: {  	[sflag:s0] =	ssyncadd.remote.s32 $0x1  }
0xd3: {  	_ =	sfence.sel $0xFFFF  }
0xd4: {  	[dreg:$0x0] =	wrdreg $0xFFFFFFFF;
	(pc) =	sbr.abs _section_cstart, $3  }
0xd5: {  	[dreg:$0x1] =	wrdreg $0xFFFFFFFF  }
0xd6: {  	_ =	task.clear_ibuf [dreg:s22], $0x2FFFF;
	_ =	strace $0x9FFFFFFF  }
0xd7: {  	(tm) =	ssettm $0x7FFFFFFF  }
tec
execute0_lowered:
.L_overlay_start_1:
0x0: {  	(tag) =	ssettag $0x1  }
0x1: {  	s2 =	rddreg [dreg:$0x0];
	s0 =	srdreg.scid  }
0x2: {  	s9 =	stileid.u32;
	s1 =	rddreg [dreg:$0x1];
	s3 =	simm.s32 $0x0  }
0x3: {  	s13 =	simm.s32 $0x28;
	s28 =	simm.s32 $0x8400;
	s29 =	simm.s32 $0x4  }
0x4: {  	s30 =	simm.s32 $0xAC00;
	s31 =	simm.s32 $0x5;
	s16 =	simm.s32 $0xB  }
0x5: {  	s18 =	simm.s32 $0x7;
	s11 =	simm.s32 $0x0;
	s0 =	sand.u32 $0x1, s0  }
0x6: {  	s4 =	sshll.u32 s9, $0x1;
	[smem:$0x7FF] =	sst s3;
	s20 =	smul.u32 $0x17700, s9  }
0x7: {  	s4 =	sor.u32 s0, s4;
	s5 =	ssub.s32 $0x2, s0;
	s0 =	smul.u32 $0xBB80, s0  }
0x8: {  	s8 =	sadd.s32 $0x156400, s1;
	s9 =	simm.s32 $0xF;
	s6 =	smul.u32 $0xBB8, s4  }
0x9: {  	_ =	strace $0x8000004A;
	s7 =	sshrl.u32 s5, $0x1;
	s4 =	smul.u32 $0x5DC00, s4  }
0xa: {  	s23 =	sadd.s32 s20, s8;
	s20 =	simm.s32 $0xC;
	s5 =	ssub.s32 s5, s7  }
0xb: {  	s0 =	sadd.s32 s0, s23;
	s23 =	simm.s32 $0x7000;
	s7 =	simm.s32 $0xE  }
0xc: {  	s6 =	sshrl.u32 s6, $0x3;
	s4 =	sshrl.u32 s4, $0x3;
	s26 =	smax.u32 s5, $0x1  }
0xd: {  	s0 =	sadd.s32 $0x1680, s0;
	s1 =	sadd.s32 s1, s6;
	[dreg:$0x9] =	wrdreg s26  }
0xe: {  	s21 =	sadd.s32 s8, s4;
	[dreg:$0xa] =	wrdreg s0;
	s1 =	sadd.s32 $0x2D340, s1  }
0xf: {  	s5 =	simm.s32 $0xD;
	s4 =	sadd.s32 $0xAF00, s21;
	[dreg:$0x3] =	wrdreg s1  }
0x10: {  	s26 =	simm.s32 $0x3;
	s22 =	sadd.s32 $0xB180, s21;
	[dreg:$0x4] =	wrdreg s4  }
0x11: {  	s0 =	simm.s32 $0x6;
	s24 =	sadd.s32 $0xB400, s21;
	[dreg:$0x5] =	wrdreg s22  }
0x12: {  	s6 =	simm.s32 $0x9;
	s25 =	sadd.s32 $0xB680, s21;
	[dreg:$0x6] =	wrdreg s24  }
0x13: {  	s8 =	simm.s32 $0xA;
	[dreg:$0x7] =	wrdreg s25;
	s1 =	sadd.s32 $0xB900, s21  }
0x14: {  	s22 =	simm.s32 $0x1;
	s24 =	simm.s32 $0x2;
	s25 =	simm.s32 $0x9800  }
0x15: {  	s4 =	simm.s32 $0x8;
	[dreg:$0x8] =	wrdreg s1;
	s1 =	simm.s32 $0xC000  }
.LBB2_1:
0x16: {  	[dreg:$0xb] =	wrdreg s11  }
0x17: {  	s10 =	rddreg [dreg:$0x3];
	s19 =	simm.s32 $0x15  }
0x18: {  	[tilespmem:s3], [sflag:$0x15] =	stream.linear.gather [hbm4b:s10+s3], $0xBB8, $0x38;
	[tilespmem:$0xD400] =	vst v63  }
0x19: {  	_ =	swait.ge [sflag:s19], $0xBB8  }
0x1a: {  	[sflag:s19] =	ssyncset.done $0x0  }
0x1b: {  	s12 =	simm.s32 $0xC00;
	[sflag:s19] =	ssyncadd.s32 $0xFFFFF448  }
0x1c: {  	[tilespmem:s12], [sflag:$0x1] =	stream.indirect.gather [hbm4b:s2+s13], $0x80, s3, s13, $0xb8;
	[tilespmem:$0xD400] =	vst v63  }
0x1d: {  	s15 =	simm.s32 $0x2000  }
0x1e: {  	[tilespmem:s15], [sflag:$0x2] =	stream.indirect.gather [hbm4b:s2+s13], $0x80, s13, s13, $0xb8;
	[tilespmem:$0xD400] =	vst v63  }
0x1f: {  	s21 =	simm.s32 $0x50;
	s17 =	simm.s32 $0x3400  }
0x20: {  	[tilespmem:s17], [sflag:$0x3] =	stream.indirect.gather [hbm4b:s2+s13], $0x80, s21, s13, $0xb8;
	[tilespmem:$0xD400] =	vst v63  }
0x21: {  	s11 =	simm.s32 $0x78;
	s19 =	simm.s32 $0x4800  }
0x22: {  	[tilespmem:s19], [sflag:$0x4] =	stream.indirect.gather [hbm4b:s2+s13], $0x80, s11, s13, $0xb8;
	[tilespmem:$0xD400] =	vst v63  }
0x23: {  	s14 =	simm.s32 $0xA0;
	s21 =	simm.s32 $0x5C00  }
0x24: {  	[tilespmem:s21], [sflag:$0x5] =	stream.indirect.gather [hbm4b:s2+s13], $0x80, s14, s13, $0xb8;
	[tilespmem:$0xD400] =	vst v63  }
0x25: {  	_ =	swait.ge [sflag:s22], $0x1400  }
0x26: {  	p0 =	por $0x1, $0x1;
	[sflag:s22] =	ssyncset.done $0x0;
	s14 =	rddreg [dreg:$0xa]  }
0x27: {  	s11 =	simm.s32 @!p0 $0x10;
	s10 =	sadd.s32 $0xFFFFE980, s14;
	[sflag:s22] =	ssyncadd.s32 $0xFFFFEC00  }
0x28: {  	[hbm4b:s10+s3] =	stream.linear.scatter [tilespmem:s12], [sflag:$0xB], $0x1400, $0x38;
	[tilespmem:$0xD400] =	vst v63  }
0x29: {  	_ =	swait.ge @!p0 [sflag:s11], $0x1400  }
0x2a: {  	[sflag:s11] =	ssyncset.done @!p0 $0x0  }
0x2b: {  	s10 =	simm.s32 $0xC8;
	[sflag:s11] =	ssyncadd.s32 @!p0 $0xFFFFEC00  }
0x2c: {  	[tilespmem:s23], [sflag:$0x6] =	stream.indirect.gather [hbm4b:s2+s13], $0x80, s10, s13, $0xb8;
	[tilespmem:$0xD400] =	vst v63  }
0x2d: {  	_ =	swait.ge [sflag:s24], $0x1400  }
0x2e: {  	[sflag:s24] =	ssyncset.done $0x0  }
0x2f: {  	s11 =	simm.s32 @!p0 $0x11;
	s10 =	sadd.s32 $0xFFFFEC00, s14;
	[sflag:s24] =	ssyncadd.s32 $0xFFFFEC00  }
0x30: {  	[hbm4b:s10+s3] =	stream.linear.scatter [tilespmem:s15], [sflag:$0xC], $0x1400, $0x38;
	[tilespmem:$0xD400] =	vst v63  }
0x31: {  	_ =	swait.ge @!p0 [sflag:s11], $0x1400  }
0x32: {  	[sflag:s11] =	ssyncset.done @!p0 $0x0  }
0x33: {  	s10 =	simm.s32 $0xF0;
	[sflag:s11] =	ssyncadd.s32 @!p0 $0xFFFFEC00  }
0x34: {  	[tilespmem:s28], [sflag:$0x7] =	stream.indirect.gather [hbm4b:s2+s13], $0x80, s10, s13, $0xb8;
	[tilespmem:$0xD400] =	vst v63  }
0x35: {  	_ =	swait.ge [sflag:s26], $0x1400  }
0x36: {  	[sflag:s26] =	ssyncset.done $0x0  }
0x37: {  	s11 =	simm.s32 @!p0 $0x12;
	s10 =	sadd.s32 $0xFFFFEE80, s14;
	[sflag:s26] =	ssyncadd.s32 $0xFFFFEC00  }
0x38: {  	[hbm4b:s10+s3] =	stream.linear.scatter [tilespmem:s17], [sflag:$0xD], $0x1400, $0x38;
	[tilespmem:$0xD400] =	vst v63  }
0x39: {  	_ =	swait.ge @!p0 [sflag:s11], $0x1400  }
0x3a: {  	[sflag:s11] =	ssyncset.done @!p0 $0x0  }
0x3b: {  	s10 =	simm.s32 $0x118;
	[sflag:s11] =	ssyncadd.s32 @!p0 $0xFFFFEC00  }
0x3c: {  	[tilespmem:s25], [sflag:$0x8] =	stream.indirect.gather [hbm4b:s2+s13], $0x80, s10, s13, $0xb8;
	[tilespmem:$0xD400] =	vst v63  }
0x3d: {  	_ =	swait.ge [sflag:s29], $0x1400  }
0x3e: {  	[sflag:s29] =	ssyncset.done $0x0  }
0x3f: {  	s11 =	simm.s32 @!p0 $0x13;
	s10 =	sadd.s32 $0xFFFFF100, s14;
	[sflag:s29] =	ssyncadd.s32 $0xFFFFEC00  }
0x40: {  	[hbm4b:s10+s3] =	stream.linear.scatter [tilespmem:s19], [sflag:$0xE], $0x1400, $0x38;
	[tilespmem:$0xD400] =	vst v63  }
0x41: {  	_ =	swait.ge @!p0 [sflag:s11], $0x1400  }
0x42: {  	[sflag:s11] =	ssyncset.done @!p0 $0x0  }
0x43: {  	s10 =	simm.s32 $0x140;
	[sflag:s11] =	ssyncadd.s32 @!p0 $0xFFFFEC00  }
0x44: {  	[tilespmem:s30], [sflag:$0x9] =	stream.indirect.gather [hbm4b:s2+s13], $0x80, s10, s13, $0xb8;
	[tilespmem:$0xD400] =	vst v63  }
0x45: {  	_ =	swait.ge [sflag:s31], $0x1400  }
0x46: {  	[sflag:s31] =	ssyncset.done $0x0  }
0x47: {  	s11 =	simm.s32 @!p0 $0x14;
	s10 =	sadd.s32 $0xFFFFF380, s14;
	[sflag:s31] =	ssyncadd.s32 $0xFFFFEC00  }
0x48: {  	[hbm4b:s10+s3] =	stream.linear.scatter [tilespmem:s21], [sflag:$0xF], $0x1400, $0x38;
	[tilespmem:$0xD400] =	vst v63  }
0x49: {  	_ =	swait.ge @!p0 [sflag:s11], $0x1400  }
0x4a: {  	[sflag:s11] =	ssyncset.done @!p0 $0x0  }
0x4b: {  	s21 =	simm.s32 $0x168;
	[sflag:s11] =	ssyncadd.s32 @!p0 $0xFFFFEC00  }
0x4c: {  	[tilespmem:s1], [sflag:$0xA] =	stream.indirect.gather [hbm4b:s2+s13], $0x80, s21, s13, $0xb8;
	[tilespmem:$0xD400] =	vst v63  }
0x4d: {  	_ =	swait.ge [sflag:s0], $0x1400  }
0x4e: {  	[sflag:s0] =	ssyncset.done $0x0  }
0x4f: {  	s11 =	sadd.s32 $0xFFFFF600, s14;
	[sflag:s0] =	ssyncadd.s32 $0xFFFFEC00  }
0x50: {  	[hbm4b:s11+s3] =	stream.linear.scatter [tilespmem:s23], [sflag:$0x10], $0x1400, $0x38;
	[tilespmem:$0xD400] =	vst v63  }
0x51: {  	_ =	swait.ge [sflag:s16], $0x1400  }
0x52: {  	[sflag:s16] =	ssyncset.done $0x0  }
0x53: {  	s21 =	simm.s32 $0x190;
	[sflag:s16] =	ssyncadd.s32 $0xFFFFEC00  }
0x54: {  	[tilespmem:s12], [sflag:$0x1] =	stream.indirect.gather [hbm4b:s2+s13], $0x80, s21, s13, $0xb8;
	[tilespmem:$0xD400] =	vst v63  }
0x55: {  	_ =	swait.ge [sflag:s18], $0x1400  }
0x56: {  	[sflag:s18] =	ssyncset.done $0x0  }
0x57: {  	s11 =	sadd.s32 $0xFFFFF880, s14;
	[sflag:s18] =	ssyncadd.s32 $0xFFFFEC00  }
0x58: {  	[hbm4b:s11+s3] =	stream.linear.scatter [tilespmem:s28], [sflag:$0x11], $0x1400, $0x38;
	[tilespmem:$0xD400] =	vst v63  }
0x59: {  	_ =	swait.ge [sflag:s20], $0x1400  }
0x5a: {  	[sflag:s20] =	ssyncset.done $0x0  }
0x5b: {  	s12 =	simm.s32 $0x1B8;
	[sflag:s20] =	ssyncadd.s32 $0xFFFFEC00  }
0x5c: {  	[tilespmem:s15], [sflag:$0x2] =	stream.indirect.gather [hbm4b:s2+s13], $0x80, s12, s13, $0xb8;
	[tilespmem:$0xD400] =	vst v63  }
0x5d: {  	_ =	swait.ge [sflag:s4], $0x1400  }
0x5e: {  	[sflag:s4] =	ssyncset.done $0x0  }
0x5f: {  	s15 =	sadd.s32 $0xFFFFFB00, s14;
	[sflag:s4] =	ssyncadd.s32 $0xFFFFEC00  }
0x60: {  	[hbm4b:s15+s3] =	stream.linear.scatter [tilespmem:s25], [sflag:$0x12], $0x1400, $0x38;
	[tilespmem:$0xD400] =	vst v63  }
0x61: {  	_ =	swait.ge [sflag:s5], $0x1400  }
0x62: {  	[sflag:s5] =	ssyncset.done $0x0  }
0x63: {  	s21 =	simm.s32 $0x1E0;
	[sflag:s5] =	ssyncadd.s32 $0xFFFFEC00  }
0x64: {  	[tilespmem:s17], [sflag:$0x3] =	stream.indirect.gather [hbm4b:s2+s13], $0x80, s21, s13, $0xb8;
	[tilespmem:$0xD400] =	vst v63  }
0x65: {  	_ =	swait.ge [sflag:s6], $0x1400  }
0x66: {  	[sflag:s6] =	ssyncset.done $0x0  }
0x67: {  	s25 =	sadd.s32 $0xFFFFFD80, s14;
	[sflag:s6] =	ssyncadd.s32 $0xFFFFEC00  }
0x68: {  	[hbm4b:s25+s3] =	stream.linear.scatter [tilespmem:s30], [sflag:$0x13], $0x1400, $0x38;
	[tilespmem:$0xD400] =	vst v63  }
0x69: {  	_ =	swait.ge [sflag:s7], $0x1400  }
0x6a: {  	[sflag:s7] =	ssyncset.done $0x0  }
0x6b: {  	s30 =	simm.s32 $0x208;
	[sflag:s7] =	ssyncadd.s32 $0xFFFFEC00  }
0x6c: {  	[tilespmem:s19], [sflag:$0x4] =	stream.indirect.gather [hbm4b:s2+s13], $0x80, s30, s13, $0xb8;
	[tilespmem:$0xD400] =	vst v63  }
0x6d: {  	_ =	swait.ge [sflag:s8], $0x1400  }
0x6e: {  	[sflag:s8] =	ssyncset.done $0x0  }
0x6f: {  	[sflag:s8] =	ssyncadd.s32 $0xFFFFEC00  }
0x70: {  	[hbm4b:s14+s3] =	stream.linear.scatter [tilespmem:s1], [sflag:$0x14], $0x1400, $0x38;
	[tilespmem:$0xD400] =	vst v63  }
0x71: {  	s10 =	simm.s32 $0x640;
	_ =	swait.ge [sflag:s9], $0x1400  }
0x72: {  	s11 =	smov.u32 s14;
	s12 =	simm.s32 $0x230;
	[sflag:s9] =	ssyncset.done $0x0  }
.LBB2_2:
0x73: {  	[sflag:s9] =	ssyncadd.s32 $0xFFFFEC00;
	s11 =	sadd.s32 $0x1900, s11;
	s14 =	smov.u32 s10  }
0x74: {  	s10 =	sadd.s32 $0x640, s10;
	s30 =	simm.s32 $0x9800;
	s25 =	simm.s32 $0x5C00  }
0x75: {  	[tilespmem:s25], [sflag:$0x5] =	stream.indirect.gather [hbm4b:s2+s13], $0x80, s12, s13, $0xb8;
	[tilespmem:$0xD400] =	vst v63  }
0x76: {  	p0 =	sne.s32 s10, $0x2BC0;
	_ =	swait.ge [sflag:s22], $0x1400  }
0x77: {  	s12 =	sadd.s32 $0xFFFFE980, s11;
	p1 =	seq.s32 s14, $0x0;
	[sflag:s22] =	ssyncset.done $0x0  }
0x78: {  	s17 =	simm.s32 $0xC00;
	s15 =	simm.s32 @!p1 $0x10;
	[sflag:s22] =	ssyncadd.s32 $0xFFFFEC00  }
0x79: {  	[hbm4b:s12+s3] =	stream.linear.scatter [tilespmem:s17], [sflag:$0xB], $0x1400, $0x38;
	[tilespmem:$0xD400] =	vst v63  }
0x7a: {  	s12 =	sshra.s32 s14, $0x2;
	_ =	swait.ge @!p1 [sflag:s15], $0x1400  }
0x7b: {  	s14 =	sadd.s32 $0xC8, s12;
	[sflag:s15] =	ssyncset.done @!p1 $0x0  }
0x7c: {  	[sflag:s15] =	ssyncadd.s32 @!p1 $0xFFFFEC00  }
0x7d: {  	[tilespmem:s23], [sflag:$0x6] =	stream.indirect.gather [hbm4b:s2+s13], $0x80, s14, s13, $0xb8;
	[tilespmem:$0xD400] =	vst v63  }
0x7e: {  	_ =	swait.ge [sflag:s24], $0x1400  }
0x7f: {  	s14 =	sadd.s32 $0xFFFFEC00, s11;
	[sflag:s24] =	ssyncset.done $0x0  }
0x80: {  	s19 =	simm.s32 $0x2000;
	s15 =	simm.s32 @!p1 $0x11;
	[sflag:s24] =	ssyncadd.s32 $0xFFFFEC00  }
0x81: {  	[hbm4b:s14+s3] =	stream.linear.scatter [tilespmem:s19], [sflag:$0xC], $0x1400, $0x38;
	[tilespmem:$0xD400] =	vst v63  }
0x82: {  	_ =	swait.ge @!p1 [sflag:s15], $0x1400  }
0x83: {  	s14 =	sadd.s32 $0xF0, s12;
	[sflag:s15] =	ssyncset.done @!p1 $0x0  }
0x84: {  	[sflag:s15] =	ssyncadd.s32 @!p1 $0xFFFFEC00  }
0x85: {  	[tilespmem:s28], [sflag:$0x7] =	stream.indirect.gather [hbm4b:s2+s13], $0x80, s14, s13, $0xb8;
	[tilespmem:$0xD400] =	vst v63  }
0x86: {  	_ =	swait.ge [sflag:s26], $0x1400  }
0x87: {  	s14 =	sadd.s32 $0xFFFFEE80, s11;
	[sflag:s26] =	ssyncset.done $0x0  }
0x88: {  	s21 =	simm.s32 $0x3400;
	s15 =	simm.s32 @!p1 $0x12;
	[sflag:s26] =	ssyncadd.s32 $0xFFFFEC00  }
0x89: {  	[hbm4b:s14+s3] =	stream.linear.scatter [tilespmem:s21], [sflag:$0xD], $0x1400, $0x38;
	[tilespmem:$0xD400] =	vst v63  }
0x8a: {  	_ =	swait.ge @!p1 [sflag:s15], $0x1400  }
0x8b: {  	s14 =	sadd.s32 $0x118, s12;
	[sflag:s15] =	ssyncset.done @!p1 $0x0  }
0x8c: {  	[sflag:s15] =	ssyncadd.s32 @!p1 $0xFFFFEC00  }
0x8d: {  	[tilespmem:s30], [sflag:$0x8] =	stream.indirect.gather [hbm4b:s2+s13], $0x80, s14, s13, $0xb8;
	[tilespmem:$0xD400] =	vst v63  }
0x8e: {  	s30 =	simm.s32 $0xAC00  }
0x8f: {  	_ =	swait.ge [sflag:s29], $0x1400  }
0x90: {  	s23 =	simm.s32 $0x4800;
	s14 =	sadd.s32 $0xFFFFF100, s11;
	[sflag:s29] =	ssyncset.done $0x0  }
0x91: {  	s28 =	simm.s32 $0x7000;
	s15 =	simm.s32 @!p1 $0x13;
	[sflag:s29] =	ssyncadd.s32 $0xFFFFEC00  }
0x92: {  	[hbm4b:s14+s3] =	stream.linear.scatter [tilespmem:s23], [sflag:$0xE], $0x1400, $0x38;
	[tilespmem:$0xD400] =	vst v63  }
0x93: {  	_ =	swait.ge @!p1 [sflag:s15], $0x1400  }
0x94: {  	s14 =	sadd.s32 $0x140, s12;
	[sflag:s15] =	ssyncset.done @!p1 $0x0  }
0x95: {  	[sflag:s15] =	ssyncadd.s32 @!p1 $0xFFFFEC00  }
0x96: {  	[tilespmem:s30], [sflag:$0x9] =	stream.indirect.gather [hbm4b:s2+s13], $0x80, s14, s13, $0xb8;
	[tilespmem:$0xD400] =	vst v63  }
0x97: {  	_ =	swait.ge [sflag:s31], $0x1400  }
0x98: {  	s14 =	sadd.s32 $0xFFFFF380, s11;
	[sflag:s31] =	ssyncset.done $0x0  }
0x99: {  	s15 =	simm.s32 @!p1 $0x14;
	[sflag:s31] =	ssyncadd.s32 $0xFFFFEC00  }
0x9a: {  	[hbm4b:s14+s3] =	stream.linear.scatter [tilespmem:s25], [sflag:$0xF], $0x1400, $0x38;
	[tilespmem:$0xD400] =	vst v63  }
0x9b: {  	s25 =	simm.s32 $0x9800  }
0x9c: {  	_ =	swait.ge @!p1 [sflag:s15], $0x1400  }
0x9d: {  	s14 =	sadd.s32 $0x168, s12;
	[sflag:s15] =	ssyncset.done @!p1 $0x0  }
0x9e: {  	[sflag:s15] =	ssyncadd.s32 @!p1 $0xFFFFEC00  }
0x9f: {  	[tilespmem:s1], [sflag:$0xA] =	stream.indirect.gather [hbm4b:s2+s13], $0x80, s14, s13, $0xb8;
	[tilespmem:$0xD400] =	vst v63  }
0xa0: {  	_ =	swait.ge [sflag:s0], $0x1400  }
0xa1: {  	s14 =	sadd.s32 $0xFFFFF600, s11;
	[sflag:s0] =	ssyncset.done $0x0  }
0xa2: {  	[sflag:s0] =	ssyncadd.s32 $0xFFFFEC00  }
0xa3: {  	[hbm4b:s14+s3] =	stream.linear.scatter [tilespmem:s28], [sflag:$0x10], $0x1400, $0x38;
	[tilespmem:$0xD400] =	vst v63  }
0xa4: {  	s28 =	simm.s32 $0x8400  }
0xa5: {  	_ =	swait.ge [sflag:s16], $0x1400  }
0xa6: {  	s14 =	sadd.s32 $0x190, s12;
	[sflag:s16] =	ssyncset.done $0x0  }
0xa7: {  	s15 =	simm.s32 $0xC00;
	[sflag:s16] =	ssyncadd.s32 $0xFFFFEC00  }
0xa8: {  	[tilespmem:s17], [sflag:$0x1] =	stream.indirect.gather [hbm4b:s2+s13], $0x80, s14, s13, $0xb8;
	[tilespmem:$0xD400] =	vst v63  }
0xa9: {  	_ =	swait.ge [sflag:s18], $0x1400  }
0xaa: {  	s14 =	sadd.s32 $0xFFFFF880, s11;
	[sflag:s18] =	ssyncset.done $0x0  }
0xab: {  	[sflag:s18] =	ssyncadd.s32 $0xFFFFEC00  }
0xac: {  	[hbm4b:s14+s3] =	stream.linear.scatter [tilespmem:s28], [sflag:$0x11], $0x1400, $0x38;
	[tilespmem:$0xD400] =	vst v63  }
0xad: {  	_ =	swait.ge [sflag:s20], $0x1400  }
0xae: {  	s14 =	sadd.s32 $0x1B8, s12;
	[sflag:s20] =	ssyncset.done $0x0  }
0xaf: {  	s17 =	simm.s32 $0x2000;
	[sflag:s20] =	ssyncadd.s32 $0xFFFFEC00  }
0xb0: {  	[tilespmem:s19], [sflag:$0x2] =	stream.indirect.gather [hbm4b:s2+s13], $0x80, s14, s13, $0xb8;
	[tilespmem:$0xD400] =	vst v63  }
0xb1: {  	_ =	swait.ge [sflag:s4], $0x1400  }
0xb2: {  	s14 =	sadd.s32 $0xFFFFFB00, s11;
	[sflag:s4] =	ssyncset.done $0x0  }
0xb3: {  	[sflag:s4] =	ssyncadd.s32 $0xFFFFEC00  }
0xb4: {  	[hbm4b:s14+s3] =	stream.linear.scatter [tilespmem:s25], [sflag:$0x12], $0x1400, $0x38;
	[tilespmem:$0xD400] =	vst v63  }
0xb5: {  	_ =	swait.ge [sflag:s5], $0x1400  }
0xb6: {  	s14 =	sadd.s32 $0x1E0, s12;
	[sflag:s5] =	ssyncset.done $0x0  }
0xb7: {  	s19 =	simm.s32 $0x3400;
	[sflag:s5] =	ssyncadd.s32 $0xFFFFEC00  }
0xb8: {  	[tilespmem:s21], [sflag:$0x3] =	stream.indirect.gather [hbm4b:s2+s13], $0x80, s14, s13, $0xb8;
	[tilespmem:$0xD400] =	vst v63  }
0xb9: {  	_ =	swait.ge [sflag:s6], $0x1400  }
0xba: {  	s14 =	sadd.s32 $0xFFFFFD80, s11;
	[sflag:s6] =	ssyncset.done $0x0  }
0xbb: {  	[sflag:s6] =	ssyncadd.s32 $0xFFFFEC00  }
0xbc: {  	[hbm4b:s14+s3] =	stream.linear.scatter [tilespmem:s30], [sflag:$0x13], $0x1400, $0x38;
	[tilespmem:$0xD400] =	vst v63  }
0xbd: {  	_ =	swait.ge [sflag:s7], $0x1400  }
0xbe: {  	s14 =	sadd.s32 $0x208, s12;
	[sflag:s7] =	ssyncset.done $0x0  }
0xbf: {  	[sflag:s7] =	ssyncadd.s32 $0xFFFFEC00  }
0xc0: {  	[tilespmem:s23], [sflag:$0x4] =	stream.indirect.gather [hbm4b:s2+s13], $0x80, s14, s13, $0xb8;
	[tilespmem:$0xD400] =	vst v63  }
0xc1: {  	s21 =	simm.s32 $0x4800;
	s23 =	simm.s32 $0x7000  }
0xc2: {  	_ =	swait.ge [sflag:s8], $0x1400  }
.Ltmp0:
0xc3: {  	[sflag:s8] =	ssyncset.done $0x0;
	(pc) =	sbr.rel @p0 .LBB2_2-.Ltmp0, $4  }
0xc4: {  	[sflag:s8] =	ssyncadd.s32 $0xFFFFEC00  }
0xc5: {  	[hbm4b:s11+s3] =	stream.linear.scatter [tilespmem:s1], [sflag:$0x14], $0x1400, $0x38;
	[tilespmem:$0xD400] =	vst v63  }
0xc6: {  	_ =	swait.ge [sflag:s9], $0x1400  }
0xc7: {  	s12 =	sadd.s32 $0x230, s12;
	[sflag:s9] =	ssyncset.done $0x0  }
0xc8: {  	[sflag:s9] =	ssyncadd.s32 $0xFFFFEC00;
	s11 =	simm.s32 $0x5C00  }
0xc9: {  	[tilespmem:s11], [sflag:$0x5] =	stream.indirect.gather [hbm4b:s2+s13], $0x80, s12, s13, $0xb8;
	[tilespmem:$0xD400] =	vst v63  }
0xca: {  	_ =	swait.ge [sflag:s22], $0x1400  }
0xcb: {  	[sflag:s22] =	ssyncset.done $0x0  }
0xcc: {  	s12 =	simm.s32 $0x10;
	s10 =	rddreg [dreg:$0x4];
	[sflag:s22] =	ssyncadd.s32 $0xFFFFEC00  }
0xcd: {  	[hbm4b:s10+s3] =	stream.linear.scatter [tilespmem:s15], [sflag:$0xB], $0x1400, $0x38;
	[tilespmem:$0xD400] =	vst v63  }
0xce: {  	_ =	swait.ge [sflag:s12], $0x1400  }
0xcf: {  	[sflag:s12] =	ssyncset.done $0x0  }
0xd0: {  	[sflag:s12] =	ssyncadd.s32 $0xFFFFEC00  }
0xd1: {  	_ =	swait.ge [sflag:s24], $0x1400  }
0xd2: {  	[sflag:s24] =	ssyncset.done $0x0  }
0xd3: {  	s15 =	simm.s32 $0x11;
	s14 =	rddreg [dreg:$0x5];
	[sflag:s24] =	ssyncadd.s32 $0xFFFFEC00  }
0xd4: {  	[hbm4b:s14+s3] =	stream.linear.scatter [tilespmem:s17], [sflag:$0xC], $0x1400, $0x38;
	[tilespmem:$0xD400] =	vst v63  }
0xd5: {  	_ =	swait.ge [sflag:s15], $0x1400  }
0xd6: {  	[sflag:s15] =	ssyncset.done $0x0  }
0xd7: {  	[sflag:s15] =	ssyncadd.s32 $0xFFFFEC00  }
0xd8: {  	_ =	swait.ge [sflag:s26], $0x1400  }
0xd9: {  	[sflag:s26] =	ssyncset.done $0x0  }
0xda: {  	s17 =	rddreg [dreg:$0x6];
	[sflag:s26] =	ssyncadd.s32 $0xFFFFEC00  }
0xdb: {  	[hbm4b:s17+s3] =	stream.linear.scatter [tilespmem:s19], [sflag:$0xD], $0x1400, $0x38;
	[tilespmem:$0xD400] =	vst v63  }
0xdc: {  	s19 =	simm.s32 $0x12  }
0xdd: {  	_ =	swait.ge [sflag:s19], $0x1400  }
0xde: {  	[sflag:s19] =	ssyncset.done $0x0  }
0xdf: {  	[sflag:s19] =	ssyncadd.s32 $0xFFFFEC00  }
0xe0: {  	_ =	swait.ge [sflag:s29], $0x1400  }
0xe1: {  	[sflag:s29] =	ssyncset.done $0x0  }
0xe2: {  	s14 =	simm.s32 $0x13;
	s12 =	rddreg [dreg:$0x7];
	[sflag:s29] =	ssyncadd.s32 $0xFFFFEC00  }
0xe3: {  	[hbm4b:s12+s3] =	stream.linear.scatter [tilespmem:s21], [sflag:$0xE], $0x1400, $0x38;
	[tilespmem:$0xD400] =	vst v63  }
0xe4: {  	_ =	swait.ge [sflag:s14], $0x1400  }
0xe5: {  	[sflag:s14] =	ssyncset.done $0x0  }
0xe6: {  	[sflag:s14] =	ssyncadd.s32 $0xFFFFEC00  }
0xe7: {  	_ =	swait.ge [sflag:s31], $0x1400  }
0xe8: {  	[sflag:s31] =	ssyncset.done $0x0  }
0xe9: {  	s17 =	simm.s32 $0x14;
	s15 =	rddreg [dreg:$0x8];
	[sflag:s31] =	ssyncadd.s32 $0xFFFFEC00  }
0xea: {  	[hbm4b:s15+s3] =	stream.linear.scatter [tilespmem:s11], [sflag:$0xF], $0x1400, $0x38;
	[tilespmem:$0xD400] =	vst v63  }
0xeb: {  	_ =	swait.ge [sflag:s17], $0x1400  }
0xec: {  	[sflag:s17] =	ssyncset.done $0x0  }
0xed: {  	[sflag:s17] =	ssyncadd.s32 $0xFFFFEC00  }
0xee: {  	_ =	swait.ge [sflag:s16], $0x1400  }
0xef: {  	[sflag:s16] =	ssyncset.done $0x0  }
0xf0: {  	[sflag:s16] =	ssyncadd.s32 $0xFFFFEC00  }
0xf1: {  	_ =	swait.ge [sflag:s20], $0x1400  }
0xf2: {  	[sflag:s20] =	ssyncset.done $0x0  }
0xf3: {  	[sflag:s20] =	ssyncadd.s32 $0xFFFFEC00  }
0xf4: {  	_ =	swait.ge [sflag:s5], $0x1400  }
0xf5: {  	[sflag:s5] =	ssyncset.done $0x0  }
0xf6: {  	[sflag:s5] =	ssyncadd.s32 $0xFFFFEC00  }
0xf7: {  	_ =	swait.ge [sflag:s7], $0x1400  }
0xf8: {  	[sflag:s7] =	ssyncset.done $0x0  }
0xf9: {  	[sflag:s7] =	ssyncadd.s32 $0xFFFFEC00  }
0xfa: {  	_ =	swait.ge [sflag:s9], $0x1400  }
0xfb: {  	s19 =	rddreg [dreg:$0xb]  }
0xfc: {  	s21 =	rddreg [dreg:$0x9];
	s11 =	sadd.s32 $0x1, s19  }
0xfd: {  	p0 =	sne.s32 s11, s21  }
.Ltmp1:
0xfe: {  	_ = 	snop;
	(pc) =	sbr.rel @p0 .LBB2_1-.Ltmp1, $3  }
0xff: {  	_ =	sdelay $0x1  }
0x100: {  	[sflag:s9] =	ssyncset.done $0x0  }
0x101: {  	[sflag:s9] =	ssyncadd.s32 $0xFFFFEC00  }
0x102: {  	_ =	sfence.sel $0x180000  }
0x103: {  	[bflag:$0x0] =	sbarrier.arrive $0xFFFF  }
0x104: {  	_ =	strace $0x9000004A  }
0x105: {  	s0 =	stileid.u32;
	[bflag:$0x2] =	sbarrier.arrive $0xFFFF  }
0x106: {  	p0 =	sne.s32 s0, $0x0;
	s0 =	rddreg [dreg:$0x2]  }
0x107: {  	s0 =	sadd.s32 @!p0 $0x100000, s0  }
0x108: {  	[sflag:s0] =	ssyncadd.tile.s32 @!p0 $0x1;
	_ =	shalt  }
.Lfunc_end2:
_tile_overlayer_lowered:
.L_overlay_start_2:
0x109: {  	(tag) =	ssettag $0x2  }
0x10a: {  	s0 =	rddreg [dreg:$0x0];
	s2 =	stileid.u32  }
0x10b: {  	s1 =	rddreg [dreg:$0x1];
	p0 =	sne.s32 s2, $0x0  }
0x10c: {  	s3 =	rddreg [dreg:$0x2];
	[bflag:$0x3] =	sbarrier.arrive $0xFFFF;
	s2 =	simm.s32 @!p0 $0x1C15  }
0x10d: {  	[timem:s3], [sflag:s2] =	dma.local @!p0 [hbm:s0], s1  }
0x10e: {  	s0 =	simm.s32 @!p0 $0x15  }
0x10f: {  	_ =	swait.ge @!p0 [sflag:s0], s1  }
0x110: {  	s1 =	ssub.s32 @!p0 $0x0, s1;
	[sflag:s0] =	ssyncset.done @!p0 $0x0  }
0x111: {  	[sflag:s0] =	ssyncadd.s32 @!p0 s1  }
0x112: {  	[bflag:$0x3] =	sbarrier.arrive $0xFFFF  }
0x113: {  	_ =	shalt  }

// kernel: kernel.15.cloned.1.call-start
scs
__scs_entry_jumppad:
0x0: {  	(pc) =	sbr.rel $0x88, $3  }
0x1: {  	(tag) =	ssettag $0x0;
	lr =	simm.s32 $0x1  }
0x2: {  	[smem:$0x3F93] =	sst lr;
	_ =	strace $0xD0000000  }
0x3: {  	_ = 	snop  }
0x4: {  	_ = 	snop  }
0x5: {  	_ = 	snop  }
0x6: {  	_ = 	snop  }
0x7: {  	_ = 	snop  }
__scs_overlays_trampoline_lowered:
0x8: {  	[smem:$0x3FA2] =	sst s0  }
0x9: {  	[smem:$0x3FA3] =	sst s1  }
0xa: {  	[smem:$0x3FA4] =	sst s2  }
0xb: {  	[smem:$0x3FA5] =	sst s3  }
0xc: {  	[smem:$0x3FA6] =	sst s4  }
0xd: {  	[smem:$0x3FA7] =	sst s5  }
0xe: {  	[smem:$0x3FA8] =	sst s6  }
0xf: {  	[smem:$0x3FA9] =	sst s7  }
0x10: {  	[smem:$0x3FAA] =	sst s8  }
0x11: {  	[smem:$0x3FAB] =	sst s9;
	s0 =	simm.s32 @!p0 $0x0  }
0x12: {  	s1 =	sld [smem:$0x3F91];
	s0 =	simm.s32 @p0 $0x1  }
0x13: {  	[smem:$0x3FAC] =	sst s0;
	s0 =	simm.s32 @!p1 $0x0  }
0x14: {  	s2 =	sld [smem:$0x3F90];
	s0 =	simm.s32 @p1 $0x1  }
0x15: {  	[smem:$0x3FAD] =	sst s0;
	s0 =	simm.s32 @!p2 $0x0  }
0x16: {  	s3 =	sld [smem:$0x3FDB];
	s0 =	simm.s32 @p2 $0x1  }
0x17: {  	s4 =	simm.s32 $0x1BF5;
	[smem:$0x3FAF] =	sst s0  }
0x18: {  	s0 =	sld [smem:$0x3F92];
	_ =	swait.ge [sflag:s4], $0x0  }
0x19: {  	s7 =	sld [smem:$0x3F93]  }
0x1a: {  	s8 =	sadd.s32 $0xFFFFE003, lr  }
0x1b: {  	s9 =	sadd.s32 $0xFFFFFEF7, lr;
	s5 =	simm.s32 $0xFFFFFFFF;
	p2 =	slt.u32 s8, $0xFFFFF086  }
0x1c: {  	p1 =	slt.u32 s9, $0xF7A;
	s5 =	simm.s32 @!p2 $0x0  }
0x1d: {  	s5 =	simm.s32 @p1 $0x1;
	p0 =	seq.s32 s7, s2  }
0x1e: {  	s7 =	smul.u32 @!p0 $0xF7A, s2;
	p2 =	seq.s32 @!p0 s5, $0x0  }
0x1f: {  	s9 =	smul.u32 $0xF7A, s1;
	s8 =	simm.s32 @!p0 $0x1BF5;
	p2 =	por !p2, p0  }
0x20: {  	[sflag:s8] =	ssyncset.s32 @!p0 $0xFFFFF086;
	s6 =	sadd.s32 @!p0 s3, s7;
	s7 =	simm.s32 @!p0 $0x108  }
0x21: {  	s3 =	sadd.s32 s3, s9;
	s6 =	sadd.s32 @!p0 $0x88, s6;
	s7 =	simm.s32 @p2 $0x1082  }
0x22: {  	[simem:s7], [sflag:s8] =	dma.local @!p0 [hbm:s6], $0xF7A  }
0x23: {  	s9 =	sor.u32 $0xD0000000, s2;
	s6 =	simm.s32 $0x108;
	_ =	swait.ge @!p0 [sflag:s8], $0x0  }
0x24: {  	s3 =	sadd.s32 $0x88, s3;
	s6 =	simm.s32 @!p1 $0x1082;
	[sflag:s4] =	ssyncset.s32 $0xFFFFF086  }
0x25: {  	[simem:s6], [sflag:s4] =	dma.local [hbm:s3], $0xF7A  }
0x26: {  	[smem:$0x3F93] =	sst s1;
	(tag) =	ssettag s2;
	_ =	strace s9  }
0x27: {  	s1 =	sld [smem:$0x3FA3]  }
0x28: {  	s2 =	sld [smem:$0x3FA4]  }
0x29: {  	s4 =	sld [smem:$0x3FA6]  }
0x2a: {  	p0 =	seq.s32 s5, $0x0;
	s5 =	sld [smem:$0x3FA7]  }
0x2b: {  	s6 =	sld [smem:$0x3FA8]  }
0x2c: {  	s7 =	sld [smem:$0x3FA9]  }
0x2d: {  	s3 =	simm.s32 $0x108;
	s8 =	sld [smem:$0x3FAA]  }
0x2e: {  	s3 =	simm.s32 @!p0 $0x1082;
	s9 =	sld [smem:$0x3FAB]  }
0x2f: {  	lr =	sadd.s32 s0, s3;
	s0 =	sld [smem:$0x3FA2]  }
0x30: {  	s3 =	sld [smem:$0x3FA5]  }
0x31: {  	[smem:$0x3FAE] =	sst s10  }
0x32: {  	s10 =	sld [smem:$0x3FAC];
	_ =	sdelay $0x3  }
0x33: {  	p0 =	seq.s32 s10, $0x1;
	s10 =	sld [smem:$0x3FAE];
	_ =	sdelay $0x3  }
0x34: {  	[smem:$0x3FAE] =	sst s10  }
0x35: {  	s10 =	sld [smem:$0x3FAD];
	_ =	sdelay $0x3  }
0x36: {  	p1 =	seq.s32 s10, $0x1;
	s10 =	sld [smem:$0x3FAE];
	_ =	sdelay $0x3  }
0x37: {  	[smem:$0x3FAE] =	sst s10  }
0x38: {  	s10 =	sld [smem:$0x3FAF]  }
0x39: {  	_ = 	snop;
	(pc) =	sbr.ind lr, $3  }
0x3a: {  	_ = 	snop  }
0x3b: {  	_ = 	snop  }
0x3c: {  	p2 =	seq.s32 s10, $0x1;
	s10 =	sld [smem:$0x3FAE]  }
0x3d: {  	_ =	shalt  }
0x3e: {  	_ =	shalt  }
0x3f: {  	_ =	shalt  }
0x40: {  	_ =	shalt  }
0x41: {  	_ =	shalt  }
0x42: {  	_ =	shalt  }
0x43: {  	_ =	shalt  }
0x44: {  	_ =	shalt  }
0x45: {  	_ =	shalt  }
0x46: {  	_ =	shalt  }
0x47: {  	_ =	shalt  }
0x48: {  	_ =	shalt  }
0x49: {  	_ =	shalt  }
0x4a: {  	_ =	shalt  }
0x4b: {  	_ =	shalt  }
0x4c: {  	_ =	shalt  }
0x4d: {  	_ =	shalt  }
0x4e: {  	_ =	shalt  }
0x4f: {  	_ =	shalt  }
0x50: {  	_ =	shalt  }
0x51: {  	_ =	shalt  }
0x52: {  	_ =	shalt  }
0x53: {  	_ =	shalt  }
0x54: {  	_ =	shalt  }
0x55: {  	_ =	shalt  }
0x56: {  	_ =	shalt  }
0x57: {  	_ =	shalt  }
0x58: {  	_ =	shalt  }
0x59: {  	_ =	shalt  }
0x5a: {  	_ =	shalt  }
0x5b: {  	_ =	shalt  }
0x5c: {  	_ =	shalt  }
0x5d: {  	_ =	shalt  }
0x5e: {  	_ =	shalt  }
0x5f: {  	_ =	shalt  }
0x60: {  	_ =	shalt  }
0x61: {  	_ =	shalt  }
0x62: {  	_ =	shalt  }
0x63: {  	_ =	shalt  }
0x64: {  	_ =	shalt  }
0x65: {  	_ =	shalt  }
0x66: {  	_ =	shalt  }
0x67: {  	_ =	shalt  }
0x68: {  	_ =	shalt  }
0x69: {  	_ =	shalt  }
0x6a: {  	_ =	shalt  }
0x6b: {  	_ =	shalt  }
0x6c: {  	_ =	shalt  }
0x6d: {  	_ =	shalt  }
0x6e: {  	_ =	shalt  }
0x6f: {  	_ =	shalt  }
0x70: {  	_ =	shalt  }
0x71: {  	_ =	shalt  }
0x72: {  	_ =	shalt  }
0x73: {  	_ =	shalt  }
0x74: {  	_ =	shalt  }
0x75: {  	_ =	shalt  }
0x76: {  	_ =	shalt  }
0x77: {  	_ =	shalt  }
0x78: {  	_ =	shalt  }
0x79: {  	_ =	shalt  }
0x7a: {  	_ =	shalt  }
0x7b: {  	_ =	shalt  }
0x7c: {  	_ =	shalt  }
0x7d: {  	_ =	shalt  }
0x7e: {  	_ =	shalt  }
0x7f: {  	_ =	shalt  }
0x80: {  	_ =	shalt  }
0x81: {  	_ =	shalt  }
0x82: {  	_ =	shalt  }
0x83: {  	_ =	shalt  }
0x84: {  	_ =	shalt  }
0x85: {  	_ =	shalt  }
0x86: {  	_ =	shalt  }
0x87: {  	_ =	shalt  }
.Lfunc_end0:
.L_simem_size_0:
called_computation.2_lowered:
.L_overlay_start_0:
0x88: {  	s2 =	sld [smem:$0x3FD9]  }
0x89: {  	s3 =	sld [smem:$0x3FFE];
	_ =	sdelay $0x1  }
0x8a: {  	s1 =	srdreg.scid  }
0x8b: {  	s0 =	sand.u32 $0x1, s1  }
0x8c: {  	s15 =	sshll.u32 s0, $0xA;
	s2 =	sadd.s32 s3, s2  }
0x8d: {  	s2 =	sadd.s32 s2, s15  }
0x8e: {  	[smem:$0x3FBA] =	sst s2  }
0x8f: {  	_ = 	snop  }
0x90: {  	s2 =	sld [smem:$0x3FD0];
	_ =	sdelay $0x2  }
0x91: {  	s16 =	simm.s32 $0xC;
	s4 =	simm.s32 $0x10  }
0x92: {  	[smem:s4], [sflag:s16] =	dma.local [hbm:s2], $0x1  }
0x93: {  	_ =	swait.eq [sflag:s16], $0x1  }
0x94: {  	[sflag:s16] =	ssyncset.done $0x0  }
0x95: {  	[sflag:s16] =	ssyncadd.s32 $0xFFFFFFFF  }
0x96: {  	s17 =	sld [smem:$0x10];
	(tm) =	ssettm $0x1  }
0x97: {  	s18 =	sld [smem:$0x3FFB];
	_ =	sdelay $0x3  }
0x98: {  	_ =	strace s18  }
0x99: {  	s2 =	sld [smem:$0x3FFC];
	_ =	sdelay $0x3  }
0x9a: {  	_ =	strace s2  }
0x9b: {  	s2 =	sld [smem:$0x3FFD];
	_ =	sdelay $0x3  }
0x9c: {  	_ =	strace s2  }
0x9d: {  	_ =	strace $0x8FFFFFFF  }
0x9e: {  	s19 =	sld [smem:$0x3FDB];
	_ =	sdelay $0x1  }
0x9f: {  	s20 =	simm.s32 $_scs_section_size  }
0xa0: {  	s5 =	simm.s32 $_size__tile_overlayer_lowered;
	s6 =	simm.s32 $_tile_overlayer_lowered  }
0xa1: {  	s7 =	simm.s32 $0x1BFF;
	s21 =	sshll.u32 s6, $0x1;
	s4 =	sadd.s32 s20, s19  }
0xa2: {  	s22 =	simm.s32 $0x0;
	s5 =	sshll.u32 s5, $0x1;
	s6 =	sadd.s32 s21, s4  }
0xa3: {  	[timem:s22], [sflag:s7] =	dma.local [hbm:s6], s5  }
0xa4: {  	_ =	swait.ge [sflag:s7], s5  }
0xa5: {  	s5 =	ssub.s32 $0x0, s5;
	[sflag:s7] =	ssyncset.done $0x0  }
0xa6: {  	[sflag:s7] =	ssyncadd.s32 s5;
	_ =	sdelay $0x1  }
0xa7: {  	s23 =	simm.s32 $0x1B8B  }
0xa8: {  	_ =	swait.ge [sflag:s23], $0x1  }
0xa9: {  	[sflag:s23] =	ssyncset.done $0x0  }
0xaa: {  	[sflag:s23] =	ssyncadd.s32 $0xFFFFFFFF  }
0xab: {  	s5 =	sld [smem:$0x0]  }
0xac: {  	s6 =	sand.u32 $0xFFFFFFFE, s1  }
0xad: {  	p0 =	sne.s32 s1, s6  }
0xae: {  	s6 =	sshll.u32 @p0 s6, $0xE  }
0xaf: {  	s6 =	sadd.s32 @p0 $0x11B8D, s6;
	s7 =	sshll.u32 @p0 s5, $0x11  }
0xb0: {  	s6 =	sor.u32 @p0 s7, s6  }
0xb1: {  	[sflag:s6] =	ssyncadd.remote.s32 @p0 $0x1;
	_ =	sdelay $0x1  }
0xb2: {  	s6 =	simm.s32 @p0 $0x1B8D  }
0xb3: {  	_ =	swait.eq @p0 [sflag:s6], $0x1  }
0xb4: {  	[sflag:s6] =	ssyncadd.s32 @p0 $0xFFFFFFFF  }
0xb5: {  	s7 =	sshll.u32 @!p0 s1, $0xE  }
0xb6: {  	s7 =	sor.u32 @!p0 $0x4000, s7;
	s6 =	simm.s32 @!p0 $0x1B8D  }
0xb7: {  	s5 =	sshll.u32 @!p0 s5, $0x11;
	s7 =	sadd.s32 @!p0 $0x11B8D, s7;
	_ =	swait.eq @!p0 [sflag:s6], $0x1  }
0xb8: {  	s5 =	sor.u32 @!p0 s5, s7;
	[sflag:s6] =	ssyncadd.s32 @!p0 $0xFFFFFFFF  }
0xb9: {  	s25 =	simm.s32 $0x1B8E;
	s24 =	sld [smem:$0x3FFE];
	[sflag:s5] =	ssyncadd.remote.s32 @!p0 $0x1  }
0xba: {  	s26 =	simm.s32 $execute0_lowered;
	[smem:$0x3FD2] =	sst s25  }
0xbb: {  	s6 =	sshll.u32 s26, $0x1;
	_ =	strace $0x8000004C;
	[dreg:$0x1] =	wrdreg $0xFFFFFFFF  }
0xbc: {  	s28 =	simm.s32 $_size_execute0_lowered;
	s4 =	sadd.s32 s4, s6;
	[dreg:$0x0] =	wrdreg $0x0  }
0xbd: {  	s6 =	sshll.u32 s28, $0x1;
	[dreg:$0x2] =	wrdreg s4  }
0xbe: {  	[dreg:$0x3] =	wrdreg s6  }
0xbf: {  	[dreg:$0x4] =	wrdreg $0xC0  }
0xc0: {  	_ =	task [dreg:s22], $0x5FFFF  }
0xc1: {  	[dreg:$0x1] =	wrdreg $0xFFFFFFFF  }
0xc2: {  	[dreg:$0x0] =	wrdreg $0x60  }
0xc3: {  	[dreg:$0x2] =	wrdreg s17  }
0xc4: {  	[dreg:$0x3] =	wrdreg s24  }
0xc5: {  	[dreg:$0x4] =	wrdreg $0xB  }
0xc6: {  	_ =	task.clear_ibuf [dreg:s22], $0x5FFFF;
	_ =	strace $0x9000004C  }
0xc7: {  	s29 =	simm.s32 $0xB;
	_ =	strace $0x8000004E  }
0xc8: {  	_ =	swait.ge [sflag:s29], $0x1  }
0xc9: {  	[sflag:s29] =	ssyncadd.s32 $0xFFFFFFFF  }
0xca: {  	_ =	strace $0x9000004E  }
0xcb: {  	_ =	sfence  }
0xcc: {  	s30 =	sld [smem:$0x0];
	_ =	sdelay $0x2  }
0xcd: {  	s31 =	sshll.u32 s1, $0xD;
	s1 =	sshrl.u32 s1, $0x2  }
0xce: {  	s4 =	sand.u32 $0x4000, s31;
	s1 =	sadd.s32 s1, s30  }
0xcf: {  	s0 =	sor.u32 s4, s0;
	s1 =	sshll.u32 s1, $0x11  }
0xd0: {  	s0 =	sor.u32 s1, s0  }
0xd1: {  	s0 =	sadd.s32 $0x8F2B, s0  }
0xd2: {  	[sflag:s0] =	ssyncadd.remote.s32 $0x1  }
0xd3: {  	_ =	sfence.sel $0xFFFF  }
0xd4: {  	[dreg:$0x0] =	wrdreg $0xFFFFFFFF;
	(pc) =	sbr.abs _section_cstart, $3  }
0xd5: {  	[dreg:$0x1] =	wrdreg $0xFFFFFFFF  }
0xd6: {  	_ =	task.clear_ibuf [dreg:s22], $0x2FFFF;
	_ =	strace $0x9FFFFFFF  }
0xd7: {  	(tm) =	ssettm $0x7FFFFFFF  }
tec
execute0_lowered:
.L_overlay_start_1:
0x0: {  	(tag) =	ssettag $0x1  }
0x1: {  	s2 =	rddreg [dreg:$0x0];
	s0 =	srdreg.scid  }
0x2: {  	s9 =	stileid.u32;
	s1 =	rddreg [dreg:$0x1];
	s3 =	simm.s32 $0x0  }
0x3: {  	s13 =	simm.s32 $0x28;
	s28 =	simm.s32 $0x8C00;
	s29 =	simm.s32 $0x4  }
0x4: {  	s30 =	simm.s32 $0xB400;
	s31 =	simm.s32 $0x5;
	s16 =	simm.s32 $0xB  }
0x5: {  	s18 =	simm.s32 $0x7;
	s11 =	simm.s32 $0x0;
	s0 =	sand.u32 $0x1, s0  }
0x6: {  	s4 =	sshll.u32 s9, $0x1;
	[smem:$0x7FF] =	sst s3;
	s20 =	smul.u32 $0x27100, s9  }
0x7: {  	s4 =	sor.u32 s0, s4;
	s5 =	ssub.s32 $0x2, s0;
	s0 =	smul.u32 $0x13880, s0  }
0x8: {  	s8 =	sadd.s32 $0x2CD400, s1;
	s9 =	simm.s32 $0xF;
	s6 =	smul.u32 $0x1388, s4  }
0x9: {  	_ =	strace $0x8000004D;
	s7 =	sshrl.u32 s5, $0x1;
	s4 =	smul.u32 $0x9C400, s4  }
0xa: {  	s23 =	sadd.s32 s20, s8;
	s20 =	simm.s32 $0xC;
	s5 =	ssub.s32 s5, s7  }
0xb: {  	s0 =	sadd.s32 s0, s23;
	s23 =	simm.s32 $0x7800;
	s7 =	simm.s32 $0xE  }
0xc: {  	s6 =	sshrl.u32 s6, $0x3;
	s4 =	sshrl.u32 s4, $0x3;
	s26 =	smax.u32 s5, $0x1  }
0xd: {  	s0 =	sadd.s32 $0x1680, s0;
	s1 =	sadd.s32 s1, s6;
	[dreg:$0x9] =	wrdreg s26  }
0xe: {  	s21 =	sadd.s32 s8, s4;
	[dreg:$0xa] =	wrdreg s0;
	s1 =	sadd.s32 $0x30220, s1  }
0xf: {  	s5 =	simm.s32 $0xD;
	s4 =	sadd.s32 $0x12C00, s21;
	[dreg:$0x3] =	wrdreg s1  }
0x10: {  	s26 =	simm.s32 $0x3;
	s22 =	sadd.s32 $0x12E80, s21;
	[dreg:$0x4] =	wrdreg s4  }
0x11: {  	s0 =	simm.s32 $0x6;
	s24 =	sadd.s32 $0x13100, s21;
	[dreg:$0x5] =	wrdreg s22  }
0x12: {  	s6 =	simm.s32 $0x9;
	s25 =	sadd.s32 $0x13380, s21;
	[dreg:$0x6] =	wrdreg s24  }
0x13: {  	s8 =	simm.s32 $0xA;
	[dreg:$0x7] =	wrdreg s25;
	s1 =	sadd.s32 $0x13600, s21  }
0x14: {  	s22 =	simm.s32 $0x1;
	s24 =	simm.s32 $0x2;
	s25 =	simm.s32 $0xA000  }
0x15: {  	s4 =	simm.s32 $0x8;
	[dreg:$0x8] =	wrdreg s1;
	s1 =	simm.s32 $0xC800  }
.LBB2_1:
0x16: {  	[dreg:$0xb] =	wrdreg s11  }
0x17: {  	s10 =	rddreg [dreg:$0x3];
	s19 =	simm.s32 $0x15  }
0x18: {  	[tilespmem:s3], [sflag:$0x15] =	stream.linear.gather [hbm4b:s10+s3], $0x1388, $0x38;
	[tilespmem:$0xDC00] =	vst v63  }
0x19: {  	_ =	swait.ge [sflag:s19], $0x1388  }
0x1a: {  	[sflag:s19] =	ssyncset.done $0x0  }
0x1b: {  	s12 =	simm.s32 $0x1400;
	[sflag:s19] =	ssyncadd.s32 $0xFFFFEC78  }
0x1c: {  	[tilespmem:s12], [sflag:$0x1] =	stream.indirect.gather [hbm4b:s2+s13], $0x80, s3, s13, $0xb8;
	[tilespmem:$0xDC00] =	vst v63  }
0x1d: {  	s15 =	simm.s32 $0x2800  }
0x1e: {  	[tilespmem:s15], [sflag:$0x2] =	stream.indirect.gather [hbm4b:s2+s13], $0x80, s13, s13, $0xb8;
	[tilespmem:$0xDC00] =	vst v63  }
0x1f: {  	s21 =	simm.s32 $0x50;
	s17 =	simm.s32 $0x3C00  }
0x20: {  	[tilespmem:s17], [sflag:$0x3] =	stream.indirect.gather [hbm4b:s2+s13], $0x80, s21, s13, $0xb8;
	[tilespmem:$0xDC00] =	vst v63  }
0x21: {  	s11 =	simm.s32 $0x78;
	s19 =	simm.s32 $0x5000  }
0x22: {  	[tilespmem:s19], [sflag:$0x4] =	stream.indirect.gather [hbm4b:s2+s13], $0x80, s11, s13, $0xb8;
	[tilespmem:$0xDC00] =	vst v63  }
0x23: {  	s14 =	simm.s32 $0xA0;
	s21 =	simm.s32 $0x6400  }
0x24: {  	[tilespmem:s21], [sflag:$0x5] =	stream.indirect.gather [hbm4b:s2+s13], $0x80, s14, s13, $0xb8;
	[tilespmem:$0xDC00] =	vst v63  }
0x25: {  	_ =	swait.ge [sflag:s22], $0x1400  }
0x26: {  	p0 =	por $0x1, $0x1;
	[sflag:s22] =	ssyncset.done $0x0;
	s14 =	rddreg [dreg:$0xa]  }
0x27: {  	s11 =	simm.s32 @!p0 $0x10;
	s10 =	sadd.s32 $0xFFFFE980, s14;
	[sflag:s22] =	ssyncadd.s32 $0xFFFFEC00  }
0x28: {  	[hbm4b:s10+s3] =	stream.linear.scatter [tilespmem:s12], [sflag:$0xB], $0x1400, $0x38;
	[tilespmem:$0xDC00] =	vst v63  }
0x29: {  	_ =	swait.ge @!p0 [sflag:s11], $0x1400  }
0x2a: {  	[sflag:s11] =	ssyncset.done @!p0 $0x0  }
0x2b: {  	s10 =	simm.s32 $0xC8;
	[sflag:s11] =	ssyncadd.s32 @!p0 $0xFFFFEC00  }
0x2c: {  	[tilespmem:s23], [sflag:$0x6] =	stream.indirect.gather [hbm4b:s2+s13], $0x80, s10, s13, $0xb8;
	[tilespmem:$0xDC00] =	vst v63  }
0x2d: {  	_ =	swait.ge [sflag:s24], $0x1400  }
0x2e: {  	[sflag:s24] =	ssyncset.done $0x0  }
0x2f: {  	s11 =	simm.s32 @!p0 $0x11;
	s10 =	sadd.s32 $0xFFFFEC00, s14;
	[sflag:s24] =	ssyncadd.s32 $0xFFFFEC00  }
0x30: {  	[hbm4b:s10+s3] =	stream.linear.scatter [tilespmem:s15], [sflag:$0xC], $0x1400, $0x38;
	[tilespmem:$0xDC00] =	vst v63  }
0x31: {  	_ =	swait.ge @!p0 [sflag:s11], $0x1400  }
0x32: {  	[sflag:s11] =	ssyncset.done @!p0 $0x0  }
0x33: {  	s10 =	simm.s32 $0xF0;
	[sflag:s11] =	ssyncadd.s32 @!p0 $0xFFFFEC00  }
0x34: {  	[tilespmem:s28], [sflag:$0x7] =	stream.indirect.gather [hbm4b:s2+s13], $0x80, s10, s13, $0xb8;
	[tilespmem:$0xDC00] =	vst v63  }
0x35: {  	_ =	swait.ge [sflag:s26], $0x1400  }
0x36: {  	[sflag:s26] =	ssyncset.done $0x0  }
0x37: {  	s11 =	simm.s32 @!p0 $0x12;
	s10 =	sadd.s32 $0xFFFFEE80, s14;
	[sflag:s26] =	ssyncadd.s32 $0xFFFFEC00  }
0x38: {  	[hbm4b:s10+s3] =	stream.linear.scatter [tilespmem:s17], [sflag:$0xD], $0x1400, $0x38;
	[tilespmem:$0xDC00] =	vst v63  }
0x39: {  	_ =	swait.ge @!p0 [sflag:s11], $0x1400  }
0x3a: {  	[sflag:s11] =	ssyncset.done @!p0 $0x0  }
0x3b: {  	s10 =	simm.s32 $0x118;
	[sflag:s11] =	ssyncadd.s32 @!p0 $0xFFFFEC00  }
0x3c: {  	[tilespmem:s25], [sflag:$0x8] =	stream.indirect.gather [hbm4b:s2+s13], $0x80, s10, s13, $0xb8;
	[tilespmem:$0xDC00] =	vst v63  }
0x3d: {  	_ =	swait.ge [sflag:s29], $0x1400  }
0x3e: {  	[sflag:s29] =	ssyncset.done $0x0  }
0x3f: {  	s11 =	simm.s32 @!p0 $0x13;
	s10 =	sadd.s32 $0xFFFFF100, s14;
	[sflag:s29] =	ssyncadd.s32 $0xFFFFEC00  }
0x40: {  	[hbm4b:s10+s3] =	stream.linear.scatter [tilespmem:s19], [sflag:$0xE], $0x1400, $0x38;
	[tilespmem:$0xDC00] =	vst v63  }
0x41: {  	_ =	swait.ge @!p0 [sflag:s11], $0x1400  }
0x42: {  	[sflag:s11] =	ssyncset.done @!p0 $0x0  }
0x43: {  	s10 =	simm.s32 $0x140;
	[sflag:s11] =	ssyncadd.s32 @!p0 $0xFFFFEC00  }
0x44: {  	[tilespmem:s30], [sflag:$0x9] =	stream.indirect.gather [hbm4b:s2+s13], $0x80, s10, s13, $0xb8;
	[tilespmem:$0xDC00] =	vst v63  }
0x45: {  	_ =	swait.ge [sflag:s31], $0x1400  }
0x46: {  	[sflag:s31] =	ssyncset.done $0x0  }
0x47: {  	s11 =	simm.s32 @!p0 $0x14;
	s10 =	sadd.s32 $0xFFFFF380, s14;
	[sflag:s31] =	ssyncadd.s32 $0xFFFFEC00  }
0x48: {  	[hbm4b:s10+s3] =	stream.linear.scatter [tilespmem:s21], [sflag:$0xF], $0x1400, $0x38;
	[tilespmem:$0xDC00] =	vst v63  }
0x49: {  	_ =	swait.ge @!p0 [sflag:s11], $0x1400  }
0x4a: {  	[sflag:s11] =	ssyncset.done @!p0 $0x0  }
0x4b: {  	s21 =	simm.s32 $0x168;
	[sflag:s11] =	ssyncadd.s32 @!p0 $0xFFFFEC00  }
0x4c: {  	[tilespmem:s1], [sflag:$0xA] =	stream.indirect.gather [hbm4b:s2+s13], $0x80, s21, s13, $0xb8;
	[tilespmem:$0xDC00] =	vst v63  }
0x4d: {  	_ =	swait.ge [sflag:s0], $0x1400  }
0x4e: {  	[sflag:s0] =	ssyncset.done $0x0  }
0x4f: {  	s11 =	sadd.s32 $0xFFFFF600, s14;
	[sflag:s0] =	ssyncadd.s32 $0xFFFFEC00  }
0x50: {  	[hbm4b:s11+s3] =	stream.linear.scatter [tilespmem:s23], [sflag:$0x10], $0x1400, $0x38;
	[tilespmem:$0xDC00] =	vst v63  }
0x51: {  	_ =	swait.ge [sflag:s16], $0x1400  }
0x52: {  	[sflag:s16] =	ssyncset.done $0x0  }
0x53: {  	s21 =	simm.s32 $0x190;
	[sflag:s16] =	ssyncadd.s32 $0xFFFFEC00  }
0x54: {  	[tilespmem:s12], [sflag:$0x1] =	stream.indirect.gather [hbm4b:s2+s13], $0x80, s21, s13, $0xb8;
	[tilespmem:$0xDC00] =	vst v63  }
0x55: {  	_ =	swait.ge [sflag:s18], $0x1400  }
0x56: {  	[sflag:s18] =	ssyncset.done $0x0  }
0x57: {  	s11 =	sadd.s32 $0xFFFFF880, s14;
	[sflag:s18] =	ssyncadd.s32 $0xFFFFEC00  }
0x58: {  	[hbm4b:s11+s3] =	stream.linear.scatter [tilespmem:s28], [sflag:$0x11], $0x1400, $0x38;
	[tilespmem:$0xDC00] =	vst v63  }
0x59: {  	_ =	swait.ge [sflag:s20], $0x1400  }
0x5a: {  	[sflag:s20] =	ssyncset.done $0x0  }
0x5b: {  	s12 =	simm.s32 $0x1B8;
	[sflag:s20] =	ssyncadd.s32 $0xFFFFEC00  }
0x5c: {  	[tilespmem:s15], [sflag:$0x2] =	stream.indirect.gather [hbm4b:s2+s13], $0x80, s12, s13, $0xb8;
	[tilespmem:$0xDC00] =	vst v63  }
0x5d: {  	_ =	swait.ge [sflag:s4], $0x1400  }
0x5e: {  	[sflag:s4] =	ssyncset.done $0x0  }
0x5f: {  	s15 =	sadd.s32 $0xFFFFFB00, s14;
	[sflag:s4] =	ssyncadd.s32 $0xFFFFEC00  }
0x60: {  	[hbm4b:s15+s3] =	stream.linear.scatter [tilespmem:s25], [sflag:$0x12], $0x1400, $0x38;
	[tilespmem:$0xDC00] =	vst v63  }
0x61: {  	_ =	swait.ge [sflag:s5], $0x1400  }
0x62: {  	[sflag:s5] =	ssyncset.done $0x0  }
0x63: {  	s21 =	simm.s32 $0x1E0;
	[sflag:s5] =	ssyncadd.s32 $0xFFFFEC00  }
0x64: {  	[tilespmem:s17], [sflag:$0x3] =	stream.indirect.gather [hbm4b:s2+s13], $0x80, s21, s13, $0xb8;
	[tilespmem:$0xDC00] =	vst v63  }
0x65: {  	_ =	swait.ge [sflag:s6], $0x1400  }
0x66: {  	[sflag:s6] =	ssyncset.done $0x0  }
0x67: {  	s25 =	sadd.s32 $0xFFFFFD80, s14;
	[sflag:s6] =	ssyncadd.s32 $0xFFFFEC00  }
0x68: {  	[hbm4b:s25+s3] =	stream.linear.scatter [tilespmem:s30], [sflag:$0x13], $0x1400, $0x38;
	[tilespmem:$0xDC00] =	vst v63  }
0x69: {  	_ =	swait.ge [sflag:s7], $0x1400  }
0x6a: {  	[sflag:s7] =	ssyncset.done $0x0  }
0x6b: {  	s30 =	simm.s32 $0x208;
	[sflag:s7] =	ssyncadd.s32 $0xFFFFEC00  }
0x6c: {  	[tilespmem:s19], [sflag:$0x4] =	stream.indirect.gather [hbm4b:s2+s13], $0x80, s30, s13, $0xb8;
	[tilespmem:$0xDC00] =	vst v63  }
0x6d: {  	_ =	swait.ge [sflag:s8], $0x1400  }
0x6e: {  	[sflag:s8] =	ssyncset.done $0x0  }
0x6f: {  	[sflag:s8] =	ssyncadd.s32 $0xFFFFEC00  }
0x70: {  	[hbm4b:s14+s3] =	stream.linear.scatter [tilespmem:s1], [sflag:$0x14], $0x1400, $0x38;
	[tilespmem:$0xDC00] =	vst v63  }
0x71: {  	s10 =	simm.s32 $0x640;
	_ =	swait.ge [sflag:s9], $0x1400  }
0x72: {  	s11 =	smov.u32 s14;
	s12 =	simm.s32 $0x230;
	[sflag:s9] =	ssyncset.done $0x0  }
.LBB2_2:
0x73: {  	[sflag:s9] =	ssyncadd.s32 $0xFFFFEC00;
	s11 =	sadd.s32 $0x1900, s11;
	s14 =	smov.u32 s10  }
0x74: {  	s10 =	sadd.s32 $0x640, s10;
	s30 =	simm.s32 $0xA000;
	s25 =	simm.s32 $0x6400  }
0x75: {  	[tilespmem:s25], [sflag:$0x5] =	stream.indirect.gather [hbm4b:s2+s13], $0x80, s12, s13, $0xb8;
	[tilespmem:$0xDC00] =	vst v63  }
0x76: {  	p0 =	sne.s32 s10, $0x4B00;
	_ =	swait.ge [sflag:s22], $0x1400  }
0x77: {  	s12 =	sadd.s32 $0xFFFFE980, s11;
	p1 =	seq.s32 s14, $0x0;
	[sflag:s22] =	ssyncset.done $0x0  }
0x78: {  	s17 =	simm.s32 $0x1400;
	s15 =	simm.s32 @!p1 $0x10;
	[sflag:s22] =	ssyncadd.s32 $0xFFFFEC00  }
0x79: {  	[hbm4b:s12+s3] =	stream.linear.scatter [tilespmem:s17], [sflag:$0xB], $0x1400, $0x38;
	[tilespmem:$0xDC00] =	vst v63  }
0x7a: {  	s12 =	sshra.s32 s14, $0x2;
	_ =	swait.ge @!p1 [sflag:s15], $0x1400  }
0x7b: {  	s14 =	sadd.s32 $0xC8, s12;
	[sflag:s15] =	ssyncset.done @!p1 $0x0  }
0x7c: {  	[sflag:s15] =	ssyncadd.s32 @!p1 $0xFFFFEC00  }
0x7d: {  	[tilespmem:s23], [sflag:$0x6] =	stream.indirect.gather [hbm4b:s2+s13], $0x80, s14, s13, $0xb8;
	[tilespmem:$0xDC00] =	vst v63  }
0x7e: {  	_ =	swait.ge [sflag:s24], $0x1400  }
0x7f: {  	s14 =	sadd.s32 $0xFFFFEC00, s11;
	[sflag:s24] =	ssyncset.done $0x0  }
0x80: {  	s19 =	simm.s32 $0x2800;
	s15 =	simm.s32 @!p1 $0x11;
	[sflag:s24] =	ssyncadd.s32 $0xFFFFEC00  }
0x81: {  	[hbm4b:s14+s3] =	stream.linear.scatter [tilespmem:s19], [sflag:$0xC], $0x1400, $0x38;
	[tilespmem:$0xDC00] =	vst v63  }
0x82: {  	_ =	swait.ge @!p1 [sflag:s15], $0x1400  }
0x83: {  	s14 =	sadd.s32 $0xF0, s12;
	[sflag:s15] =	ssyncset.done @!p1 $0x0  }
0x84: {  	[sflag:s15] =	ssyncadd.s32 @!p1 $0xFFFFEC00  }
0x85: {  	[tilespmem:s28], [sflag:$0x7] =	stream.indirect.gather [hbm4b:s2+s13], $0x80, s14, s13, $0xb8;
	[tilespmem:$0xDC00] =	vst v63  }
0x86: {  	_ =	swait.ge [sflag:s26], $0x1400  }
0x87: {  	s14 =	sadd.s32 $0xFFFFEE80, s11;
	[sflag:s26] =	ssyncset.done $0x0  }
0x88: {  	s21 =	simm.s32 $0x3C00;
	s15 =	simm.s32 @!p1 $0x12;
	[sflag:s26] =	ssyncadd.s32 $0xFFFFEC00  }
0x89: {  	[hbm4b:s14+s3] =	stream.linear.scatter [tilespmem:s21], [sflag:$0xD], $0x1400, $0x38;
	[tilespmem:$0xDC00] =	vst v63  }
0x8a: {  	_ =	swait.ge @!p1 [sflag:s15], $0x1400  }
0x8b: {  	s14 =	sadd.s32 $0x118, s12;
	[sflag:s15] =	ssyncset.done @!p1 $0x0  }
0x8c: {  	[sflag:s15] =	ssyncadd.s32 @!p1 $0xFFFFEC00  }
0x8d: {  	[tilespmem:s30], [sflag:$0x8] =	stream.indirect.gather [hbm4b:s2+s13], $0x80, s14, s13, $0xb8;
	[tilespmem:$0xDC00] =	vst v63  }
0x8e: {  	s30 =	simm.s32 $0xB400  }
0x8f: {  	_ =	swait.ge [sflag:s29], $0x1400  }
0x90: {  	s23 =	simm.s32 $0x5000;
	s14 =	sadd.s32 $0xFFFFF100, s11;
	[sflag:s29] =	ssyncset.done $0x0  }
0x91: {  	s28 =	simm.s32 $0x7800;
	s15 =	simm.s32 @!p1 $0x13;
	[sflag:s29] =	ssyncadd.s32 $0xFFFFEC00  }
0x92: {  	[hbm4b:s14+s3] =	stream.linear.scatter [tilespmem:s23], [sflag:$0xE], $0x1400, $0x38;
	[tilespmem:$0xDC00] =	vst v63  }
0x93: {  	_ =	swait.ge @!p1 [sflag:s15], $0x1400  }
0x94: {  	s14 =	sadd.s32 $0x140, s12;
	[sflag:s15] =	ssyncset.done @!p1 $0x0  }
0x95: {  	[sflag:s15] =	ssyncadd.s32 @!p1 $0xFFFFEC00  }
0x96: {  	[tilespmem:s30], [sflag:$0x9] =	stream.indirect.gather [hbm4b:s2+s13], $0x80, s14, s13, $0xb8;
	[tilespmem:$0xDC00] =	vst v63  }
0x97: {  	_ =	swait.ge [sflag:s31], $0x1400  }
0x98: {  	s14 =	sadd.s32 $0xFFFFF380, s11;
	[sflag:s31] =	ssyncset.done $0x0  }
0x99: {  	s15 =	simm.s32 @!p1 $0x14;
	[sflag:s31] =	ssyncadd.s32 $0xFFFFEC00  }
0x9a: {  	[hbm4b:s14+s3] =	stream.linear.scatter [tilespmem:s25], [sflag:$0xF], $0x1400, $0x38;
	[tilespmem:$0xDC00] =	vst v63  }
0x9b: {  	s25 =	simm.s32 $0xA000  }
0x9c: {  	_ =	swait.ge @!p1 [sflag:s15], $0x1400  }
0x9d: {  	s14 =	sadd.s32 $0x168, s12;
	[sflag:s15] =	ssyncset.done @!p1 $0x0  }
0x9e: {  	[sflag:s15] =	ssyncadd.s32 @!p1 $0xFFFFEC00  }
0x9f: {  	[tilespmem:s1], [sflag:$0xA] =	stream.indirect.gather [hbm4b:s2+s13], $0x80, s14, s13, $0xb8;
	[tilespmem:$0xDC00] =	vst v63  }
0xa0: {  	_ =	swait.ge [sflag:s0], $0x1400  }
0xa1: {  	s14 =	sadd.s32 $0xFFFFF600, s11;
	[sflag:s0] =	ssyncset.done $0x0  }
0xa2: {  	[sflag:s0] =	ssyncadd.s32 $0xFFFFEC00  }
0xa3: {  	[hbm4b:s14+s3] =	stream.linear.scatter [tilespmem:s28], [sflag:$0x10], $0x1400, $0x38;
	[tilespmem:$0xDC00] =	vst v63  }
0xa4: {  	s28 =	simm.s32 $0x8C00  }
0xa5: {  	_ =	swait.ge [sflag:s16], $0x1400  }
0xa6: {  	s14 =	sadd.s32 $0x190, s12;
	[sflag:s16] =	ssyncset.done $0x0  }
0xa7: {  	s15 =	simm.s32 $0x1400;
	[sflag:s16] =	ssyncadd.s32 $0xFFFFEC00  }
0xa8: {  	[tilespmem:s17], [sflag:$0x1] =	stream.indirect.gather [hbm4b:s2+s13], $0x80, s14, s13, $0xb8;
	[tilespmem:$0xDC00] =	vst v63  }
0xa9: {  	_ =	swait.ge [sflag:s18], $0x1400  }
0xaa: {  	s14 =	sadd.s32 $0xFFFFF880, s11;
	[sflag:s18] =	ssyncset.done $0x0  }
0xab: {  	[sflag:s18] =	ssyncadd.s32 $0xFFFFEC00  }
0xac: {  	[hbm4b:s14+s3] =	stream.linear.scatter [tilespmem:s28], [sflag:$0x11], $0x1400, $0x38;
	[tilespmem:$0xDC00] =	vst v63  }
0xad: {  	_ =	swait.ge [sflag:s20], $0x1400  }
0xae: {  	s14 =	sadd.s32 $0x1B8, s12;
	[sflag:s20] =	ssyncset.done $0x0  }
0xaf: {  	s17 =	simm.s32 $0x2800;
	[sflag:s20] =	ssyncadd.s32 $0xFFFFEC00  }
0xb0: {  	[tilespmem:s19], [sflag:$0x2] =	stream.indirect.gather [hbm4b:s2+s13], $0x80, s14, s13, $0xb8;
	[tilespmem:$0xDC00] =	vst v63  }
0xb1: {  	_ =	swait.ge [sflag:s4], $0x1400  }
0xb2: {  	s14 =	sadd.s32 $0xFFFFFB00, s11;
	[sflag:s4] =	ssyncset.done $0x0  }
0xb3: {  	[sflag:s4] =	ssyncadd.s32 $0xFFFFEC00  }
0xb4: {  	[hbm4b:s14+s3] =	stream.linear.scatter [tilespmem:s25], [sflag:$0x12], $0x1400, $0x38;
	[tilespmem:$0xDC00] =	vst v63  }
0xb5: {  	_ =	swait.ge [sflag:s5], $0x1400  }
0xb6: {  	s14 =	sadd.s32 $0x1E0, s12;
	[sflag:s5] =	ssyncset.done $0x0  }
0xb7: {  	s19 =	simm.s32 $0x3C00;
	[sflag:s5] =	ssyncadd.s32 $0xFFFFEC00  }
0xb8: {  	[tilespmem:s21], [sflag:$0x3] =	stream.indirect.gather [hbm4b:s2+s13], $0x80, s14, s13, $0xb8;
	[tilespmem:$0xDC00] =	vst v63  }
0xb9: {  	_ =	swait.ge [sflag:s6], $0x1400  }
0xba: {  	s14 =	sadd.s32 $0xFFFFFD80, s11;
	[sflag:s6] =	ssyncset.done $0x0  }
0xbb: {  	[sflag:s6] =	ssyncadd.s32 $0xFFFFEC00  }
0xbc: {  	[hbm4b:s14+s3] =	stream.linear.scatter [tilespmem:s30], [sflag:$0x13], $0x1400, $0x38;
	[tilespmem:$0xDC00] =	vst v63  }
0xbd: {  	_ =	swait.ge [sflag:s7], $0x1400  }
0xbe: {  	s14 =	sadd.s32 $0x208, s12;
	[sflag:s7] =	ssyncset.done $0x0  }
0xbf: {  	[sflag:s7] =	ssyncadd.s32 $0xFFFFEC00  }
0xc0: {  	[tilespmem:s23], [sflag:$0x4] =	stream.indirect.gather [hbm4b:s2+s13], $0x80, s14, s13, $0xb8;
	[tilespmem:$0xDC00] =	vst v63  }
0xc1: {  	s21 =	simm.s32 $0x5000;
	s23 =	simm.s32 $0x7800  }
0xc2: {  	_ =	swait.ge [sflag:s8], $0x1400  }
.Ltmp0:
0xc3: {  	[sflag:s8] =	ssyncset.done $0x0;
	(pc) =	sbr.rel @p0 .LBB2_2-.Ltmp0, $4  }
0xc4: {  	[sflag:s8] =	ssyncadd.s32 $0xFFFFEC00  }
0xc5: {  	[hbm4b:s11+s3] =	stream.linear.scatter [tilespmem:s1], [sflag:$0x14], $0x1400, $0x38;
	[tilespmem:$0xDC00] =	vst v63  }
0xc6: {  	_ =	swait.ge [sflag:s9], $0x1400  }
0xc7: {  	s12 =	sadd.s32 $0x230, s12;
	[sflag:s9] =	ssyncset.done $0x0  }
0xc8: {  	[sflag:s9] =	ssyncadd.s32 $0xFFFFEC00;
	s11 =	simm.s32 $0x6400  }
0xc9: {  	[tilespmem:s11], [sflag:$0x5] =	stream.indirect.gather [hbm4b:s2+s13], $0x80, s12, s13, $0xb8;
	[tilespmem:$0xDC00] =	vst v63  }
0xca: {  	_ =	swait.ge [sflag:s22], $0x1400  }
0xcb: {  	[sflag:s22] =	ssyncset.done $0x0  }
0xcc: {  	s12 =	simm.s32 $0x10;
	s10 =	rddreg [dreg:$0x4];
	[sflag:s22] =	ssyncadd.s32 $0xFFFFEC00  }
0xcd: {  	[hbm4b:s10+s3] =	stream.linear.scatter [tilespmem:s15], [sflag:$0xB], $0x1400, $0x38;
	[tilespmem:$0xDC00] =	vst v63  }
0xce: {  	_ =	swait.ge [sflag:s12], $0x1400  }
0xcf: {  	[sflag:s12] =	ssyncset.done $0x0  }
0xd0: {  	[sflag:s12] =	ssyncadd.s32 $0xFFFFEC00  }
0xd1: {  	_ =	swait.ge [sflag:s24], $0x1400  }
0xd2: {  	[sflag:s24] =	ssyncset.done $0x0  }
0xd3: {  	s15 =	simm.s32 $0x11;
	s14 =	rddreg [dreg:$0x5];
	[sflag:s24] =	ssyncadd.s32 $0xFFFFEC00  }
0xd4: {  	[hbm4b:s14+s3] =	stream.linear.scatter [tilespmem:s17], [sflag:$0xC], $0x1400, $0x38;
	[tilespmem:$0xDC00] =	vst v63  }
0xd5: {  	_ =	swait.ge [sflag:s15], $0x1400  }
0xd6: {  	[sflag:s15] =	ssyncset.done $0x0  }
0xd7: {  	[sflag:s15] =	ssyncadd.s32 $0xFFFFEC00  }
0xd8: {  	_ =	swait.ge [sflag:s26], $0x1400  }
0xd9: {  	[sflag:s26] =	ssyncset.done $0x0  }
0xda: {  	s17 =	rddreg [dreg:$0x6];
	[sflag:s26] =	ssyncadd.s32 $0xFFFFEC00  }
0xdb: {  	[hbm4b:s17+s3] =	stream.linear.scatter [tilespmem:s19], [sflag:$0xD], $0x1400, $0x38;
	[tilespmem:$0xDC00] =	vst v63  }
0xdc: {  	s19 =	simm.s32 $0x12  }
0xdd: {  	_ =	swait.ge [sflag:s19], $0x1400  }
0xde: {  	[sflag:s19] =	ssyncset.done $0x0  }
0xdf: {  	[sflag:s19] =	ssyncadd.s32 $0xFFFFEC00  }
0xe0: {  	_ =	swait.ge [sflag:s29], $0x1400  }
0xe1: {  	[sflag:s29] =	ssyncset.done $0x0  }
0xe2: {  	s14 =	simm.s32 $0x13;
	s12 =	rddreg [dreg:$0x7];
	[sflag:s29] =	ssyncadd.s32 $0xFFFFEC00  }
0xe3: {  	[hbm4b:s12+s3] =	stream.linear.scatter [tilespmem:s21], [sflag:$0xE], $0x1400, $0x38;
	[tilespmem:$0xDC00] =	vst v63  }
0xe4: {  	_ =	swait.ge [sflag:s14], $0x1400  }
0xe5: {  	[sflag:s14] =	ssyncset.done $0x0  }
0xe6: {  	[sflag:s14] =	ssyncadd.s32 $0xFFFFEC00  }
0xe7: {  	_ =	swait.ge [sflag:s31], $0x1400  }
0xe8: {  	[sflag:s31] =	ssyncset.done $0x0  }
0xe9: {  	s17 =	simm.s32 $0x14;
	s15 =	rddreg [dreg:$0x8];
	[sflag:s31] =	ssyncadd.s32 $0xFFFFEC00  }
0xea: {  	[hbm4b:s15+s3] =	stream.linear.scatter [tilespmem:s11], [sflag:$0xF], $0x1400, $0x38;
	[tilespmem:$0xDC00] =	vst v63  }
0xeb: {  	_ =	swait.ge [sflag:s17], $0x1400  }
0xec: {  	[sflag:s17] =	ssyncset.done $0x0  }
0xed: {  	[sflag:s17] =	ssyncadd.s32 $0xFFFFEC00  }
0xee: {  	_ =	swait.ge [sflag:s16], $0x1400  }
0xef: {  	[sflag:s16] =	ssyncset.done $0x0  }
0xf0: {  	[sflag:s16] =	ssyncadd.s32 $0xFFFFEC00  }
0xf1: {  	_ =	swait.ge [sflag:s20], $0x1400  }
0xf2: {  	[sflag:s20] =	ssyncset.done $0x0  }
0xf3: {  	[sflag:s20] =	ssyncadd.s32 $0xFFFFEC00  }
0xf4: {  	_ =	swait.ge [sflag:s5], $0x1400  }
0xf5: {  	[sflag:s5] =	ssyncset.done $0x0  }
0xf6: {  	[sflag:s5] =	ssyncadd.s32 $0xFFFFEC00  }
0xf7: {  	_ =	swait.ge [sflag:s7], $0x1400  }
0xf8: {  	[sflag:s7] =	ssyncset.done $0x0  }
0xf9: {  	[sflag:s7] =	ssyncadd.s32 $0xFFFFEC00  }
0xfa: {  	_ =	swait.ge [sflag:s9], $0x1400  }
0xfb: {  	s19 =	rddreg [dreg:$0xb]  }
0xfc: {  	s21 =	rddreg [dreg:$0x9];
	s11 =	sadd.s32 $0x1, s19  }
0xfd: {  	p0 =	sne.s32 s11, s21  }
.Ltmp1:
0xfe: {  	_ = 	snop;
	(pc) =	sbr.rel @p0 .LBB2_1-.Ltmp1, $3  }
0xff: {  	_ =	sdelay $0x1  }
0x100: {  	[sflag:s9] =	ssyncset.done $0x0  }
0x101: {  	[sflag:s9] =	ssyncadd.s32 $0xFFFFEC00  }
0x102: {  	_ =	sfence.sel $0x180000  }
0x103: {  	[bflag:$0x0] =	sbarrier.arrive $0xFFFF  }
0x104: {  	_ =	strace $0x9000004D  }
0x105: {  	s0 =	stileid.u32;
	[bflag:$0x2] =	sbarrier.arrive $0xFFFF  }
0x106: {  	p0 =	sne.s32 s0, $0x0;
	s0 =	rddreg [dreg:$0x2]  }
0x107: {  	s0 =	sadd.s32 @!p0 $0x100000, s0  }
0x108: {  	[sflag:s0] =	ssyncadd.tile.s32 @!p0 $0x1;
	_ =	shalt  }
.Lfunc_end2:
_tile_overlayer_lowered:
.L_overlay_start_2:
0x109: {  	(tag) =	ssettag $0x2  }
0x10a: {  	s0 =	rddreg [dreg:$0x0];
	s2 =	stileid.u32  }
0x10b: {  	s1 =	rddreg [dreg:$0x1];
	p0 =	sne.s32 s2, $0x0  }
0x10c: {  	s3 =	rddreg [dreg:$0x2];
	[bflag:$0x3] =	sbarrier.arrive $0xFFFF;
	s2 =	simm.s32 @!p0 $0x1C15  }
0x10d: {  	[timem:s3], [sflag:s2] =	dma.local @!p0 [hbm:s0], s1  }
0x10e: {  	s0 =	simm.s32 @!p0 $0x15  }
0x10f: {  	_ =	swait.ge @!p0 [sflag:s0], s1  }
0x110: {  	s1 =	ssub.s32 @!p0 $0x0, s1;
	[sflag:s0] =	ssyncset.done @!p0 $0x0  }
0x111: {  	[sflag:s0] =	ssyncadd.s32 @!p0 s1  }
0x112: {  	[bflag:$0x3] =	sbarrier.arrive $0xFFFF  }
0x113: {  	_ =	shalt  }

// kernel: kernel.9.cloned.1.call-start
scs
__scs_entry_jumppad:
0x0: {  	(pc) =	sbr.rel $0x88, $3  }
0x1: {  	(tag) =	ssettag $0x0;
	lr =	simm.s32 $0x1  }
0x2: {  	[smem:$0x3F93] =	sst lr;
	_ =	strace $0xD0000000  }
0x3: {  	_ = 	snop  }
0x4: {  	_ = 	snop  }
0x5: {  	_ = 	snop  }
0x6: {  	_ = 	snop  }
0x7: {  	_ = 	snop  }
__scs_overlays_trampoline_lowered:
0x8: {  	[smem:$0x3FA2] =	sst s0  }
0x9: {  	[smem:$0x3FA3] =	sst s1  }
0xa: {  	[smem:$0x3FA4] =	sst s2  }
0xb: {  	[smem:$0x3FA5] =	sst s3  }
0xc: {  	[smem:$0x3FA6] =	sst s4  }
0xd: {  	[smem:$0x3FA7] =	sst s5  }
0xe: {  	[smem:$0x3FA8] =	sst s6  }
0xf: {  	[smem:$0x3FA9] =	sst s7  }
0x10: {  	[smem:$0x3FAA] =	sst s8  }
0x11: {  	[smem:$0x3FAB] =	sst s9;
	s0 =	simm.s32 @!p0 $0x0  }
0x12: {  	s1 =	sld [smem:$0x3F91];
	s0 =	simm.s32 @p0 $0x1  }
0x13: {  	[smem:$0x3FAC] =	sst s0;
	s0 =	simm.s32 @!p1 $0x0  }
0x14: {  	s2 =	sld [smem:$0x3F90];
	s0 =	simm.s32 @p1 $0x1  }
0x15: {  	[smem:$0x3FAD] =	sst s0;
	s0 =	simm.s32 @!p2 $0x0  }
0x16: {  	s3 =	sld [smem:$0x3FDB];
	s0 =	simm.s32 @p2 $0x1  }
0x17: {  	s4 =	simm.s32 $0x1BF5;
	[smem:$0x3FAF] =	sst s0  }
0x18: {  	s0 =	sld [smem:$0x3F92];
	_ =	swait.ge [sflag:s4], $0x0  }
0x19: {  	s7 =	sld [smem:$0x3F93]  }
0x1a: {  	s8 =	sadd.s32 $0xFFFFE003, lr  }
0x1b: {  	s9 =	sadd.s32 $0xFFFFFEF7, lr;
	s5 =	simm.s32 $0xFFFFFFFF;
	p2 =	slt.u32 s8, $0xFFFFF086  }
0x1c: {  	p1 =	slt.u32 s9, $0xF7A;
	s5 =	simm.s32 @!p2 $0x0  }
0x1d: {  	s5 =	simm.s32 @p1 $0x1;
	p0 =	seq.s32 s7, s2  }
0x1e: {  	s7 =	smul.u32 @!p0 $0xF7A, s2;
	p2 =	seq.s32 @!p0 s5, $0x0  }
0x1f: {  	s9 =	smul.u32 $0xF7A, s1;
	s8 =	simm.s32 @!p0 $0x1BF5;
	p2 =	por !p2, p0  }
0x20: {  	[sflag:s8] =	ssyncset.s32 @!p0 $0xFFFFF086;
	s6 =	sadd.s32 @!p0 s3, s7;
	s7 =	simm.s32 @!p0 $0x108  }
0x21: {  	s3 =	sadd.s32 s3, s9;
	s6 =	sadd.s32 @!p0 $0x88, s6;
	s7 =	simm.s32 @p2 $0x1082  }
0x22: {  	[simem:s7], [sflag:s8] =	dma.local @!p0 [hbm:s6], $0xF7A  }
0x23: {  	s9 =	sor.u32 $0xD0000000, s2;
	s6 =	simm.s32 $0x108;
	_ =	swait.ge @!p0 [sflag:s8], $0x0  }
0x24: {  	s3 =	sadd.s32 $0x88, s3;
	s6 =	simm.s32 @!p1 $0x1082;
	[sflag:s4] =	ssyncset.s32 $0xFFFFF086  }
0x25: {  	[simem:s6], [sflag:s4] =	dma.local [hbm:s3], $0xF7A  }
0x26: {  	[smem:$0x3F93] =	sst s1;
	(tag) =	ssettag s2;
	_ =	strace s9  }
0x27: {  	s1 =	sld [smem:$0x3FA3]  }
0x28: {  	s2 =	sld [smem:$0x3FA4]  }
0x29: {  	s4 =	sld [smem:$0x3FA6]  }
0x2a: {  	p0 =	seq.s32 s5, $0x0;
	s5 =	sld [smem:$0x3FA7]  }
0x2b: {  	s6 =	sld [smem:$0x3FA8]  }
0x2c: {  	s7 =	sld [smem:$0x3FA9]  }
0x2d: {  	s3 =	simm.s32 $0x108;
	s8 =	sld [smem:$0x3FAA]  }
0x2e: {  	s3 =	simm.s32 @!p0 $0x1082;
	s9 =	sld [smem:$0x3FAB]  }
0x2f: {  	lr =	sadd.s32 s0, s3;
	s0 =	sld [smem:$0x3FA2]  }
0x30: {  	s3 =	sld [smem:$0x3FA5]  }
0x31: {  	[smem:$0x3FAE] =	sst s10  }
0x32: {  	s10 =	sld [smem:$0x3FAC];
	_ =	sdelay $0x3  }
0x33: {  	p0 =	seq.s32 s10, $0x1;
	s10 =	sld [smem:$0x3FAE];
	_ =	sdelay $0x3  }
0x34: {  	[smem:$0x3FAE] =	sst s10  }
0x35: {  	s10 =	sld [smem:$0x3FAD];
	_ =	sdelay $0x3  }
0x36: {  	p1 =	seq.s32 s10, $0x1;
	s10 =	sld [smem:$0x3FAE];
	_ =	sdelay $0x3  }
0x37: {  	[smem:$0x3FAE] =	sst s10  }
0x38: {  	s10 =	sld [smem:$0x3FAF]  }
0x39: {  	_ = 	snop;
	(pc) =	sbr.ind lr, $3  }
0x3a: {  	_ = 	snop  }
0x3b: {  	_ = 	snop  }
0x3c: {  	p2 =	seq.s32 s10, $0x1;
	s10 =	sld [smem:$0x3FAE]  }
0x3d: {  	_ =	shalt  }
0x3e: {  	_ =	shalt  }
0x3f: {  	_ =	shalt  }
0x40: {  	_ =	shalt  }
0x41: {  	_ =	shalt  }
0x42: {  	_ =	shalt  }
0x43: {  	_ =	shalt  }
0x44: {  	_ =	shalt  }
0x45: {  	_ =	shalt  }
0x46: {  	_ =	shalt  }
0x47: {  	_ =	shalt  }
0x48: {  	_ =	shalt  }
0x49: {  	_ =	shalt  }
0x4a: {  	_ =	shalt  }
0x4b: {  	_ =	shalt  }
0x4c: {  	_ =	shalt  }
0x4d: {  	_ =	shalt  }
0x4e: {  	_ =	shalt  }
0x4f: {  	_ =	shalt  }
0x50: {  	_ =	shalt  }
0x51: {  	_ =	shalt  }
0x52: {  	_ =	shalt  }
0x53: {  	_ =	shalt  }
0x54: {  	_ =	shalt  }
0x55: {  	_ =	shalt  }
0x56: {  	_ =	shalt  }
0x57: {  	_ =	shalt  }
0x58: {  	_ =	shalt  }
0x59: {  	_ =	shalt  }
0x5a: {  	_ =	shalt  }
0x5b: {  	_ =	shalt  }
0x5c: {  	_ =	shalt  }
0x5d: {  	_ =	shalt  }
0x5e: {  	_ =	shalt  }
0x5f: {  	_ =	shalt  }
0x60: {  	_ =	shalt  }
0x61: {  	_ =	shalt  }
0x62: {  	_ =	shalt  }
0x63: {  	_ =	shalt  }
0x64: {  	_ =	shalt  }
0x65: {  	_ =	shalt  }
0x66: {  	_ =	shalt  }
0x67: {  	_ =	shalt  }
0x68: {  	_ =	shalt  }
0x69: {  	_ =	shalt  }
0x6a: {  	_ =	shalt  }
0x6b: {  	_ =	shalt  }
0x6c: {  	_ =	shalt  }
0x6d: {  	_ =	shalt  }
0x6e: {  	_ =	shalt  }
0x6f: {  	_ =	shalt  }
0x70: {  	_ =	shalt  }
0x71: {  	_ =	shalt  }
0x72: {  	_ =	shalt  }
0x73: {  	_ =	shalt  }
0x74: {  	_ =	shalt  }
0x75: {  	_ =	shalt  }
0x76: {  	_ =	shalt  }
0x77: {  	_ =	shalt  }
0x78: {  	_ =	shalt  }
0x79: {  	_ =	shalt  }
0x7a: {  	_ =	shalt  }
0x7b: {  	_ =	shalt  }
0x7c: {  	_ =	shalt  }
0x7d: {  	_ =	shalt  }
0x7e: {  	_ =	shalt  }
0x7f: {  	_ =	shalt  }
0x80: {  	_ =	shalt  }
0x81: {  	_ =	shalt  }
0x82: {  	_ =	shalt  }
0x83: {  	_ =	shalt  }
0x84: {  	_ =	shalt  }
0x85: {  	_ =	shalt  }
0x86: {  	_ =	shalt  }
0x87: {  	_ =	shalt  }
.Lfunc_end0:
.L_simem_size_0:
called_computation_lowered:
.L_overlay_start_0:
0x88: {  	s2 =	sld [smem:$0x3FD9]  }
0x89: {  	s3 =	sld [smem:$0x3FFE];
	_ =	sdelay $0x1  }
0x8a: {  	s1 =	srdreg.scid  }
0x8b: {  	s0 =	sand.u32 $0x1, s1  }
0x8c: {  	s14 =	sshll.u32 s0, $0xA;
	s2 =	sadd.s32 s3, s2  }
0x8d: {  	s2 =	sadd.s32 s2, s14  }
0x8e: {  	[smem:$0x3FBA] =	sst s2  }
0x8f: {  	_ = 	snop  }
0x90: {  	s2 =	sld [smem:$0x3FD0];
	_ =	sdelay $0x2  }
0x91: {  	s15 =	simm.s32 $0xC;
	s4 =	simm.s32 $0x10  }
0x92: {  	[smem:s4], [sflag:s15] =	dma.local [hbm:s2], $0x1  }
0x93: {  	_ =	swait.eq [sflag:s15], $0x1  }
0x94: {  	[sflag:s15] =	ssyncset.done $0x0  }
0x95: {  	[sflag:s15] =	ssyncadd.s32 $0xFFFFFFFF  }
0x96: {  	s16 =	sld [smem:$0x10];
	(tm) =	ssettm $0x1  }
0x97: {  	s17 =	sld [smem:$0x3FFB];
	_ =	sdelay $0x3  }
0x98: {  	_ =	strace s17  }
0x99: {  	s3 =	sld [smem:$0x3FFC];
	_ =	sdelay $0x3  }
0x9a: {  	_ =	strace s3  }
0x9b: {  	s3 =	sld [smem:$0x3FFD];
	_ =	sdelay $0x3  }
0x9c: {  	_ =	strace s3  }
0x9d: {  	_ =	strace $0x8FFFFFFF  }
0x9e: {  	s18 =	sld [smem:$0x3FDB];
	_ =	sdelay $0x1  }
0x9f: {  	s19 =	simm.s32 $_scs_section_size  }
0xa0: {  	s5 =	simm.s32 $_size__tile_overlayer_lowered;
	s6 =	simm.s32 $_tile_overlayer_lowered  }
0xa1: {  	s22 =	simm.s32 $0x1BFF;
	s21 =	sshll.u32 s6, $0x1;
	s3 =	sadd.s32 s19, s18  }
0xa2: {  	s7 =	simm.s32 $0x0;
	s20 =	sshll.u32 s5, $0x1;
	s5 =	sadd.s32 s21, s3  }
0xa3: {  	[timem:s7], [sflag:s22] =	dma.local [hbm:s5], s20  }
0xa4: {  	_ =	swait.ge [sflag:s22], s20  }
0xa5: {  	s4 =	ssub.s32 $0x0, s20;
	[sflag:s22] =	ssyncset.done $0x0  }
0xa6: {  	[sflag:s22] =	ssyncadd.s32 s4;
	_ =	sdelay $0x1  }
0xa7: {  	s23 =	simm.s32 $0x1B8B  }
0xa8: {  	_ =	swait.ge [sflag:s23], $0x1  }
0xa9: {  	[sflag:s23] =	ssyncset.done $0x0  }
0xaa: {  	s25 =	simm.s32 $0x1B8E;
	s24 =	sld [smem:$0x3FFE];
	[sflag:s23] =	ssyncadd.s32 $0xFFFFFFFF  }
0xab: {  	s26 =	simm.s32 $execute0_lowered;
	[smem:$0x3FD2] =	sst s25  }
0xac: {  	s5 =	sshll.u32 s26, $0x1;
	_ =	strace $0x80000046;
	[dreg:$0x1] =	wrdreg $0xFFFFFFFF  }
0xad: {  	s28 =	simm.s32 $_size_execute0_lowered;
	s3 =	sadd.s32 s3, s5;
	[dreg:$0x0] =	wrdreg $0x0  }
0xae: {  	s5 =	sshll.u32 s28, $0x1;
	[dreg:$0x2] =	wrdreg s3  }
0xaf: {  	[dreg:$0x3] =	wrdreg s5  }
0xb0: {  	[dreg:$0x4] =	wrdreg $0xC0  }
0xb1: {  	_ =	task [dreg:s7], $0x5FFFF  }
0xb2: {  	[dreg:$0x1] =	wrdreg $0xFFFFFFFF  }
0xb3: {  	[dreg:$0x0] =	wrdreg $0x60  }
0xb4: {  	[dreg:$0x2] =	wrdreg s16  }
0xb5: {  	[dreg:$0x3] =	wrdreg s24  }
0xb6: {  	[dreg:$0x4] =	wrdreg $0x9  }
0xb7: {  	_ =	task.clear_ibuf [dreg:s7], $0x5FFFF;
	_ =	strace $0x90000046  }
0xb8: {  	s29 =	simm.s32 $0x9;
	_ =	strace $0x80000048  }
0xb9: {  	_ =	swait.ge [sflag:s29], $0x1  }
0xba: {  	[sflag:s29] =	ssyncadd.s32 $0xFFFFFFFF  }
0xbb: {  	_ =	strace $0x90000048  }
0xbc: {  	_ =	sfence  }
0xbd: {  	s30 =	sld [smem:$0x0];
	_ =	sdelay $0x2  }
0xbe: {  	s31 =	sshll.u32 s1, $0xD;
	s1 =	sshrl.u32 s1, $0x2  }
0xbf: {  	s3 =	sand.u32 $0x4000, s31;
	s1 =	sadd.s32 s1, s30  }
0xc0: {  	s0 =	sor.u32 s3, s0;
	s1 =	sshll.u32 s1, $0x11  }
0xc1: {  	s0 =	sor.u32 s1, s0  }
0xc2: {  	s0 =	sadd.s32 $0x8F2B, s0  }
0xc3: {  	[sflag:s0] =	ssyncadd.remote.s32 $0x1  }
0xc4: {  	_ =	sfence.sel $0xFFFF  }
0xc5: {  	[dreg:$0x0] =	wrdreg $0xFFFFFFFF;
	(pc) =	sbr.abs _section_cstart, $3  }
0xc6: {  	[dreg:$0x1] =	wrdreg $0xFFFFFFFF  }
0xc7: {  	_ =	task.clear_ibuf [dreg:s7], $0x2FFFF;
	_ =	strace $0x9FFFFFFF  }
0xc8: {  	(tm) =	ssettm $0x7FFFFFFF  }
0xc9: {  	_ =	shalt  }
tec
execute0_lowered:
.L_overlay_start_1:
0x0: {  	(tag) =	ssettag $0x1  }
0x1: {  	s0 =	srdreg.scid;
	s2 =	rddreg [dreg:$0x0]  }
0x2: {  	s11 =	stileid.u32;
	s4 =	rddreg [dreg:$0x1]  }
0x3: {  	s3 =	simm.s32 $0x0;
	s13 =	simm.s32 $0x9;
	s14 =	simm.s32 $0x28  }
0x4: {  	s15 =	simm.s32 $0x800;
	s16 =	simm.s32 $0x1C00;
	s17 =	simm.s32 $0x1  }
0x5: {  	s19 =	simm.s32 $0x3000;
	s20 =	simm.s32 $0x2;
	s22 =	simm.s32 $0x4400  }
0x6: {  	s23 =	simm.s32 $0x3;
	s28 =	simm.s32 $0x6;
	s29 =	simm.s32 $0xC8  }
0x7: {  	s30 =	simm.s32 $0x7;
	s31 =	simm.s32 $0x8;
	s0 =	sand.u32 $0x1, s0  }
0x8: {  	s1 =	sshll.u32 s11, $0x1;
	[smem:$0x7FF] =	sst s3;
	s11 =	smul.u32 $0xFA00, s11  }
0x9: {  	s1 =	sor.u32 s0, s1;
	s7 =	ssub.s32 $0x2, s0;
	s0 =	smul.u32 $0x7D00, s0  }
0xa: {  	s10 =	sadd.s32 $0x5C400, s4;
	_ =	strace $0x80000047;
	s5 =	smul.u32 $0x7D0, s1  }
0xb: {  	s8 =	smul.u32 $0x3E800, s1;
	s9 =	sshrl.u32 s7, $0x1;
	s11 =	sadd.s32 s11, s10  }
0xc: {  	s1 =	smul.u32 $0x7D00, s1;
	s7 =	ssub.s32 s7, s9;
	s0 =	sadd.s32 s0, s11  }
0xd: {  	s6 =	sshrl.u32 s5, $0x3;
	s8 =	sshrl.u32 s8, $0x3;
	s25 =	sshll.u32 s5, $0x4  }
0xe: {  	s7 =	smax.u32 s7, $0x1;
	s12 =	sadd.s32 $0x1180, s0;
	s6 =	sadd.s32 s6, s4  }
0xf: {  	s24 =	sadd.s32 s10, s8;
	s8 =	sadd.s32 s10, s1;
	s26 =	sadd.s32 s10, s25  }
0x10: {  	s1 =	simm.s32 $0x0;
	s4 =	sadd.s32 $0x2B400, s6;
	s5 =	sadd.s32 $0x7800, s24  }
0x11: {  	s6 =	sadd.s32 $0x7A80, s24;
	s9 =	sadd.s32 $0x280, s26;
	s10 =	sadd.s32 $0x500, s8  }
0x12: {  	s11 =	sadd.s32 $0x780, s8;
	s24 =	simm.s32 $0x5;
	s26 =	simm.s32 $0x4  }
.LBB2_1:
0x13: {  	[tilespmem:s3], [sflag:$0x9] =	stream.linear.gather [hbm4b:s4+s3], $0x7D0, $0x38;
	[tilespmem:$0x5800] =	vst v63  }
0x14: {  	_ =	swait.ge [sflag:s13], $0x7D0  }
0x15: {  	[sflag:s13] =	ssyncset.done $0x0  }
0x16: {  	[sflag:s13] =	ssyncadd.s32 $0xFFFFF830  }
0x17: {  	[tilespmem:s15], [sflag:$0x1] =	stream.indirect.gather [hbm4b:s2+s14], $0x80, s3, s14, $0xb8;
	[tilespmem:$0x5800] =	vst v63  }
0x18: {  	_ = 	snop  }
0x19: {  	[tilespmem:s16], [sflag:$0x2] =	stream.indirect.gather [hbm4b:s2+s14], $0x80, s14, s14, $0xb8;
	[tilespmem:$0x5800] =	vst v63  }
0x1a: {  	_ =	swait.ge [sflag:s17], $0x1400  }
0x1b: {  	[sflag:s17] =	ssyncset.done $0x0  }
0x1c: {  	[sflag:s17] =	ssyncadd.s32 $0xFFFFEC00  }
0x1d: {  	[hbm4b:s8+s3] =	stream.linear.scatter [tilespmem:s15], [sflag:$0x5], $0x1400, $0x38;
	[tilespmem:$0x5800] =	vst v63  }
0x1e: {  	s0 =	simm.s32 $0x50  }
0x1f: {  	[tilespmem:s19], [sflag:$0x3] =	stream.indirect.gather [hbm4b:s2+s14], $0x80, s0, s14, $0xb8;
	[tilespmem:$0x5800] =	vst v63  }
0x20: {  	_ =	swait.ge [sflag:s20], $0x1400  }
0x21: {  	[sflag:s20] =	ssyncset.done $0x0  }
0x22: {  	[sflag:s20] =	ssyncadd.s32 $0xFFFFEC00  }
0x23: {  	[hbm4b:s9+s3] =	stream.linear.scatter [tilespmem:s16], [sflag:$0x6], $0x1400, $0x38;
	[tilespmem:$0x5800] =	vst v63  }
0x24: {  	s21 =	simm.s32 $0x78  }
0x25: {  	[tilespmem:s22], [sflag:$0x4] =	stream.indirect.gather [hbm4b:s2+s14], $0x80, s21, s14, $0xb8;
	[tilespmem:$0x5800] =	vst v63  }
0x26: {  	_ =	swait.ge [sflag:s23], $0x1400  }
0x27: {  	[sflag:s23] =	ssyncset.done $0x0  }
0x28: {  	[sflag:s23] =	ssyncadd.s32 $0xFFFFEC00  }
0x29: {  	[hbm4b:s10+s3] =	stream.linear.scatter [tilespmem:s19], [sflag:$0x7], $0x1400, $0x38;
	[tilespmem:$0x5800] =	vst v63  }
0x2a: {  	_ =	swait.ge [sflag:s24], $0x1400  }
0x2b: {  	[sflag:s24] =	ssyncset.done $0x0  }
0x2c: {  	s25 =	simm.s32 $0xA0;
	[sflag:s24] =	ssyncadd.s32 $0xFFFFEC00  }
0x2d: {  	[tilespmem:s15], [sflag:$0x1] =	stream.indirect.gather [hbm4b:s2+s14], $0x80, s25, s14, $0xb8;
	[tilespmem:$0x5800] =	vst v63  }
0x2e: {  	_ =	swait.ge [sflag:s26], $0x1400  }
0x2f: {  	[sflag:s26] =	ssyncset.done $0x0  }
0x30: {  	[sflag:s26] =	ssyncadd.s32 $0xFFFFEC00  }
0x31: {  	[hbm4b:s11+s3] =	stream.linear.scatter [tilespmem:s22], [sflag:$0x8], $0x1400, $0x38;
	[tilespmem:$0x5800] =	vst v63  }
0x32: {  	_ =	swait.ge [sflag:s28], $0x1400  }
0x33: {  	[sflag:s28] =	ssyncset.done $0x0  }
0x34: {  	[sflag:s28] =	ssyncadd.s32 $0xFFFFEC00  }
0x35: {  	[tilespmem:s16], [sflag:$0x2] =	stream.indirect.gather [hbm4b:s2+s14], $0x80, s29, s14, $0xb8;
	[tilespmem:$0x5800] =	vst v63  }
0x36: {  	_ =	swait.ge [sflag:s17], $0x1400  }
0x37: {  	[sflag:s17] =	ssyncset.done $0x0  }
0x38: {  	s18 =	sadd.s32 $0xFFFFF880, s12;
	[sflag:s17] =	ssyncadd.s32 $0xFFFFEC00  }
0x39: {  	[hbm4b:s18+s3] =	stream.linear.scatter [tilespmem:s15], [sflag:$0x5], $0x1400, $0x38;
	[tilespmem:$0x5800] =	vst v63  }
0x3a: {  	_ =	swait.ge [sflag:s30], $0x1400  }
0x3b: {  	[sflag:s30] =	ssyncset.done $0x0  }
0x3c: {  	s21 =	simm.s32 $0xF0;
	[sflag:s30] =	ssyncadd.s32 $0xFFFFEC00  }
0x3d: {  	[tilespmem:s19], [sflag:$0x3] =	stream.indirect.gather [hbm4b:s2+s14], $0x80, s21, s14, $0xb8;
	[tilespmem:$0x5800] =	vst v63  }
0x3e: {  	_ =	swait.ge [sflag:s20], $0x1400  }
0x3f: {  	[sflag:s20] =	ssyncset.done $0x0  }
0x40: {  	s25 =	sadd.s32 $0xFFFFFB00, s12;
	[sflag:s20] =	ssyncadd.s32 $0xFFFFEC00  }
0x41: {  	[hbm4b:s25+s3] =	stream.linear.scatter [tilespmem:s16], [sflag:$0x6], $0x1400, $0x38;
	[tilespmem:$0x5800] =	vst v63  }
0x42: {  	_ =	swait.ge [sflag:s31], $0x1400  }
0x43: {  	[sflag:s31] =	ssyncset.done $0x0  }
0x44: {  	s18 =	simm.s32 $0x118;
	[sflag:s31] =	ssyncadd.s32 $0xFFFFEC00  }
0x45: {  	[tilespmem:s22], [sflag:$0x4] =	stream.indirect.gather [hbm4b:s2+s14], $0x80, s18, s14, $0xb8;
	[tilespmem:$0x5800] =	vst v63  }
0x46: {  	_ =	swait.ge [sflag:s23], $0x1400  }
0x47: {  	[sflag:s23] =	ssyncset.done $0x0  }
0x48: {  	s21 =	sadd.s32 $0xFFFFFD80, s12;
	[sflag:s23] =	ssyncadd.s32 $0xFFFFEC00  }
0x49: {  	[hbm4b:s21+s3] =	stream.linear.scatter [tilespmem:s19], [sflag:$0x7], $0x1400, $0x38;
	[tilespmem:$0x5800] =	vst v63  }
0x4a: {  	_ =	swait.ge [sflag:s24], $0x1400  }
0x4b: {  	[sflag:s24] =	ssyncset.done $0x0  }
0x4c: {  	s25 =	simm.s32 $0x140;
	[sflag:s24] =	ssyncadd.s32 $0xFFFFEC00  }
0x4d: {  	[tilespmem:s15], [sflag:$0x1] =	stream.indirect.gather [hbm4b:s2+s14], $0x80, s25, s14, $0xb8;
	[tilespmem:$0x5800] =	vst v63  }
0x4e: {  	_ =	swait.ge [sflag:s26], $0x1400  }
0x4f: {  	[sflag:s26] =	ssyncset.done $0x0  }
0x50: {  	[sflag:s26] =	ssyncadd.s32 $0xFFFFEC00  }
0x51: {  	[hbm4b:s12+s3] =	stream.linear.scatter [tilespmem:s22], [sflag:$0x8], $0x1400, $0x38;
	[tilespmem:$0x5800] =	vst v63  }
0x52: {  	_ =	swait.ge [sflag:s28], $0x1400  }
0x53: {  	s0 =	simm.s32 $0x280;
	[sflag:s28] =	ssyncset.done $0x0  }
0x54: {  	s18 =	sadd.s32 $0xA00, s12;
	s21 =	simm.s32 $0x168;
	[sflag:s28] =	ssyncadd.s32 $0xFFFFEC00  }
.LBB2_2:
0x55: {  	[tilespmem:s16], [sflag:$0x2] =	stream.indirect.gather [hbm4b:s2+s14], $0x80, s21, s14, $0xb8;
	[tilespmem:$0x5800] =	vst v63  }
0x56: {  	s21 =	smov.u32 s0  }
0x57: {  	p0 =	sne.s32 s0, $0x1900;
	s0 =	sadd.s32 $0x280, s0;
	_ =	swait.ge [sflag:s17], $0x1400  }
0x58: {  	[sflag:s17] =	ssyncset.done $0x0  }
0x59: {  	s25 =	sadd.s32 $0xFFFFF880, s18;
	[sflag:s17] =	ssyncadd.s32 $0xFFFFEC00  }
0x5a: {  	[hbm4b:s25+s3] =	stream.linear.scatter [tilespmem:s15], [sflag:$0x5], $0x1400, $0x38;
	[tilespmem:$0x5800] =	vst v63  }
0x5b: {  	_ =	swait.ge [sflag:s30], $0x1400  }
0x5c: {  	s21 =	sshra.s32 s21, $0x2;
	[sflag:s30] =	ssyncset.done $0x0  }
0x5d: {  	s25 =	sadd.s32 $0xF0, s21;
	[sflag:s30] =	ssyncadd.s32 $0xFFFFEC00  }
0x5e: {  	[tilespmem:s19], [sflag:$0x3] =	stream.indirect.gather [hbm4b:s2+s14], $0x80, s25, s14, $0xb8;
	[tilespmem:$0x5800] =	vst v63  }
0x5f: {  	_ =	swait.ge [sflag:s20], $0x1400  }
0x60: {  	[sflag:s20] =	ssyncset.done $0x0  }
0x61: {  	s25 =	sadd.s32 $0xFFFFFB00, s18;
	[sflag:s20] =	ssyncadd.s32 $0xFFFFEC00  }
0x62: {  	[hbm4b:s25+s3] =	stream.linear.scatter [tilespmem:s16], [sflag:$0x6], $0x1400, $0x38;
	[tilespmem:$0x5800] =	vst v63  }
0x63: {  	_ =	swait.ge [sflag:s31], $0x1400  }
0x64: {  	[sflag:s31] =	ssyncset.done $0x0  }
0x65: {  	s25 =	sadd.s32 $0x118, s21;
	[sflag:s31] =	ssyncadd.s32 $0xFFFFEC00  }
0x66: {  	[tilespmem:s22], [sflag:$0x4] =	stream.indirect.gather [hbm4b:s2+s14], $0x80, s25, s14, $0xb8;
	[tilespmem:$0x5800] =	vst v63  }
0x67: {  	_ =	swait.ge [sflag:s23], $0x1400  }
0x68: {  	[sflag:s23] =	ssyncset.done $0x0  }
0x69: {  	s25 =	sadd.s32 $0xFFFFFD80, s18;
	[sflag:s23] =	ssyncadd.s32 $0xFFFFEC00  }
0x6a: {  	[hbm4b:s25+s3] =	stream.linear.scatter [tilespmem:s19], [sflag:$0x7], $0x1400, $0x38;
	[tilespmem:$0x5800] =	vst v63  }
0x6b: {  	_ =	swait.ge [sflag:s24], $0x1400  }
0x6c: {  	[sflag:s24] =	ssyncset.done $0x0  }
0x6d: {  	s25 =	sadd.s32 $0x140, s21;
	[sflag:s24] =	ssyncadd.s32 $0xFFFFEC00  }
0x6e: {  	[tilespmem:s15], [sflag:$0x1] =	stream.indirect.gather [hbm4b:s2+s14], $0x80, s25, s14, $0xb8;
	[tilespmem:$0x5800] =	vst v63  }
0x6f: {  	_ =	swait.ge [sflag:s26], $0x1400  }
0x70: {  	[sflag:s26] =	ssyncset.done $0x0  }
.Ltmp0:
0x71: {  	[sflag:s26] =	ssyncadd.s32 $0xFFFFEC00;
	(pc) =	sbr.rel @p0 .LBB2_2-.Ltmp0, $4  }
0x72: {  	[hbm4b:s18+s3] =	stream.linear.scatter [tilespmem:s22], [sflag:$0x8], $0x1400, $0x38;
	[tilespmem:$0x5800] =	vst v63  }
0x73: {  	_ =	swait.ge [sflag:s28], $0x1400  }
0x74: {  	[sflag:s28] =	ssyncset.done $0x0  }
0x75: {  	s21 =	sadd.s32 $0x168, s21;
	s18 =	sadd.s32 $0xA00, s18;
	[sflag:s28] =	ssyncadd.s32 $0xFFFFEC00  }
0x76: {  	[tilespmem:s16], [sflag:$0x2] =	stream.indirect.gather [hbm4b:s2+s14], $0x80, s21, s14, $0xb8;
	[tilespmem:$0x5800] =	vst v63  }
0x77: {  	_ =	swait.ge [sflag:s17], $0x1400  }
0x78: {  	[sflag:s17] =	ssyncset.done $0x0  }
0x79: {  	[sflag:s17] =	ssyncadd.s32 $0xFFFFEC00  }
0x7a: {  	[hbm4b:s5+s3] =	stream.linear.scatter [tilespmem:s15], [sflag:$0x5], $0x1400, $0x38;
	[tilespmem:$0x5800] =	vst v63  }
0x7b: {  	_ =	swait.ge [sflag:s30], $0x1400  }
0x7c: {  	[sflag:s30] =	ssyncset.done $0x0  }
0x7d: {  	[sflag:s30] =	ssyncadd.s32 $0xFFFFEC00  }
0x7e: {  	_ =	swait.ge [sflag:s20], $0x1400  }
0x7f: {  	[sflag:s20] =	ssyncset.done $0x0  }
0x80: {  	[sflag:s20] =	ssyncadd.s32 $0xFFFFEC00  }
0x81: {  	[hbm4b:s6+s3] =	stream.linear.scatter [tilespmem:s16], [sflag:$0x6], $0x1400, $0x38;
	[tilespmem:$0x5800] =	vst v63  }
0x82: {  	_ =	swait.ge [sflag:s31], $0x1400  }
0x83: {  	[sflag:s31] =	ssyncset.done $0x0  }
0x84: {  	s1 =	sadd.s32 $0x1, s1;
	[sflag:s31] =	ssyncadd.s32 $0xFFFFEC00  }
0x85: {  	p0 =	sne.s32 s1, s7;
	_ =	swait.ge [sflag:s24], $0x1400  }
.Ltmp1:
0x86: {  	[sflag:s24] =	ssyncset.done $0x0;
	(pc) =	sbr.rel @p0 .LBB2_1-.Ltmp1, $4  }
0x87: {  	[sflag:s24] =	ssyncadd.s32 $0xFFFFEC00  }
0x88: {  	_ =	swait.ge [sflag:s28], $0x1400  }
0x89: {  	[sflag:s28] =	ssyncset.done $0x0  }
0x8a: {  	[sflag:s28] =	ssyncadd.s32 $0xFFFFEC00  }
0x8b: {  	_ =	sfence.sel $0x180000  }
0x8c: {  	[bflag:$0x0] =	sbarrier.arrive $0xFFFF  }
0x8d: {  	_ =	strace $0x90000047  }
0x8e: {  	s0 =	stileid.u32;
	[bflag:$0x2] =	sbarrier.arrive $0xFFFF  }
0x8f: {  	p0 =	sne.s32 s0, $0x0;
	s0 =	rddreg [dreg:$0x2]  }
0x90: {  	s0 =	sadd.s32 @!p0 $0x100000, s0  }
0x91: {  	[sflag:s0] =	ssyncadd.tile.s32 @!p0 $0x1;
	_ =	shalt  }
.Lfunc_end2:
_tile_overlayer_lowered:
.L_overlay_start_2:
0x92: {  	(tag) =	ssettag $0x2  }
0x93: {  	s0 =	rddreg [dreg:$0x0];
	s2 =	stileid.u32  }
0x94: {  	s1 =	rddreg [dreg:$0x1];
	p0 =	sne.s32 s2, $0x0  }
0x95: {  	s3 =	rddreg [dreg:$0x2];
	[bflag:$0x3] =	sbarrier.arrive $0xFFFF;
	s2 =	simm.s32 @!p0 $0x1C09  }
0x96: {  	[timem:s3], [sflag:s2] =	dma.local @!p0 [hbm:s0], s1  }
0x97: {  	s0 =	simm.s32 @!p0 $0x9  }
0x98: {  	_ =	swait.ge @!p0 [sflag:s0], s1  }
0x99: {  	s1 =	ssub.s32 @!p0 $0x0, s1;
	[sflag:s0] =	ssyncset.done @!p0 $0x0  }
0x9a: {  	[sflag:s0] =	ssyncadd.s32 @!p0 s1  }
0x9b: {  	[bflag:$0x3] =	sbarrier.arrive $0xFFFF  }
0x9c: {  	_ =	shalt  }

</sc_bundles>
